<compile_context>
chip_gen: v7x
topology: tpu7x:2x2x1
jax: 0.10.2.dev20260603
libtpu: 0.0.44.dev20260713+nightly
codegen_flags: <defaults>
</compile_context>

<pallas_src>
import functools

import jax
import jax.numpy as jnp
from jax import lax
from jax.experimental import pallas as pl
from jax.experimental.pallas import tpu as pltpu
from jax.experimental.pallas import tpu_sc as plsc

NS = 16
NC = 2

T = 512
SUB = 128


def _celu(x):
    alpha = 0.1
    return jnp.where(x > 0, x, alpha * (jnp.exp(x / alpha) - 1.0))


def _route_tc_body(piece_rows, nt_pad, s_ref, d_ref, te_ref):
    iota_c = lax.broadcasted_iota(jnp.int32, (128, 128), 0)
    iota_c2 = lax.broadcasted_iota(jnp.int32, (128, 128), 1)
    tri_incl = (iota_c <= iota_c2).astype(jnp.float32)
    tri_s = {}
    for rows in set(piece_rows):
        iota_r = lax.broadcasted_iota(jnp.int32, (rows, rows), 0)
        iota_r2 = lax.broadcasted_iota(jnp.int32, (rows, rows), 1)
        tri_s[rows] = (iota_r2 < iota_r).astype(jnp.float32)
    row0 = 0
    for hlf, rows in enumerate(piece_rows):
        tri_strict = tri_s[rows]
        s = s_ref[row0:row0 + rows]
        segs = []
        masks = []
        ranks = []
        tots = []
        for e in range(4):
            m = (s == e).astype(jnp.int32)
            mf = m.astype(jnp.float32)
            within_row = jnp.dot(mf, tri_incl,
                                 preferred_element_type=jnp.float32) - mf
            row_tot = jnp.sum(mf, axis=1, keepdims=True)
            row_prefix = jnp.dot(tri_strict, row_tot,
                                 preferred_element_type=jnp.float32)
            masks.append(m)
            ranks.append((within_row + row_prefix).astype(jnp.int32))
            tots.append(jnp.sum(m))
        ts = jnp.int32(0)
        tss = []
        for e in range(4):
            segs.append(ts * T)
            ts = ts + lax.div(tots[e] + jnp.int32(T - 1), jnp.int32(T))
            tss.append(ts)
        d = jnp.zeros_like(s)
        for e in range(4):
            d = d + masks[e] * (segs[e] + ranks[e])
        d_ref[row0:row0 + rows] = d
        t_vec = lax.broadcasted_iota(jnp.int32, (1, nt_pad), 1)
        te = ((t_vec >= tss[0]).astype(jnp.int32)
              + (t_vec >= tss[1]).astype(jnp.int32)
              + (t_vec >= tss[2]).astype(jnp.int32))
        te_ref[:, hlf * nt_pad:(hlf + 1) * nt_pad] = te
        row0 += rows


def _scatter_rows_body(atom_base, n_atoms, aev_hbm, d_hbm, sorted_hbm,
                       idx0, idx1, rows0, rows1,
                       sem_i0, sem_i1, sem_r0, sem_r1, sem_s0, sem_s1):
    wid = lax.axis_index("c") * NS + lax.axis_index("s")
    chunk = n_atoms // (NC * NS)
    nk = chunk // SUB
    idx_v = [idx0, idx1]
    rows_v = [rows0, rows1]
    sem_i = [sem_i0, sem_i1]
    sem_r = [sem_r0, sem_r1]
    sem_s = [sem_s0, sem_s1]

    def start_load(k):
        p = k % 2
        off = atom_base + wid * chunk + k * SUB
        return (pltpu.async_copy(d_hbm.at[pl.ds(off, SUB)], idx_v[p], sem_i[p]),
                pltpu.async_copy(aev_hbm.at[pl.ds(off, SUB)], rows_v[p], sem_r[p]))

    loads = [None] * nk
    scats = [None] * nk
    loads[0] = start_load(0)
    for k in range(nk):
        p = k % 2
        loads[k][0].wait()
        loads[k][1].wait()
        scats[k] = pltpu.async_copy(rows_v[p], sorted_hbm.at[idx_v[p]], sem_s[p])
        if k + 1 < nk:
            if k >= 1:
                scats[k - 1].wait()
            loads[k + 1] = start_load(k + 1)
    if nk >= 2:
        scats[nk - 2].wait()
    scats[nk - 1].wait()


def _gather_out_body(atom_base, n_atoms, y_hbm, d_hbm, out_hbm,
                     idx0, idx1, o_v, sem_i0, sem_i1, sem_g0, sem_g1):
    wid = lax.axis_index("c") * NS + lax.axis_index("s")
    chunk = n_atoms // (NC * NS)
    nk = chunk // SUB
    base = wid * chunk
    idx_v = [idx0, idx1]
    sem_i = [sem_i0, sem_i1]
    sem_g = [sem_g0, sem_g1]

    def start_idx(k):
        p = k % 2
        return pltpu.async_copy(
            d_hbm.at[pl.ds(atom_base + base + k * SUB, SUB)],
            idx_v[p], sem_i[p])

    il = [None] * nk
    gl = [None] * nk
    il[0] = start_idx(0)
    for k in range(nk):
        p = k % 2
        il[k].wait()
        gl[k] = pltpu.async_copy(y_hbm.at[idx_v[p]],
                                 o_v.at[pl.ds(k * SUB, SUB)], sem_g[p])
        if k + 1 < nk:
            if k >= 1:
                gl[k - 1].wait()
            il[k + 1] = start_idx(k + 1)
    if nk >= 2:
        gl[nk - 2].wait()
    gl[nk - 1].wait()
    pltpu.sync_copy(o_v, out_hbm.at[pl.ds(base, chunk)])


def _mlp_body(nt, te_ref, x_ref, w1_ref, b1_ref, w2_ref, b2_ref, w3_ref,
              b3_ref, w4_ref, b4_ref, b0_ref, b1c_ref, o_ref, h1_ref):
    del te_ref, nt
    bf = jnp.bfloat16
    cdim = (((1,), (1,)), ((), ()))
    i = pl.program_id(0)
    par = lax.rem(i, 2)

    hp = h1_ref[1 - par]
    x = x_ref[...].astype(bf)

    h1 = _celu(lax.dot_general(x, w1_ref[0], cdim,
                               preferred_element_type=jnp.float32)
               + b1_ref[0])
    h = _celu(lax.dot_general(hp, w2_ref[0], cdim,
                              preferred_element_type=jnp.float32)
              + b2_ref[0])
    h = _celu(lax.dot_general(h.astype(bf), w3_ref[0], cdim,
                              preferred_element_type=jnp.float32)
              + b3_ref[0])
    y = lax.dot_general(w4_ref[0], h.astype(bf), cdim,
                        preferred_element_type=jnp.float32)
    h1_ref[pl.ds(par, 1)] = h1.astype(bf)[None]
    y = y + b4_ref[0, 0, 0]
    o_ref[...] = (b0_ref[0, 0, 0] + b1c_ref[0, 0, 0] * y)[0]


def kernel(species, aev, W1, B1, W2, B2, W3, B3, W4, B4, b0, b1c):
    B, A = species.shape
    D = aev.shape[-1]
    E, H1 = B1.shape
    H2 = B2.shape[1]
    H3 = B3.shape[1]
    N = B * A
    sizes = [N // 4, N // 2, N // 4]
    bases = [0, N // 4, 3 * N // 4]
    nts = [sz // T + E - 1 for sz in sizes]
    NT_PAD = 128

    species2d = species.reshape(N // 128, 128).astype(jnp.int32)
    aev_flat = aev.reshape(N, D)

    d2d, te2d = pl.pallas_call(
        functools.partial(_route_tc_body, [sz // 128 for sz in sizes],
                          NT_PAD),
        out_shape=(jax.ShapeDtypeStruct((N // 128, 128), jnp.int32),
                   jax.ShapeDtypeStruct((1, len(sizes) * NT_PAD), jnp.int32)),
    )(species2d)
    d = d2d.reshape(N)

    mesh2 = plsc.VectorSubcoreMesh(core_axis_name="c", subcore_axis_name="s")

    def make_scatter(atom_base, n_atoms, np_rows):
        return pl.kernel(
            functools.partial(_scatter_rows_body, atom_base, n_atoms),
            out_type=jax.ShapeDtypeStruct((np_rows, D), jnp.float32),
            mesh=mesh2,
            scratch_types=[
                pltpu.VMEM((SUB,), jnp.int32),
                pltpu.VMEM((SUB,), jnp.int32),
                pltpu.VMEM((SUB, D), jnp.float32),
                pltpu.VMEM((SUB, D), jnp.float32),
                pltpu.SemaphoreType.DMA,
                pltpu.SemaphoreType.DMA,
                pltpu.SemaphoreType.DMA,
                pltpu.SemaphoreType.DMA,
                pltpu.SemaphoreType.DMA,
                pltpu.SemaphoreType.DMA,
            ],
        )

    bf = jnp.bfloat16
    W1b = W1.astype(bf)
    W2b = W2.astype(bf)
    W3b = W3.astype(bf)
    W4b = W4.astype(bf)
    B1r = B1.reshape(E, 1, H1)
    B2r = B2.reshape(E, 1, H2)
    B3r = B3.reshape(E, 1, H3)
    B4r = B4.reshape(E, 1, 1)
    b0r = b0.reshape(E, 1, 1)
    b1cr = b1c.reshape(E, 1, 1)

    def run_mlp(piece, nt, np_rows, sorted_aev):
        off = piece * NT_PAD

        def wmap1(i, te_r):
            return (te_r[0, off + jnp.minimum(i, nt - 1)], 0, 0)

        def wmap2(i, te_r):
            return (te_r[0, off + jnp.maximum(i - 1, 0)], 0, 0)

        grid_spec = pltpu.PrefetchScalarGridSpec(
            num_scalar_prefetch=1,
            grid=(nt + 1,),
            in_specs=[
                pl.BlockSpec((T, D),
                             lambda i, te_r: (jnp.minimum(i, nt - 1), 0)),
                pl.BlockSpec((1, H1, D), wmap1),
                pl.BlockSpec((1, 1, H1), wmap1),
                pl.BlockSpec((1, H2, H1), wmap2),
                pl.BlockSpec((1, 1, H2), wmap2),
                pl.BlockSpec((1, H3, H2), wmap2),
                pl.BlockSpec((1, 1, H3), wmap2),
                pl.BlockSpec((1, 1, H3), wmap2),
                pl.BlockSpec((1, 1, 1), wmap2),
                pl.BlockSpec((1, 1, 1), wmap2),
                pl.BlockSpec((1, 1, 1), wmap2),
            ],
            out_specs=pl.BlockSpec(
                (T,), lambda i, te_r: (jnp.maximum(i - 1, 0),)),
            scratch_shapes=[pltpu.VMEM((2, T, H1), jnp.bfloat16)],
        )
        return pl.pallas_call(
            functools.partial(_mlp_body, nt),
            grid_spec=grid_spec,
            out_shape=jax.ShapeDtypeStruct((np_rows,), jnp.float32),
        )(te2d, sorted_aev, W1b, B1r, W2b, B2r, W3b, B3r, W4b, B4r,
          b0r, b1cr)

    def make_gather(atom_base, n_atoms):
        return pl.kernel(
            functools.partial(_gather_out_body, atom_base, n_atoms),
            out_type=jax.ShapeDtypeStruct((n_atoms,), jnp.float32),
            mesh=mesh2,
            scratch_types=[
                pltpu.VMEM((SUB,), jnp.int32),
                pltpu.VMEM((SUB,), jnp.int32),
                pltpu.VMEM((n_atoms // (NC * NS),), jnp.float32),
                pltpu.SemaphoreType.DMA,
                pltpu.SemaphoreType.DMA,
                pltpu.SemaphoreType.DMA,
                pltpu.SemaphoreType.DMA,
            ],
        )

    sorteds = [make_scatter(bases[i], sizes[i], nts[i] * T)(aev_flat, d)
               for i in range(len(sizes))]
    ys = [run_mlp(i, nts[i], nts[i] * T, sorteds[i])
          for i in range(len(sizes))]
    outs = [make_gather(bases[i], sizes[i])(ys[i], d)
            for i in range(len(sizes))]
    return jnp.concatenate(outs).reshape(B, A)

# --- scband reference (transcript-rebuilt; emitter-appended) ---
"""Pipeline reference for scband-coefficient-layer-10402410791125 (READ-ONLY COPY).

The authoritative reference and input builder live on the scoring server;
editing this copy changes nothing except your own understanding.
"""

import jax, jax.numpy as jnp
import numpy as np

B, A, D = 512, 64, 384
H1, H2, H3, E = 160, 128, 96, 4

def setup_inputs(seed: int = 0) -> dict:
    key = jax.random.key(seed)
    ks = jax.random.split(key, 12)
    species = jax.random.randint(ks[0], (B, A), 0, E, dtype=jnp.int32)
    aev = jax.random.normal(ks[1], (B, A, D), dtype=jnp.float32)
    W1 = jax.random.normal(ks[2], (E, H1, D), dtype=jnp.float32) / np.sqrt(D)
    B1 = jax.random.normal(ks[3], (E, H1), dtype=jnp.float32) * 0.01
    W2 = jax.random.normal(ks[4], (E, H2, H1), dtype=jnp.float32) / np.sqrt(H1)
    B2 = jax.random.normal(ks[5], (E, H2), dtype=jnp.float32) * 0.01
    W3 = jax.random.normal(ks[6], (E, H3, H2), dtype=jnp.float32) / np.sqrt(H2)
    B3 = jax.random.normal(ks[7], (E, H3), dtype=jnp.float32) * 0.01
    W4 = jax.random.normal(ks[8], (E, 1, H3), dtype=jnp.float32) / np.sqrt(H3)
    B4 = jax.random.normal(ks[9], (E, 1), dtype=jnp.float32) * 0.01
    b0 = jnp.asarray([0.5, 1.2, 0.9, 0.7], dtype=jnp.float32)
    b1c = jnp.asarray([1.0, 0.8, 1.1, 0.95], dtype=jnp.float32)
    return {"species": species, "aev": aev, "W1": W1, "B1": B1, "W2": W2, "B2": B2,
            "W3": W3, "B3": B3, "W4": W4, "B4": B4, "b0": b0, "b1c": b1c}

def reference(species, aev, W1, B1, W2, B2, W3, B3, W4, B4, b0, b1c):
    def celu(x):
        return jax.nn.celu(x, alpha=0.1)
    def expert(w1, bb1, w2, bb2, w3, bb3, w4, bb4):
        h = celu(jnp.einsum('bad,hd->bah', aev, w1) + bb1)
        h = celu(jnp.einsum('bah,gh->bag', h, w2) + bb2)
        h = celu(jnp.einsum('bag,fg->baf', h, w3) + bb3)
        return (jnp.einsum('baf,of->bao', h, w4) + bb4)[..., 0]
    # per-species expert networks (MoE routed by atomic species)
    outs = jax.vmap(expert)(W1, B1, W2, B2, W3, B3, W4, B4)  # [E, B, A]
    outs = jnp.transpose(outs, (1, 2, 0))  # [B, A, E]
    coef = jnp.take_along_axis(outs, species[..., None].astype(jnp.int32), axis=-1)[..., 0]
    # Shifter: y = b0[species] + b1[species] * coef
    result = b0[species] + b1c[species] * coef
    return result

if __name__ == "__main__":
    import jax
    _d = setup_inputs()
    print(jax.jit(kernel)(*tuple(_d.values())))

</pallas_src>

<mosaic_0001>
#map = affine_map<(d0, d1) -> (0, 0)>
#map1 = affine_map<(d0, d1) -> (0)>
module attributes {stable_mosaic.version = 14 : i64} {
  func.func @_scatter_rows_body(%arg0: i32, %arg1: i32, %arg2: memref<32768x384xf32, #tpu.memory_space<hbm>>, %arg3: memref<32768xi32, #tpu.memory_space<hbm>>, %arg4: memref<17920x384xf32, #tpu.memory_space<hbm>>, %arg5: memref<128xi32, #tpu.memory_space<vmem>>, %arg6: memref<128xi32, #tpu.memory_space<vmem>>, %arg7: memref<128x384xf32, #tpu.memory_space<vmem>>, %arg8: memref<128x384xf32, #tpu.memory_space<vmem>>, %arg9: memref<!tpu.dma_semaphore, #tpu.memory_space<semaphore_mem>>, %arg10: memref<!tpu.dma_semaphore, #tpu.memory_space<semaphore_mem>>, %arg11: memref<!tpu.dma_semaphore, #tpu.memory_space<semaphore_mem>>, %arg12: memref<!tpu.dma_semaphore, #tpu.memory_space<semaphore_mem>>, %arg13: memref<!tpu.dma_semaphore, #tpu.memory_space<semaphore_mem>>, %arg14: memref<!tpu.dma_semaphore, #tpu.memory_space<semaphore_mem>>) attributes {dimension_semantics = [#tpu.dimension_semantics<core_parallel>, #tpu.dimension_semantics<subcore_parallel>], iteration_bounds = array<i64: 2, 16>, scalar_prefetch = 0 : i64, scratch_operands = 10 : i64, tpu.core_type = #tpu.core_type<sc_vector_subcore>, window_params = [{transform_indices = #map}, {transform_indices = #map1}, {transform_indices = #map}]} {
    %mul3A = arith.constant 16 : i32
    %mul3A_0 = arith.muli %arg0, %mul3A : i32
    %add3A = arith.addi %mul3A_0, %arg1 : i32
    %mul3A_1 = arith.constant 512 : i32
    %mul3A_2 = arith.muli %add3A, %mul3A_1 : i32
    %add3A_3 = arith.constant 8192 : i32
    %add3A_4 = arith.addi %add3A_3, %mul3A_2 : i32
    %add3A_5 = arith.constant 0 : i32
    %add3A_6 = arith.addi %add3A_4, %add3A_5 : i32
    %dma_start3A = tpu.memref_slice %arg3[%add3A_6] : memref<32768xi32, #tpu.memory_space<hbm>> -> memref<128xi32, #tpu.memory_space<hbm>>
    %dma_start3A_7 = tpu.memref_slice %arg3[%add3A_6] : memref<32768xi32, #tpu.memory_space<hbm>> -> memref<128xi32, #tpu.memory_space<hbm>>
    tpu.enqueue_dma source(%dma_start3A_7 : memref<128xi32, #tpu.memory_space<hbm>>) target(%arg5 : memref<128xi32, #tpu.memory_space<vmem>>) target_semaphore(%arg9 : memref<!tpu.dma_semaphore, #tpu.memory_space<semaphore_mem>>)
    %dma_start3A_8 = arith.constant 0 : i32
    %dma_start3A_9 = tpu.memref_slice %arg2[%add3A_6, %dma_start3A_8] : memref<32768x384xf32, #tpu.memory_space<hbm>> -> memref<128x384xf32, #tpu.memory_space<hbm>>
    %dma_start3A_10 = arith.constant 0 : i32
    %dma_start3A_11 = tpu.memref_slice %arg2[%add3A_6, %dma_start3A_10] : memref<32768x384xf32, #tpu.memory_space<hbm>> -> memref<128x384xf32, #tpu.memory_space<hbm>>
    tpu.enqueue_dma source(%dma_start3A_11 : memref<128x384xf32, #tpu.memory_space<hbm>>) target(%arg7 : memref<128x384xf32, #tpu.memory_space<vmem>>) target_semaphore(%arg11 : memref<!tpu.dma_semaphore, #tpu.memory_space<semaphore_mem>>)
    %dma_wait3A = tpu.memref_slice %arg3[%add3A_6] : memref<32768xi32, #tpu.memory_space<hbm>> -> memref<128xi32, #tpu.memory_space<hbm>>
    %dma_wait3A_12 = tpu.memref_slice %arg3[%add3A_6] : memref<32768xi32, #tpu.memory_space<hbm>> -> memref<128xi32, #tpu.memory_space<hbm>>
    tpu.wait_dma2 semaphore(%arg9 : memref<!tpu.dma_semaphore, #tpu.memory_space<semaphore_mem>>) src(%dma_wait3A_12 : memref<128xi32, #tpu.memory_space<hbm>>) dst(%arg5 : memref<128xi32, #tpu.memory_space<vmem>>)
    %dma_wait3A_13 = arith.constant 0 : i32
    %dma_wait3A_14 = tpu.memref_slice %arg2[%add3A_6, %dma_wait3A_13] : memref<32768x384xf32, #tpu.memory_space<hbm>> -> memref<128x384xf32, #tpu.memory_space<hbm>>
    %dma_wait3A_15 = arith.constant 0 : i32
    %dma_wait3A_16 = tpu.memref_slice %arg2[%add3A_6, %dma_wait3A_15] : memref<32768x384xf32, #tpu.memory_space<hbm>> -> memref<128x384xf32, #tpu.memory_space<hbm>>
    tpu.wait_dma2 semaphore(%arg11 : memref<!tpu.dma_semaphore, #tpu.memory_space<semaphore_mem>>) src(%dma_wait3A_16 : memref<128x384xf32, #tpu.memory_space<hbm>>) dst(%arg7 : memref<128x384xf32, #tpu.memory_space<vmem>>)
    %dma_start3A_17 = arith.constant 0 : i32
    %dma_start3A_18 = arith.constant 0 : i32
    %dma_start3A_19 = tpu.memref_slice %arg4[%dma_start3A_17, %dma_start3A_18] : memref<17920x384xf32, #tpu.memory_space<hbm>> -> memref<17920x384xf32, #tpu.memory_space<hbm>>
    tpu.enqueue_indirect_dma source(%arg7 : memref<128x384xf32, #tpu.memory_space<vmem>>) target(%dma_start3A_19 : memref<17920x384xf32, #tpu.memory_space<hbm>>) offsets(%arg5 : memref<128xi32, #tpu.memory_space<vmem>>) semaphore(%arg13 : memref<!tpu.dma_semaphore, #tpu.memory_space<semaphore_mem>>)
    %mul3A_20 = arith.constant 512 : i32
    %mul3A_21 = arith.muli %add3A, %mul3A_20 : i32
    %add3A_22 = arith.constant 8192 : i32
    %add3A_23 = arith.addi %add3A_22, %mul3A_21 : i32
    %add3A_24 = arith.constant 128 : i32
    %add3A_25 = arith.addi %add3A_23, %add3A_24 : i32
    %dma_start3A_26 = tpu.memref_slice %arg3[%add3A_25] : memref<32768xi32, #tpu.memory_space<hbm>> -> memref<128xi32, #tpu.memory_space<hbm>>
    %dma_start3A_27 = tpu.memref_slice %arg3[%add3A_25] : memref<32768xi32, #tpu.memory_space<hbm>> -> memref<128xi32, #tpu.memory_space<hbm>>
    tpu.enqueue_dma source(%dma_start3A_27 : memref<128xi32, #tpu.memory_space<hbm>>) target(%arg6 : memref<128xi32, #tpu.memory_space<vmem>>) target_semaphore(%arg10 : memref<!tpu.dma_semaphore, #tpu.memory_space<semaphore_mem>>)
    %dma_start3A_28 = arith.constant 0 : i32
    %dma_start3A_29 = tpu.memref_slice %arg2[%add3A_25, %dma_start3A_28] : memref<32768x384xf32, #tpu.memory_space<hbm>> -> memref<128x384xf32, #tpu.memory_space<hbm>>
    %dma_start3A_30 = arith.constant 0 : i32
    %dma_start3A_31 = tpu.memref_slice %arg2[%add3A_25, %dma_start3A_30] : memref<32768x384xf32, #tpu.memory_space<hbm>> -> memref<128x384xf32, #tpu.memory_space<hbm>>
    tpu.enqueue_dma source(%dma_start3A_31 : memref<128x384xf32, #tpu.memory_space<hbm>>) target(%arg8 : memref<128x384xf32, #tpu.memory_space<vmem>>) target_semaphore(%arg12 : memref<!tpu.dma_semaphore, #tpu.memory_space<semaphore_mem>>)
    %dma_wait3A_32 = tpu.memref_slice %arg3[%add3A_25] : memref<32768xi32, #tpu.memory_space<hbm>> -> memref<128xi32, #tpu.memory_space<hbm>>
    %dma_wait3A_33 = tpu.memref_slice %arg3[%add3A_25] : memref<32768xi32, #tpu.memory_space<hbm>> -> memref<128xi32, #tpu.memory_space<hbm>>
    tpu.wait_dma2 semaphore(%arg10 : memref<!tpu.dma_semaphore, #tpu.memory_space<semaphore_mem>>) src(%dma_wait3A_33 : memref<128xi32, #tpu.memory_space<hbm>>) dst(%arg6 : memref<128xi32, #tpu.memory_space<vmem>>)
    %dma_wait3A_34 = arith.constant 0 : i32
    %dma_wait3A_35 = tpu.memref_slice %arg2[%add3A_25, %dma_wait3A_34] : memref<32768x384xf32, #tpu.memory_space<hbm>> -> memref<128x384xf32, #tpu.memory_space<hbm>>
    %dma_wait3A_36 = arith.constant 0 : i32
    %dma_wait3A_37 = tpu.memref_slice %arg2[%add3A_25, %dma_wait3A_36] : memref<32768x384xf32, #tpu.memory_space<hbm>> -> memref<128x384xf32, #tpu.memory_space<hbm>>
    tpu.wait_dma2 semaphore(%arg12 : memref<!tpu.dma_semaphore, #tpu.memory_space<semaphore_mem>>) src(%dma_wait3A_37 : memref<128x384xf32, #tpu.memory_space<hbm>>) dst(%arg8 : memref<128x384xf32, #tpu.memory_space<vmem>>)
    %dma_start3A_38 = arith.constant 0 : i32
    %dma_start3A_39 = arith.constant 0 : i32
    %dma_start3A_40 = tpu.memref_slice %arg4[%dma_start3A_38, %dma_start3A_39] : memref<17920x384xf32, #tpu.memory_space<hbm>> -> memref<17920x384xf32, #tpu.memory_space<hbm>>
    tpu.enqueue_indirect_dma source(%arg8 : memref<128x384xf32, #tpu.memory_space<vmem>>) target(%dma_start3A_40 : memref<17920x384xf32, #tpu.memory_space<hbm>>) offsets(%arg6 : memref<128xi32, #tpu.memory_space<vmem>>) semaphore(%arg14 : memref<!tpu.dma_semaphore, #tpu.memory_space<semaphore_mem>>)
    %dma_wait3A_41 = arith.constant 0 : i32
    %dma_wait3A_42 = arith.constant 0 : i32
    %dma_wait3A_43 = tpu.memref_slice %arg4[%dma_wait3A_41, %dma_wait3A_42] : memref<17920x384xf32, #tpu.memory_space<hbm>> -> memref<17920x384xf32, #tpu.memory_space<hbm>>
    tpu.wait_indirect_dma semaphore(%arg13 : memref<!tpu.dma_semaphore, #tpu.memory_space<semaphore_mem>>) src(%arg7 : memref<128x384xf32, #tpu.memory_space<vmem>>) dst(%dma_wait3A_43 : memref<17920x384xf32, #tpu.memory_space<hbm>>)
    %mul3A_44 = arith.constant 512 : i32
    %mul3A_45 = arith.muli %add3A, %mul3A_44 : i32
    %add3A_46 = arith.constant 8192 : i32
    %add3A_47 = arith.addi %add3A_46, %mul3A_45 : i32
    %add3A_48 = arith.constant 256 : i32
    %add3A_49 = arith.addi %add3A_47, %add3A_48 : i32
    %dma_start3A_50 = tpu.memref_slice %arg3[%add3A_49] : memref<32768xi32, #tpu.memory_space<hbm>> -> memref<128xi32, #tpu.memory_space<hbm>>
    %dma_start3A_51 = tpu.memref_slice %arg3[%add3A_49] : memref<32768xi32, #tpu.memory_space<hbm>> -> memref<128xi32, #tpu.memory_space<hbm>>
    tpu.enqueue_dma source(%dma_start3A_51 : memref<128xi32, #tpu.memory_space<hbm>>) target(%arg5 : memref<128xi32, #tpu.memory_space<vmem>>) target_semaphore(%arg9 : memref<!tpu.dma_semaphore, #tpu.memory_space<semaphore_mem>>)
    %dma_start3A_52 = arith.constant 0 : i32
    %dma_start3A_53 = tpu.memref_slice %arg2[%add3A_49, %dma_start3A_52] : memref<32768x384xf32, #tpu.memory_space<hbm>> -> memref<128x384xf32, #tpu.memory_space<hbm>>
    %dma_start3A_54 = arith.constant 0 : i32
    %dma_start3A_55 = tpu.memref_slice %arg2[%add3A_49, %dma_start3A_54] : memref<32768x384xf32, #tpu.memory_space<hbm>> -> memref<128x384xf32, #tpu.memory_space<hbm>>
    tpu.enqueue_dma source(%dma_start3A_55 : memref<128x384xf32, #tpu.memory_space<hbm>>) target(%arg7 : memref<128x384xf32, #tpu.memory_space<vmem>>) target_semaphore(%arg11 : memref<!tpu.dma_semaphore, #tpu.memory_space<semaphore_mem>>)
    %dma_wait3A_56 = tpu.memref_slice %arg3[%add3A_49] : memref<32768xi32, #tpu.memory_space<hbm>> -> memref<128xi32, #tpu.memory_space<hbm>>
    %dma_wait3A_57 = tpu.memref_slice %arg3[%add3A_49] : memref<32768xi32, #tpu.memory_space<hbm>> -> memref<128xi32, #tpu.memory_space<hbm>>
    tpu.wait_dma2 semaphore(%arg9 : memref<!tpu.dma_semaphore, #tpu.memory_space<semaphore_mem>>) src(%dma_wait3A_57 : memref<128xi32, #tpu.memory_space<hbm>>) dst(%arg5 : memref<128xi32, #tpu.memory_space<vmem>>)
    %dma_wait3A_58 = arith.constant 0 : i32
    %dma_wait3A_59 = tpu.memref_slice %arg2[%add3A_49, %dma_wait3A_58] : memref<32768x384xf32, #tpu.memory_space<hbm>> -> memref<128x384xf32, #tpu.memory_space<hbm>>
    %dma_wait3A_60 = arith.constant 0 : i32
    %dma_wait3A_61 = tpu.memref_slice %arg2[%add3A_49, %dma_wait3A_60] : memref<32768x384xf32, #tpu.memory_space<hbm>> -> memref<128x384xf32, #tpu.memory_space<hbm>>
    tpu.wait_dma2 semaphore(%arg11 : memref<!tpu.dma_semaphore, #tpu.memory_space<semaphore_mem>>) src(%dma_wait3A_61 : memref<128x384xf32, #tpu.memory_space<hbm>>) dst(%arg7 : memref<128x384xf32, #tpu.memory_space<vmem>>)
    %dma_start3A_62 = arith.constant 0 : i32
    %dma_start3A_63 = arith.constant 0 : i32
    %dma_start3A_64 = tpu.memref_slice %arg4[%dma_start3A_62, %dma_start3A_63] : memref<17920x384xf32, #tpu.memory_space<hbm>> -> memref<17920x384xf32, #tpu.memory_space<hbm>>
    tpu.enqueue_indirect_dma source(%arg7 : memref<128x384xf32, #tpu.memory_space<vmem>>) target(%dma_start3A_64 : memref<17920x384xf32, #tpu.memory_space<hbm>>) offsets(%arg5 : memref<128xi32, #tpu.memory_space<vmem>>) semaphore(%arg13 : memref<!tpu.dma_semaphore, #tpu.memory_space<semaphore_mem>>)
    %dma_wait3A_65 = arith.constant 0 : i32
    %dma_wait3A_66 = arith.constant 0 : i32
    %dma_wait3A_67 = tpu.memref_slice %arg4[%dma_wait3A_65, %dma_wait3A_66] : memref<17920x384xf32, #tpu.memory_space<hbm>> -> memref<17920x384xf32, #tpu.memory_space<hbm>>
    tpu.wait_indirect_dma semaphore(%arg14 : memref<!tpu.dma_semaphore, #tpu.memory_space<semaphore_mem>>) src(%arg8 : memref<128x384xf32, #tpu.memory_space<vmem>>) dst(%dma_wait3A_67 : memref<17920x384xf32, #tpu.memory_space<hbm>>)
    %mul3A_68 = arith.constant 512 : i32
    %mul3A_69 = arith.muli %add3A, %mul3A_68 : i32
    %add3A_70 = arith.constant 8192 : i32
    %add3A_71 = arith.addi %add3A_70, %mul3A_69 : i32
    %add3A_72 = arith.constant 384 : i32
    %add3A_73 = arith.addi %add3A_71, %add3A_72 : i32
    %dma_start3A_74 = tpu.memref_slice %arg3[%add3A_73] : memref<32768xi32, #tpu.memory_space<hbm>> -> memref<128xi32, #tpu.memory_space<hbm>>
    %dma_start3A_75 = tpu.memref_slice %arg3[%add3A_73] : memref<32768xi32, #tpu.memory_space<hbm>> -> memref<128xi32, #tpu.memory_space<hbm>>
    tpu.enqueue_dma source(%dma_start3A_75 : memref<128xi32, #tpu.memory_space<hbm>>) target(%arg6 : memref<128xi32, #tpu.memory_space<vmem>>) target_semaphore(%arg10 : memref<!tpu.dma_semaphore, #tpu.memory_space<semaphore_mem>>)
    %dma_start3A_76 = arith.constant 0 : i32
    %dma_start3A_77 = tpu.memref_slice %arg2[%add3A_73, %dma_start3A_76] : memref<32768x384xf32, #tpu.memory_space<hbm>> -> memref<128x384xf32, #tpu.memory_space<hbm>>
    %dma_start3A_78 = arith.constant 0 : i32
    %dma_start3A_79 = tpu.memref_slice %arg2[%add3A_73, %dma_start3A_78] : memref<32768x384xf32, #tpu.memory_space<hbm>> -> memref<128x384xf32, #tpu.memory_space<hbm>>
    tpu.enqueue_dma source(%dma_start3A_79 : memref<128x384xf32, #tpu.memory_space<hbm>>) target(%arg8 : memref<128x384xf32, #tpu.memory_space<vmem>>) target_semaphore(%arg12 : memref<!tpu.dma_semaphore, #tpu.memory_space<semaphore_mem>>)
    %dma_wait3A_80 = tpu.memref_slice %arg3[%add3A_73] : memref<32768xi32, #tpu.memory_space<hbm>> -> memref<128xi32, #tpu.memory_space<hbm>>
    %dma_wait3A_81 = tpu.memref_slice %arg3[%add3A_73] : memref<32768xi32, #tpu.memory_space<hbm>> -> memref<128xi32, #tpu.memory_space<hbm>>
    tpu.wait_dma2 semaphore(%arg10 : memref<!tpu.dma_semaphore, #tpu.memory_space<semaphore_mem>>) src(%dma_wait3A_81 : memref<128xi32, #tpu.memory_space<hbm>>) dst(%arg6 : memref<128xi32, #tpu.memory_space<vmem>>)
    %dma_wait3A_82 = arith.constant 0 : i32
    %dma_wait3A_83 = tpu.memref_slice %arg2[%add3A_73, %dma_wait3A_82] : memref<32768x384xf32, #tpu.memory_space<hbm>> -> memref<128x384xf32, #tpu.memory_space<hbm>>
    %dma_wait3A_84 = arith.constant 0 : i32
    %dma_wait3A_85 = tpu.memref_slice %arg2[%add3A_73, %dma_wait3A_84] : memref<32768x384xf32, #tpu.memory_space<hbm>> -> memref<128x384xf32, #tpu.memory_space<hbm>>
    tpu.wait_dma2 semaphore(%arg12 : memref<!tpu.dma_semaphore, #tpu.memory_space<semaphore_mem>>) src(%dma_wait3A_85 : memref<128x384xf32, #tpu.memory_space<hbm>>) dst(%arg8 : memref<128x384xf32, #tpu.memory_space<vmem>>)
    %dma_start3A_86 = arith.constant 0 : i32
    %dma_start3A_87 = arith.constant 0 : i32
    %dma_start3A_88 = tpu.memref_slice %arg4[%dma_start3A_86, %dma_start3A_87] : memref<17920x384xf32, #tpu.memory_space<hbm>> -> memref<17920x384xf32, #tpu.memory_space<hbm>>
    tpu.enqueue_indirect_dma source(%arg8 : memref<128x384xf32, #tpu.memory_space<vmem>>) target(%dma_start3A_88 : memref<17920x384xf32, #tpu.memory_space<hbm>>) offsets(%arg6 : memref<128xi32, #tpu.memory_space<vmem>>) semaphore(%arg14 : memref<!tpu.dma_semaphore, #tpu.memory_space<semaphore_mem>>)
    %dma_wait3A_89 = arith.constant 0 : i32
    %dma_wait3A_90 = arith.constant 0 : i32
    %dma_wait3A_91 = tpu.memref_slice %arg4[%dma_wait3A_89, %dma_wait3A_90] : memref<17920x384xf32, #tpu.memory_space<hbm>> -> memref<17920x384xf32, #tpu.memory_space<hbm>>
    tpu.wait_indirect_dma semaphore(%arg13 : memref<!tpu.dma_semaphore, #tpu.memory_space<semaphore_mem>>) src(%arg7 : memref<128x384xf32, #tpu.memory_space<vmem>>) dst(%dma_wait3A_91 : memref<17920x384xf32, #tpu.memory_space<hbm>>)
    %dma_wait3A_92 = arith.constant 0 : i32
    %dma_wait3A_93 = arith.constant 0 : i32
    %dma_wait3A_94 = tpu.memref_slice %arg4[%dma_wait3A_92, %dma_wait3A_93] : memref<17920x384xf32, #tpu.memory_space<hbm>> -> memref<17920x384xf32, #tpu.memory_space<hbm>>
    tpu.wait_indirect_dma semaphore(%arg14 : memref<!tpu.dma_semaphore, #tpu.memory_space<semaphore_mem>>) src(%arg8 : memref<128x384xf32, #tpu.memory_space<vmem>>) dst(%dma_wait3A_94 : memref<17920x384xf32, #tpu.memory_space<hbm>>)
    return
  }
}

#map = affine_map<(d0, d1) -> (0, 0)>
#map1 = affine_map<(d0, d1) -> (0)>
module attributes {stable_mosaic.version = 14 : i64} {
  func.func @_scatter_rows_body(%arg0: i32, %arg1: i32, %arg2: memref<32768x384xf32, #tpu.memory_space<hbm>>, %arg3: memref<32768xi32, #tpu.memory_space<hbm>>, %arg4: memref<9728x384xf32, #tpu.memory_space<hbm>>, %arg5: memref<128xi32, #tpu.memory_space<vmem>>, %arg6: memref<128xi32, #tpu.memory_space<vmem>>, %arg7: memref<128x384xf32, #tpu.memory_space<vmem>>, %arg8: memref<128x384xf32, #tpu.memory_space<vmem>>, %arg9: memref<!tpu.dma_semaphore, #tpu.memory_space<semaphore_mem>>, %arg10: memref<!tpu.dma_semaphore, #tpu.memory_space<semaphore_mem>>, %arg11: memref<!tpu.dma_semaphore, #tpu.memory_space<semaphore_mem>>, %arg12: memref<!tpu.dma_semaphore, #tpu.memory_space<semaphore_mem>>, %arg13: memref<!tpu.dma_semaphore, #tpu.memory_space<semaphore_mem>>, %arg14: memref<!tpu.dma_semaphore, #tpu.memory_space<semaphore_mem>>) attributes {dimension_semantics = [#tpu.dimension_semantics<core_parallel>, #tpu.dimension_semantics<subcore_parallel>], iteration_bounds = array<i64: 2, 16>, scalar_prefetch = 0 : i64, scratch_operands = 10 : i64, tpu.core_type = #tpu.core_type<sc_vector_subcore>, window_params = [{transform_indices = #map}, {transform_indices = #map1}, {transform_indices = #map}]} {
    %mul3A = arith.constant 16 : i32
    %mul3A_0 = arith.muli %arg0, %mul3A : i32
    %add3A = arith.addi %mul3A_0, %arg1 : i32
    %mul3A_1 = arith.constant 256 : i32
    %mul3A_2 = arith.muli %add3A, %mul3A_1 : i32
    %add3A_3 = arith.constant 0 : i32
    %add3A_4 = arith.addi %add3A_3, %mul3A_2 : i32
    %add3A_5 = arith.constant 0 : i32
    %add3A_6 = arith.addi %add3A_4, %add3A_5 : i32
    %dma_start3A = tpu.memref_slice %arg3[%add3A_6] : memref<32768xi32, #tpu.memory_space<hbm>> -> memref<128xi32, #tpu.memory_space<hbm>>
    %dma_start3A_7 = tpu.memref_slice %arg3[%add3A_6] : memref<32768xi32, #tpu.memory_space<hbm>> -> memref<128xi32, #tpu.memory_space<hbm>>
    tpu.enqueue_dma source(%dma_start3A_7 : memref<128xi32, #tpu.memory_space<hbm>>) target(%arg5 : memref<128xi32, #tpu.memory_space<vmem>>) target_semaphore(%arg9 : memref<!tpu.dma_semaphore, #tpu.memory_space<semaphore_mem>>)
    %dma_start3A_8 = arith.constant 0 : i32
    %dma_start3A_9 = tpu.memref_slice %arg2[%add3A_6, %dma_start3A_8] : memref<32768x384xf32, #tpu.memory_space<hbm>> -> memref<128x384xf32, #tpu.memory_space<hbm>>
    %dma_start3A_10 = arith.constant 0 : i32
    %dma_start3A_11 = tpu.memref_slice %arg2[%add3A_6, %dma_start3A_10] : memref<32768x384xf32, #tpu.memory_space<hbm>> -> memref<128x384xf32, #tpu.memory_space<hbm>>
    tpu.enqueue_dma source(%dma_start3A_11 : memref<128x384xf32, #tpu.memory_space<hbm>>) target(%arg7 : memref<128x384xf32, #tpu.memory_space<vmem>>) target_semaphore(%arg11 : memref<!tpu.dma_semaphore, #tpu.memory_space<semaphore_mem>>)
    %dma_wait3A = tpu.memref_slice %arg3[%add3A_6] : memref<32768xi32, #tpu.memory_space<hbm>> -> memref<128xi32, #tpu.memory_space<hbm>>
    %dma_wait3A_12 = tpu.memref_slice %arg3[%add3A_6] : memref<32768xi32, #tpu.memory_space<hbm>> -> memref<128xi32, #tpu.memory_space<hbm>>
    tpu.wait_dma2 semaphore(%arg9 : memref<!tpu.dma_semaphore, #tpu.memory_space<semaphore_mem>>) src(%dma_wait3A_12 : memref<128xi32, #tpu.memory_space<hbm>>) dst(%arg5 : memref<128xi32, #tpu.memory_space<vmem>>)
    %dma_wait3A_13 = arith.constant 0 : i32
    %dma_wait3A_14 = tpu.memref_slice %arg2[%add3A_6, %dma_wait3A_13] : memref<32768x384xf32, #tpu.memory_space<hbm>> -> memref<128x384xf32, #tpu.memory_space<hbm>>
    %dma_wait3A_15 = arith.constant 0 : i32
    %dma_wait3A_16 = tpu.memref_slice %arg2[%add3A_6, %dma_wait3A_15] : memref<32768x384xf32, #tpu.memory_space<hbm>> -> memref<128x384xf32, #tpu.memory_space<hbm>>
    tpu.wait_dma2 semaphore(%arg11 : memref<!tpu.dma_semaphore, #tpu.memory_space<semaphore_mem>>) src(%dma_wait3A_16 : memref<128x384xf32, #tpu.memory_space<hbm>>) dst(%arg7 : memref<128x384xf32, #tpu.memory_space<vmem>>)
    %dma_start3A_17 = arith.constant 0 : i32
    %dma_start3A_18 = arith.constant 0 : i32
    %dma_start3A_19 = tpu.memref_slice %arg4[%dma_start3A_17, %dma_start3A_18] : memref<9728x384xf32, #tpu.memory_space<hbm>> -> memref<9728x384xf32, #tpu.memory_space<hbm>>
    tpu.enqueue_indirect_dma source(%arg7 : memref<128x384xf32, #tpu.memory_space<vmem>>) target(%dma_start3A_19 : memref<9728x384xf32, #tpu.memory_space<hbm>>) offsets(%arg5 : memref<128xi32, #tpu.memory_space<vmem>>) semaphore(%arg13 : memref<!tpu.dma_semaphore, #tpu.memory_space<semaphore_mem>>)
    %mul3A_20 = arith.constant 256 : i32
    %mul3A_21 = arith.muli %add3A, %mul3A_20 : i32
    %add3A_22 = arith.constant 0 : i32
    %add3A_23 = arith.addi %add3A_22, %mul3A_21 : i32
    %add3A_24 = arith.constant 128 : i32
    %add3A_25 = arith.addi %add3A_23, %add3A_24 : i32
    %dma_start3A_26 = tpu.memref_slice %arg3[%add3A_25] : memref<32768xi32, #tpu.memory_space<hbm>> -> memref<128xi32, #tpu.memory_space<hbm>>
    %dma_start3A_27 = tpu.memref_slice %arg3[%add3A_25] : memref<32768xi32, #tpu.memory_space<hbm>> -> memref<128xi32, #tpu.memory_space<hbm>>
    tpu.enqueue_dma source(%dma_start3A_27 : memref<128xi32, #tpu.memory_space<hbm>>) target(%arg6 : memref<128xi32, #tpu.memory_space<vmem>>) target_semaphore(%arg10 : memref<!tpu.dma_semaphore, #tpu.memory_space<semaphore_mem>>)
    %dma_start3A_28 = arith.constant 0 : i32
    %dma_start3A_29 = tpu.memref_slice %arg2[%add3A_25, %dma_start3A_28] : memref<32768x384xf32, #tpu.memory_space<hbm>> -> memref<128x384xf32, #tpu.memory_space<hbm>>
    %dma_start3A_30 = arith.constant 0 : i32
    %dma_start3A_31 = tpu.memref_slice %arg2[%add3A_25, %dma_start3A_30] : memref<32768x384xf32, #tpu.memory_space<hbm>> -> memref<128x384xf32, #tpu.memory_space<hbm>>
    tpu.enqueue_dma source(%dma_start3A_31 : memref<128x384xf32, #tpu.memory_space<hbm>>) target(%arg8 : memref<128x384xf32, #tpu.memory_space<vmem>>) target_semaphore(%arg12 : memref<!tpu.dma_semaphore, #tpu.memory_space<semaphore_mem>>)
    %dma_wait3A_32 = tpu.memref_slice %arg3[%add3A_25] : memref<32768xi32, #tpu.memory_space<hbm>> -> memref<128xi32, #tpu.memory_space<hbm>>
    %dma_wait3A_33 = tpu.memref_slice %arg3[%add3A_25] : memref<32768xi32, #tpu.memory_space<hbm>> -> memref<128xi32, #tpu.memory_space<hbm>>
    tpu.wait_dma2 semaphore(%arg10 : memref<!tpu.dma_semaphore, #tpu.memory_space<semaphore_mem>>) src(%dma_wait3A_33 : memref<128xi32, #tpu.memory_space<hbm>>) dst(%arg6 : memref<128xi32, #tpu.memory_space<vmem>>)
    %dma_wait3A_34 = arith.constant 0 : i32
    %dma_wait3A_35 = tpu.memref_slice %arg2[%add3A_25, %dma_wait3A_34] : memref<32768x384xf32, #tpu.memory_space<hbm>> -> memref<128x384xf32, #tpu.memory_space<hbm>>
    %dma_wait3A_36 = arith.constant 0 : i32
    %dma_wait3A_37 = tpu.memref_slice %arg2[%add3A_25, %dma_wait3A_36] : memref<32768x384xf32, #tpu.memory_space<hbm>> -> memref<128x384xf32, #tpu.memory_space<hbm>>
    tpu.wait_dma2 semaphore(%arg12 : memref<!tpu.dma_semaphore, #tpu.memory_space<semaphore_mem>>) src(%dma_wait3A_37 : memref<128x384xf32, #tpu.memory_space<hbm>>) dst(%arg8 : memref<128x384xf32, #tpu.memory_space<vmem>>)
    %dma_start3A_38 = arith.constant 0 : i32
    %dma_start3A_39 = arith.constant 0 : i32
    %dma_start3A_40 = tpu.memref_slice %arg4[%dma_start3A_38, %dma_start3A_39] : memref<9728x384xf32, #tpu.memory_space<hbm>> -> memref<9728x384xf32, #tpu.memory_space<hbm>>
    tpu.enqueue_indirect_dma source(%arg8 : memref<128x384xf32, #tpu.memory_space<vmem>>) target(%dma_start3A_40 : memref<9728x384xf32, #tpu.memory_space<hbm>>) offsets(%arg6 : memref<128xi32, #tpu.memory_space<vmem>>) semaphore(%arg14 : memref<!tpu.dma_semaphore, #tpu.memory_space<semaphore_mem>>)
    %dma_wait3A_41 = arith.constant 0 : i32
    %dma_wait3A_42 = arith.constant 0 : i32
    %dma_wait3A_43 = tpu.memref_slice %arg4[%dma_wait3A_41, %dma_wait3A_42] : memref<9728x384xf32, #tpu.memory_space<hbm>> -> memref<9728x384xf32, #tpu.memory_space<hbm>>
    tpu.wait_indirect_dma semaphore(%arg13 : memref<!tpu.dma_semaphore, #tpu.memory_space<semaphore_mem>>) src(%arg7 : memref<128x384xf32, #tpu.memory_space<vmem>>) dst(%dma_wait3A_43 : memref<9728x384xf32, #tpu.memory_space<hbm>>)
    %dma_wait3A_44 = arith.constant 0 : i32
    %dma_wait3A_45 = arith.constant 0 : i32
    %dma_wait3A_46 = tpu.memref_slice %arg4[%dma_wait3A_44, %dma_wait3A_45] : memref<9728x384xf32, #tpu.memory_space<hbm>> -> memref<9728x384xf32, #tpu.memory_space<hbm>>
    tpu.wait_indirect_dma semaphore(%arg14 : memref<!tpu.dma_semaphore, #tpu.memory_space<semaphore_mem>>) src(%arg8 : memref<128x384xf32, #tpu.memory_space<vmem>>) dst(%dma_wait3A_46 : memref<9728x384xf32, #tpu.memory_space<hbm>>)
    return
  }
}

#map = affine_map<(d0, d1) -> (0)>
module attributes {stable_mosaic.version = 14 : i64} {
  func.func @_gather_out_body(%arg0: i32, %arg1: i32, %arg2: memref<9728xf32, #tpu.memory_space<hbm>>, %arg3: memref<32768xi32, #tpu.memory_space<hbm>>, %arg4: memref<8192xf32, #tpu.memory_space<hbm>>, %arg5: memref<128xi32, #tpu.memory_space<vmem>>, %arg6: memref<128xi32, #tpu.memory_space<vmem>>, %arg7: memref<256xf32, #tpu.memory_space<vmem>>, %arg8: memref<!tpu.dma_semaphore, #tpu.memory_space<semaphore_mem>>, %arg9: memref<!tpu.dma_semaphore, #tpu.memory_space<semaphore_mem>>, %arg10: memref<!tpu.dma_semaphore, #tpu.memory_space<semaphore_mem>>, %arg11: memref<!tpu.dma_semaphore, #tpu.memory_space<semaphore_mem>>) attributes {dimension_semantics = [#tpu.dimension_semantics<core_parallel>, #tpu.dimension_semantics<subcore_parallel>], iteration_bounds = array<i64: 2, 16>, scalar_prefetch = 0 : i64, scratch_operands = 7 : i64, tpu.core_type = #tpu.core_type<sc_vector_subcore>, window_params = [{transform_indices = #map}, {transform_indices = #map}, {transform_indices = #map}]} {
    %mul3A = arith.constant 16 : i32
    %mul3A_0 = arith.muli %arg0, %mul3A : i32
    %add3A = arith.addi %mul3A_0, %arg1 : i32
    %mul3A_1 = arith.constant 256 : i32
    %mul3A_2 = arith.muli %add3A, %mul3A_1 : i32
    %add3A_3 = arith.constant 0 : i32
    %add3A_4 = arith.addi %add3A_3, %mul3A_2 : i32
    %add3A_5 = arith.constant 0 : i32
    %add3A_6 = arith.addi %add3A_4, %add3A_5 : i32
    %dma_start3A = tpu.memref_slice %arg3[%add3A_6] : memref<32768xi32, #tpu.memory_space<hbm>> -> memref<128xi32, #tpu.memory_space<hbm>>
    %dma_start3A_7 = tpu.memref_slice %arg3[%add3A_6] : memref<32768xi32, #tpu.memory_space<hbm>> -> memref<128xi32, #tpu.memory_space<hbm>>
    tpu.enqueue_dma source(%dma_start3A_7 : memref<128xi32, #tpu.memory_space<hbm>>) target(%arg5 : memref<128xi32, #tpu.memory_space<vmem>>) target_semaphore(%arg8 : memref<!tpu.dma_semaphore, #tpu.memory_space<semaphore_mem>>)
    %dma_wait3A = tpu.memref_slice %arg3[%add3A_6] : memref<32768xi32, #tpu.memory_space<hbm>> -> memref<128xi32, #tpu.memory_space<hbm>>
    %dma_wait3A_8 = tpu.memref_slice %arg3[%add3A_6] : memref<32768xi32, #tpu.memory_space<hbm>> -> memref<128xi32, #tpu.memory_space<hbm>>
    tpu.wait_dma2 semaphore(%arg8 : memref<!tpu.dma_semaphore, #tpu.memory_space<semaphore_mem>>) src(%dma_wait3A_8 : memref<128xi32, #tpu.memory_space<hbm>>) dst(%arg5 : memref<128xi32, #tpu.memory_space<vmem>>)
    %dma_start3A_9 = arith.constant 0 : i32
    %dma_start3A_10 = tpu.memref_slice %arg7[%dma_start3A_9] : memref<256xf32, #tpu.memory_space<vmem>> -> memref<128xf32, #tpu.memory_space<vmem>>
    %dma_start3A_11 = arith.constant 0 : i32
    %dma_start3A_12 = tpu.memref_slice %arg2[%dma_start3A_11] : memref<9728xf32, #tpu.memory_space<hbm>> -> memref<9728xf32, #tpu.memory_space<hbm>>
    tpu.enqueue_indirect_dma source(%dma_start3A_12 : memref<9728xf32, #tpu.memory_space<hbm>>) target(%dma_start3A_10 : memref<128xf32, #tpu.memory_space<vmem>>) offsets(%arg5 : memref<128xi32, #tpu.memory_space<vmem>>) semaphore(%arg10 : memref<!tpu.dma_semaphore, #tpu.memory_space<semaphore_mem>>)
    %add3A_13 = arith.constant 0 : i32
    %add3A_14 = arith.addi %add3A_13, %mul3A_2 : i32
    %add3A_15 = arith.constant 128 : i32
    %add3A_16 = arith.addi %add3A_14, %add3A_15 : i32
    %dma_start3A_17 = tpu.memref_slice %arg3[%add3A_16] : memref<32768xi32, #tpu.memory_space<hbm>> -> memref<128xi32, #tpu.memory_space<hbm>>
    %dma_start3A_18 = tpu.memref_slice %arg3[%add3A_16] : memref<32768xi32, #tpu.memory_space<hbm>> -> memref<128xi32, #tpu.memory_space<hbm>>
    tpu.enqueue_dma source(%dma_start3A_18 : memref<128xi32, #tpu.memory_space<hbm>>) target(%arg6 : memref<128xi32, #tpu.memory_space<vmem>>) target_semaphore(%arg9 : memref<!tpu.dma_semaphore, #tpu.memory_space<semaphore_mem>>)
    %dma_wait3A_19 = tpu.memref_slice %arg3[%add3A_16] : memref<32768xi32, #tpu.memory_space<hbm>> -> memref<128xi32, #tpu.memory_space<hbm>>
    %dma_wait3A_20 = tpu.memref_slice %arg3[%add3A_16] : memref<32768xi32, #tpu.memory_space<hbm>> -> memref<128xi32, #tpu.memory_space<hbm>>
    tpu.wait_dma2 semaphore(%arg9 : memref<!tpu.dma_semaphore, #tpu.memory_space<semaphore_mem>>) src(%dma_wait3A_20 : memref<128xi32, #tpu.memory_space<hbm>>) dst(%arg6 : memref<128xi32, #tpu.memory_space<vmem>>)
    %dma_start3A_21 = arith.constant 128 : i32
    %dma_start3A_22 = tpu.memref_slice %arg7[%dma_start3A_21] : memref<256xf32, #tpu.memory_space<vmem>> -> memref<128xf32, #tpu.memory_space<vmem>>
    %dma_start3A_23 = arith.constant 0 : i32
    %dma_start3A_24 = tpu.memref_slice %arg2[%dma_start3A_23] : memref<9728xf32, #tpu.memory_space<hbm>> -> memref<9728xf32, #tpu.memory_space<hbm>>
    tpu.enqueue_indirect_dma source(%dma_start3A_24 : memref<9728xf32, #tpu.memory_space<hbm>>) target(%dma_start3A_22 : memref<128xf32, #tpu.memory_space<vmem>>) offsets(%arg6 : memref<128xi32, #tpu.memory_space<vmem>>) semaphore(%arg11 : memref<!tpu.dma_semaphore, #tpu.memory_space<semaphore_mem>>)
    %dma_wait3A_25 = arith.constant 0 : i32
    %dma_wait3A_26 = tpu.memref_slice %arg7[%dma_wait3A_25] : memref<256xf32, #tpu.memory_space<vmem>> -> memref<128xf32, #tpu.memory_space<vmem>>
    %dma_wait3A_27 = arith.constant 0 : i32
    %dma_wait3A_28 = tpu.memref_slice %arg2[%dma_wait3A_27] : memref<9728xf32, #tpu.memory_space<hbm>> -> memref<9728xf32, #tpu.memory_space<hbm>>
    tpu.wait_indirect_dma semaphore(%arg10 : memref<!tpu.dma_semaphore, #tpu.memory_space<semaphore_mem>>) src(%dma_wait3A_28 : memref<9728xf32, #tpu.memory_space<hbm>>) dst(%dma_wait3A_26 : memref<128xf32, #tpu.memory_space<vmem>>)
    %dma_wait3A_29 = arith.constant 128 : i32
    %dma_wait3A_30 = tpu.memref_slice %arg7[%dma_wait3A_29] : memref<256xf32, #tpu.memory_space<vmem>> -> memref<128xf32, #tpu.memory_space<vmem>>
    %dma_wait3A_31 = arith.constant 0 : i32
    %dma_wait3A_32 = tpu.memref_slice %arg2[%dma_wait3A_31] : memref<9728xf32, #tpu.memory_space<hbm>> -> memref<9728xf32, #tpu.memory_space<hbm>>
    tpu.wait_indirect_dma semaphore(%arg11 : memref<!tpu.dma_semaphore, #tpu.memory_space<semaphore_mem>>) src(%dma_wait3A_32 : memref<9728xf32, #tpu.memory_space<hbm>>) dst(%dma_wait3A_30 : memref<128xf32, #tpu.memory_space<vmem>>)
    "tpu.region"() ({
      %run_scoped3A = tpu.sem_alloc : memref<!tpu.dma_semaphore, #tpu.memory_space<semaphore_mem>>
      %dma_start3A_33 = tpu.memref_slice %arg4[%mul3A_2] : memref<8192xf32, #tpu.memory_space<hbm>> -> memref<256xf32, #tpu.memory_space<hbm>>
      %dma_start3A_34 = tpu.memref_slice %arg4[%mul3A_2] : memref<8192xf32, #tpu.memory_space<hbm>> -> memref<256xf32, #tpu.memory_space<hbm>>
      tpu.enqueue_dma source(%arg7 : memref<256xf32, #tpu.memory_space<vmem>>) target(%dma_start3A_34 : memref<256xf32, #tpu.memory_space<hbm>>) target_semaphore(%run_scoped3A : memref<!tpu.dma_semaphore, #tpu.memory_space<semaphore_mem>>)
      %dma_wait3A_35 = tpu.memref_slice %arg4[%mul3A_2] : memref<8192xf32, #tpu.memory_space<hbm>> -> memref<256xf32, #tpu.memory_space<hbm>>
      %dma_wait3A_36 = tpu.memref_slice %arg4[%mul3A_2] : memref<8192xf32, #tpu.memory_space<hbm>> -> memref<256xf32, #tpu.memory_space<hbm>>
      tpu.wait_dma2 semaphore(%run_scoped3A : memref<!tpu.dma_semaphore, #tpu.memory_space<semaphore_mem>>) src(%arg7 : memref<256xf32, #tpu.memory_space<vmem>>) dst(%dma_wait3A_36 : memref<256xf32, #tpu.memory_space<hbm>>)
      tpu.yield
    }) : () -> ()
    return
  }
}

#map = affine_map<(d0, d1) -> (0, 0)>
#map1 = affine_map<(d0, d1) -> (0)>
module attributes {stable_mosaic.version = 14 : i64} {
  func.func @_scatter_rows_body(%arg0: i32, %arg1: i32, %arg2: memref<32768x384xf32, #tpu.memory_space<hbm>>, %arg3: memref<32768xi32, #tpu.memory_space<hbm>>, %arg4: memref<9728x384xf32, #tpu.memory_space<hbm>>, %arg5: memref<128xi32, #tpu.memory_space<vmem>>, %arg6: memref<128xi32, #tpu.memory_space<vmem>>, %arg7: memref<128x384xf32, #tpu.memory_space<vmem>>, %arg8: memref<128x384xf32, #tpu.memory_space<vmem>>, %arg9: memref<!tpu.dma_semaphore, #tpu.memory_space<semaphore_mem>>, %arg10: memref<!tpu.dma_semaphore, #tpu.memory_space<semaphore_mem>>, %arg11: memref<!tpu.dma_semaphore, #tpu.memory_space<semaphore_mem>>, %arg12: memref<!tpu.dma_semaphore, #tpu.memory_space<semaphore_mem>>, %arg13: memref<!tpu.dma_semaphore, #tpu.memory_space<semaphore_mem>>, %arg14: memref<!tpu.dma_semaphore, #tpu.memory_space<semaphore_mem>>) attributes {dimension_semantics = [#tpu.dimension_semantics<core_parallel>, #tpu.dimension_semantics<subcore_parallel>], iteration_bounds = array<i64: 2, 16>, scalar_prefetch = 0 : i64, scratch_operands = 10 : i64, tpu.core_type = #tpu.core_type<sc_vector_subcore>, window_params = [{transform_indices = #map}, {transform_indices = #map1}, {transform_indices = #map}]} {
    %mul3A = arith.constant 16 : i32
    %mul3A_0 = arith.muli %arg0, %mul3A : i32
    %add3A = arith.addi %mul3A_0, %arg1 : i32
    %mul3A_1 = arith.constant 256 : i32
    %mul3A_2 = arith.muli %add3A, %mul3A_1 : i32
    %add3A_3 = arith.constant 24576 : i32
    %add3A_4 = arith.addi %add3A_3, %mul3A_2 : i32
    %add3A_5 = arith.constant 0 : i32
    %add3A_6 = arith.addi %add3A_4, %add3A_5 : i32
    %dma_start3A = tpu.memref_slice %arg3[%add3A_6] : memref<32768xi32, #tpu.memory_space<hbm>> -> memref<128xi32, #tpu.memory_space<hbm>>
    %dma_start3A_7 = tpu.memref_slice %arg3[%add3A_6] : memref<32768xi32, #tpu.memory_space<hbm>> -> memref<128xi32, #tpu.memory_space<hbm>>
    tpu.enqueue_dma source(%dma_start3A_7 : memref<128xi32, #tpu.memory_space<hbm>>) target(%arg5 : memref<128xi32, #tpu.memory_space<vmem>>) target_semaphore(%arg9 : memref<!tpu.dma_semaphore, #tpu.memory_space<semaphore_mem>>)
    %dma_start3A_8 = arith.constant 0 : i32
    %dma_start3A_9 = tpu.memref_slice %arg2[%add3A_6, %dma_start3A_8] : memref<32768x384xf32, #tpu.memory_space<hbm>> -> memref<128x384xf32, #tpu.memory_space<hbm>>
    %dma_start3A_10 = arith.constant 0 : i32
    %dma_start3A_11 = tpu.memref_slice %arg2[%add3A_6, %dma_start3A_10] : memref<32768x384xf32, #tpu.memory_space<hbm>> -> memref<128x384xf32, #tpu.memory_space<hbm>>
    tpu.enqueue_dma source(%dma_start3A_11 : memref<128x384xf32, #tpu.memory_space<hbm>>) target(%arg7 : memref<128x384xf32, #tpu.memory_space<vmem>>) target_semaphore(%arg11 : memref<!tpu.dma_semaphore, #tpu.memory_space<semaphore_mem>>)
    %dma_wait3A = tpu.memref_slice %arg3[%add3A_6] : memref<32768xi32, #tpu.memory_space<hbm>> -> memref<128xi32, #tpu.memory_space<hbm>>
    %dma_wait3A_12 = tpu.memref_slice %arg3[%add3A_6] : memref<32768xi32, #tpu.memory_space<hbm>> -> memref<128xi32, #tpu.memory_space<hbm>>
    tpu.wait_dma2 semaphore(%arg9 : memref<!tpu.dma_semaphore, #tpu.memory_space<semaphore_mem>>) src(%dma_wait3A_12 : memref<128xi32, #tpu.memory_space<hbm>>) dst(%arg5 : memref<128xi32, #tpu.memory_space<vmem>>)
    %dma_wait3A_13 = arith.constant 0 : i32
    %dma_wait3A_14 = tpu.memref_slice %arg2[%add3A_6, %dma_wait3A_13] : memref<32768x384xf32, #tpu.memory_space<hbm>> -> memref<128x384xf32, #tpu.memory_space<hbm>>
    %dma_wait3A_15 = arith.constant 0 : i32
    %dma_wait3A_16 = tpu.memref_slice %arg2[%add3A_6, %dma_wait3A_15] : memref<32768x384xf32, #tpu.memory_space<hbm>> -> memref<128x384xf32, #tpu.memory_space<hbm>>
    tpu.wait_dma2 semaphore(%arg11 : memref<!tpu.dma_semaphore, #tpu.memory_space<semaphore_mem>>) src(%dma_wait3A_16 : memref<128x384xf32, #tpu.memory_space<hbm>>) dst(%arg7 : memref<128x384xf32, #tpu.memory_space<vmem>>)
    %dma_start3A_17 = arith.constant 0 : i32
    %dma_start3A_18 = arith.constant 0 : i32
    %dma_start3A_19 = tpu.memref_slice %arg4[%dma_start3A_17, %dma_start3A_18] : memref<9728x384xf32, #tpu.memory_space<hbm>> -> memref<9728x384xf32, #tpu.memory_space<hbm>>
    tpu.enqueue_indirect_dma source(%arg7 : memref<128x384xf32, #tpu.memory_space<vmem>>) target(%dma_start3A_19 : memref<9728x384xf32, #tpu.memory_space<hbm>>) offsets(%arg5 : memref<128xi32, #tpu.memory_space<vmem>>) semaphore(%arg13 : memref<!tpu.dma_semaphore, #tpu.memory_space<semaphore_mem>>)
    %mul3A_20 = arith.constant 256 : i32
    %mul3A_21 = arith.muli %add3A, %mul3A_20 : i32
    %add3A_22 = arith.constant 24576 : i32
    %add3A_23 = arith.addi %add3A_22, %mul3A_21 : i32
    %add3A_24 = arith.constant 128 : i32
    %add3A_25 = arith.addi %add3A_23, %add3A_24 : i32
    %dma_start3A_26 = tpu.memref_slice %arg3[%add3A_25] : memref<32768xi32, #tpu.memory_space<hbm>> -> memref<128xi32, #tpu.memory_space<hbm>>
    %dma_start3A_27 = tpu.memref_slice %arg3[%add3A_25] : memref<32768xi32, #tpu.memory_space<hbm>> -> memref<128xi32, #tpu.memory_space<hbm>>
    tpu.enqueue_dma source(%dma_start3A_27 : memref<128xi32, #tpu.memory_space<hbm>>) target(%arg6 : memref<128xi32, #tpu.memory_space<vmem>>) target_semaphore(%arg10 : memref<!tpu.dma_semaphore, #tpu.memory_space<semaphore_mem>>)
    %dma_start3A_28 = arith.constant 0 : i32
    %dma_start3A_29 = tpu.memref_slice %arg2[%add3A_25, %dma_start3A_28] : memref<32768x384xf32, #tpu.memory_space<hbm>> -> memref<128x384xf32, #tpu.memory_space<hbm>>
    %dma_start3A_30 = arith.constant 0 : i32
    %dma_start3A_31 = tpu.memref_slice %arg2[%add3A_25, %dma_start3A_30] : memref<32768x384xf32, #tpu.memory_space<hbm>> -> memref<128x384xf32, #tpu.memory_space<hbm>>
    tpu.enqueue_dma source(%dma_start3A_31 : memref<128x384xf32, #tpu.memory_space<hbm>>) target(%arg8 : memref<128x384xf32, #tpu.memory_space<vmem>>) target_semaphore(%arg12 : memref<!tpu.dma_semaphore, #tpu.memory_space<semaphore_mem>>)
    %dma_wait3A_32 = tpu.memref_slice %arg3[%add3A_25] : memref<32768xi32, #tpu.memory_space<hbm>> -> memref<128xi32, #tpu.memory_space<hbm>>
    %dma_wait3A_33 = tpu.memref_slice %arg3[%add3A_25] : memref<32768xi32, #tpu.memory_space<hbm>> -> memref<128xi32, #tpu.memory_space<hbm>>
    tpu.wait_dma2 semaphore(%arg10 : memref<!tpu.dma_semaphore, #tpu.memory_space<semaphore_mem>>) src(%dma_wait3A_33 : memref<128xi32, #tpu.memory_space<hbm>>) dst(%arg6 : memref<128xi32, #tpu.memory_space<vmem>>)
    %dma_wait3A_34 = arith.constant 0 : i32
    %dma_wait3A_35 = tpu.memref_slice %arg2[%add3A_25, %dma_wait3A_34] : memref<32768x384xf32, #tpu.memory_space<hbm>> -> memref<128x384xf32, #tpu.memory_space<hbm>>
    %dma_wait3A_36 = arith.constant 0 : i32
    %dma_wait3A_37 = tpu.memref_slice %arg2[%add3A_25, %dma_wait3A_36] : memref<32768x384xf32, #tpu.memory_space<hbm>> -> memref<128x384xf32, #tpu.memory_space<hbm>>
    tpu.wait_dma2 semaphore(%arg12 : memref<!tpu.dma_semaphore, #tpu.memory_space<semaphore_mem>>) src(%dma_wait3A_37 : memref<128x384xf32, #tpu.memory_space<hbm>>) dst(%arg8 : memref<128x384xf32, #tpu.memory_space<vmem>>)
    %dma_start3A_38 = arith.constant 0 : i32
    %dma_start3A_39 = arith.constant 0 : i32
    %dma_start3A_40 = tpu.memref_slice %arg4[%dma_start3A_38, %dma_start3A_39] : memref<9728x384xf32, #tpu.memory_space<hbm>> -> memref<9728x384xf32, #tpu.memory_space<hbm>>
    tpu.enqueue_indirect_dma source(%arg8 : memref<128x384xf32, #tpu.memory_space<vmem>>) target(%dma_start3A_40 : memref<9728x384xf32, #tpu.memory_space<hbm>>) offsets(%arg6 : memref<128xi32, #tpu.memory_space<vmem>>) semaphore(%arg14 : memref<!tpu.dma_semaphore, #tpu.memory_space<semaphore_mem>>)
    %dma_wait3A_41 = arith.constant 0 : i32
    %dma_wait3A_42 = arith.constant 0 : i32
    %dma_wait3A_43 = tpu.memref_slice %arg4[%dma_wait3A_41, %dma_wait3A_42] : memref<9728x384xf32, #tpu.memory_space<hbm>> -> memref<9728x384xf32, #tpu.memory_space<hbm>>
    tpu.wait_indirect_dma semaphore(%arg13 : memref<!tpu.dma_semaphore, #tpu.memory_space<semaphore_mem>>) src(%arg7 : memref<128x384xf32, #tpu.memory_space<vmem>>) dst(%dma_wait3A_43 : memref<9728x384xf32, #tpu.memory_space<hbm>>)
    %dma_wait3A_44 = arith.constant 0 : i32
    %dma_wait3A_45 = arith.constant 0 : i32
    %dma_wait3A_46 = tpu.memref_slice %arg4[%dma_wait3A_44, %dma_wait3A_45] : memref<9728x384xf32, #tpu.memory_space<hbm>> -> memref<9728x384xf32, #tpu.memory_space<hbm>>
    tpu.wait_indirect_dma semaphore(%arg14 : memref<!tpu.dma_semaphore, #tpu.memory_space<semaphore_mem>>) src(%arg8 : memref<128x384xf32, #tpu.memory_space<vmem>>) dst(%dma_wait3A_46 : memref<9728x384xf32, #tpu.memory_space<hbm>>)
    return
  }
}

#map = affine_map<(d0, d1) -> (0)>
module attributes {stable_mosaic.version = 14 : i64} {
  func.func @_gather_out_body(%arg0: i32, %arg1: i32, %arg2: memref<17920xf32, #tpu.memory_space<hbm>>, %arg3: memref<32768xi32, #tpu.memory_space<hbm>>, %arg4: memref<16384xf32, #tpu.memory_space<hbm>>, %arg5: memref<128xi32, #tpu.memory_space<vmem>>, %arg6: memref<128xi32, #tpu.memory_space<vmem>>, %arg7: memref<512xf32, #tpu.memory_space<vmem>>, %arg8: memref<!tpu.dma_semaphore, #tpu.memory_space<semaphore_mem>>, %arg9: memref<!tpu.dma_semaphore, #tpu.memory_space<semaphore_mem>>, %arg10: memref<!tpu.dma_semaphore, #tpu.memory_space<semaphore_mem>>, %arg11: memref<!tpu.dma_semaphore, #tpu.memory_space<semaphore_mem>>) attributes {dimension_semantics = [#tpu.dimension_semantics<core_parallel>, #tpu.dimension_semantics<subcore_parallel>], iteration_bounds = array<i64: 2, 16>, scalar_prefetch = 0 : i64, scratch_operands = 7 : i64, tpu.core_type = #tpu.core_type<sc_vector_subcore>, window_params = [{transform_indices = #map}, {transform_indices = #map}, {transform_indices = #map}]} {
    %mul3A = arith.constant 16 : i32
    %mul3A_0 = arith.muli %arg0, %mul3A : i32
    %add3A = arith.addi %mul3A_0, %arg1 : i32
    %mul3A_1 = arith.constant 512 : i32
    %mul3A_2 = arith.muli %add3A, %mul3A_1 : i32
    %add3A_3 = arith.constant 8192 : i32
    %add3A_4 = arith.addi %add3A_3, %mul3A_2 : i32
    %add3A_5 = arith.constant 0 : i32
    %add3A_6 = arith.addi %add3A_4, %add3A_5 : i32
    %dma_start3A = tpu.memref_slice %arg3[%add3A_6] : memref<32768xi32, #tpu.memory_space<hbm>> -> memref<128xi32, #tpu.memory_space<hbm>>
    %dma_start3A_7 = tpu.memref_slice %arg3[%add3A_6] : memref<32768xi32, #tpu.memory_space<hbm>> -> memref<128xi32, #tpu.memory_space<hbm>>
    tpu.enqueue_dma source(%dma_start3A_7 : memref<128xi32, #tpu.memory_space<hbm>>) target(%arg5 : memref<128xi32, #tpu.memory_space<vmem>>) target_semaphore(%arg8 : memref<!tpu.dma_semaphore, #tpu.memory_space<semaphore_mem>>)
    %dma_wait3A = tpu.memref_slice %arg3[%add3A_6] : memref<32768xi32, #tpu.memory_space<hbm>> -> memref<128xi32, #tpu.memory_space<hbm>>
    %dma_wait3A_8 = tpu.memref_slice %arg3[%add3A_6] : memref<32768xi32, #tpu.memory_space<hbm>> -> memref<128xi32, #tpu.memory_space<hbm>>
    tpu.wait_dma2 semaphore(%arg8 : memref<!tpu.dma_semaphore, #tpu.memory_space<semaphore_mem>>) src(%dma_wait3A_8 : memref<128xi32, #tpu.memory_space<hbm>>) dst(%arg5 : memref<128xi32, #tpu.memory_space<vmem>>)
    %dma_start3A_9 = arith.constant 0 : i32
    %dma_start3A_10 = tpu.memref_slice %arg7[%dma_start3A_9] : memref<512xf32, #tpu.memory_space<vmem>> -> memref<128xf32, #tpu.memory_space<vmem>>
    %dma_start3A_11 = arith.constant 0 : i32
    %dma_start3A_12 = tpu.memref_slice %arg2[%dma_start3A_11] : memref<17920xf32, #tpu.memory_space<hbm>> -> memref<17920xf32, #tpu.memory_space<hbm>>
    tpu.enqueue_indirect_dma source(%dma_start3A_12 : memref<17920xf32, #tpu.memory_space<hbm>>) target(%dma_start3A_10 : memref<128xf32, #tpu.memory_space<vmem>>) offsets(%arg5 : memref<128xi32, #tpu.memory_space<vmem>>) semaphore(%arg10 : memref<!tpu.dma_semaphore, #tpu.memory_space<semaphore_mem>>)
    %add3A_13 = arith.constant 8192 : i32
    %add3A_14 = arith.addi %add3A_13, %mul3A_2 : i32
    %add3A_15 = arith.constant 128 : i32
    %add3A_16 = arith.addi %add3A_14, %add3A_15 : i32
    %dma_start3A_17 = tpu.memref_slice %arg3[%add3A_16] : memref<32768xi32, #tpu.memory_space<hbm>> -> memref<128xi32, #tpu.memory_space<hbm>>
    %dma_start3A_18 = tpu.memref_slice %arg3[%add3A_16] : memref<32768xi32, #tpu.memory_space<hbm>> -> memref<128xi32, #tpu.memory_space<hbm>>
    tpu.enqueue_dma source(%dma_start3A_18 : memref<128xi32, #tpu.memory_space<hbm>>) target(%arg6 : memref<128xi32, #tpu.memory_space<vmem>>) target_semaphore(%arg9 : memref<!tpu.dma_semaphore, #tpu.memory_space<semaphore_mem>>)
    %dma_wait3A_19 = tpu.memref_slice %arg3[%add3A_16] : memref<32768xi32, #tpu.memory_space<hbm>> -> memref<128xi32, #tpu.memory_space<hbm>>
    %dma_wait3A_20 = tpu.memref_slice %arg3[%add3A_16] : memref<32768xi32, #tpu.memory_space<hbm>> -> memref<128xi32, #tpu.memory_space<hbm>>
    tpu.wait_dma2 semaphore(%arg9 : memref<!tpu.dma_semaphore, #tpu.memory_space<semaphore_mem>>) src(%dma_wait3A_20 : memref<128xi32, #tpu.memory_space<hbm>>) dst(%arg6 : memref<128xi32, #tpu.memory_space<vmem>>)
    %dma_start3A_21 = arith.constant 128 : i32
    %dma_start3A_22 = tpu.memref_slice %arg7[%dma_start3A_21] : memref<512xf32, #tpu.memory_space<vmem>> -> memref<128xf32, #tpu.memory_space<vmem>>
    %dma_start3A_23 = arith.constant 0 : i32
    %dma_start3A_24 = tpu.memref_slice %arg2[%dma_start3A_23] : memref<17920xf32, #tpu.memory_space<hbm>> -> memref<17920xf32, #tpu.memory_space<hbm>>
    tpu.enqueue_indirect_dma source(%dma_start3A_24 : memref<17920xf32, #tpu.memory_space<hbm>>) target(%dma_start3A_22 : memref<128xf32, #tpu.memory_space<vmem>>) offsets(%arg6 : memref<128xi32, #tpu.memory_space<vmem>>) semaphore(%arg11 : memref<!tpu.dma_semaphore, #tpu.memory_space<semaphore_mem>>)
    %dma_wait3A_25 = arith.constant 0 : i32
    %dma_wait3A_26 = tpu.memref_slice %arg7[%dma_wait3A_25] : memref<512xf32, #tpu.memory_space<vmem>> -> memref<128xf32, #tpu.memory_space<vmem>>
    %dma_wait3A_27 = arith.constant 0 : i32
    %dma_wait3A_28 = tpu.memref_slice %arg2[%dma_wait3A_27] : memref<17920xf32, #tpu.memory_space<hbm>> -> memref<17920xf32, #tpu.memory_space<hbm>>
    tpu.wait_indirect_dma semaphore(%arg10 : memref<!tpu.dma_semaphore, #tpu.memory_space<semaphore_mem>>) src(%dma_wait3A_28 : memref<17920xf32, #tpu.memory_space<hbm>>) dst(%dma_wait3A_26 : memref<128xf32, #tpu.memory_space<vmem>>)
    %add3A_29 = arith.constant 8192 : i32
    %add3A_30 = arith.addi %add3A_29, %mul3A_2 : i32
    %add3A_31 = arith.constant 256 : i32
    %add3A_32 = arith.addi %add3A_30, %add3A_31 : i32
    %dma_start3A_33 = tpu.memref_slice %arg3[%add3A_32] : memref<32768xi32, #tpu.memory_space<hbm>> -> memref<128xi32, #tpu.memory_space<hbm>>
    %dma_start3A_34 = tpu.memref_slice %arg3[%add3A_32] : memref<32768xi32, #tpu.memory_space<hbm>> -> memref<128xi32, #tpu.memory_space<hbm>>
    tpu.enqueue_dma source(%dma_start3A_34 : memref<128xi32, #tpu.memory_space<hbm>>) target(%arg5 : memref<128xi32, #tpu.memory_space<vmem>>) target_semaphore(%arg8 : memref<!tpu.dma_semaphore, #tpu.memory_space<semaphore_mem>>)
    %dma_wait3A_35 = tpu.memref_slice %arg3[%add3A_32] : memref<32768xi32, #tpu.memory_space<hbm>> -> memref<128xi32, #tpu.memory_space<hbm>>
    %dma_wait3A_36 = tpu.memref_slice %arg3[%add3A_32] : memref<32768xi32, #tpu.memory_space<hbm>> -> memref<128xi32, #tpu.memory_space<hbm>>
    tpu.wait_dma2 semaphore(%arg8 : memref<!tpu.dma_semaphore, #tpu.memory_space<semaphore_mem>>) src(%dma_wait3A_36 : memref<128xi32, #tpu.memory_space<hbm>>) dst(%arg5 : memref<128xi32, #tpu.memory_space<vmem>>)
    %dma_start3A_37 = arith.constant 256 : i32
    %dma_start3A_38 = tpu.memref_slice %arg7[%dma_start3A_37] : memref<512xf32, #tpu.memory_space<vmem>> -> memref<128xf32, #tpu.memory_space<vmem>>
    %dma_start3A_39 = arith.constant 0 : i32
    %dma_start3A_40 = tpu.memref_slice %arg2[%dma_start3A_39] : memref<17920xf32, #tpu.memory_space<hbm>> -> memref<17920xf32, #tpu.memory_space<hbm>>
    tpu.enqueue_indirect_dma source(%dma_start3A_40 : memref<17920xf32, #tpu.memory_space<hbm>>) target(%dma_start3A_38 : memref<128xf32, #tpu.memory_space<vmem>>) offsets(%arg5 : memref<128xi32, #tpu.memory_space<vmem>>) semaphore(%arg10 : memref<!tpu.dma_semaphore, #tpu.memory_space<semaphore_mem>>)
    %dma_wait3A_41 = arith.constant 128 : i32
    %dma_wait3A_42 = tpu.memref_slice %arg7[%dma_wait3A_41] : memref<512xf32, #tpu.memory_space<vmem>> -> memref<128xf32, #tpu.memory_space<vmem>>
    %dma_wait3A_43 = arith.constant 0 : i32
    %dma_wait3A_44 = tpu.memref_slice %arg2[%dma_wait3A_43] : memref<17920xf32, #tpu.memory_space<hbm>> -> memref<17920xf32, #tpu.memory_space<hbm>>
    tpu.wait_indirect_dma semaphore(%arg11 : memref<!tpu.dma_semaphore, #tpu.memory_space<semaphore_mem>>) src(%dma_wait3A_44 : memref<17920xf32, #tpu.memory_space<hbm>>) dst(%dma_wait3A_42 : memref<128xf32, #tpu.memory_space<vmem>>)
    %add3A_45 = arith.constant 8192 : i32
    %add3A_46 = arith.addi %add3A_45, %mul3A_2 : i32
    %add3A_47 = arith.constant 384 : i32
    %add3A_48 = arith.addi %add3A_46, %add3A_47 : i32
    %dma_start3A_49 = tpu.memref_slice %arg3[%add3A_48] : memref<32768xi32, #tpu.memory_space<hbm>> -> memref<128xi32, #tpu.memory_space<hbm>>
    %dma_start3A_50 = tpu.memref_slice %arg3[%add3A_48] : memref<32768xi32, #tpu.memory_space<hbm>> -> memref<128xi32, #tpu.memory_space<hbm>>
    tpu.enqueue_dma source(%dma_start3A_50 : memref<128xi32, #tpu.memory_space<hbm>>) target(%arg6 : memref<128xi32, #tpu.memory_space<vmem>>) target_semaphore(%arg9 : memref<!tpu.dma_semaphore, #tpu.memory_space<semaphore_mem>>)
    %dma_wait3A_51 = tpu.memref_slice %arg3[%add3A_48] : memref<32768xi32, #tpu.memory_space<hbm>> -> memref<128xi32, #tpu.memory_space<hbm>>
    %dma_wait3A_52 = tpu.memref_slice %arg3[%add3A_48] : memref<32768xi32, #tpu.memory_space<hbm>> -> memref<128xi32, #tpu.memory_space<hbm>>
    tpu.wait_dma2 semaphore(%arg9 : memref<!tpu.dma_semaphore, #tpu.memory_space<semaphore_mem>>) src(%dma_wait3A_52 : memref<128xi32, #tpu.memory_space<hbm>>) dst(%arg6 : memref<128xi32, #tpu.memory_space<vmem>>)
    %dma_start3A_53 = arith.constant 384 : i32
    %dma_start3A_54 = tpu.memref_slice %arg7[%dma_start3A_53] : memref<512xf32, #tpu.memory_space<vmem>> -> memref<128xf32, #tpu.memory_space<vmem>>
    %dma_start3A_55 = arith.constant 0 : i32
    %dma_start3A_56 = tpu.memref_slice %arg2[%dma_start3A_55] : memref<17920xf32, #tpu.memory_space<hbm>> -> memref<17920xf32, #tpu.memory_space<hbm>>
    tpu.enqueue_indirect_dma source(%dma_start3A_56 : memref<17920xf32, #tpu.memory_space<hbm>>) target(%dma_start3A_54 : memref<128xf32, #tpu.memory_space<vmem>>) offsets(%arg6 : memref<128xi32, #tpu.memory_space<vmem>>) semaphore(%arg11 : memref<!tpu.dma_semaphore, #tpu.memory_space<semaphore_mem>>)
    %dma_wait3A_57 = arith.constant 256 : i32
    %dma_wait3A_58 = tpu.memref_slice %arg7[%dma_wait3A_57] : memref<512xf32, #tpu.memory_space<vmem>> -> memref<128xf32, #tpu.memory_space<vmem>>
    %dma_wait3A_59 = arith.constant 0 : i32
    %dma_wait3A_60 = tpu.memref_slice %arg2[%dma_wait3A_59] : memref<17920xf32, #tpu.memory_space<hbm>> -> memref<17920xf32, #tpu.memory_space<hbm>>
    tpu.wait_indirect_dma semaphore(%arg10 : memref<!tpu.dma_semaphore, #tpu.memory_space<semaphore_mem>>) src(%dma_wait3A_60 : memref<17920xf32, #tpu.memory_space<hbm>>) dst(%dma_wait3A_58 : memref<128xf32, #tpu.memory_space<vmem>>)
    %dma_wait3A_61 = arith.constant 384 : i32
    %dma_wait3A_62 = tpu.memref_slice %arg7[%dma_wait3A_61] : memref<512xf32, #tpu.memory_space<vmem>> -> memref<128xf32, #tpu.memory_space<vmem>>
    %dma_wait3A_63 = arith.constant 0 : i32
    %dma_wait3A_64 = tpu.memref_slice %arg2[%dma_wait3A_63] : memref<17920xf32, #tpu.memory_space<hbm>> -> memref<17920xf32, #tpu.memory_space<hbm>>
    tpu.wait_indirect_dma semaphore(%arg11 : memref<!tpu.dma_semaphore, #tpu.memory_space<semaphore_mem>>) src(%dma_wait3A_64 : memref<17920xf32, #tpu.memory_space<hbm>>) dst(%dma_wait3A_62 : memref<128xf32, #tpu.memory_space<vmem>>)
    "tpu.region"() ({
      %run_scoped3A = tpu.sem_alloc : memref<!tpu.dma_semaphore, #tpu.memory_space<semaphore_mem>>
      %dma_start3A_65 = tpu.memref_slice %arg4[%mul3A_2] : memref<16384xf32, #tpu.memory_space<hbm>> -> memref<512xf32, #tpu.memory_space<hbm>>
      %dma_start3A_66 = tpu.memref_slice %arg4[%mul3A_2] : memref<16384xf32, #tpu.memory_space<hbm>> -> memref<512xf32, #tpu.memory_space<hbm>>
      tpu.enqueue_dma source(%arg7 : memref<512xf32, #tpu.memory_space<vmem>>) target(%dma_start3A_66 : memref<512xf32, #tpu.memory_space<hbm>>) target_semaphore(%run_scoped3A : memref<!tpu.dma_semaphore, #tpu.memory_space<semaphore_mem>>)
      %dma_wait3A_67 = tpu.memref_slice %arg4[%mul3A_2] : memref<16384xf32, #tpu.memory_space<hbm>> -> memref<512xf32, #tpu.memory_space<hbm>>
      %dma_wait3A_68 = tpu.memref_slice %arg4[%mul3A_2] : memref<16384xf32, #tpu.memory_space<hbm>> -> memref<512xf32, #tpu.memory_space<hbm>>
      tpu.wait_dma2 semaphore(%run_scoped3A : memref<!tpu.dma_semaphore, #tpu.memory_space<semaphore_mem>>) src(%arg7 : memref<512xf32, #tpu.memory_space<vmem>>) dst(%dma_wait3A_68 : memref<512xf32, #tpu.memory_space<hbm>>)
      tpu.yield
    }) : () -> ()
    return
  }
}

#map = affine_map<(d0, d1) -> (0)>
module attributes {stable_mosaic.version = 14 : i64} {
  func.func @_gather_out_body(%arg0: i32, %arg1: i32, %arg2: memref<9728xf32, #tpu.memory_space<hbm>>, %arg3: memref<32768xi32, #tpu.memory_space<hbm>>, %arg4: memref<8192xf32, #tpu.memory_space<hbm>>, %arg5: memref<128xi32, #tpu.memory_space<vmem>>, %arg6: memref<128xi32, #tpu.memory_space<vmem>>, %arg7: memref<256xf32, #tpu.memory_space<vmem>>, %arg8: memref<!tpu.dma_semaphore, #tpu.memory_space<semaphore_mem>>, %arg9: memref<!tpu.dma_semaphore, #tpu.memory_space<semaphore_mem>>, %arg10: memref<!tpu.dma_semaphore, #tpu.memory_space<semaphore_mem>>, %arg11: memref<!tpu.dma_semaphore, #tpu.memory_space<semaphore_mem>>) attributes {dimension_semantics = [#tpu.dimension_semantics<core_parallel>, #tpu.dimension_semantics<subcore_parallel>], iteration_bounds = array<i64: 2, 16>, scalar_prefetch = 0 : i64, scratch_operands = 7 : i64, tpu.core_type = #tpu.core_type<sc_vector_subcore>, window_params = [{transform_indices = #map}, {transform_indices = #map}, {transform_indices = #map}]} {
    %mul3A = arith.constant 16 : i32
    %mul3A_0 = arith.muli %arg0, %mul3A : i32
    %add3A = arith.addi %mul3A_0, %arg1 : i32
    %mul3A_1 = arith.constant 256 : i32
    %mul3A_2 = arith.muli %add3A, %mul3A_1 : i32
    %add3A_3 = arith.constant 24576 : i32
    %add3A_4 = arith.addi %add3A_3, %mul3A_2 : i32
    %add3A_5 = arith.constant 0 : i32
    %add3A_6 = arith.addi %add3A_4, %add3A_5 : i32
    %dma_start3A = tpu.memref_slice %arg3[%add3A_6] : memref<32768xi32, #tpu.memory_space<hbm>> -> memref<128xi32, #tpu.memory_space<hbm>>
    %dma_start3A_7 = tpu.memref_slice %arg3[%add3A_6] : memref<32768xi32, #tpu.memory_space<hbm>> -> memref<128xi32, #tpu.memory_space<hbm>>
    tpu.enqueue_dma source(%dma_start3A_7 : memref<128xi32, #tpu.memory_space<hbm>>) target(%arg5 : memref<128xi32, #tpu.memory_space<vmem>>) target_semaphore(%arg8 : memref<!tpu.dma_semaphore, #tpu.memory_space<semaphore_mem>>)
    %dma_wait3A = tpu.memref_slice %arg3[%add3A_6] : memref<32768xi32, #tpu.memory_space<hbm>> -> memref<128xi32, #tpu.memory_space<hbm>>
    %dma_wait3A_8 = tpu.memref_slice %arg3[%add3A_6] : memref<32768xi32, #tpu.memory_space<hbm>> -> memref<128xi32, #tpu.memory_space<hbm>>
    tpu.wait_dma2 semaphore(%arg8 : memref<!tpu.dma_semaphore, #tpu.memory_space<semaphore_mem>>) src(%dma_wait3A_8 : memref<128xi32, #tpu.memory_space<hbm>>) dst(%arg5 : memref<128xi32, #tpu.memory_space<vmem>>)
    %dma_start3A_9 = arith.constant 0 : i32
    %dma_start3A_10 = tpu.memref_slice %arg7[%dma_start3A_9] : memref<256xf32, #tpu.memory_space<vmem>> -> memref<128xf32, #tpu.memory_space<vmem>>
    %dma_start3A_11 = arith.constant 0 : i32
    %dma_start3A_12 = tpu.memref_slice %arg2[%dma_start3A_11] : memref<9728xf32, #tpu.memory_space<hbm>> -> memref<9728xf32, #tpu.memory_space<hbm>>
    tpu.enqueue_indirect_dma source(%dma_start3A_12 : memref<9728xf32, #tpu.memory_space<hbm>>) target(%dma_start3A_10 : memref<128xf32, #tpu.memory_space<vmem>>) offsets(%arg5 : memref<128xi32, #tpu.memory_space<vmem>>) semaphore(%arg10 : memref<!tpu.dma_semaphore, #tpu.memory_space<semaphore_mem>>)
    %add3A_13 = arith.constant 24576 : i32
    %add3A_14 = arith.addi %add3A_13, %mul3A_2 : i32
    %add3A_15 = arith.constant 128 : i32
    %add3A_16 = arith.addi %add3A_14, %add3A_15 : i32
    %dma_start3A_17 = tpu.memref_slice %arg3[%add3A_16] : memref<32768xi32, #tpu.memory_space<hbm>> -> memref<128xi32, #tpu.memory_space<hbm>>
    %dma_start3A_18 = tpu.memref_slice %arg3[%add3A_16] : memref<32768xi32, #tpu.memory_space<hbm>> -> memref<128xi32, #tpu.memory_space<hbm>>
    tpu.enqueue_dma source(%dma_start3A_18 : memref<128xi32, #tpu.memory_space<hbm>>) target(%arg6 : memref<128xi32, #tpu.memory_space<vmem>>) target_semaphore(%arg9 : memref<!tpu.dma_semaphore, #tpu.memory_space<semaphore_mem>>)
    %dma_wait3A_19 = tpu.memref_slice %arg3[%add3A_16] : memref<32768xi32, #tpu.memory_space<hbm>> -> memref<128xi32, #tpu.memory_space<hbm>>
    %dma_wait3A_20 = tpu.memref_slice %arg3[%add3A_16] : memref<32768xi32, #tpu.memory_space<hbm>> -> memref<128xi32, #tpu.memory_space<hbm>>
    tpu.wait_dma2 semaphore(%arg9 : memref<!tpu.dma_semaphore, #tpu.memory_space<semaphore_mem>>) src(%dma_wait3A_20 : memref<128xi32, #tpu.memory_space<hbm>>) dst(%arg6 : memref<128xi32, #tpu.memory_space<vmem>>)
    %dma_start3A_21 = arith.constant 128 : i32
    %dma_start3A_22 = tpu.memref_slice %arg7[%dma_start3A_21] : memref<256xf32, #tpu.memory_space<vmem>> -> memref<128xf32, #tpu.memory_space<vmem>>
    %dma_start3A_23 = arith.constant 0 : i32
    %dma_start3A_24 = tpu.memref_slice %arg2[%dma_start3A_23] : memref<9728xf32, #tpu.memory_space<hbm>> -> memref<9728xf32, #tpu.memory_space<hbm>>
    tpu.enqueue_indirect_dma source(%dma_start3A_24 : memref<9728xf32, #tpu.memory_space<hbm>>) target(%dma_start3A_22 : memref<128xf32, #tpu.memory_space<vmem>>) offsets(%arg6 : memref<128xi32, #tpu.memory_space<vmem>>) semaphore(%arg11 : memref<!tpu.dma_semaphore, #tpu.memory_space<semaphore_mem>>)
    %dma_wait3A_25 = arith.constant 0 : i32
    %dma_wait3A_26 = tpu.memref_slice %arg7[%dma_wait3A_25] : memref<256xf32, #tpu.memory_space<vmem>> -> memref<128xf32, #tpu.memory_space<vmem>>
    %dma_wait3A_27 = arith.constant 0 : i32
    %dma_wait3A_28 = tpu.memref_slice %arg2[%dma_wait3A_27] : memref<9728xf32, #tpu.memory_space<hbm>> -> memref<9728xf32, #tpu.memory_space<hbm>>
    tpu.wait_indirect_dma semaphore(%arg10 : memref<!tpu.dma_semaphore, #tpu.memory_space<semaphore_mem>>) src(%dma_wait3A_28 : memref<9728xf32, #tpu.memory_space<hbm>>) dst(%dma_wait3A_26 : memref<128xf32, #tpu.memory_space<vmem>>)
    %dma_wait3A_29 = arith.constant 128 : i32
    %dma_wait3A_30 = tpu.memref_slice %arg7[%dma_wait3A_29] : memref<256xf32, #tpu.memory_space<vmem>> -> memref<128xf32, #tpu.memory_space<vmem>>
    %dma_wait3A_31 = arith.constant 0 : i32
    %dma_wait3A_32 = tpu.memref_slice %arg2[%dma_wait3A_31] : memref<9728xf32, #tpu.memory_space<hbm>> -> memref<9728xf32, #tpu.memory_space<hbm>>
    tpu.wait_indirect_dma semaphore(%arg11 : memref<!tpu.dma_semaphore, #tpu.memory_space<semaphore_mem>>) src(%dma_wait3A_32 : memref<9728xf32, #tpu.memory_space<hbm>>) dst(%dma_wait3A_30 : memref<128xf32, #tpu.memory_space<vmem>>)
    "tpu.region"() ({
      %run_scoped3A = tpu.sem_alloc : memref<!tpu.dma_semaphore, #tpu.memory_space<semaphore_mem>>
      %dma_start3A_33 = tpu.memref_slice %arg4[%mul3A_2] : memref<8192xf32, #tpu.memory_space<hbm>> -> memref<256xf32, #tpu.memory_space<hbm>>
      %dma_start3A_34 = tpu.memref_slice %arg4[%mul3A_2] : memref<8192xf32, #tpu.memory_space<hbm>> -> memref<256xf32, #tpu.memory_space<hbm>>
      tpu.enqueue_dma source(%arg7 : memref<256xf32, #tpu.memory_space<vmem>>) target(%dma_start3A_34 : memref<256xf32, #tpu.memory_space<hbm>>) target_semaphore(%run_scoped3A : memref<!tpu.dma_semaphore, #tpu.memory_space<semaphore_mem>>)
      %dma_wait3A_35 = tpu.memref_slice %arg4[%mul3A_2] : memref<8192xf32, #tpu.memory_space<hbm>> -> memref<256xf32, #tpu.memory_space<hbm>>
      %dma_wait3A_36 = tpu.memref_slice %arg4[%mul3A_2] : memref<8192xf32, #tpu.memory_space<hbm>> -> memref<256xf32, #tpu.memory_space<hbm>>
      tpu.wait_dma2 semaphore(%run_scoped3A : memref<!tpu.dma_semaphore, #tpu.memory_space<semaphore_mem>>) src(%arg7 : memref<256xf32, #tpu.memory_space<vmem>>) dst(%dma_wait3A_36 : memref<256xf32, #tpu.memory_space<hbm>>)
      tpu.yield
    }) : () -> ()
    return
  }
}

module attributes {stable_mosaic.version = 14 : i64} {
  func.func @_route_tc_body(%arg0: memref<256x128xi32, #tpu.memory_space<vmem>>, %arg1: memref<256x128xi32, #tpu.memory_space<vmem>>, %arg2: memref<1x384xi32, #tpu.memory_space<vmem>>) attributes {dimension_semantics = [], scalar_prefetch = 0 : i64, scratch_operands = 0 : i64, tpu.core_type = #tpu.core_type<tc>} {
    %iota3A = tpu.iota {dimensions = array<i32: 0>} : vector<128x128xi32>
    %iota3A_0 = tpu.iota {dimensions = array<i32: 1>} : vector<128x128xi32>
    %le3A = arith.cmpi sle, %iota3A, %iota3A_0 : vector<128x128xi32>
    %convert_element_type3A = arith.extui %le3A : vector<128x128xi1> to vector<128x128xi32>
    %convert_element_type3A_1 = arith.sitofp %convert_element_type3A : vector<128x128xi32> to vector<128x128xf32>
    %iota3A_2 = tpu.iota {dimensions = array<i32: 0>} : vector<64x64xi32>
    %iota3A_3 = tpu.iota {dimensions = array<i32: 1>} : vector<64x64xi32>
    %lt3A = arith.cmpi slt, %iota3A_3, %iota3A_2 : vector<64x64xi32>
    %convert_element_type3A_4 = arith.extui %lt3A : vector<64x64xi1> to vector<64x64xi32>
    %convert_element_type3A_5 = arith.sitofp %convert_element_type3A_4 : vector<64x64xi32> to vector<64x64xf32>
    %iota3A_6 = tpu.iota {dimensions = array<i32: 0>} : vector<128x128xi32>
    %iota3A_7 = tpu.iota {dimensions = array<i32: 1>} : vector<128x128xi32>
    %lt3A_8 = arith.cmpi slt, %iota3A_7, %iota3A_6 : vector<128x128xi32>
    %convert_element_type3A_9 = arith.extui %lt3A_8 : vector<128x128xi1> to vector<128x128xi32>
    %convert_element_type3A_10 = arith.sitofp %convert_element_type3A_9 : vector<128x128xi32> to vector<128x128xf32>
    %get3A = arith.constant 0 : index
    %get3A_11 = arith.constant 0 : index
    %get3A_12 = vector.load %arg0[%get3A, %get3A_11] : memref<256x128xi32, #tpu.memory_space<vmem>>, vector<64x128xi32>
    %eq3A = arith.constant 0 : i32
    %eq3A_13 = vector.broadcast %eq3A : i32 to vector<64x128xi32>
    %eq3A_14 = arith.cmpi eq, %get3A_12, %eq3A_13 : vector<64x128xi32>
    %convert_element_type3A_15 = arith.extui %eq3A_14 : vector<64x128xi1> to vector<64x128xi32>
    %convert_element_type3A_16 = arith.sitofp %convert_element_type3A_15 : vector<64x128xi32> to vector<64x128xf32>
    %dot_general3A = arith.constant dense<0.000000e+00> : vector<64x128xf32>
    %dot_general3A_17 = tpu.matmul %convert_element_type3A_16, %convert_element_type3A_1, %dot_general3A {dimension_numbers = #tpu.dot_dimension_numbers<[1], [0], [0], [1], [0, 0, 1, 1], [], []>, transpose_lhs_hint = false} : vector<64x128xf32>, vector<128x128xf32>, vector<64x128xf32> -> vector<64x128xf32>
    %sub3A = arith.subf %dot_general3A_17, %convert_element_type3A_16 : vector<64x128xf32>
    %reduce_sum3A = arith.constant dense<0.000000e+00> : vector<64xf32>
    %reduce_sum3A_18 = vector.multi_reduction <add>, %convert_element_type3A_16, %reduce_sum3A [1] : vector<64x128xf32> to vector<64xf32>
    %broadcast_in_dim3A = vector.shape_cast %reduce_sum3A_18 : vector<64xf32> to vector<64x1xf32>
    %dot_general3A_19 = arith.constant dense<0.000000e+00> : vector<64x1xf32>
    %dot_general3A_20 = tpu.matmul %convert_element_type3A_5, %broadcast_in_dim3A, %dot_general3A_19 {dimension_numbers = #tpu.dot_dimension_numbers<[1], [0], [0], [1], [0, 0, 1, 1], [], []>, transpose_lhs_hint = false} : vector<64x64xf32>, vector<64x1xf32>, vector<64x1xf32> -> vector<64x1xf32>
    %add3A = vector.broadcast %dot_general3A_20 : vector<64x1xf32> to vector<64x128xf32>
    %add3A_21 = arith.addf %sub3A, %add3A : vector<64x128xf32>
    %convert_element_type3A_22 = arith.fptosi %add3A_21 : vector<64x128xf32> to vector<64x128xi32>
    %reduce_sum3A_23 = vector.shape_cast %convert_element_type3A_15 : vector<64x128xi32> to vector<1x64x128xi32>
    %reduce_sum3A_24 = arith.constant dense<0> : vector<1xi32>
    %reduce_sum3A_25 = vector.multi_reduction <add>, %reduce_sum3A_23, %reduce_sum3A_24 [1, 2] : vector<1x64x128xi32> to vector<1xi32>
    %reduce_sum3A_26 = vector.shape_cast %reduce_sum3A_25 : vector<1xi32> to vector<1x1x1xi32>
    %reduce_sum3A_27 = vector.extract %reduce_sum3A_26[0, 0, 0] : i32 from vector<1x1x1xi32>
    %eq3A_28 = arith.constant 1 : i32
    %eq3A_29 = vector.broadcast %eq3A_28 : i32 to vector<64x128xi32>
    %eq3A_30 = arith.cmpi eq, %get3A_12, %eq3A_29 : vector<64x128xi32>
    %convert_element_type3A_31 = arith.extui %eq3A_30 : vector<64x128xi1> to vector<64x128xi32>
    %convert_element_type3A_32 = arith.sitofp %convert_element_type3A_31 : vector<64x128xi32> to vector<64x128xf32>
    %dot_general3A_33 = arith.constant dense<0.000000e+00> : vector<64x128xf32>
    %dot_general3A_34 = tpu.matmul %convert_element_type3A_32, %convert_element_type3A_1, %dot_general3A_33 {dimension_numbers = #tpu.dot_dimension_numbers<[1], [0], [0], [1], [0, 0, 1, 1], [], []>, transpose_lhs_hint = false} : vector<64x128xf32>, vector<128x128xf32>, vector<64x128xf32> -> vector<64x128xf32>
    %sub3A_35 = arith.subf %dot_general3A_34, %convert_element_type3A_32 : vector<64x128xf32>
    %reduce_sum3A_36 = arith.constant dense<0.000000e+00> : vector<64xf32>
    %reduce_sum3A_37 = vector.multi_reduction <add>, %convert_element_type3A_32, %reduce_sum3A_36 [1] : vector<64x128xf32> to vector<64xf32>
    %broadcast_in_dim3A_38 = vector.shape_cast %reduce_sum3A_37 : vector<64xf32> to vector<64x1xf32>
    %dot_general3A_39 = arith.constant dense<0.000000e+00> : vector<64x1xf32>
    %dot_general3A_40 = tpu.matmul %convert_element_type3A_5, %broadcast_in_dim3A_38, %dot_general3A_39 {dimension_numbers = #tpu.dot_dimension_numbers<[1], [0], [0], [1], [0, 0, 1, 1], [], []>, transpose_lhs_hint = false} : vector<64x64xf32>, vector<64x1xf32>, vector<64x1xf32> -> vector<64x1xf32>
    %add3A_41 = vector.broadcast %dot_general3A_40 : vector<64x1xf32> to vector<64x128xf32>
    %add3A_42 = arith.addf %sub3A_35, %add3A_41 : vector<64x128xf32>
    %convert_element_type3A_43 = arith.fptosi %add3A_42 : vector<64x128xf32> to vector<64x128xi32>
    %reduce_sum3A_44 = vector.shape_cast %convert_element_type3A_31 : vector<64x128xi32> to vector<1x64x128xi32>
    %reduce_sum3A_45 = arith.constant dense<0> : vector<1xi32>
    %reduce_sum3A_46 = vector.multi_reduction <add>, %reduce_sum3A_44, %reduce_sum3A_45 [1, 2] : vector<1x64x128xi32> to vector<1xi32>
    %reduce_sum3A_47 = vector.shape_cast %reduce_sum3A_46 : vector<1xi32> to vector<1x1x1xi32>
    %reduce_sum3A_48 = vector.extract %reduce_sum3A_47[0, 0, 0] : i32 from vector<1x1x1xi32>
    %eq3A_49 = arith.constant 2 : i32
    %eq3A_50 = vector.broadcast %eq3A_49 : i32 to vector<64x128xi32>
    %eq3A_51 = arith.cmpi eq, %get3A_12, %eq3A_50 : vector<64x128xi32>
    %convert_element_type3A_52 = arith.extui %eq3A_51 : vector<64x128xi1> to vector<64x128xi32>
    %convert_element_type3A_53 = arith.sitofp %convert_element_type3A_52 : vector<64x128xi32> to vector<64x128xf32>
    %dot_general3A_54 = arith.constant dense<0.000000e+00> : vector<64x128xf32>
    %dot_general3A_55 = tpu.matmul %convert_element_type3A_53, %convert_element_type3A_1, %dot_general3A_54 {dimension_numbers = #tpu.dot_dimension_numbers<[1], [0], [0], [1], [0, 0, 1, 1], [], []>, transpose_lhs_hint = false} : vector<64x128xf32>, vector<128x128xf32>, vector<64x128xf32> -> vector<64x128xf32>
    %sub3A_56 = arith.subf %dot_general3A_55, %convert_element_type3A_53 : vector<64x128xf32>
    %reduce_sum3A_57 = arith.constant dense<0.000000e+00> : vector<64xf32>
    %reduce_sum3A_58 = vector.multi_reduction <add>, %convert_element_type3A_53, %reduce_sum3A_57 [1] : vector<64x128xf32> to vector<64xf32>
    %broadcast_in_dim3A_59 = vector.shape_cast %reduce_sum3A_58 : vector<64xf32> to vector<64x1xf32>
    %dot_general3A_60 = arith.constant dense<0.000000e+00> : vector<64x1xf32>
    %dot_general3A_61 = tpu.matmul %convert_element_type3A_5, %broadcast_in_dim3A_59, %dot_general3A_60 {dimension_numbers = #tpu.dot_dimension_numbers<[1], [0], [0], [1], [0, 0, 1, 1], [], []>, transpose_lhs_hint = false} : vector<64x64xf32>, vector<64x1xf32>, vector<64x1xf32> -> vector<64x1xf32>
    %add3A_62 = vector.broadcast %dot_general3A_61 : vector<64x1xf32> to vector<64x128xf32>
    %add3A_63 = arith.addf %sub3A_56, %add3A_62 : vector<64x128xf32>
    %convert_element_type3A_64 = arith.fptosi %add3A_63 : vector<64x128xf32> to vector<64x128xi32>
    %reduce_sum3A_65 = vector.shape_cast %convert_element_type3A_52 : vector<64x128xi32> to vector<1x64x128xi32>
    %reduce_sum3A_66 = arith.constant dense<0> : vector<1xi32>
    %reduce_sum3A_67 = vector.multi_reduction <add>, %reduce_sum3A_65, %reduce_sum3A_66 [1, 2] : vector<1x64x128xi32> to vector<1xi32>
    %reduce_sum3A_68 = vector.shape_cast %reduce_sum3A_67 : vector<1xi32> to vector<1x1x1xi32>
    %reduce_sum3A_69 = vector.extract %reduce_sum3A_68[0, 0, 0] : i32 from vector<1x1x1xi32>
    %eq3A_70 = arith.constant 3 : i32
    %eq3A_71 = vector.broadcast %eq3A_70 : i32 to vector<64x128xi32>
    %eq3A_72 = arith.cmpi eq, %get3A_12, %eq3A_71 : vector<64x128xi32>
    %convert_element_type3A_73 = arith.extui %eq3A_72 : vector<64x128xi1> to vector<64x128xi32>
    %convert_element_type3A_74 = arith.sitofp %convert_element_type3A_73 : vector<64x128xi32> to vector<64x128xf32>
    %dot_general3A_75 = arith.constant dense<0.000000e+00> : vector<64x128xf32>
    %dot_general3A_76 = tpu.matmul %convert_element_type3A_74, %convert_element_type3A_1, %dot_general3A_75 {dimension_numbers = #tpu.dot_dimension_numbers<[1], [0], [0], [1], [0, 0, 1, 1], [], []>, transpose_lhs_hint = false} : vector<64x128xf32>, vector<128x128xf32>, vector<64x128xf32> -> vector<64x128xf32>
    %sub3A_77 = arith.subf %dot_general3A_76, %convert_element_type3A_74 : vector<64x128xf32>
    %reduce_sum3A_78 = arith.constant dense<0.000000e+00> : vector<64xf32>
    %reduce_sum3A_79 = vector.multi_reduction <add>, %convert_element_type3A_74, %reduce_sum3A_78 [1] : vector<64x128xf32> to vector<64xf32>
    %broadcast_in_dim3A_80 = vector.shape_cast %reduce_sum3A_79 : vector<64xf32> to vector<64x1xf32>
    %dot_general3A_81 = arith.constant dense<0.000000e+00> : vector<64x1xf32>
    %dot_general3A_82 = tpu.matmul %convert_element_type3A_5, %broadcast_in_dim3A_80, %dot_general3A_81 {dimension_numbers = #tpu.dot_dimension_numbers<[1], [0], [0], [1], [0, 0, 1, 1], [], []>, transpose_lhs_hint = false} : vector<64x64xf32>, vector<64x1xf32>, vector<64x1xf32> -> vector<64x1xf32>
    %add3A_83 = vector.broadcast %dot_general3A_82 : vector<64x1xf32> to vector<64x128xf32>
    %add3A_84 = arith.addf %sub3A_77, %add3A_83 : vector<64x128xf32>
    %convert_element_type3A_85 = arith.fptosi %add3A_84 : vector<64x128xf32> to vector<64x128xi32>
    %mul3A = arith.constant 0 : i32
    %mul3A_86 = arith.constant 512 : i32
    %mul3A_87 = arith.muli %mul3A, %mul3A_86 : i32
    %add3A_88 = arith.constant 511 : i32
    %add3A_89 = arith.addi %reduce_sum3A_27, %add3A_88 : i32
    %div3A = arith.constant 512 : i32
    %div3A_90 = arith.divsi %add3A_89, %div3A : i32
    %add3A_91 = arith.constant 0 : i32
    %add3A_92 = arith.addi %add3A_91, %div3A_90 : i32
    %mul3A_93 = arith.constant 512 : i32
    %mul3A_94 = arith.muli %add3A_92, %mul3A_93 : i32
    %add3A_95 = arith.constant 511 : i32
    %add3A_96 = arith.addi %reduce_sum3A_48, %add3A_95 : i32
    %div3A_97 = arith.constant 512 : i32
    %div3A_98 = arith.divsi %add3A_96, %div3A_97 : i32
    %add3A_99 = arith.addi %add3A_92, %div3A_98 : i32
    %mul3A_100 = arith.constant 512 : i32
    %mul3A_101 = arith.muli %add3A_99, %mul3A_100 : i32
    %add3A_102 = arith.constant 511 : i32
    %add3A_103 = arith.addi %reduce_sum3A_69, %add3A_102 : i32
    %div3A_104 = arith.constant 512 : i32
    %div3A_105 = arith.divsi %add3A_103, %div3A_104 : i32
    %add3A_106 = arith.addi %add3A_99, %div3A_105 : i32
    %mul3A_107 = arith.constant 512 : i32
    %mul3A_108 = arith.muli %add3A_106, %mul3A_107 : i32
    %broadcast_in_dim3A_109 = arith.constant 0 : i32
    %broadcast_in_dim3A_110 = vector.broadcast %broadcast_in_dim3A_109 : i32 to vector<64x128xi32>
    %add3A_111 = vector.broadcast %mul3A_87 : i32 to vector<64x128xi32>
    %add3A_112 = arith.addi %add3A_111, %convert_element_type3A_22 : vector<64x128xi32>
    %mul3A_113 = arith.muli %convert_element_type3A_15, %add3A_112 : vector<64x128xi32>
    %add3A_114 = arith.addi %broadcast_in_dim3A_110, %mul3A_113 : vector<64x128xi32>
    %add3A_115 = vector.broadcast %mul3A_94 : i32 to vector<64x128xi32>
    %add3A_116 = arith.addi %add3A_115, %convert_element_type3A_43 : vector<64x128xi32>
    %mul3A_117 = arith.muli %convert_element_type3A_31, %add3A_116 : vector<64x128xi32>
    %add3A_118 = arith.addi %add3A_114, %mul3A_117 : vector<64x128xi32>
    %add3A_119 = vector.broadcast %mul3A_101 : i32 to vector<64x128xi32>
    %add3A_120 = arith.addi %add3A_119, %convert_element_type3A_64 : vector<64x128xi32>
    %mul3A_121 = arith.muli %convert_element_type3A_52, %add3A_120 : vector<64x128xi32>
    %add3A_122 = arith.addi %add3A_118, %mul3A_121 : vector<64x128xi32>
    %add3A_123 = vector.broadcast %mul3A_108 : i32 to vector<64x128xi32>
    %add3A_124 = arith.addi %add3A_123, %convert_element_type3A_85 : vector<64x128xi32>
    %mul3A_125 = arith.muli %convert_element_type3A_73, %add3A_124 : vector<64x128xi32>
    %add3A_126 = arith.addi %add3A_122, %mul3A_125 : vector<64x128xi32>
    %swap3A = arith.constant 0 : index
    %swap3A_127 = arith.constant 0 : index
    %swap3A_128 = vector.load %arg1[%swap3A, %swap3A_127] : memref<256x128xi32, #tpu.memory_space<vmem>>, vector<64x128xi32>
    tpu.vector_store %arg1[%swap3A, %swap3A_127], %add3A_126 {strides = array<i32>} : memref<256x128xi32, #tpu.memory_space<vmem>>, vector<64x128xi32>,
    %iota3A_129 = tpu.iota {dimensions = array<i32: 1>} : vector<1x128xi32>
    %ge3A = vector.broadcast %add3A_92 : i32 to vector<1x128xi32>
    %ge3A_130 = arith.cmpi sge, %iota3A_129, %ge3A : vector<1x128xi32>
    %convert_element_type3A_131 = arith.extui %ge3A_130 : vector<1x128xi1> to vector<1x128xi32>
    %ge3A_132 = vector.broadcast %add3A_99 : i32 to vector<1x128xi32>
    %ge3A_133 = arith.cmpi sge, %iota3A_129, %ge3A_132 : vector<1x128xi32>
    %convert_element_type3A_134 = arith.extui %ge3A_133 : vector<1x128xi1> to vector<1x128xi32>
    %add3A_135 = arith.addi %convert_element_type3A_131, %convert_element_type3A_134 : vector<1x128xi32>
    %ge3A_136 = vector.broadcast %add3A_106 : i32 to vector<1x128xi32>
    %ge3A_137 = arith.cmpi sge, %iota3A_129, %ge3A_136 : vector<1x128xi32>
    %convert_element_type3A_138 = arith.extui %ge3A_137 : vector<1x128xi1> to vector<1x128xi32>
    %add3A_139 = arith.addi %add3A_135, %convert_element_type3A_138 : vector<1x128xi32>
    %swap3A_140 = arith.constant 0 : index
    %swap3A_141 = arith.constant 0 : index
    %swap3A_142 = vector.load %arg2[%swap3A_140, %swap3A_141] : memref<1x384xi32, #tpu.memory_space<vmem>>, vector<1x128xi32>
    tpu.vector_store %arg2[%swap3A_140, %swap3A_141], %add3A_139 {strides = array<i32>} : memref<1x384xi32, #tpu.memory_space<vmem>>, vector<1x128xi32>,
    %get3A_143 = arith.constant 64 : index
    %get3A_144 = arith.constant 0 : index
    %get3A_145 = vector.load %arg0[%get3A_143, %get3A_144] : memref<256x128xi32, #tpu.memory_space<vmem>>, vector<128x128xi32>
    %eq3A_146 = arith.constant 0 : i32
    %eq3A_147 = vector.broadcast %eq3A_146 : i32 to vector<128x128xi32>
    %eq3A_148 = arith.cmpi eq, %get3A_145, %eq3A_147 : vector<128x128xi32>
    %convert_element_type3A_149 = arith.extui %eq3A_148 : vector<128x128xi1> to vector<128x128xi32>
    %convert_element_type3A_150 = arith.sitofp %convert_element_type3A_149 : vector<128x128xi32> to vector<128x128xf32>
    %dot_general3A_151 = arith.constant dense<0.000000e+00> : vector<128x128xf32>
    %dot_general3A_152 = tpu.matmul %convert_element_type3A_150, %convert_element_type3A_1, %dot_general3A_151 {dimension_numbers = #tpu.dot_dimension_numbers<[1], [0], [0], [1], [0, 0, 1, 1], [], []>, transpose_lhs_hint = false} : vector<128x128xf32>, vector<128x128xf32>, vector<128x128xf32> -> vector<128x128xf32>
    %sub3A_153 = arith.subf %dot_general3A_152, %convert_element_type3A_150 : vector<128x128xf32>
    %reduce_sum3A_154 = arith.constant dense<0.000000e+00> : vector<128xf32>
    %reduce_sum3A_155 = vector.multi_reduction <add>, %convert_element_type3A_150, %reduce_sum3A_154 [1] : vector<128x128xf32> to vector<128xf32>
    %broadcast_in_dim3A_156 = vector.shape_cast %reduce_sum3A_155 : vector<128xf32> to vector<128x1xf32>
    %dot_general3A_157 = arith.constant dense<0.000000e+00> : vector<128x1xf32>
    %dot_general3A_158 = tpu.matmul %convert_element_type3A_10, %broadcast_in_dim3A_156, %dot_general3A_157 {dimension_numbers = #tpu.dot_dimension_numbers<[1], [0], [0], [1], [0, 0, 1, 1], [], []>, transpose_lhs_hint = false} : vector<128x128xf32>, vector<128x1xf32>, vector<128x1xf32> -> vector<128x1xf32>
    %add3A_159 = vector.broadcast %dot_general3A_158 : vector<128x1xf32> to vector<128x128xf32>
    %add3A_160 = arith.addf %sub3A_153, %add3A_159 : vector<128x128xf32>
    %convert_element_type3A_161 = arith.fptosi %add3A_160 : vector<128x128xf32> to vector<128x128xi32>
    %reduce_sum3A_162 = vector.shape_cast %convert_element_type3A_149 : vector<128x128xi32> to vector<1x128x128xi32>
    %reduce_sum3A_163 = arith.constant dense<0> : vector<1xi32>
    %reduce_sum3A_164 = vector.multi_reduction <add>, %reduce_sum3A_162, %reduce_sum3A_163 [1, 2] : vector<1x128x128xi32> to vector<1xi32>
    %reduce_sum3A_165 = vector.shape_cast %reduce_sum3A_164 : vector<1xi32> to vector<1x1x1xi32>
    %reduce_sum3A_166 = vector.extract %reduce_sum3A_165[0, 0, 0] : i32 from vector<1x1x1xi32>
    %eq3A_167 = arith.constant 1 : i32
    %eq3A_168 = vector.broadcast %eq3A_167 : i32 to vector<128x128xi32>
    %eq3A_169 = arith.cmpi eq, %get3A_145, %eq3A_168 : vector<128x128xi32>
    %convert_element_type3A_170 = arith.extui %eq3A_169 : vector<128x128xi1> to vector<128x128xi32>
    %convert_element_type3A_171 = arith.sitofp %convert_element_type3A_170 : vector<128x128xi32> to vector<128x128xf32>
    %dot_general3A_172 = arith.constant dense<0.000000e+00> : vector<128x128xf32>
    %dot_general3A_173 = tpu.matmul %convert_element_type3A_171, %convert_element_type3A_1, %dot_general3A_172 {dimension_numbers = #tpu.dot_dimension_numbers<[1], [0], [0], [1], [0, 0, 1, 1], [], []>, transpose_lhs_hint = false} : vector<128x128xf32>, vector<128x128xf32>, vector<128x128xf32> -> vector<128x128xf32>
    %sub3A_174 = arith.subf %dot_general3A_173, %convert_element_type3A_171 : vector<128x128xf32>
    %reduce_sum3A_175 = arith.constant dense<0.000000e+00> : vector<128xf32>
    %reduce_sum3A_176 = vector.multi_reduction <add>, %convert_element_type3A_171, %reduce_sum3A_175 [1] : vector<128x128xf32> to vector<128xf32>
    %broadcast_in_dim3A_177 = vector.shape_cast %reduce_sum3A_176 : vector<128xf32> to vector<128x1xf32>
    %dot_general3A_178 = arith.constant dense<0.000000e+00> : vector<128x1xf32>
    %dot_general3A_179 = tpu.matmul %convert_element_type3A_10, %broadcast_in_dim3A_177, %dot_general3A_178 {dimension_numbers = #tpu.dot_dimension_numbers<[1], [0], [0], [1], [0, 0, 1, 1], [], []>, transpose_lhs_hint = false} : vector<128x128xf32>, vector<128x1xf32>, vector<128x1xf32> -> vector<128x1xf32>
    %add3A_180 = vector.broadcast %dot_general3A_179 : vector<128x1xf32> to vector<128x128xf32>
    %add3A_181 = arith.addf %sub3A_174, %add3A_180 : vector<128x128xf32>
    %convert_element_type3A_182 = arith.fptosi %add3A_181 : vector<128x128xf32> to vector<128x128xi32>
    %reduce_sum3A_183 = vector.shape_cast %convert_element_type3A_170 : vector<128x128xi32> to vector<1x128x128xi32>
    %reduce_sum3A_184 = arith.constant dense<0> : vector<1xi32>
    %reduce_sum3A_185 = vector.multi_reduction <add>, %reduce_sum3A_183, %reduce_sum3A_184 [1, 2] : vector<1x128x128xi32> to vector<1xi32>
    %reduce_sum3A_186 = vector.shape_cast %reduce_sum3A_185 : vector<1xi32> to vector<1x1x1xi32>
    %reduce_sum3A_187 = vector.extract %reduce_sum3A_186[0, 0, 0] : i32 from vector<1x1x1xi32>
    %eq3A_188 = arith.constant 2 : i32
    %eq3A_189 = vector.broadcast %eq3A_188 : i32 to vector<128x128xi32>
    %eq3A_190 = arith.cmpi eq, %get3A_145, %eq3A_189 : vector<128x128xi32>
    %convert_element_type3A_191 = arith.extui %eq3A_190 : vector<128x128xi1> to vector<128x128xi32>
    %convert_element_type3A_192 = arith.sitofp %convert_element_type3A_191 : vector<128x128xi32> to vector<128x128xf32>
    %dot_general3A_193 = arith.constant dense<0.000000e+00> : vector<128x128xf32>
    %dot_general3A_194 = tpu.matmul %convert_element_type3A_192, %convert_element_type3A_1, %dot_general3A_193 {dimension_numbers = #tpu.dot_dimension_numbers<[1], [0], [0], [1], [0, 0, 1, 1], [], []>, transpose_lhs_hint = false} : vector<128x128xf32>, vector<128x128xf32>, vector<128x128xf32> -> vector<128x128xf32>
    %sub3A_195 = arith.subf %dot_general3A_194, %convert_element_type3A_192 : vector<128x128xf32>
    %reduce_sum3A_196 = arith.constant dense<0.000000e+00> : vector<128xf32>
    %reduce_sum3A_197 = vector.multi_reduction <add>, %convert_element_type3A_192, %reduce_sum3A_196 [1] : vector<128x128xf32> to vector<128xf32>
    %broadcast_in_dim3A_198 = vector.shape_cast %reduce_sum3A_197 : vector<128xf32> to vector<128x1xf32>
    %dot_general3A_199 = arith.constant dense<0.000000e+00> : vector<128x1xf32>
    %dot_general3A_200 = tpu.matmul %convert_element_type3A_10, %broadcast_in_dim3A_198, %dot_general3A_199 {dimension_numbers = #tpu.dot_dimension_numbers<[1], [0], [0], [1], [0, 0, 1, 1], [], []>, transpose_lhs_hint = false} : vector<128x128xf32>, vector<128x1xf32>, vector<128x1xf32> -> vector<128x1xf32>
    %add3A_201 = vector.broadcast %dot_general3A_200 : vector<128x1xf32> to vector<128x128xf32>
    %add3A_202 = arith.addf %sub3A_195, %add3A_201 : vector<128x128xf32>
    %convert_element_type3A_203 = arith.fptosi %add3A_202 : vector<128x128xf32> to vector<128x128xi32>
    %reduce_sum3A_204 = vector.shape_cast %convert_element_type3A_191 : vector<128x128xi32> to vector<1x128x128xi32>
    %reduce_sum3A_205 = arith.constant dense<0> : vector<1xi32>
    %reduce_sum3A_206 = vector.multi_reduction <add>, %reduce_sum3A_204, %reduce_sum3A_205 [1, 2] : vector<1x128x128xi32> to vector<1xi32>
    %reduce_sum3A_207 = vector.shape_cast %reduce_sum3A_206 : vector<1xi32> to vector<1x1x1xi32>
    %reduce_sum3A_208 = vector.extract %reduce_sum3A_207[0, 0, 0] : i32 from vector<1x1x1xi32>
    %eq3A_209 = arith.constant 3 : i32
    %eq3A_210 = vector.broadcast %eq3A_209 : i32 to vector<128x128xi32>
    %eq3A_211 = arith.cmpi eq, %get3A_145, %eq3A_210 : vector<128x128xi32>
    %convert_element_type3A_212 = arith.extui %eq3A_211 : vector<128x128xi1> to vector<128x128xi32>
    %convert_element_type3A_213 = arith.sitofp %convert_element_type3A_212 : vector<128x128xi32> to vector<128x128xf32>
    %dot_general3A_214 = arith.constant dense<0.000000e+00> : vector<128x128xf32>
    %dot_general3A_215 = tpu.matmul %convert_element_type3A_213, %convert_element_type3A_1, %dot_general3A_214 {dimension_numbers = #tpu.dot_dimension_numbers<[1], [0], [0], [1], [0, 0, 1, 1], [], []>, transpose_lhs_hint = false} : vector<128x128xf32>, vector<128x128xf32>, vector<128x128xf32> -> vector<128x128xf32>
    %sub3A_216 = arith.subf %dot_general3A_215, %convert_element_type3A_213 : vector<128x128xf32>
    %reduce_sum3A_217 = arith.constant dense<0.000000e+00> : vector<128xf32>
    %reduce_sum3A_218 = vector.multi_reduction <add>, %convert_element_type3A_213, %reduce_sum3A_217 [1] : vector<128x128xf32> to vector<128xf32>
    %broadcast_in_dim3A_219 = vector.shape_cast %reduce_sum3A_218 : vector<128xf32> to vector<128x1xf32>
    %dot_general3A_220 = arith.constant dense<0.000000e+00> : vector<128x1xf32>
    %dot_general3A_221 = tpu.matmul %convert_element_type3A_10, %broadcast_in_dim3A_219, %dot_general3A_220 {dimension_numbers = #tpu.dot_dimension_numbers<[1], [0], [0], [1], [0, 0, 1, 1], [], []>, transpose_lhs_hint = false} : vector<128x128xf32>, vector<128x1xf32>, vector<128x1xf32> -> vector<128x1xf32>
    %add3A_222 = vector.broadcast %dot_general3A_221 : vector<128x1xf32> to vector<128x128xf32>
    %add3A_223 = arith.addf %sub3A_216, %add3A_222 : vector<128x128xf32>
    %convert_element_type3A_224 = arith.fptosi %add3A_223 : vector<128x128xf32> to vector<128x128xi32>
    %mul3A_225 = arith.constant 0 : i32
    %mul3A_226 = arith.constant 512 : i32
    %mul3A_227 = arith.muli %mul3A_225, %mul3A_226 : i32
    %add3A_228 = arith.constant 511 : i32
    %add3A_229 = arith.addi %reduce_sum3A_166, %add3A_228 : i32
    %div3A_230 = arith.constant 512 : i32
    %div3A_231 = arith.divsi %add3A_229, %div3A_230 : i32
    %add3A_232 = arith.constant 0 : i32
    %add3A_233 = arith.addi %add3A_232, %div3A_231 : i32
    %mul3A_234 = arith.constant 512 : i32
    %mul3A_235 = arith.muli %add3A_233, %mul3A_234 : i32
    %add3A_236 = arith.constant 511 : i32
    %add3A_237 = arith.addi %reduce_sum3A_187, %add3A_236 : i32
    %div3A_238 = arith.constant 512 : i32
    %div3A_239 = arith.divsi %add3A_237, %div3A_238 : i32
    %add3A_240 = arith.addi %add3A_233, %div3A_239 : i32
    %mul3A_241 = arith.constant 512 : i32
    %mul3A_242 = arith.muli %add3A_240, %mul3A_241 : i32
    %add3A_243 = arith.constant 511 : i32
    %add3A_244 = arith.addi %reduce_sum3A_208, %add3A_243 : i32
    %div3A_245 = arith.constant 512 : i32
    %div3A_246 = arith.divsi %add3A_244, %div3A_245 : i32
    %add3A_247 = arith.addi %add3A_240, %div3A_246 : i32
    %mul3A_248 = arith.constant 512 : i32
    %mul3A_249 = arith.muli %add3A_247, %mul3A_248 : i32
    %broadcast_in_dim3A_250 = arith.constant 0 : i32
    %broadcast_in_dim3A_251 = vector.broadcast %broadcast_in_dim3A_250 : i32 to vector<128x128xi32>
    %add3A_252 = vector.broadcast %mul3A_227 : i32 to vector<128x128xi32>
    %add3A_253 = arith.addi %add3A_252, %convert_element_type3A_161 : vector<128x128xi32>
    %mul3A_254 = arith.muli %convert_element_type3A_149, %add3A_253 : vector<128x128xi32>
    %add3A_255 = arith.addi %broadcast_in_dim3A_251, %mul3A_254 : vector<128x128xi32>
    %add3A_256 = vector.broadcast %mul3A_235 : i32 to vector<128x128xi32>
    %add3A_257 = arith.addi %add3A_256, %convert_element_type3A_182 : vector<128x128xi32>
    %mul3A_258 = arith.muli %convert_element_type3A_170, %add3A_257 : vector<128x128xi32>
    %add3A_259 = arith.addi %add3A_255, %mul3A_258 : vector<128x128xi32>
    %add3A_260 = vector.broadcast %mul3A_242 : i32 to vector<128x128xi32>
    %add3A_261 = arith.addi %add3A_260, %convert_element_type3A_203 : vector<128x128xi32>
    %mul3A_262 = arith.muli %convert_element_type3A_191, %add3A_261 : vector<128x128xi32>
    %add3A_263 = arith.addi %add3A_259, %mul3A_262 : vector<128x128xi32>
    %add3A_264 = vector.broadcast %mul3A_249 : i32 to vector<128x128xi32>
    %add3A_265 = arith.addi %add3A_264, %convert_element_type3A_224 : vector<128x128xi32>
    %mul3A_266 = arith.muli %convert_element_type3A_212, %add3A_265 : vector<128x128xi32>
    %add3A_267 = arith.addi %add3A_263, %mul3A_266 : vector<128x128xi32>
    %swap3A_268 = arith.constant 64 : index
    %swap3A_269 = arith.constant 0 : index
    %swap3A_270 = vector.load %arg1[%swap3A_268, %swap3A_269] : memref<256x128xi32, #tpu.memory_space<vmem>>, vector<128x128xi32>
    tpu.vector_store %arg1[%swap3A_268, %swap3A_269], %add3A_267 {strides = array<i32>} : memref<256x128xi32, #tpu.memory_space<vmem>>, vector<128x128xi32>,
    %iota3A_271 = tpu.iota {dimensions = array<i32: 1>} : vector<1x128xi32>
    %ge3A_272 = vector.broadcast %add3A_233 : i32 to vector<1x128xi32>
    %ge3A_273 = arith.cmpi sge, %iota3A_271, %ge3A_272 : vector<1x128xi32>
    %convert_element_type3A_274 = arith.extui %ge3A_273 : vector<1x128xi1> to vector<1x128xi32>
    %ge3A_275 = vector.broadcast %add3A_240 : i32 to vector<1x128xi32>
    %ge3A_276 = arith.cmpi sge, %iota3A_271, %ge3A_275 : vector<1x128xi32>
    %convert_element_type3A_277 = arith.extui %ge3A_276 : vector<1x128xi1> to vector<1x128xi32>
    %add3A_278 = arith.addi %convert_element_type3A_274, %convert_element_type3A_277 : vector<1x128xi32>
    %ge3A_279 = vector.broadcast %add3A_247 : i32 to vector<1x128xi32>
    %ge3A_280 = arith.cmpi sge, %iota3A_271, %ge3A_279 : vector<1x128xi32>
    %convert_element_type3A_281 = arith.extui %ge3A_280 : vector<1x128xi1> to vector<1x128xi32>
    %add3A_282 = arith.addi %add3A_278, %convert_element_type3A_281 : vector<1x128xi32>
    %swap3A_283 = arith.constant 0 : index
    %swap3A_284 = arith.constant 128 : index
    %swap3A_285 = vector.load %arg2[%swap3A_283, %swap3A_284] : memref<1x384xi32, #tpu.memory_space<vmem>>, vector<1x128xi32>
    tpu.vector_store %arg2[%swap3A_283, %swap3A_284], %add3A_282 {strides = array<i32>} : memref<1x384xi32, #tpu.memory_space<vmem>>, vector<1x128xi32>,
    %get3A_286 = arith.constant 192 : index
    %get3A_287 = arith.constant 0 : index
    %get3A_288 = vector.load %arg0[%get3A_286, %get3A_287] : memref<256x128xi32, #tpu.memory_space<vmem>>, vector<64x128xi32>
    %eq3A_289 = arith.constant 0 : i32
    %eq3A_290 = vector.broadcast %eq3A_289 : i32 to vector<64x128xi32>
    %eq3A_291 = arith.cmpi eq, %get3A_288, %eq3A_290 : vector<64x128xi32>
    %convert_element_type3A_292 = arith.extui %eq3A_291 : vector<64x128xi1> to vector<64x128xi32>
    %convert_element_type3A_293 = arith.sitofp %convert_element_type3A_292 : vector<64x128xi32> to vector<64x128xf32>
    %dot_general3A_294 = arith.constant dense<0.000000e+00> : vector<64x128xf32>
    %dot_general3A_295 = tpu.matmul %convert_element_type3A_293, %convert_element_type3A_1, %dot_general3A_294 {dimension_numbers = #tpu.dot_dimension_numbers<[1], [0], [0], [1], [0, 0, 1, 1], [], []>, transpose_lhs_hint = false} : vector<64x128xf32>, vector<128x128xf32>, vector<64x128xf32> -> vector<64x128xf32>
    %sub3A_296 = arith.subf %dot_general3A_295, %convert_element_type3A_293 : vector<64x128xf32>
    %reduce_sum3A_297 = arith.constant dense<0.000000e+00> : vector<64xf32>
    %reduce_sum3A_298 = vector.multi_reduction <add>, %convert_element_type3A_293, %reduce_sum3A_297 [1] : vector<64x128xf32> to vector<64xf32>
    %broadcast_in_dim3A_299 = vector.shape_cast %reduce_sum3A_298 : vector<64xf32> to vector<64x1xf32>
    %dot_general3A_300 = arith.constant dense<0.000000e+00> : vector<64x1xf32>
    %dot_general3A_301 = tpu.matmul %convert_element_type3A_5, %broadcast_in_dim3A_299, %dot_general3A_300 {dimension_numbers = #tpu.dot_dimension_numbers<[1], [0], [0], [1], [0, 0, 1, 1], [], []>, transpose_lhs_hint = false} : vector<64x64xf32>, vector<64x1xf32>, vector<64x1xf32> -> vector<64x1xf32>
    %add3A_302 = vector.broadcast %dot_general3A_301 : vector<64x1xf32> to vector<64x128xf32>
    %add3A_303 = arith.addf %sub3A_296, %add3A_302 : vector<64x128xf32>
    %convert_element_type3A_304 = arith.fptosi %add3A_303 : vector<64x128xf32> to vector<64x128xi32>
    %reduce_sum3A_305 = vector.shape_cast %convert_element_type3A_292 : vector<64x128xi32> to vector<1x64x128xi32>
    %reduce_sum3A_306 = arith.constant dense<0> : vector<1xi32>
    %reduce_sum3A_307 = vector.multi_reduction <add>, %reduce_sum3A_305, %reduce_sum3A_306 [1, 2] : vector<1x64x128xi32> to vector<1xi32>
    %reduce_sum3A_308 = vector.shape_cast %reduce_sum3A_307 : vector<1xi32> to vector<1x1x1xi32>
    %reduce_sum3A_309 = vector.extract %reduce_sum3A_308[0, 0, 0] : i32 from vector<1x1x1xi32>
    %eq3A_310 = arith.constant 1 : i32
    %eq3A_311 = vector.broadcast %eq3A_310 : i32 to vector<64x128xi32>
    %eq3A_312 = arith.cmpi eq, %get3A_288, %eq3A_311 : vector<64x128xi32>
    %convert_element_type3A_313 = arith.extui %eq3A_312 : vector<64x128xi1> to vector<64x128xi32>
    %convert_element_type3A_314 = arith.sitofp %convert_element_type3A_313 : vector<64x128xi32> to vector<64x128xf32>
    %dot_general3A_315 = arith.constant dense<0.000000e+00> : vector<64x128xf32>
    %dot_general3A_316 = tpu.matmul %convert_element_type3A_314, %convert_element_type3A_1, %dot_general3A_315 {dimension_numbers = #tpu.dot_dimension_numbers<[1], [0], [0], [1], [0, 0, 1, 1], [], []>, transpose_lhs_hint = false} : vector<64x128xf32>, vector<128x128xf32>, vector<64x128xf32> -> vector<64x128xf32>
    %sub3A_317 = arith.subf %dot_general3A_316, %convert_element_type3A_314 : vector<64x128xf32>
    %reduce_sum3A_318 = arith.constant dense<0.000000e+00> : vector<64xf32>
    %reduce_sum3A_319 = vector.multi_reduction <add>, %convert_element_type3A_314, %reduce_sum3A_318 [1] : vector<64x128xf32> to vector<64xf32>
    %broadcast_in_dim3A_320 = vector.shape_cast %reduce_sum3A_319 : vector<64xf32> to vector<64x1xf32>
    %dot_general3A_321 = arith.constant dense<0.000000e+00> : vector<64x1xf32>
    %dot_general3A_322 = tpu.matmul %convert_element_type3A_5, %broadcast_in_dim3A_320, %dot_general3A_321 {dimension_numbers = #tpu.dot_dimension_numbers<[1], [0], [0], [1], [0, 0, 1, 1], [], []>, transpose_lhs_hint = false} : vector<64x64xf32>, vector<64x1xf32>, vector<64x1xf32> -> vector<64x1xf32>
    %add3A_323 = vector.broadcast %dot_general3A_322 : vector<64x1xf32> to vector<64x128xf32>
    %add3A_324 = arith.addf %sub3A_317, %add3A_323 : vector<64x128xf32>
    %convert_element_type3A_325 = arith.fptosi %add3A_324 : vector<64x128xf32> to vector<64x128xi32>
    %reduce_sum3A_326 = vector.shape_cast %convert_element_type3A_313 : vector<64x128xi32> to vector<1x64x128xi32>
    %reduce_sum3A_327 = arith.constant dense<0> : vector<1xi32>
    %reduce_sum3A_328 = vector.multi_reduction <add>, %reduce_sum3A_326, %reduce_sum3A_327 [1, 2] : vector<1x64x128xi32> to vector<1xi32>
    %reduce_sum3A_329 = vector.shape_cast %reduce_sum3A_328 : vector<1xi32> to vector<1x1x1xi32>
    %reduce_sum3A_330 = vector.extract %reduce_sum3A_329[0, 0, 0] : i32 from vector<1x1x1xi32>
    %eq3A_331 = arith.constant 2 : i32
    %eq3A_332 = vector.broadcast %eq3A_331 : i32 to vector<64x128xi32>
    %eq3A_333 = arith.cmpi eq, %get3A_288, %eq3A_332 : vector<64x128xi32>
    %convert_element_type3A_334 = arith.extui %eq3A_333 : vector<64x128xi1> to vector<64x128xi32>
    %convert_element_type3A_335 = arith.sitofp %convert_element_type3A_334 : vector<64x128xi32> to vector<64x128xf32>
    %dot_general3A_336 = arith.constant dense<0.000000e+00> : vector<64x128xf32>
    %dot_general3A_337 = tpu.matmul %convert_element_type3A_335, %convert_element_type3A_1, %dot_general3A_336 {dimension_numbers = #tpu.dot_dimension_numbers<[1], [0], [0], [1], [0, 0, 1, 1], [], []>, transpose_lhs_hint = false} : vector<64x128xf32>, vector<128x128xf32>, vector<64x128xf32> -> vector<64x128xf32>
    %sub3A_338 = arith.subf %dot_general3A_337, %convert_element_type3A_335 : vector<64x128xf32>
    %reduce_sum3A_339 = arith.constant dense<0.000000e+00> : vector<64xf32>
    %reduce_sum3A_340 = vector.multi_reduction <add>, %convert_element_type3A_335, %reduce_sum3A_339 [1] : vector<64x128xf32> to vector<64xf32>
    %broadcast_in_dim3A_341 = vector.shape_cast %reduce_sum3A_340 : vector<64xf32> to vector<64x1xf32>
    %dot_general3A_342 = arith.constant dense<0.000000e+00> : vector<64x1xf32>
    %dot_general3A_343 = tpu.matmul %convert_element_type3A_5, %broadcast_in_dim3A_341, %dot_general3A_342 {dimension_numbers = #tpu.dot_dimension_numbers<[1], [0], [0], [1], [0, 0, 1, 1], [], []>, transpose_lhs_hint = false} : vector<64x64xf32>, vector<64x1xf32>, vector<64x1xf32> -> vector<64x1xf32>
    %add3A_344 = vector.broadcast %dot_general3A_343 : vector<64x1xf32> to vector<64x128xf32>
    %add3A_345 = arith.addf %sub3A_338, %add3A_344 : vector<64x128xf32>
    %convert_element_type3A_346 = arith.fptosi %add3A_345 : vector<64x128xf32> to vector<64x128xi32>
    %reduce_sum3A_347 = vector.shape_cast %convert_element_type3A_334 : vector<64x128xi32> to vector<1x64x128xi32>
    %reduce_sum3A_348 = arith.constant dense<0> : vector<1xi32>
    %reduce_sum3A_349 = vector.multi_reduction <add>, %reduce_sum3A_347, %reduce_sum3A_348 [1, 2] : vector<1x64x128xi32> to vector<1xi32>
    %reduce_sum3A_350 = vector.shape_cast %reduce_sum3A_349 : vector<1xi32> to vector<1x1x1xi32>
    %reduce_sum3A_351 = vector.extract %reduce_sum3A_350[0, 0, 0] : i32 from vector<1x1x1xi32>
    %eq3A_352 = arith.constant 3 : i32
    %eq3A_353 = vector.broadcast %eq3A_352 : i32 to vector<64x128xi32>
    %eq3A_354 = arith.cmpi eq, %get3A_288, %eq3A_353 : vector<64x128xi32>
    %convert_element_type3A_355 = arith.extui %eq3A_354 : vector<64x128xi1> to vector<64x128xi32>
    %convert_element_type3A_356 = arith.sitofp %convert_element_type3A_355 : vector<64x128xi32> to vector<64x128xf32>
    %dot_general3A_357 = arith.constant dense<0.000000e+00> : vector<64x128xf32>
    %dot_general3A_358 = tpu.matmul %convert_element_type3A_356, %convert_element_type3A_1, %dot_general3A_357 {dimension_numbers = #tpu.dot_dimension_numbers<[1], [0], [0], [1], [0, 0, 1, 1], [], []>, transpose_lhs_hint = false} : vector<64x128xf32>, vector<128x128xf32>, vector<64x128xf32> -> vector<64x128xf32>
    %sub3A_359 = arith.subf %dot_general3A_358, %convert_element_type3A_356 : vector<64x128xf32>
    %reduce_sum3A_360 = arith.constant dense<0.000000e+00> : vector<64xf32>
    %reduce_sum3A_361 = vector.multi_reduction <add>, %convert_element_type3A_356, %reduce_sum3A_360 [1] : vector<64x128xf32> to vector<64xf32>
    %broadcast_in_dim3A_362 = vector.shape_cast %reduce_sum3A_361 : vector<64xf32> to vector<64x1xf32>
    %dot_general3A_363 = arith.constant dense<0.000000e+00> : vector<64x1xf32>
    %dot_general3A_364 = tpu.matmul %convert_element_type3A_5, %broadcast_in_dim3A_362, %dot_general3A_363 {dimension_numbers = #tpu.dot_dimension_numbers<[1], [0], [0], [1], [0, 0, 1, 1], [], []>, transpose_lhs_hint = false} : vector<64x64xf32>, vector<64x1xf32>, vector<64x1xf32> -> vector<64x1xf32>
    %add3A_365 = vector.broadcast %dot_general3A_364 : vector<64x1xf32> to vector<64x128xf32>
    %add3A_366 = arith.addf %sub3A_359, %add3A_365 : vector<64x128xf32>
    %convert_element_type3A_367 = arith.fptosi %add3A_366 : vector<64x128xf32> to vector<64x128xi32>
    %mul3A_368 = arith.constant 0 : i32
    %mul3A_369 = arith.constant 512 : i32
    %mul3A_370 = arith.muli %mul3A_368, %mul3A_369 : i32
    %add3A_371 = arith.constant 511 : i32
    %add3A_372 = arith.addi %reduce_sum3A_309, %add3A_371 : i32
    %div3A_373 = arith.constant 512 : i32
    %div3A_374 = arith.divsi %add3A_372, %div3A_373 : i32
    %add3A_375 = arith.constant 0 : i32
    %add3A_376 = arith.addi %add3A_375, %div3A_374 : i32
    %mul3A_377 = arith.constant 512 : i32
    %mul3A_378 = arith.muli %add3A_376, %mul3A_377 : i32
    %add3A_379 = arith.constant 511 : i32
    %add3A_380 = arith.addi %reduce_sum3A_330, %add3A_379 : i32
    %div3A_381 = arith.constant 512 : i32
    %div3A_382 = arith.divsi %add3A_380, %div3A_381 : i32
    %add3A_383 = arith.addi %add3A_376, %div3A_382 : i32
    %mul3A_384 = arith.constant 512 : i32
    %mul3A_385 = arith.muli %add3A_383, %mul3A_384 : i32
    %add3A_386 = arith.constant 511 : i32
    %add3A_387 = arith.addi %reduce_sum3A_351, %add3A_386 : i32
    %div3A_388 = arith.constant 512 : i32
    %div3A_389 = arith.divsi %add3A_387, %div3A_388 : i32
    %add3A_390 = arith.addi %add3A_383, %div3A_389 : i32
    %mul3A_391 = arith.constant 512 : i32
    %mul3A_392 = arith.muli %add3A_390, %mul3A_391 : i32
    %broadcast_in_dim3A_393 = arith.constant 0 : i32
    %broadcast_in_dim3A_394 = vector.broadcast %broadcast_in_dim3A_393 : i32 to vector<64x128xi32>
    %add3A_395 = vector.broadcast %mul3A_370 : i32 to vector<64x128xi32>
    %add3A_396 = arith.addi %add3A_395, %convert_element_type3A_304 : vector<64x128xi32>
    %mul3A_397 = arith.muli %convert_element_type3A_292, %add3A_396 : vector<64x128xi32>
    %add3A_398 = arith.addi %broadcast_in_dim3A_394, %mul3A_397 : vector<64x128xi32>
    %add3A_399 = vector.broadcast %mul3A_378 : i32 to vector<64x128xi32>
    %add3A_400 = arith.addi %add3A_399, %convert_element_type3A_325 : vector<64x128xi32>
    %mul3A_401 = arith.muli %convert_element_type3A_313, %add3A_400 : vector<64x128xi32>
    %add3A_402 = arith.addi %add3A_398, %mul3A_401 : vector<64x128xi32>
    %add3A_403 = vector.broadcast %mul3A_385 : i32 to vector<64x128xi32>
    %add3A_404 = arith.addi %add3A_403, %convert_element_type3A_346 : vector<64x128xi32>
    %mul3A_405 = arith.muli %convert_element_type3A_334, %add3A_404 : vector<64x128xi32>
    %add3A_406 = arith.addi %add3A_402, %mul3A_405 : vector<64x128xi32>
    %add3A_407 = vector.broadcast %mul3A_392 : i32 to vector<64x128xi32>
    %add3A_408 = arith.addi %add3A_407, %convert_element_type3A_367 : vector<64x128xi32>
    %mul3A_409 = arith.muli %convert_element_type3A_355, %add3A_408 : vector<64x128xi32>
    %add3A_410 = arith.addi %add3A_406, %mul3A_409 : vector<64x128xi32>
    %swap3A_411 = arith.constant 192 : index
    %swap3A_412 = arith.constant 0 : index
    %swap3A_413 = vector.load %arg1[%swap3A_411, %swap3A_412] : memref<256x128xi32, #tpu.memory_space<vmem>>, vector<64x128xi32>
    tpu.vector_store %arg1[%swap3A_411, %swap3A_412], %add3A_410 {strides = array<i32>} : memref<256x128xi32, #tpu.memory_space<vmem>>, vector<64x128xi32>,
    %iota3A_414 = tpu.iota {dimensions = array<i32: 1>} : vector<1x128xi32>
    %ge3A_415 = vector.broadcast %add3A_376 : i32 to vector<1x128xi32>
    %ge3A_416 = arith.cmpi sge, %iota3A_414, %ge3A_415 : vector<1x128xi32>
    %convert_element_type3A_417 = arith.extui %ge3A_416 : vector<1x128xi1> to vector<1x128xi32>
    %ge3A_418 = vector.broadcast %add3A_383 : i32 to vector<1x128xi32>
    %ge3A_419 = arith.cmpi sge, %iota3A_414, %ge3A_418 : vector<1x128xi32>
    %convert_element_type3A_420 = arith.extui %ge3A_419 : vector<1x128xi1> to vector<1x128xi32>
    %add3A_421 = arith.addi %convert_element_type3A_417, %convert_element_type3A_420 : vector<1x128xi32>
    %ge3A_422 = vector.broadcast %add3A_390 : i32 to vector<1x128xi32>
    %ge3A_423 = arith.cmpi sge, %iota3A_414, %ge3A_422 : vector<1x128xi32>
    %convert_element_type3A_424 = arith.extui %ge3A_423 : vector<1x128xi1> to vector<1x128xi32>
    %add3A_425 = arith.addi %add3A_421, %convert_element_type3A_424 : vector<1x128xi32>
    %swap3A_426 = arith.constant 0 : index
    %swap3A_427 = arith.constant 256 : index
    %swap3A_428 = vector.load %arg2[%swap3A_426, %swap3A_427] : memref<1x384xi32, #tpu.memory_space<vmem>>, vector<1x128xi32>
    tpu.vector_store %arg2[%swap3A_426, %swap3A_427], %add3A_425 {strides = array<i32>} : memref<1x384xi32, #tpu.memory_space<vmem>>, vector<1x128xi32>,
    return
  }
}

module attributes {stable_mosaic.version = 14 : i64} {
  func.func @_mlp_body(%arg0: i32, %arg1: memref<1x384xi32, #tpu.memory_space<smem>>, %arg2: memref<512x384xf32, #tpu.memory_space<vmem>>, %arg3: memref<1x160x384xbf16, #tpu.memory_space<vmem>>, %arg4: memref<1x1x160xf32, #tpu.memory_space<vmem>>, %arg5: memref<1x128x160xbf16, #tpu.memory_space<vmem>>, %arg6: memref<1x1x128xf32, #tpu.memory_space<vmem>>, %arg7: memref<1x96x128xbf16, #tpu.memory_space<vmem>>, %arg8: memref<1x1x96xf32, #tpu.memory_space<vmem>>, %arg9: memref<1x1x96xbf16, #tpu.memory_space<vmem>>, %arg10: memref<1x1x1xf32, #tpu.memory_space<vmem>>, %arg11: memref<1x1x1xf32, #tpu.memory_space<vmem>>, %arg12: memref<1x1x1xf32, #tpu.memory_space<vmem>>, %arg13: memref<512xf32, #tpu.memory_space<vmem>>, %arg14: memref<2x512x160xbf16, #tpu.memory_space<vmem>>) attributes {dimension_semantics = [#tpu.dimension_semantics<arbitrary>], iteration_bounds = array<i64: 36>, scalar_prefetch = 1 : i64, scratch_operands = 1 : i64, tpu.core_type = #tpu.core_type<tc>, window_params = [{transform_indices = @transform_0, window_bounds = array<i64: 512, 384>}, {transform_indices = @transform_1, window_bounds = array<i64: 1, 160, 384>}, {transform_indices = @transform_2, window_bounds = array<i64: 1, 1, 160>}, {transform_indices = @transform_3, window_bounds = array<i64: 1, 128, 160>}, {transform_indices = @transform_4, window_bounds = array<i64: 1, 1, 128>}, {transform_indices = @transform_5, window_bounds = array<i64: 1, 96, 128>}, {transform_indices = @transform_6, window_bounds = array<i64: 1, 1, 96>}, {transform_indices = @transform_7, window_bounds = array<i64: 1, 1, 96>}, {transform_indices = @transform_8, window_bounds = array<i64: 1, 1, 1>}, {transform_indices = @transform_9, window_bounds = array<i64: 1, 1, 1>}, {transform_indices = @transform_10, window_bounds = array<i64: 1, 1, 1>}, {transform_indices = @transform_11, window_bounds = array<i64: 512>}]} {
    %rem3A = arith.constant 2 : i32
    %rem3A_0 = arith.remsi %arg0, %rem3A : i32
    %sub3A = arith.constant 1 : i32
    %sub3A_1 = arith.subi %sub3A, %rem3A_0 : i32
    %get3A = arith.index_cast %sub3A_1 : i32 to index
    %get3A_2 = arith.constant 0 : index
    %get3A_3 = arith.constant 0 : index
    %get3A_4 = vector.load %arg14[%get3A, %get3A_2, %get3A_3] : memref<2x512x160xbf16, #tpu.memory_space<vmem>>, vector<1x512x160xbf16>
    %get3A_5 = vector.shape_cast %get3A_4 : vector<1x512x160xbf16> to vector<512x160xbf16>
    %get3A_6 = arith.constant 0 : index
    %get3A_7 = arith.constant 0 : index
    %get3A_8 = vector.load %arg2[%get3A_6, %get3A_7] : memref<512x384xf32, #tpu.memory_space<vmem>>, vector<512x384xf32>
    %convert_element_type3A = arith.truncf %get3A_8 : vector<512x384xf32> to vector<512x384xbf16>
    %get3A_9 = arith.constant 0 : index
    %get3A_10 = arith.constant 0 : index
    %get3A_11 = arith.constant 0 : index
    %get3A_12 = vector.load %arg3[%get3A_9, %get3A_10, %get3A_11] : memref<1x160x384xbf16, #tpu.memory_space<vmem>>, vector<1x160x384xbf16>
    %get3A_13 = vector.shape_cast %get3A_12 : vector<1x160x384xbf16> to vector<160x384xbf16>
    %dot_general3A = arith.constant dense<0.000000e+00> : vector<512x160xf32>
    %dot_general3A_14 = tpu.matmul %convert_element_type3A, %get3A_13, %dot_general3A {dimension_numbers = #tpu.dot_dimension_numbers<[1], [1], [0], [0], [0, 0, 1, 0], [], []>, transpose_lhs_hint = false} : vector<512x384xbf16>, vector<160x384xbf16>, vector<512x160xf32> -> vector<512x160xf32>
    %get3A_15 = arith.constant 0 : index
    %get3A_16 = arith.constant 0 : index
    %get3A_17 = arith.constant 0 : index
    %get3A_18 = vector.load %arg4[%get3A_15, %get3A_16, %get3A_17] : memref<1x1x160xf32, #tpu.memory_space<vmem>>, vector<1x1x160xf32>
    %get3A_19 = vector.shape_cast %get3A_18 : vector<1x1x160xf32> to vector<1x160xf32>
    %add3A = vector.broadcast %get3A_19 : vector<1x160xf32> to vector<512x160xf32>
    %add3A_20 = arith.addf %dot_general3A_14, %add3A : vector<512x160xf32>
    %gt3A = arith.constant 0.000000e+00 : f32
    %gt3A_21 = vector.broadcast %gt3A : f32 to vector<512x160xf32>
    %gt3A_22 = arith.cmpf ogt, %add3A_20, %gt3A_21 : vector<512x160xf32>
    %div3A = arith.constant 1.000000e-01 : f32
    %div3A_23 = vector.broadcast %div3A : f32 to vector<512x160xf32>
    %div3A_24 = arith.divf %add3A_20, %div3A_23 : vector<512x160xf32>
    %exp3A = math.exp %div3A_24 : vector<512x160xf32>
    %sub3A_25 = arith.constant 1.000000e+00 : f32
    %sub3A_26 = vector.broadcast %sub3A_25 : f32 to vector<512x160xf32>
    %sub3A_27 = arith.subf %exp3A, %sub3A_26 : vector<512x160xf32>
    %mul3A = arith.constant 1.000000e-01 : f32
    %mul3A_28 = vector.broadcast %mul3A : f32 to vector<512x160xf32>
    %mul3A_29 = arith.mulf %mul3A_28, %sub3A_27 : vector<512x160xf32>
    %select_n3A = arith.select %gt3A_22, %add3A_20, %mul3A_29 : vector<512x160xi1>, vector<512x160xf32>
    %get3A_30 = arith.constant 0 : index
    %get3A_31 = arith.constant 0 : index
    %get3A_32 = arith.constant 0 : index
    %get3A_33 = vector.load %arg5[%get3A_30, %get3A_31, %get3A_32] : memref<1x128x160xbf16, #tpu.memory_space<vmem>>, vector<1x128x160xbf16>
    %get3A_34 = vector.shape_cast %get3A_33 : vector<1x128x160xbf16> to vector<128x160xbf16>
    %dot_general3A_35 = arith.constant dense<0.000000e+00> : vector<512x128xf32>
    %dot_general3A_36 = tpu.matmul %get3A_5, %get3A_34, %dot_general3A_35 {dimension_numbers = #tpu.dot_dimension_numbers<[1], [1], [0], [0], [0, 0, 1, 0], [], []>, transpose_lhs_hint = false} : vector<512x160xbf16>, vector<128x160xbf16>, vector<512x128xf32> -> vector<512x128xf32>
    %get3A_37 = arith.constant 0 : index
    %get3A_38 = arith.constant 0 : index
    %get3A_39 = arith.constant 0 : index
    %get3A_40 = vector.load %arg6[%get3A_37, %get3A_38, %get3A_39] : memref<1x1x128xf32, #tpu.memory_space<vmem>>, vector<1x1x128xf32>
    %get3A_41 = vector.shape_cast %get3A_40 : vector<1x1x128xf32> to vector<1x128xf32>
    %add3A_42 = vector.broadcast %get3A_41 : vector<1x128xf32> to vector<512x128xf32>
    %add3A_43 = arith.addf %dot_general3A_36, %add3A_42 : vector<512x128xf32>
    %gt3A_44 = arith.constant 0.000000e+00 : f32
    %gt3A_45 = vector.broadcast %gt3A_44 : f32 to vector<512x128xf32>
    %gt3A_46 = arith.cmpf ogt, %add3A_43, %gt3A_45 : vector<512x128xf32>
    %div3A_47 = arith.constant 1.000000e-01 : f32
    %div3A_48 = vector.broadcast %div3A_47 : f32 to vector<512x128xf32>
    %div3A_49 = arith.divf %add3A_43, %div3A_48 : vector<512x128xf32>
    %exp3A_50 = math.exp %div3A_49 : vector<512x128xf32>
    %sub3A_51 = arith.constant 1.000000e+00 : f32
    %sub3A_52 = vector.broadcast %sub3A_51 : f32 to vector<512x128xf32>
    %sub3A_53 = arith.subf %exp3A_50, %sub3A_52 : vector<512x128xf32>
    %mul3A_54 = arith.constant 1.000000e-01 : f32
    %mul3A_55 = vector.broadcast %mul3A_54 : f32 to vector<512x128xf32>
    %mul3A_56 = arith.mulf %mul3A_55, %sub3A_53 : vector<512x128xf32>
    %select_n3A_57 = arith.select %gt3A_46, %add3A_43, %mul3A_56 : vector<512x128xi1>, vector<512x128xf32>
    %convert_element_type3A_58 = arith.truncf %select_n3A_57 : vector<512x128xf32> to vector<512x128xbf16>
    %get3A_59 = arith.constant 0 : index
    %get3A_60 = arith.constant 0 : index
    %get3A_61 = arith.constant 0 : index
    %get3A_62 = vector.load %arg7[%get3A_59, %get3A_60, %get3A_61] : memref<1x96x128xbf16, #tpu.memory_space<vmem>>, vector<1x96x128xbf16>
    %get3A_63 = vector.shape_cast %get3A_62 : vector<1x96x128xbf16> to vector<96x128xbf16>
    %dot_general3A_64 = arith.constant dense<0.000000e+00> : vector<512x96xf32>
    %dot_general3A_65 = tpu.matmul %convert_element_type3A_58, %get3A_63, %dot_general3A_64 {dimension_numbers = #tpu.dot_dimension_numbers<[1], [1], [0], [0], [0, 0, 1, 0], [], []>, transpose_lhs_hint = false} : vector<512x128xbf16>, vector<96x128xbf16>, vector<512x96xf32> -> vector<512x96xf32>
    %get3A_66 = arith.constant 0 : index
    %get3A_67 = arith.constant 0 : index
    %get3A_68 = arith.constant 0 : index
    %get3A_69 = vector.load %arg8[%get3A_66, %get3A_67, %get3A_68] : memref<1x1x96xf32, #tpu.memory_space<vmem>>, vector<1x1x96xf32>
    %get3A_70 = vector.shape_cast %get3A_69 : vector<1x1x96xf32> to vector<1x96xf32>
    %add3A_71 = vector.broadcast %get3A_70 : vector<1x96xf32> to vector<512x96xf32>
    %add3A_72 = arith.addf %dot_general3A_65, %add3A_71 : vector<512x96xf32>
    %gt3A_73 = arith.constant 0.000000e+00 : f32
    %gt3A_74 = vector.broadcast %gt3A_73 : f32 to vector<512x96xf32>
    %gt3A_75 = arith.cmpf ogt, %add3A_72, %gt3A_74 : vector<512x96xf32>
    %div3A_76 = arith.constant 1.000000e-01 : f32
    %div3A_77 = vector.broadcast %div3A_76 : f32 to vector<512x96xf32>
    %div3A_78 = arith.divf %add3A_72, %div3A_77 : vector<512x96xf32>
    %exp3A_79 = math.exp %div3A_78 : vector<512x96xf32>
    %sub3A_80 = arith.constant 1.000000e+00 : f32
    %sub3A_81 = vector.broadcast %sub3A_80 : f32 to vector<512x96xf32>
    %sub3A_82 = arith.subf %exp3A_79, %sub3A_81 : vector<512x96xf32>
    %mul3A_83 = arith.constant 1.000000e-01 : f32
    %mul3A_84 = vector.broadcast %mul3A_83 : f32 to vector<512x96xf32>
    %mul3A_85 = arith.mulf %mul3A_84, %sub3A_82 : vector<512x96xf32>
    %select_n3A_86 = arith.select %gt3A_75, %add3A_72, %mul3A_85 : vector<512x96xi1>, vector<512x96xf32>
    %get3A_87 = arith.constant 0 : index
    %get3A_88 = arith.constant 0 : index
    %get3A_89 = arith.constant 0 : index
    %get3A_90 = vector.load %arg9[%get3A_87, %get3A_88, %get3A_89] : memref<1x1x96xbf16, #tpu.memory_space<vmem>>, vector<1x1x96xbf16>
    %get3A_91 = vector.shape_cast %get3A_90 : vector<1x1x96xbf16> to vector<1x96xbf16>
    %convert_element_type3A_92 = arith.truncf %select_n3A_86 : vector<512x96xf32> to vector<512x96xbf16>
    %dot_general3A_93 = arith.constant dense<0.000000e+00> : vector<1x512xf32>
    %dot_general3A_94 = tpu.matmul %get3A_91, %convert_element_type3A_92, %dot_general3A_93 {dimension_numbers = #tpu.dot_dimension_numbers<[1], [1], [0], [0], [0, 0, 1, 0], [], []>, transpose_lhs_hint = false} : vector<1x96xbf16>, vector<512x96xbf16>, vector<1x512xf32> -> vector<1x512xf32>
    %convert_element_type3A_95 = arith.truncf %select_n3A : vector<512x160xf32> to vector<512x160xbf16>
    %broadcast_in_dim3A = vector.shape_cast %convert_element_type3A_95 : vector<512x160xbf16> to vector<1x512x160xbf16>
    %swap3A = arith.index_cast %rem3A_0 : i32 to index
    %swap3A_96 = arith.constant 0 : index
    %swap3A_97 = arith.constant 0 : index
    %swap3A_98 = vector.load %arg14[%swap3A, %swap3A_96, %swap3A_97] : memref<2x512x160xbf16, #tpu.memory_space<vmem>>, vector<1x512x160xbf16>
    tpu.vector_store %arg14[%swap3A, %swap3A_96, %swap3A_97], %broadcast_in_dim3A {strides = array<i32>} : memref<2x512x160xbf16, #tpu.memory_space<vmem>>, vector<1x512x160xbf16>,
    %get3A_99 = arith.constant 0 : index
    %get3A_100 = arith.constant 0 : index
    %get3A_101 = arith.constant 0 : index
    %get3A_102 = vector.load %arg10[%get3A_99, %get3A_100, %get3A_101] : memref<1x1x1xf32, #tpu.memory_space<vmem>>, vector<1x1x1xf32>
    %get3A_103 = vector.extract %get3A_102[0, 0, 0] : f32 from vector<1x1x1xf32>
    %add3A_104 = vector.broadcast %get3A_103 : f32 to vector<1x512xf32>
    %add3A_105 = arith.addf %dot_general3A_94, %add3A_104 : vector<1x512xf32>
    %get3A_106 = arith.constant 0 : index
    %get3A_107 = arith.constant 0 : index
    %get3A_108 = arith.constant 0 : index
    %get3A_109 = vector.load %arg11[%get3A_106, %get3A_107, %get3A_108] : memref<1x1x1xf32, #tpu.memory_space<vmem>>, vector<1x1x1xf32>
    %get3A_110 = vector.extract %get3A_109[0, 0, 0] : f32 from vector<1x1x1xf32>
    %get3A_111 = arith.constant 0 : index
    %get3A_112 = arith.constant 0 : index
    %get3A_113 = arith.constant 0 : index
    %get3A_114 = vector.load %arg12[%get3A_111, %get3A_112, %get3A_113] : memref<1x1x1xf32, #tpu.memory_space<vmem>>, vector<1x1x1xf32>
    %get3A_115 = vector.extract %get3A_114[0, 0, 0] : f32 from vector<1x1x1xf32>
    %mul3A_116 = vector.broadcast %get3A_115 : f32 to vector<1x512xf32>
    %mul3A_117 = arith.mulf %mul3A_116, %add3A_105 : vector<1x512xf32>
    %add3A_118 = vector.broadcast %get3A_110 : f32 to vector<1x512xf32>
    %add3A_119 = arith.addf %add3A_118, %mul3A_117 : vector<1x512xf32>
    %squeeze3A = vector.shape_cast %add3A_119 : vector<1x512xf32> to vector<512xf32>
    %swap3A_120 = arith.constant 0 : index
    %swap3A_121 = vector.load %arg13[%swap3A_120] : memref<512xf32, #tpu.memory_space<vmem>>, vector<512xf32>
    tpu.vector_store %arg13[%swap3A_120], %squeeze3A {strides = array<i32>} : memref<512xf32, #tpu.memory_space<vmem>>, vector<512xf32>,
    return
  }
  func.func @transform_0(%arg0: i32, %arg1: memref<1x384xi32, #tpu.memory_space<smem>>) -> (i32, i32) {
    %min3A = arith.constant 34 : i32
    %min3A_0 = arith.minsi %arg0, %min3A : i32
    %c0_i32 = arith.constant 0 : i32
    %c0_i32_1 = arith.constant 0 : i32
    return %min3A_0, %c0_i32 : i32, i32
  }
  func.func @transform_1(%arg0: i32, %arg1: memref<1x384xi32, #tpu.memory_space<smem>>) -> (i32, i32, i32) {
    %min3A = arith.constant 34 : i32
    %min3A_0 = arith.minsi %arg0, %min3A : i32
    %add3A = arith.constant 128 : i32
    %add3A_1 = arith.addi %add3A, %min3A_0 : i32
    %get3A = arith.constant 0 : index
    %get3A_2 = arith.index_cast %add3A_1 : i32 to index
    %get3A_3 = memref.load %arg1[%get3A, %get3A_2] : memref<1x384xi32, #tpu.memory_space<smem>>
    %c0_i32 = arith.constant 0 : i32
    %c0_i32_4 = arith.constant 0 : i32
    %c0_i32_5 = arith.constant 0 : i32
    return %get3A_3, %c0_i32, %c0_i32_4 : i32, i32, i32
  }
  func.func @transform_2(%arg0: i32, %arg1: memref<1x384xi32, #tpu.memory_space<smem>>) -> (i32, i32, i32) {
    %min3A = arith.constant 34 : i32
    %min3A_0 = arith.minsi %arg0, %min3A : i32
    %add3A = arith.constant 128 : i32
    %add3A_1 = arith.addi %add3A, %min3A_0 : i32
    %get3A = arith.constant 0 : index
    %get3A_2 = arith.index_cast %add3A_1 : i32 to index
    %get3A_3 = memref.load %arg1[%get3A, %get3A_2] : memref<1x384xi32, #tpu.memory_space<smem>>
    %c0_i32 = arith.constant 0 : i32
    %c0_i32_4 = arith.constant 0 : i32
    %c0_i32_5 = arith.constant 0 : i32
    return %get3A_3, %c0_i32, %c0_i32_4 : i32, i32, i32
  }
  func.func @transform_3(%arg0: i32, %arg1: memref<1x384xi32, #tpu.memory_space<smem>>) -> (i32, i32, i32) {
    %sub3A = arith.constant 1 : i32
    %sub3A_0 = arith.subi %arg0, %sub3A : i32
    %max3A = arith.constant 0 : i32
    %max3A_1 = arith.maxsi %sub3A_0, %max3A : i32
    %add3A = arith.constant 128 : i32
    %add3A_2 = arith.addi %add3A, %max3A_1 : i32
    %get3A = arith.constant 0 : index
    %get3A_3 = arith.index_cast %add3A_2 : i32 to index
    %get3A_4 = memref.load %arg1[%get3A, %get3A_3] : memref<1x384xi32, #tpu.memory_space<smem>>
    %c0_i32 = arith.constant 0 : i32
    %c0_i32_5 = arith.constant 0 : i32
    %c0_i32_6 = arith.constant 0 : i32
    return %get3A_4, %c0_i32, %c0_i32_5 : i32, i32, i32
  }
  func.func @transform_4(%arg0: i32, %arg1: memref<1x384xi32, #tpu.memory_space<smem>>) -> (i32, i32, i32) {
    %sub3A = arith.constant 1 : i32
    %sub3A_0 = arith.subi %arg0, %sub3A : i32
    %max3A = arith.constant 0 : i32
    %max3A_1 = arith.maxsi %sub3A_0, %max3A : i32
    %add3A = arith.constant 128 : i32
    %add3A_2 = arith.addi %add3A, %max3A_1 : i32
    %get3A = arith.constant 0 : index
    %get3A_3 = arith.index_cast %add3A_2 : i32 to index
    %get3A_4 = memref.load %arg1[%get3A, %get3A_3] : memref<1x384xi32, #tpu.memory_space<smem>>
    %c0_i32 = arith.constant 0 : i32
    %c0_i32_5 = arith.constant 0 : i32
    %c0_i32_6 = arith.constant 0 : i32
    return %get3A_4, %c0_i32, %c0_i32_5 : i32, i32, i32
  }
  func.func @transform_5(%arg0: i32, %arg1: memref<1x384xi32, #tpu.memory_space<smem>>) -> (i32, i32, i32) {
    %sub3A = arith.constant 1 : i32
    %sub3A_0 = arith.subi %arg0, %sub3A : i32
    %max3A = arith.constant 0 : i32
    %max3A_1 = arith.maxsi %sub3A_0, %max3A : i32
    %add3A = arith.constant 128 : i32
    %add3A_2 = arith.addi %add3A, %max3A_1 : i32
    %get3A = arith.constant 0 : index
    %get3A_3 = arith.index_cast %add3A_2 : i32 to index
    %get3A_4 = memref.load %arg1[%get3A, %get3A_3] : memref<1x384xi32, #tpu.memory_space<smem>>
    %c0_i32 = arith.constant 0 : i32
    %c0_i32_5 = arith.constant 0 : i32
    %c0_i32_6 = arith.constant 0 : i32
    return %get3A_4, %c0_i32, %c0_i32_5 : i32, i32, i32
  }
  func.func @transform_6(%arg0: i32, %arg1: memref<1x384xi32, #tpu.memory_space<smem>>) -> (i32, i32, i32) {
    %sub3A = arith.constant 1 : i32
    %sub3A_0 = arith.subi %arg0, %sub3A : i32
    %max3A = arith.constant 0 : i32
    %max3A_1 = arith.maxsi %sub3A_0, %max3A : i32
    %add3A = arith.constant 128 : i32
    %add3A_2 = arith.addi %add3A, %max3A_1 : i32
    %get3A = arith.constant 0 : index
    %get3A_3 = arith.index_cast %add3A_2 : i32 to index
    %get3A_4 = memref.load %arg1[%get3A, %get3A_3] : memref<1x384xi32, #tpu.memory_space<smem>>
    %c0_i32 = arith.constant 0 : i32
    %c0_i32_5 = arith.constant 0 : i32
    %c0_i32_6 = arith.constant 0 : i32
    return %get3A_4, %c0_i32, %c0_i32_5 : i32, i32, i32
  }
  func.func @transform_7(%arg0: i32, %arg1: memref<1x384xi32, #tpu.memory_space<smem>>) -> (i32, i32, i32) {
    %sub3A = arith.constant 1 : i32
    %sub3A_0 = arith.subi %arg0, %sub3A : i32
    %max3A = arith.constant 0 : i32
    %max3A_1 = arith.maxsi %sub3A_0, %max3A : i32
    %add3A = arith.constant 128 : i32
    %add3A_2 = arith.addi %add3A, %max3A_1 : i32
    %get3A = arith.constant 0 : index
    %get3A_3 = arith.index_cast %add3A_2 : i32 to index
    %get3A_4 = memref.load %arg1[%get3A, %get3A_3] : memref<1x384xi32, #tpu.memory_space<smem>>
    %c0_i32 = arith.constant 0 : i32
    %c0_i32_5 = arith.constant 0 : i32
    %c0_i32_6 = arith.constant 0 : i32
    return %get3A_4, %c0_i32, %c0_i32_5 : i32, i32, i32
  }
  func.func @transform_8(%arg0: i32, %arg1: memref<1x384xi32, #tpu.memory_space<smem>>) -> (i32, i32, i32) {
    %sub3A = arith.constant 1 : i32
    %sub3A_0 = arith.subi %arg0, %sub3A : i32
    %max3A = arith.constant 0 : i32
    %max3A_1 = arith.maxsi %sub3A_0, %max3A : i32
    %add3A = arith.constant 128 : i32
    %add3A_2 = arith.addi %add3A, %max3A_1 : i32
    %get3A = arith.constant 0 : index
    %get3A_3 = arith.index_cast %add3A_2 : i32 to index
    %get3A_4 = memref.load %arg1[%get3A, %get3A_3] : memref<1x384xi32, #tpu.memory_space<smem>>
    %c0_i32 = arith.constant 0 : i32
    %c0_i32_5 = arith.constant 0 : i32
    %c0_i32_6 = arith.constant 0 : i32
    return %get3A_4, %c0_i32, %c0_i32_5 : i32, i32, i32
  }
  func.func @transform_9(%arg0: i32, %arg1: memref<1x384xi32, #tpu.memory_space<smem>>) -> (i32, i32, i32) {
    %sub3A = arith.constant 1 : i32
    %sub3A_0 = arith.subi %arg0, %sub3A : i32
    %max3A = arith.constant 0 : i32
    %max3A_1 = arith.maxsi %sub3A_0, %max3A : i32
    %add3A = arith.constant 128 : i32
    %add3A_2 = arith.addi %add3A, %max3A_1 : i32
    %get3A = arith.constant 0 : index
    %get3A_3 = arith.index_cast %add3A_2 : i32 to index
    %get3A_4 = memref.load %arg1[%get3A, %get3A_3] : memref<1x384xi32, #tpu.memory_space<smem>>
    %c0_i32 = arith.constant 0 : i32
    %c0_i32_5 = arith.constant 0 : i32
    %c0_i32_6 = arith.constant 0 : i32
    return %get3A_4, %c0_i32, %c0_i32_5 : i32, i32, i32
  }
  func.func @transform_10(%arg0: i32, %arg1: memref<1x384xi32, #tpu.memory_space<smem>>) -> (i32, i32, i32) {
    %sub3A = arith.constant 1 : i32
    %sub3A_0 = arith.subi %arg0, %sub3A : i32
    %max3A = arith.constant 0 : i32
    %max3A_1 = arith.maxsi %sub3A_0, %max3A : i32
    %add3A = arith.constant 128 : i32
    %add3A_2 = arith.addi %add3A, %max3A_1 : i32
    %get3A = arith.constant 0 : index
    %get3A_3 = arith.index_cast %add3A_2 : i32 to index
    %get3A_4 = memref.load %arg1[%get3A, %get3A_3] : memref<1x384xi32, #tpu.memory_space<smem>>
    %c0_i32 = arith.constant 0 : i32
    %c0_i32_5 = arith.constant 0 : i32
    %c0_i32_6 = arith.constant 0 : i32
    return %get3A_4, %c0_i32, %c0_i32_5 : i32, i32, i32
  }
  func.func @transform_11(%arg0: i32, %arg1: memref<1x384xi32, #tpu.memory_space<smem>>) -> i32 {
    %sub3A = arith.constant 1 : i32
    %sub3A_0 = arith.subi %arg0, %sub3A : i32
    %max3A = arith.constant 0 : i32
    %max3A_1 = arith.maxsi %sub3A_0, %max3A : i32
    %c0_i32 = arith.constant 0 : i32
    return %max3A_1 : i32
  }
}

module attributes {stable_mosaic.version = 14 : i64} {
  func.func @_mlp_body(%arg0: i32, %arg1: memref<1x384xi32, #tpu.memory_space<smem>>, %arg2: memref<512x384xf32, #tpu.memory_space<vmem>>, %arg3: memref<1x160x384xbf16, #tpu.memory_space<vmem>>, %arg4: memref<1x1x160xf32, #tpu.memory_space<vmem>>, %arg5: memref<1x128x160xbf16, #tpu.memory_space<vmem>>, %arg6: memref<1x1x128xf32, #tpu.memory_space<vmem>>, %arg7: memref<1x96x128xbf16, #tpu.memory_space<vmem>>, %arg8: memref<1x1x96xf32, #tpu.memory_space<vmem>>, %arg9: memref<1x1x96xbf16, #tpu.memory_space<vmem>>, %arg10: memref<1x1x1xf32, #tpu.memory_space<vmem>>, %arg11: memref<1x1x1xf32, #tpu.memory_space<vmem>>, %arg12: memref<1x1x1xf32, #tpu.memory_space<vmem>>, %arg13: memref<512xf32, #tpu.memory_space<vmem>>, %arg14: memref<2x512x160xbf16, #tpu.memory_space<vmem>>) attributes {dimension_semantics = [#tpu.dimension_semantics<arbitrary>], iteration_bounds = array<i64: 20>, scalar_prefetch = 1 : i64, scratch_operands = 1 : i64, tpu.core_type = #tpu.core_type<tc>, window_params = [{transform_indices = @transform_0, window_bounds = array<i64: 512, 384>}, {transform_indices = @transform_1, window_bounds = array<i64: 1, 160, 384>}, {transform_indices = @transform_2, window_bounds = array<i64: 1, 1, 160>}, {transform_indices = @transform_3, window_bounds = array<i64: 1, 128, 160>}, {transform_indices = @transform_4, window_bounds = array<i64: 1, 1, 128>}, {transform_indices = @transform_5, window_bounds = array<i64: 1, 96, 128>}, {transform_indices = @transform_6, window_bounds = array<i64: 1, 1, 96>}, {transform_indices = @transform_7, window_bounds = array<i64: 1, 1, 96>}, {transform_indices = @transform_8, window_bounds = array<i64: 1, 1, 1>}, {transform_indices = @transform_9, window_bounds = array<i64: 1, 1, 1>}, {transform_indices = @transform_10, window_bounds = array<i64: 1, 1, 1>}, {transform_indices = @transform_11, window_bounds = array<i64: 512>}]} {
    %rem3A = arith.constant 2 : i32
    %rem3A_0 = arith.remsi %arg0, %rem3A : i32
    %sub3A = arith.constant 1 : i32
    %sub3A_1 = arith.subi %sub3A, %rem3A_0 : i32
    %get3A = arith.index_cast %sub3A_1 : i32 to index
    %get3A_2 = arith.constant 0 : index
    %get3A_3 = arith.constant 0 : index
    %get3A_4 = vector.load %arg14[%get3A, %get3A_2, %get3A_3] : memref<2x512x160xbf16, #tpu.memory_space<vmem>>, vector<1x512x160xbf16>
    %get3A_5 = vector.shape_cast %get3A_4 : vector<1x512x160xbf16> to vector<512x160xbf16>
    %get3A_6 = arith.constant 0 : index
    %get3A_7 = arith.constant 0 : index
    %get3A_8 = vector.load %arg2[%get3A_6, %get3A_7] : memref<512x384xf32, #tpu.memory_space<vmem>>, vector<512x384xf32>
    %convert_element_type3A = arith.truncf %get3A_8 : vector<512x384xf32> to vector<512x384xbf16>
    %get3A_9 = arith.constant 0 : index
    %get3A_10 = arith.constant 0 : index
    %get3A_11 = arith.constant 0 : index
    %get3A_12 = vector.load %arg3[%get3A_9, %get3A_10, %get3A_11] : memref<1x160x384xbf16, #tpu.memory_space<vmem>>, vector<1x160x384xbf16>
    %get3A_13 = vector.shape_cast %get3A_12 : vector<1x160x384xbf16> to vector<160x384xbf16>
    %dot_general3A = arith.constant dense<0.000000e+00> : vector<512x160xf32>
    %dot_general3A_14 = tpu.matmul %convert_element_type3A, %get3A_13, %dot_general3A {dimension_numbers = #tpu.dot_dimension_numbers<[1], [1], [0], [0], [0, 0, 1, 0], [], []>, transpose_lhs_hint = false} : vector<512x384xbf16>, vector<160x384xbf16>, vector<512x160xf32> -> vector<512x160xf32>
    %get3A_15 = arith.constant 0 : index
    %get3A_16 = arith.constant 0 : index
    %get3A_17 = arith.constant 0 : index
    %get3A_18 = vector.load %arg4[%get3A_15, %get3A_16, %get3A_17] : memref<1x1x160xf32, #tpu.memory_space<vmem>>, vector<1x1x160xf32>
    %get3A_19 = vector.shape_cast %get3A_18 : vector<1x1x160xf32> to vector<1x160xf32>
    %add3A = vector.broadcast %get3A_19 : vector<1x160xf32> to vector<512x160xf32>
    %add3A_20 = arith.addf %dot_general3A_14, %add3A : vector<512x160xf32>
    %gt3A = arith.constant 0.000000e+00 : f32
    %gt3A_21 = vector.broadcast %gt3A : f32 to vector<512x160xf32>
    %gt3A_22 = arith.cmpf ogt, %add3A_20, %gt3A_21 : vector<512x160xf32>
    %div3A = arith.constant 1.000000e-01 : f32
    %div3A_23 = vector.broadcast %div3A : f32 to vector<512x160xf32>
    %div3A_24 = arith.divf %add3A_20, %div3A_23 : vector<512x160xf32>
    %exp3A = math.exp %div3A_24 : vector<512x160xf32>
    %sub3A_25 = arith.constant 1.000000e+00 : f32
    %sub3A_26 = vector.broadcast %sub3A_25 : f32 to vector<512x160xf32>
    %sub3A_27 = arith.subf %exp3A, %sub3A_26 : vector<512x160xf32>
    %mul3A = arith.constant 1.000000e-01 : f32
    %mul3A_28 = vector.broadcast %mul3A : f32 to vector<512x160xf32>
    %mul3A_29 = arith.mulf %mul3A_28, %sub3A_27 : vector<512x160xf32>
    %select_n3A = arith.select %gt3A_22, %add3A_20, %mul3A_29 : vector<512x160xi1>, vector<512x160xf32>
    %get3A_30 = arith.constant 0 : index
    %get3A_31 = arith.constant 0 : index
    %get3A_32 = arith.constant 0 : index
    %get3A_33 = vector.load %arg5[%get3A_30, %get3A_31, %get3A_32] : memref<1x128x160xbf16, #tpu.memory_space<vmem>>, vector<1x128x160xbf16>
    %get3A_34 = vector.shape_cast %get3A_33 : vector<1x128x160xbf16> to vector<128x160xbf16>
    %dot_general3A_35 = arith.constant dense<0.000000e+00> : vector<512x128xf32>
    %dot_general3A_36 = tpu.matmul %get3A_5, %get3A_34, %dot_general3A_35 {dimension_numbers = #tpu.dot_dimension_numbers<[1], [1], [0], [0], [0, 0, 1, 0], [], []>, transpose_lhs_hint = false} : vector<512x160xbf16>, vector<128x160xbf16>, vector<512x128xf32> -> vector<512x128xf32>
    %get3A_37 = arith.constant 0 : index
    %get3A_38 = arith.constant 0 : index
    %get3A_39 = arith.constant 0 : index
    %get3A_40 = vector.load %arg6[%get3A_37, %get3A_38, %get3A_39] : memref<1x1x128xf32, #tpu.memory_space<vmem>>, vector<1x1x128xf32>
    %get3A_41 = vector.shape_cast %get3A_40 : vector<1x1x128xf32> to vector<1x128xf32>
    %add3A_42 = vector.broadcast %get3A_41 : vector<1x128xf32> to vector<512x128xf32>
    %add3A_43 = arith.addf %dot_general3A_36, %add3A_42 : vector<512x128xf32>
    %gt3A_44 = arith.constant 0.000000e+00 : f32
    %gt3A_45 = vector.broadcast %gt3A_44 : f32 to vector<512x128xf32>
    %gt3A_46 = arith.cmpf ogt, %add3A_43, %gt3A_45 : vector<512x128xf32>
    %div3A_47 = arith.constant 1.000000e-01 : f32
    %div3A_48 = vector.broadcast %div3A_47 : f32 to vector<512x128xf32>
    %div3A_49 = arith.divf %add3A_43, %div3A_48 : vector<512x128xf32>
    %exp3A_50 = math.exp %div3A_49 : vector<512x128xf32>
    %sub3A_51 = arith.constant 1.000000e+00 : f32
    %sub3A_52 = vector.broadcast %sub3A_51 : f32 to vector<512x128xf32>
    %sub3A_53 = arith.subf %exp3A_50, %sub3A_52 : vector<512x128xf32>
    %mul3A_54 = arith.constant 1.000000e-01 : f32
    %mul3A_55 = vector.broadcast %mul3A_54 : f32 to vector<512x128xf32>
    %mul3A_56 = arith.mulf %mul3A_55, %sub3A_53 : vector<512x128xf32>
    %select_n3A_57 = arith.select %gt3A_46, %add3A_43, %mul3A_56 : vector<512x128xi1>, vector<512x128xf32>
    %convert_element_type3A_58 = arith.truncf %select_n3A_57 : vector<512x128xf32> to vector<512x128xbf16>
    %get3A_59 = arith.constant 0 : index
    %get3A_60 = arith.constant 0 : index
    %get3A_61 = arith.constant 0 : index
    %get3A_62 = vector.load %arg7[%get3A_59, %get3A_60, %get3A_61] : memref<1x96x128xbf16, #tpu.memory_space<vmem>>, vector<1x96x128xbf16>
    %get3A_63 = vector.shape_cast %get3A_62 : vector<1x96x128xbf16> to vector<96x128xbf16>
    %dot_general3A_64 = arith.constant dense<0.000000e+00> : vector<512x96xf32>
    %dot_general3A_65 = tpu.matmul %convert_element_type3A_58, %get3A_63, %dot_general3A_64 {dimension_numbers = #tpu.dot_dimension_numbers<[1], [1], [0], [0], [0, 0, 1, 0], [], []>, transpose_lhs_hint = false} : vector<512x128xbf16>, vector<96x128xbf16>, vector<512x96xf32> -> vector<512x96xf32>
    %get3A_66 = arith.constant 0 : index
    %get3A_67 = arith.constant 0 : index
    %get3A_68 = arith.constant 0 : index
    %get3A_69 = vector.load %arg8[%get3A_66, %get3A_67, %get3A_68] : memref<1x1x96xf32, #tpu.memory_space<vmem>>, vector<1x1x96xf32>
    %get3A_70 = vector.shape_cast %get3A_69 : vector<1x1x96xf32> to vector<1x96xf32>
    %add3A_71 = vector.broadcast %get3A_70 : vector<1x96xf32> to vector<512x96xf32>
    %add3A_72 = arith.addf %dot_general3A_65, %add3A_71 : vector<512x96xf32>
    %gt3A_73 = arith.constant 0.000000e+00 : f32
    %gt3A_74 = vector.broadcast %gt3A_73 : f32 to vector<512x96xf32>
    %gt3A_75 = arith.cmpf ogt, %add3A_72, %gt3A_74 : vector<512x96xf32>
    %div3A_76 = arith.constant 1.000000e-01 : f32
    %div3A_77 = vector.broadcast %div3A_76 : f32 to vector<512x96xf32>
    %div3A_78 = arith.divf %add3A_72, %div3A_77 : vector<512x96xf32>
    %exp3A_79 = math.exp %div3A_78 : vector<512x96xf32>
    %sub3A_80 = arith.constant 1.000000e+00 : f32
    %sub3A_81 = vector.broadcast %sub3A_80 : f32 to vector<512x96xf32>
    %sub3A_82 = arith.subf %exp3A_79, %sub3A_81 : vector<512x96xf32>
    %mul3A_83 = arith.constant 1.000000e-01 : f32
    %mul3A_84 = vector.broadcast %mul3A_83 : f32 to vector<512x96xf32>
    %mul3A_85 = arith.mulf %mul3A_84, %sub3A_82 : vector<512x96xf32>
    %select_n3A_86 = arith.select %gt3A_75, %add3A_72, %mul3A_85 : vector<512x96xi1>, vector<512x96xf32>
    %get3A_87 = arith.constant 0 : index
    %get3A_88 = arith.constant 0 : index
    %get3A_89 = arith.constant 0 : index
    %get3A_90 = vector.load %arg9[%get3A_87, %get3A_88, %get3A_89] : memref<1x1x96xbf16, #tpu.memory_space<vmem>>, vector<1x1x96xbf16>
    %get3A_91 = vector.shape_cast %get3A_90 : vector<1x1x96xbf16> to vector<1x96xbf16>
    %convert_element_type3A_92 = arith.truncf %select_n3A_86 : vector<512x96xf32> to vector<512x96xbf16>
    %dot_general3A_93 = arith.constant dense<0.000000e+00> : vector<1x512xf32>
    %dot_general3A_94 = tpu.matmul %get3A_91, %convert_element_type3A_92, %dot_general3A_93 {dimension_numbers = #tpu.dot_dimension_numbers<[1], [1], [0], [0], [0, 0, 1, 0], [], []>, transpose_lhs_hint = false} : vector<1x96xbf16>, vector<512x96xbf16>, vector<1x512xf32> -> vector<1x512xf32>
    %convert_element_type3A_95 = arith.truncf %select_n3A : vector<512x160xf32> to vector<512x160xbf16>
    %broadcast_in_dim3A = vector.shape_cast %convert_element_type3A_95 : vector<512x160xbf16> to vector<1x512x160xbf16>
    %swap3A = arith.index_cast %rem3A_0 : i32 to index
    %swap3A_96 = arith.constant 0 : index
    %swap3A_97 = arith.constant 0 : index
    %swap3A_98 = vector.load %arg14[%swap3A, %swap3A_96, %swap3A_97] : memref<2x512x160xbf16, #tpu.memory_space<vmem>>, vector<1x512x160xbf16>
    tpu.vector_store %arg14[%swap3A, %swap3A_96, %swap3A_97], %broadcast_in_dim3A {strides = array<i32>} : memref<2x512x160xbf16, #tpu.memory_space<vmem>>, vector<1x512x160xbf16>,
    %get3A_99 = arith.constant 0 : index
    %get3A_100 = arith.constant 0 : index
    %get3A_101 = arith.constant 0 : index
    %get3A_102 = vector.load %arg10[%get3A_99, %get3A_100, %get3A_101] : memref<1x1x1xf32, #tpu.memory_space<vmem>>, vector<1x1x1xf32>
    %get3A_103 = vector.extract %get3A_102[0, 0, 0] : f32 from vector<1x1x1xf32>
    %add3A_104 = vector.broadcast %get3A_103 : f32 to vector<1x512xf32>
    %add3A_105 = arith.addf %dot_general3A_94, %add3A_104 : vector<1x512xf32>
    %get3A_106 = arith.constant 0 : index
    %get3A_107 = arith.constant 0 : index
    %get3A_108 = arith.constant 0 : index
    %get3A_109 = vector.load %arg11[%get3A_106, %get3A_107, %get3A_108] : memref<1x1x1xf32, #tpu.memory_space<vmem>>, vector<1x1x1xf32>
    %get3A_110 = vector.extract %get3A_109[0, 0, 0] : f32 from vector<1x1x1xf32>
    %get3A_111 = arith.constant 0 : index
    %get3A_112 = arith.constant 0 : index
    %get3A_113 = arith.constant 0 : index
    %get3A_114 = vector.load %arg12[%get3A_111, %get3A_112, %get3A_113] : memref<1x1x1xf32, #tpu.memory_space<vmem>>, vector<1x1x1xf32>
    %get3A_115 = vector.extract %get3A_114[0, 0, 0] : f32 from vector<1x1x1xf32>
    %mul3A_116 = vector.broadcast %get3A_115 : f32 to vector<1x512xf32>
    %mul3A_117 = arith.mulf %mul3A_116, %add3A_105 : vector<1x512xf32>
    %add3A_118 = vector.broadcast %get3A_110 : f32 to vector<1x512xf32>
    %add3A_119 = arith.addf %add3A_118, %mul3A_117 : vector<1x512xf32>
    %squeeze3A = vector.shape_cast %add3A_119 : vector<1x512xf32> to vector<512xf32>
    %swap3A_120 = arith.constant 0 : index
    %swap3A_121 = vector.load %arg13[%swap3A_120] : memref<512xf32, #tpu.memory_space<vmem>>, vector<512xf32>
    tpu.vector_store %arg13[%swap3A_120], %squeeze3A {strides = array<i32>} : memref<512xf32, #tpu.memory_space<vmem>>, vector<512xf32>,
    return
  }
  func.func @transform_0(%arg0: i32, %arg1: memref<1x384xi32, #tpu.memory_space<smem>>) -> (i32, i32) {
    %min3A = arith.constant 18 : i32
    %min3A_0 = arith.minsi %arg0, %min3A : i32
    %c0_i32 = arith.constant 0 : i32
    %c0_i32_1 = arith.constant 0 : i32
    return %min3A_0, %c0_i32 : i32, i32
  }
  func.func @transform_1(%arg0: i32, %arg1: memref<1x384xi32, #tpu.memory_space<smem>>) -> (i32, i32, i32) {
    %min3A = arith.constant 18 : i32
    %min3A_0 = arith.minsi %arg0, %min3A : i32
    %add3A = arith.constant 256 : i32
    %add3A_1 = arith.addi %add3A, %min3A_0 : i32
    %get3A = arith.constant 0 : index
    %get3A_2 = arith.index_cast %add3A_1 : i32 to index
    %get3A_3 = memref.load %arg1[%get3A, %get3A_2] : memref<1x384xi32, #tpu.memory_space<smem>>
    %c0_i32 = arith.constant 0 : i32
    %c0_i32_4 = arith.constant 0 : i32
    %c0_i32_5 = arith.constant 0 : i32
    return %get3A_3, %c0_i32, %c0_i32_4 : i32, i32, i32
  }
  func.func @transform_2(%arg0: i32, %arg1: memref<1x384xi32, #tpu.memory_space<smem>>) -> (i32, i32, i32) {
    %min3A = arith.constant 18 : i32
    %min3A_0 = arith.minsi %arg0, %min3A : i32
    %add3A = arith.constant 256 : i32
    %add3A_1 = arith.addi %add3A, %min3A_0 : i32
    %get3A = arith.constant 0 : index
    %get3A_2 = arith.index_cast %add3A_1 : i32 to index
    %get3A_3 = memref.load %arg1[%get3A, %get3A_2] : memref<1x384xi32, #tpu.memory_space<smem>>
    %c0_i32 = arith.constant 0 : i32
    %c0_i32_4 = arith.constant 0 : i32
    %c0_i32_5 = arith.constant 0 : i32
    return %get3A_3, %c0_i32, %c0_i32_4 : i32, i32, i32
  }
  func.func @transform_3(%arg0: i32, %arg1: memref<1x384xi32, #tpu.memory_space<smem>>) -> (i32, i32, i32) {
    %sub3A = arith.constant 1 : i32
    %sub3A_0 = arith.subi %arg0, %sub3A : i32
    %max3A = arith.constant 0 : i32
    %max3A_1 = arith.maxsi %sub3A_0, %max3A : i32
    %add3A = arith.constant 256 : i32
    %add3A_2 = arith.addi %add3A, %max3A_1 : i32
    %get3A = arith.constant 0 : index
    %get3A_3 = arith.index_cast %add3A_2 : i32 to index
    %get3A_4 = memref.load %arg1[%get3A, %get3A_3] : memref<1x384xi32, #tpu.memory_space<smem>>
    %c0_i32 = arith.constant 0 : i32
    %c0_i32_5 = arith.constant 0 : i32
    %c0_i32_6 = arith.constant 0 : i32
    return %get3A_4, %c0_i32, %c0_i32_5 : i32, i32, i32
  }
  func.func @transform_4(%arg0: i32, %arg1: memref<1x384xi32, #tpu.memory_space<smem>>) -> (i32, i32, i32) {
    %sub3A = arith.constant 1 : i32
    %sub3A_0 = arith.subi %arg0, %sub3A : i32
    %max3A = arith.constant 0 : i32
    %max3A_1 = arith.maxsi %sub3A_0, %max3A : i32
    %add3A = arith.constant 256 : i32
    %add3A_2 = arith.addi %add3A, %max3A_1 : i32
    %get3A = arith.constant 0 : index
    %get3A_3 = arith.index_cast %add3A_2 : i32 to index
    %get3A_4 = memref.load %arg1[%get3A, %get3A_3] : memref<1x384xi32, #tpu.memory_space<smem>>
    %c0_i32 = arith.constant 0 : i32
    %c0_i32_5 = arith.constant 0 : i32
    %c0_i32_6 = arith.constant 0 : i32
    return %get3A_4, %c0_i32, %c0_i32_5 : i32, i32, i32
  }
  func.func @transform_5(%arg0: i32, %arg1: memref<1x384xi32, #tpu.memory_space<smem>>) -> (i32, i32, i32) {
    %sub3A = arith.constant 1 : i32
    %sub3A_0 = arith.subi %arg0, %sub3A : i32
    %max3A = arith.constant 0 : i32
    %max3A_1 = arith.maxsi %sub3A_0, %max3A : i32
    %add3A = arith.constant 256 : i32
    %add3A_2 = arith.addi %add3A, %max3A_1 : i32
    %get3A = arith.constant 0 : index
    %get3A_3 = arith.index_cast %add3A_2 : i32 to index
    %get3A_4 = memref.load %arg1[%get3A, %get3A_3] : memref<1x384xi32, #tpu.memory_space<smem>>
    %c0_i32 = arith.constant 0 : i32
    %c0_i32_5 = arith.constant 0 : i32
    %c0_i32_6 = arith.constant 0 : i32
    return %get3A_4, %c0_i32, %c0_i32_5 : i32, i32, i32
  }
  func.func @transform_6(%arg0: i32, %arg1: memref<1x384xi32, #tpu.memory_space<smem>>) -> (i32, i32, i32) {
    %sub3A = arith.constant 1 : i32
    %sub3A_0 = arith.subi %arg0, %sub3A : i32
    %max3A = arith.constant 0 : i32
    %max3A_1 = arith.maxsi %sub3A_0, %max3A : i32
    %add3A = arith.constant 256 : i32
    %add3A_2 = arith.addi %add3A, %max3A_1 : i32
    %get3A = arith.constant 0 : index
    %get3A_3 = arith.index_cast %add3A_2 : i32 to index
    %get3A_4 = memref.load %arg1[%get3A, %get3A_3] : memref<1x384xi32, #tpu.memory_space<smem>>
    %c0_i32 = arith.constant 0 : i32
    %c0_i32_5 = arith.constant 0 : i32
    %c0_i32_6 = arith.constant 0 : i32
    return %get3A_4, %c0_i32, %c0_i32_5 : i32, i32, i32
  }
  func.func @transform_7(%arg0: i32, %arg1: memref<1x384xi32, #tpu.memory_space<smem>>) -> (i32, i32, i32) {
    %sub3A = arith.constant 1 : i32
    %sub3A_0 = arith.subi %arg0, %sub3A : i32
    %max3A = arith.constant 0 : i32
    %max3A_1 = arith.maxsi %sub3A_0, %max3A : i32
    %add3A = arith.constant 256 : i32
    %add3A_2 = arith.addi %add3A, %max3A_1 : i32
    %get3A = arith.constant 0 : index
    %get3A_3 = arith.index_cast %add3A_2 : i32 to index
    %get3A_4 = memref.load %arg1[%get3A, %get3A_3] : memref<1x384xi32, #tpu.memory_space<smem>>
    %c0_i32 = arith.constant 0 : i32
    %c0_i32_5 = arith.constant 0 : i32
    %c0_i32_6 = arith.constant 0 : i32
    return %get3A_4, %c0_i32, %c0_i32_5 : i32, i32, i32
  }
  func.func @transform_8(%arg0: i32, %arg1: memref<1x384xi32, #tpu.memory_space<smem>>) -> (i32, i32, i32) {
    %sub3A = arith.constant 1 : i32
    %sub3A_0 = arith.subi %arg0, %sub3A : i32
    %max3A = arith.constant 0 : i32
    %max3A_1 = arith.maxsi %sub3A_0, %max3A : i32
    %add3A = arith.constant 256 : i32
    %add3A_2 = arith.addi %add3A, %max3A_1 : i32
    %get3A = arith.constant 0 : index
    %get3A_3 = arith.index_cast %add3A_2 : i32 to index
    %get3A_4 = memref.load %arg1[%get3A, %get3A_3] : memref<1x384xi32, #tpu.memory_space<smem>>
    %c0_i32 = arith.constant 0 : i32
    %c0_i32_5 = arith.constant 0 : i32
    %c0_i32_6 = arith.constant 0 : i32
    return %get3A_4, %c0_i32, %c0_i32_5 : i32, i32, i32
  }
  func.func @transform_9(%arg0: i32, %arg1: memref<1x384xi32, #tpu.memory_space<smem>>) -> (i32, i32, i32) {
    %sub3A = arith.constant 1 : i32
    %sub3A_0 = arith.subi %arg0, %sub3A : i32
    %max3A = arith.constant 0 : i32
    %max3A_1 = arith.maxsi %sub3A_0, %max3A : i32
    %add3A = arith.constant 256 : i32
    %add3A_2 = arith.addi %add3A, %max3A_1 : i32
    %get3A = arith.constant 0 : index
    %get3A_3 = arith.index_cast %add3A_2 : i32 to index
    %get3A_4 = memref.load %arg1[%get3A, %get3A_3] : memref<1x384xi32, #tpu.memory_space<smem>>
    %c0_i32 = arith.constant 0 : i32
    %c0_i32_5 = arith.constant 0 : i32
    %c0_i32_6 = arith.constant 0 : i32
    return %get3A_4, %c0_i32, %c0_i32_5 : i32, i32, i32
  }
  func.func @transform_10(%arg0: i32, %arg1: memref<1x384xi32, #tpu.memory_space<smem>>) -> (i32, i32, i32) {
    %sub3A = arith.constant 1 : i32
    %sub3A_0 = arith.subi %arg0, %sub3A : i32
    %max3A = arith.constant 0 : i32
    %max3A_1 = arith.maxsi %sub3A_0, %max3A : i32
    %add3A = arith.constant 256 : i32
    %add3A_2 = arith.addi %add3A, %max3A_1 : i32
    %get3A = arith.constant 0 : index
    %get3A_3 = arith.index_cast %add3A_2 : i32 to index
    %get3A_4 = memref.load %arg1[%get3A, %get3A_3] : memref<1x384xi32, #tpu.memory_space<smem>>
    %c0_i32 = arith.constant 0 : i32
    %c0_i32_5 = arith.constant 0 : i32
    %c0_i32_6 = arith.constant 0 : i32
    return %get3A_4, %c0_i32, %c0_i32_5 : i32, i32, i32
  }
  func.func @transform_11(%arg0: i32, %arg1: memref<1x384xi32, #tpu.memory_space<smem>>) -> i32 {
    %sub3A = arith.constant 1 : i32
    %sub3A_0 = arith.subi %arg0, %sub3A : i32
    %max3A = arith.constant 0 : i32
    %max3A_1 = arith.maxsi %sub3A_0, %max3A : i32
    %c0_i32 = arith.constant 0 : i32
    return %max3A_1 : i32
  }
}

module attributes {stable_mosaic.version = 14 : i64} {
  func.func @_mlp_body(%arg0: i32, %arg1: memref<1x384xi32, #tpu.memory_space<smem>>, %arg2: memref<512x384xf32, #tpu.memory_space<vmem>>, %arg3: memref<1x160x384xbf16, #tpu.memory_space<vmem>>, %arg4: memref<1x1x160xf32, #tpu.memory_space<vmem>>, %arg5: memref<1x128x160xbf16, #tpu.memory_space<vmem>>, %arg6: memref<1x1x128xf32, #tpu.memory_space<vmem>>, %arg7: memref<1x96x128xbf16, #tpu.memory_space<vmem>>, %arg8: memref<1x1x96xf32, #tpu.memory_space<vmem>>, %arg9: memref<1x1x96xbf16, #tpu.memory_space<vmem>>, %arg10: memref<1x1x1xf32, #tpu.memory_space<vmem>>, %arg11: memref<1x1x1xf32, #tpu.memory_space<vmem>>, %arg12: memref<1x1x1xf32, #tpu.memory_space<vmem>>, %arg13: memref<512xf32, #tpu.memory_space<vmem>>, %arg14: memref<2x512x160xbf16, #tpu.memory_space<vmem>>) attributes {dimension_semantics = [#tpu.dimension_semantics<arbitrary>], iteration_bounds = array<i64: 20>, scalar_prefetch = 1 : i64, scratch_operands = 1 : i64, tpu.core_type = #tpu.core_type<tc>, window_params = [{transform_indices = @transform_0, window_bounds = array<i64: 512, 384>}, {transform_indices = @transform_1, window_bounds = array<i64: 1, 160, 384>}, {transform_indices = @transform_2, window_bounds = array<i64: 1, 1, 160>}, {transform_indices = @transform_3, window_bounds = array<i64: 1, 128, 160>}, {transform_indices = @transform_4, window_bounds = array<i64: 1, 1, 128>}, {transform_indices = @transform_5, window_bounds = array<i64: 1, 96, 128>}, {transform_indices = @transform_6, window_bounds = array<i64: 1, 1, 96>}, {transform_indices = @transform_7, window_bounds = array<i64: 1, 1, 96>}, {transform_indices = @transform_8, window_bounds = array<i64: 1, 1, 1>}, {transform_indices = @transform_9, window_bounds = array<i64: 1, 1, 1>}, {transform_indices = @transform_10, window_bounds = array<i64: 1, 1, 1>}, {transform_indices = @transform_11, window_bounds = array<i64: 512>}]} {
    %rem3A = arith.constant 2 : i32
    %rem3A_0 = arith.remsi %arg0, %rem3A : i32
    %sub3A = arith.constant 1 : i32
    %sub3A_1 = arith.subi %sub3A, %rem3A_0 : i32
    %get3A = arith.index_cast %sub3A_1 : i32 to index
    %get3A_2 = arith.constant 0 : index
    %get3A_3 = arith.constant 0 : index
    %get3A_4 = vector.load %arg14[%get3A, %get3A_2, %get3A_3] : memref<2x512x160xbf16, #tpu.memory_space<vmem>>, vector<1x512x160xbf16>
    %get3A_5 = vector.shape_cast %get3A_4 : vector<1x512x160xbf16> to vector<512x160xbf16>
    %get3A_6 = arith.constant 0 : index
    %get3A_7 = arith.constant 0 : index
    %get3A_8 = vector.load %arg2[%get3A_6, %get3A_7] : memref<512x384xf32, #tpu.memory_space<vmem>>, vector<512x384xf32>
    %convert_element_type3A = arith.truncf %get3A_8 : vector<512x384xf32> to vector<512x384xbf16>
    %get3A_9 = arith.constant 0 : index
    %get3A_10 = arith.constant 0 : index
    %get3A_11 = arith.constant 0 : index
    %get3A_12 = vector.load %arg3[%get3A_9, %get3A_10, %get3A_11] : memref<1x160x384xbf16, #tpu.memory_space<vmem>>, vector<1x160x384xbf16>
    %get3A_13 = vector.shape_cast %get3A_12 : vector<1x160x384xbf16> to vector<160x384xbf16>
    %dot_general3A = arith.constant dense<0.000000e+00> : vector<512x160xf32>
    %dot_general3A_14 = tpu.matmul %convert_element_type3A, %get3A_13, %dot_general3A {dimension_numbers = #tpu.dot_dimension_numbers<[1], [1], [0], [0], [0, 0, 1, 0], [], []>, transpose_lhs_hint = false} : vector<512x384xbf16>, vector<160x384xbf16>, vector<512x160xf32> -> vector<512x160xf32>
    %get3A_15 = arith.constant 0 : index
    %get3A_16 = arith.constant 0 : index
    %get3A_17 = arith.constant 0 : index
    %get3A_18 = vector.load %arg4[%get3A_15, %get3A_16, %get3A_17] : memref<1x1x160xf32, #tpu.memory_space<vmem>>, vector<1x1x160xf32>
    %get3A_19 = vector.shape_cast %get3A_18 : vector<1x1x160xf32> to vector<1x160xf32>
    %add3A = vector.broadcast %get3A_19 : vector<1x160xf32> to vector<512x160xf32>
    %add3A_20 = arith.addf %dot_general3A_14, %add3A : vector<512x160xf32>
    %gt3A = arith.constant 0.000000e+00 : f32
    %gt3A_21 = vector.broadcast %gt3A : f32 to vector<512x160xf32>
    %gt3A_22 = arith.cmpf ogt, %add3A_20, %gt3A_21 : vector<512x160xf32>
    %div3A = arith.constant 1.000000e-01 : f32
    %div3A_23 = vector.broadcast %div3A : f32 to vector<512x160xf32>
    %div3A_24 = arith.divf %add3A_20, %div3A_23 : vector<512x160xf32>
    %exp3A = math.exp %div3A_24 : vector<512x160xf32>
    %sub3A_25 = arith.constant 1.000000e+00 : f32
    %sub3A_26 = vector.broadcast %sub3A_25 : f32 to vector<512x160xf32>
    %sub3A_27 = arith.subf %exp3A, %sub3A_26 : vector<512x160xf32>
    %mul3A = arith.constant 1.000000e-01 : f32
    %mul3A_28 = vector.broadcast %mul3A : f32 to vector<512x160xf32>
    %mul3A_29 = arith.mulf %mul3A_28, %sub3A_27 : vector<512x160xf32>
    %select_n3A = arith.select %gt3A_22, %add3A_20, %mul3A_29 : vector<512x160xi1>, vector<512x160xf32>
    %get3A_30 = arith.constant 0 : index
    %get3A_31 = arith.constant 0 : index
    %get3A_32 = arith.constant 0 : index
    %get3A_33 = vector.load %arg5[%get3A_30, %get3A_31, %get3A_32] : memref<1x128x160xbf16, #tpu.memory_space<vmem>>, vector<1x128x160xbf16>
    %get3A_34 = vector.shape_cast %get3A_33 : vector<1x128x160xbf16> to vector<128x160xbf16>
    %dot_general3A_35 = arith.constant dense<0.000000e+00> : vector<512x128xf32>
    %dot_general3A_36 = tpu.matmul %get3A_5, %get3A_34, %dot_general3A_35 {dimension_numbers = #tpu.dot_dimension_numbers<[1], [1], [0], [0], [0, 0, 1, 0], [], []>, transpose_lhs_hint = false} : vector<512x160xbf16>, vector<128x160xbf16>, vector<512x128xf32> -> vector<512x128xf32>
    %get3A_37 = arith.constant 0 : index
    %get3A_38 = arith.constant 0 : index
    %get3A_39 = arith.constant 0 : index
    %get3A_40 = vector.load %arg6[%get3A_37, %get3A_38, %get3A_39] : memref<1x1x128xf32, #tpu.memory_space<vmem>>, vector<1x1x128xf32>
    %get3A_41 = vector.shape_cast %get3A_40 : vector<1x1x128xf32> to vector<1x128xf32>
    %add3A_42 = vector.broadcast %get3A_41 : vector<1x128xf32> to vector<512x128xf32>
    %add3A_43 = arith.addf %dot_general3A_36, %add3A_42 : vector<512x128xf32>
    %gt3A_44 = arith.constant 0.000000e+00 : f32
    %gt3A_45 = vector.broadcast %gt3A_44 : f32 to vector<512x128xf32>
    %gt3A_46 = arith.cmpf ogt, %add3A_43, %gt3A_45 : vector<512x128xf32>
    %div3A_47 = arith.constant 1.000000e-01 : f32
    %div3A_48 = vector.broadcast %div3A_47 : f32 to vector<512x128xf32>
    %div3A_49 = arith.divf %add3A_43, %div3A_48 : vector<512x128xf32>
    %exp3A_50 = math.exp %div3A_49 : vector<512x128xf32>
    %sub3A_51 = arith.constant 1.000000e+00 : f32
    %sub3A_52 = vector.broadcast %sub3A_51 : f32 to vector<512x128xf32>
    %sub3A_53 = arith.subf %exp3A_50, %sub3A_52 : vector<512x128xf32>
    %mul3A_54 = arith.constant 1.000000e-01 : f32
    %mul3A_55 = vector.broadcast %mul3A_54 : f32 to vector<512x128xf32>
    %mul3A_56 = arith.mulf %mul3A_55, %sub3A_53 : vector<512x128xf32>
    %select_n3A_57 = arith.select %gt3A_46, %add3A_43, %mul3A_56 : vector<512x128xi1>, vector<512x128xf32>
    %convert_element_type3A_58 = arith.truncf %select_n3A_57 : vector<512x128xf32> to vector<512x128xbf16>
    %get3A_59 = arith.constant 0 : index
    %get3A_60 = arith.constant 0 : index
    %get3A_61 = arith.constant 0 : index
    %get3A_62 = vector.load %arg7[%get3A_59, %get3A_60, %get3A_61] : memref<1x96x128xbf16, #tpu.memory_space<vmem>>, vector<1x96x128xbf16>
    %get3A_63 = vector.shape_cast %get3A_62 : vector<1x96x128xbf16> to vector<96x128xbf16>
    %dot_general3A_64 = arith.constant dense<0.000000e+00> : vector<512x96xf32>
    %dot_general3A_65 = tpu.matmul %convert_element_type3A_58, %get3A_63, %dot_general3A_64 {dimension_numbers = #tpu.dot_dimension_numbers<[1], [1], [0], [0], [0, 0, 1, 0], [], []>, transpose_lhs_hint = false} : vector<512x128xbf16>, vector<96x128xbf16>, vector<512x96xf32> -> vector<512x96xf32>
    %get3A_66 = arith.constant 0 : index
    %get3A_67 = arith.constant 0 : index
    %get3A_68 = arith.constant 0 : index
    %get3A_69 = vector.load %arg8[%get3A_66, %get3A_67, %get3A_68] : memref<1x1x96xf32, #tpu.memory_space<vmem>>, vector<1x1x96xf32>
    %get3A_70 = vector.shape_cast %get3A_69 : vector<1x1x96xf32> to vector<1x96xf32>
    %add3A_71 = vector.broadcast %get3A_70 : vector<1x96xf32> to vector<512x96xf32>
    %add3A_72 = arith.addf %dot_general3A_65, %add3A_71 : vector<512x96xf32>
    %gt3A_73 = arith.constant 0.000000e+00 : f32
    %gt3A_74 = vector.broadcast %gt3A_73 : f32 to vector<512x96xf32>
    %gt3A_75 = arith.cmpf ogt, %add3A_72, %gt3A_74 : vector<512x96xf32>
    %div3A_76 = arith.constant 1.000000e-01 : f32
    %div3A_77 = vector.broadcast %div3A_76 : f32 to vector<512x96xf32>
    %div3A_78 = arith.divf %add3A_72, %div3A_77 : vector<512x96xf32>
    %exp3A_79 = math.exp %div3A_78 : vector<512x96xf32>
    %sub3A_80 = arith.constant 1.000000e+00 : f32
    %sub3A_81 = vector.broadcast %sub3A_80 : f32 to vector<512x96xf32>
    %sub3A_82 = arith.subf %exp3A_79, %sub3A_81 : vector<512x96xf32>
    %mul3A_83 = arith.constant 1.000000e-01 : f32
    %mul3A_84 = vector.broadcast %mul3A_83 : f32 to vector<512x96xf32>
    %mul3A_85 = arith.mulf %mul3A_84, %sub3A_82 : vector<512x96xf32>
    %select_n3A_86 = arith.select %gt3A_75, %add3A_72, %mul3A_85 : vector<512x96xi1>, vector<512x96xf32>
    %get3A_87 = arith.constant 0 : index
    %get3A_88 = arith.constant 0 : index
    %get3A_89 = arith.constant 0 : index
    %get3A_90 = vector.load %arg9[%get3A_87, %get3A_88, %get3A_89] : memref<1x1x96xbf16, #tpu.memory_space<vmem>>, vector<1x1x96xbf16>
    %get3A_91 = vector.shape_cast %get3A_90 : vector<1x1x96xbf16> to vector<1x96xbf16>
    %convert_element_type3A_92 = arith.truncf %select_n3A_86 : vector<512x96xf32> to vector<512x96xbf16>
    %dot_general3A_93 = arith.constant dense<0.000000e+00> : vector<1x512xf32>
    %dot_general3A_94 = tpu.matmul %get3A_91, %convert_element_type3A_92, %dot_general3A_93 {dimension_numbers = #tpu.dot_dimension_numbers<[1], [1], [0], [0], [0, 0, 1, 0], [], []>, transpose_lhs_hint = false} : vector<1x96xbf16>, vector<512x96xbf16>, vector<1x512xf32> -> vector<1x512xf32>
    %convert_element_type3A_95 = arith.truncf %select_n3A : vector<512x160xf32> to vector<512x160xbf16>
    %broadcast_in_dim3A = vector.shape_cast %convert_element_type3A_95 : vector<512x160xbf16> to vector<1x512x160xbf16>
    %swap3A = arith.index_cast %rem3A_0 : i32 to index
    %swap3A_96 = arith.constant 0 : index
    %swap3A_97 = arith.constant 0 : index
    %swap3A_98 = vector.load %arg14[%swap3A, %swap3A_96, %swap3A_97] : memref<2x512x160xbf16, #tpu.memory_space<vmem>>, vector<1x512x160xbf16>
    tpu.vector_store %arg14[%swap3A, %swap3A_96, %swap3A_97], %broadcast_in_dim3A {strides = array<i32>} : memref<2x512x160xbf16, #tpu.memory_space<vmem>>, vector<1x512x160xbf16>,
    %get3A_99 = arith.constant 0 : index
    %get3A_100 = arith.constant 0 : index
    %get3A_101 = arith.constant 0 : index
    %get3A_102 = vector.load %arg10[%get3A_99, %get3A_100, %get3A_101] : memref<1x1x1xf32, #tpu.memory_space<vmem>>, vector<1x1x1xf32>
    %get3A_103 = vector.extract %get3A_102[0, 0, 0] : f32 from vector<1x1x1xf32>
    %add3A_104 = vector.broadcast %get3A_103 : f32 to vector<1x512xf32>
    %add3A_105 = arith.addf %dot_general3A_94, %add3A_104 : vector<1x512xf32>
    %get3A_106 = arith.constant 0 : index
    %get3A_107 = arith.constant 0 : index
    %get3A_108 = arith.constant 0 : index
    %get3A_109 = vector.load %arg11[%get3A_106, %get3A_107, %get3A_108] : memref<1x1x1xf32, #tpu.memory_space<vmem>>, vector<1x1x1xf32>
    %get3A_110 = vector.extract %get3A_109[0, 0, 0] : f32 from vector<1x1x1xf32>
    %get3A_111 = arith.constant 0 : index
    %get3A_112 = arith.constant 0 : index
    %get3A_113 = arith.constant 0 : index
    %get3A_114 = vector.load %arg12[%get3A_111, %get3A_112, %get3A_113] : memref<1x1x1xf32, #tpu.memory_space<vmem>>, vector<1x1x1xf32>
    %get3A_115 = vector.extract %get3A_114[0, 0, 0] : f32 from vector<1x1x1xf32>
    %mul3A_116 = vector.broadcast %get3A_115 : f32 to vector<1x512xf32>
    %mul3A_117 = arith.mulf %mul3A_116, %add3A_105 : vector<1x512xf32>
    %add3A_118 = vector.broadcast %get3A_110 : f32 to vector<1x512xf32>
    %add3A_119 = arith.addf %add3A_118, %mul3A_117 : vector<1x512xf32>
    %squeeze3A = vector.shape_cast %add3A_119 : vector<1x512xf32> to vector<512xf32>
    %swap3A_120 = arith.constant 0 : index
    %swap3A_121 = vector.load %arg13[%swap3A_120] : memref<512xf32, #tpu.memory_space<vmem>>, vector<512xf32>
    tpu.vector_store %arg13[%swap3A_120], %squeeze3A {strides = array<i32>} : memref<512xf32, #tpu.memory_space<vmem>>, vector<512xf32>,
    return
  }
  func.func @transform_0(%arg0: i32, %arg1: memref<1x384xi32, #tpu.memory_space<smem>>) -> (i32, i32) {
    %min3A = arith.constant 18 : i32
    %min3A_0 = arith.minsi %arg0, %min3A : i32
    %c0_i32 = arith.constant 0 : i32
    %c0_i32_1 = arith.constant 0 : i32
    return %min3A_0, %c0_i32 : i32, i32
  }
  func.func @transform_1(%arg0: i32, %arg1: memref<1x384xi32, #tpu.memory_space<smem>>) -> (i32, i32, i32) {
    %min3A = arith.constant 18 : i32
    %min3A_0 = arith.minsi %arg0, %min3A : i32
    %add3A = arith.constant 0 : i32
    %add3A_1 = arith.addi %add3A, %min3A_0 : i32
    %get3A = arith.constant 0 : index
    %get3A_2 = arith.index_cast %add3A_1 : i32 to index
    %get3A_3 = memref.load %arg1[%get3A, %get3A_2] : memref<1x384xi32, #tpu.memory_space<smem>>
    %c0_i32 = arith.constant 0 : i32
    %c0_i32_4 = arith.constant 0 : i32
    %c0_i32_5 = arith.constant 0 : i32
    return %get3A_3, %c0_i32, %c0_i32_4 : i32, i32, i32
  }
  func.func @transform_2(%arg0: i32, %arg1: memref<1x384xi32, #tpu.memory_space<smem>>) -> (i32, i32, i32) {
    %min3A = arith.constant 18 : i32
    %min3A_0 = arith.minsi %arg0, %min3A : i32
    %add3A = arith.constant 0 : i32
    %add3A_1 = arith.addi %add3A, %min3A_0 : i32
    %get3A = arith.constant 0 : index
    %get3A_2 = arith.index_cast %add3A_1 : i32 to index
    %get3A_3 = memref.load %arg1[%get3A, %get3A_2] : memref<1x384xi32, #tpu.memory_space<smem>>
    %c0_i32 = arith.constant 0 : i32
    %c0_i32_4 = arith.constant 0 : i32
    %c0_i32_5 = arith.constant 0 : i32
    return %get3A_3, %c0_i32, %c0_i32_4 : i32, i32, i32
  }
  func.func @transform_3(%arg0: i32, %arg1: memref<1x384xi32, #tpu.memory_space<smem>>) -> (i32, i32, i32) {
    %sub3A = arith.constant 1 : i32
    %sub3A_0 = arith.subi %arg0, %sub3A : i32
    %max3A = arith.constant 0 : i32
    %max3A_1 = arith.maxsi %sub3A_0, %max3A : i32
    %add3A = arith.constant 0 : i32
    %add3A_2 = arith.addi %add3A, %max3A_1 : i32
    %get3A = arith.constant 0 : index
    %get3A_3 = arith.index_cast %add3A_2 : i32 to index
    %get3A_4 = memref.load %arg1[%get3A, %get3A_3] : memref<1x384xi32, #tpu.memory_space<smem>>
    %c0_i32 = arith.constant 0 : i32
    %c0_i32_5 = arith.constant 0 : i32
    %c0_i32_6 = arith.constant 0 : i32
    return %get3A_4, %c0_i32, %c0_i32_5 : i32, i32, i32
  }
  func.func @transform_4(%arg0: i32, %arg1: memref<1x384xi32, #tpu.memory_space<smem>>) -> (i32, i32, i32) {
    %sub3A = arith.constant 1 : i32
    %sub3A_0 = arith.subi %arg0, %sub3A : i32
    %max3A = arith.constant 0 : i32
    %max3A_1 = arith.maxsi %sub3A_0, %max3A : i32
    %add3A = arith.constant 0 : i32
    %add3A_2 = arith.addi %add3A, %max3A_1 : i32
    %get3A = arith.constant 0 : index
    %get3A_3 = arith.index_cast %add3A_2 : i32 to index
    %get3A_4 = memref.load %arg1[%get3A, %get3A_3] : memref<1x384xi32, #tpu.memory_space<smem>>
    %c0_i32 = arith.constant 0 : i32
    %c0_i32_5 = arith.constant 0 : i32
    %c0_i32_6 = arith.constant 0 : i32
    return %get3A_4, %c0_i32, %c0_i32_5 : i32, i32, i32
  }
  func.func @transform_5(%arg0: i32, %arg1: memref<1x384xi32, #tpu.memory_space<smem>>) -> (i32, i32, i32) {
    %sub3A = arith.constant 1 : i32
    %sub3A_0 = arith.subi %arg0, %sub3A : i32
    %max3A = arith.constant 0 : i32
    %max3A_1 = arith.maxsi %sub3A_0, %max3A : i32
    %add3A = arith.constant 0 : i32
    %add3A_2 = arith.addi %add3A, %max3A_1 : i32
    %get3A = arith.constant 0 : index
    %get3A_3 = arith.index_cast %add3A_2 : i32 to index
    %get3A_4 = memref.load %arg1[%get3A, %get3A_3] : memref<1x384xi32, #tpu.memory_space<smem>>
    %c0_i32 = arith.constant 0 : i32
    %c0_i32_5 = arith.constant 0 : i32
    %c0_i32_6 = arith.constant 0 : i32
    return %get3A_4, %c0_i32, %c0_i32_5 : i32, i32, i32
  }
  func.func @transform_6(%arg0: i32, %arg1: memref<1x384xi32, #tpu.memory_space<smem>>) -> (i32, i32, i32) {
    %sub3A = arith.constant 1 : i32
    %sub3A_0 = arith.subi %arg0, %sub3A : i32
    %max3A = arith.constant 0 : i32
    %max3A_1 = arith.maxsi %sub3A_0, %max3A : i32
    %add3A = arith.constant 0 : i32
    %add3A_2 = arith.addi %add3A, %max3A_1 : i32
    %get3A = arith.constant 0 : index
    %get3A_3 = arith.index_cast %add3A_2 : i32 to index
    %get3A_4 = memref.load %arg1[%get3A, %get3A_3] : memref<1x384xi32, #tpu.memory_space<smem>>
    %c0_i32 = arith.constant 0 : i32
    %c0_i32_5 = arith.constant 0 : i32
    %c0_i32_6 = arith.constant 0 : i32
    return %get3A_4, %c0_i32, %c0_i32_5 : i32, i32, i32
  }
  func.func @transform_7(%arg0: i32, %arg1: memref<1x384xi32, #tpu.memory_space<smem>>) -> (i32, i32, i32) {
    %sub3A = arith.constant 1 : i32
    %sub3A_0 = arith.subi %arg0, %sub3A : i32
    %max3A = arith.constant 0 : i32
    %max3A_1 = arith.maxsi %sub3A_0, %max3A : i32
    %add3A = arith.constant 0 : i32
    %add3A_2 = arith.addi %add3A, %max3A_1 : i32
    %get3A = arith.constant 0 : index
    %get3A_3 = arith.index_cast %add3A_2 : i32 to index
    %get3A_4 = memref.load %arg1[%get3A, %get3A_3] : memref<1x384xi32, #tpu.memory_space<smem>>
    %c0_i32 = arith.constant 0 : i32
    %c0_i32_5 = arith.constant 0 : i32
    %c0_i32_6 = arith.constant 0 : i32
    return %get3A_4, %c0_i32, %c0_i32_5 : i32, i32, i32
  }
  func.func @transform_8(%arg0: i32, %arg1: memref<1x384xi32, #tpu.memory_space<smem>>) -> (i32, i32, i32) {
    %sub3A = arith.constant 1 : i32
    %sub3A_0 = arith.subi %arg0, %sub3A : i32
    %max3A = arith.constant 0 : i32
    %max3A_1 = arith.maxsi %sub3A_0, %max3A : i32
    %add3A = arith.constant 0 : i32
    %add3A_2 = arith.addi %add3A, %max3A_1 : i32
    %get3A = arith.constant 0 : index
    %get3A_3 = arith.index_cast %add3A_2 : i32 to index
    %get3A_4 = memref.load %arg1[%get3A, %get3A_3] : memref<1x384xi32, #tpu.memory_space<smem>>
    %c0_i32 = arith.constant 0 : i32
    %c0_i32_5 = arith.constant 0 : i32
    %c0_i32_6 = arith.constant 0 : i32
    return %get3A_4, %c0_i32, %c0_i32_5 : i32, i32, i32
  }
  func.func @transform_9(%arg0: i32, %arg1: memref<1x384xi32, #tpu.memory_space<smem>>) -> (i32, i32, i32) {
    %sub3A = arith.constant 1 : i32
    %sub3A_0 = arith.subi %arg0, %sub3A : i32
    %max3A = arith.constant 0 : i32
    %max3A_1 = arith.maxsi %sub3A_0, %max3A : i32
    %add3A = arith.constant 0 : i32
    %add3A_2 = arith.addi %add3A, %max3A_1 : i32
    %get3A = arith.constant 0 : index
    %get3A_3 = arith.index_cast %add3A_2 : i32 to index
    %get3A_4 = memref.load %arg1[%get3A, %get3A_3] : memref<1x384xi32, #tpu.memory_space<smem>>
    %c0_i32 = arith.constant 0 : i32
    %c0_i32_5 = arith.constant 0 : i32
    %c0_i32_6 = arith.constant 0 : i32
    return %get3A_4, %c0_i32, %c0_i32_5 : i32, i32, i32
  }
  func.func @transform_10(%arg0: i32, %arg1: memref<1x384xi32, #tpu.memory_space<smem>>) -> (i32, i32, i32) {
    %sub3A = arith.constant 1 : i32
    %sub3A_0 = arith.subi %arg0, %sub3A : i32
    %max3A = arith.constant 0 : i32
    %max3A_1 = arith.maxsi %sub3A_0, %max3A : i32
    %add3A = arith.constant 0 : i32
    %add3A_2 = arith.addi %add3A, %max3A_1 : i32
    %get3A = arith.constant 0 : index
    %get3A_3 = arith.index_cast %add3A_2 : i32 to index
    %get3A_4 = memref.load %arg1[%get3A, %get3A_3] : memref<1x384xi32, #tpu.memory_space<smem>>
    %c0_i32 = arith.constant 0 : i32
    %c0_i32_5 = arith.constant 0 : i32
    %c0_i32_6 = arith.constant 0 : i32
    return %get3A_4, %c0_i32, %c0_i32_5 : i32, i32, i32
  }
  func.func @transform_11(%arg0: i32, %arg1: memref<1x384xi32, #tpu.memory_space<smem>>) -> i32 {
    %sub3A = arith.constant 1 : i32
    %sub3A_0 = arith.subi %arg0, %sub3A : i32
    %max3A = arith.constant 0 : i32
    %max3A_1 = arith.maxsi %sub3A_0, %max3A : i32
    %c0_i32 = arith.constant 0 : i32
    return %max3A_1 : i32
  }
}

</mosaic_0001>

<sc_bundles>
// kernel: kernel.12.cloned.1.call-start
scs
__scs_entry_jumppad:
0x0: {  	(pc) =	sbr.rel $0x88, $3  }
0x1: {  	(tag) =	ssettag $0x0;
	lr =	simm.s32 $0x1  }
0x2: {  	[smem:$0x3F95] =	sst lr;
	_ =	strace $0xD0000000  }
0x3: {  	_ = 	snop  }
0x4: {  	_ = 	snop  }
0x5: {  	_ = 	snop  }
0x6: {  	_ = 	snop  }
0x7: {  	_ = 	snop  }
__scs_overlays_trampoline_lowered:
0x8: {  	[smem:$0x3FA4] =	sst s0  }
0x9: {  	[smem:$0x3FA5] =	sst s1  }
0xa: {  	[smem:$0x3FA6] =	sst s2  }
0xb: {  	[smem:$0x3FA7] =	sst s3  }
0xc: {  	[smem:$0x3FA8] =	sst s4  }
0xd: {  	[smem:$0x3FA9] =	sst s5  }
0xe: {  	[smem:$0x3FAA] =	sst s6  }
0xf: {  	[smem:$0x3FAB] =	sst s7  }
0x10: {  	[smem:$0x3FAC] =	sst s8  }
0x11: {  	[smem:$0x3FAD] =	sst s9;
	s0 =	simm.s32 @!p0 $0x0  }
0x12: {  	s1 =	sld [smem:$0x3F93];
	s0 =	simm.s32 @p0 $0x1  }
0x13: {  	[smem:$0x3FAE] =	sst s0;
	s0 =	simm.s32 @!p1 $0x0  }
0x14: {  	s2 =	sld [smem:$0x3F92];
	s0 =	simm.s32 @p1 $0x1  }
0x15: {  	[smem:$0x3FAF] =	sst s0;
	s0 =	simm.s32 @!p2 $0x0  }
0x16: {  	s3 =	sld [smem:$0x3FDB];
	s0 =	simm.s32 @p2 $0x1  }
0x17: {  	s4 =	simm.s32 $0x1BF5;
	[smem:$0x3FB1] =	sst s0  }
0x18: {  	s0 =	sld [smem:$0x3F94];
	_ =	swait.ge [sflag:s4], $0x0  }
0x19: {  	s7 =	sld [smem:$0x3F95]  }
0x1a: {  	s8 =	sadd.s32 $0xFFFFE003, lr  }
0x1b: {  	s9 =	sadd.s32 $0xFFFFFEF7, lr;
	s5 =	simm.s32 $0xFFFFFFFF;
	p2 =	slt.u32 s8, $0xFFFFF086  }
0x1c: {  	p1 =	slt.u32 s9, $0xF7A;
	s5 =	simm.s32 @!p2 $0x0  }
0x1d: {  	s5 =	simm.s32 @p1 $0x1;
	p0 =	seq.s32 s7, s2  }
0x1e: {  	s7 =	smul.u32 @!p0 $0xF7A, s2;
	p2 =	seq.s32 @!p0 s5, $0x0  }
0x1f: {  	s9 =	smul.u32 $0xF7A, s1;
	s8 =	simm.s32 @!p0 $0x1BF5;
	p2 =	por !p2, p0  }
0x20: {  	[sflag:s8] =	ssyncset.s32 @!p0 $0xFFFFF086;
	s6 =	sadd.s32 @!p0 s3, s7;
	s7 =	simm.s32 @!p0 $0x108  }
0x21: {  	s3 =	sadd.s32 s3, s9;
	s6 =	sadd.s32 @!p0 $0x88, s6;
	s7 =	simm.s32 @p2 $0x1082  }
0x22: {  	[simem:s7], [sflag:s8] =	dma.local @!p0 [hbm:s6], $0xF7A  }
0x23: {  	s9 =	sor.u32 $0xD0000000, s2;
	s6 =	simm.s32 $0x108;
	_ =	swait.ge @!p0 [sflag:s8], $0x0  }
0x24: {  	s3 =	sadd.s32 $0x88, s3;
	s6 =	simm.s32 @!p1 $0x1082;
	[sflag:s4] =	ssyncset.s32 $0xFFFFF086  }
0x25: {  	[simem:s6], [sflag:s4] =	dma.local [hbm:s3], $0xF7A  }
0x26: {  	[smem:$0x3F95] =	sst s1;
	(tag) =	ssettag s2;
	_ =	strace s9  }
0x27: {  	s1 =	sld [smem:$0x3FA5]  }
0x28: {  	s2 =	sld [smem:$0x3FA6]  }
0x29: {  	s4 =	sld [smem:$0x3FA8]  }
0x2a: {  	p0 =	seq.s32 s5, $0x0;
	s5 =	sld [smem:$0x3FA9]  }
0x2b: {  	s6 =	sld [smem:$0x3FAA]  }
0x2c: {  	s7 =	sld [smem:$0x3FAB]  }
0x2d: {  	s3 =	simm.s32 $0x108;
	s8 =	sld [smem:$0x3FAC]  }
0x2e: {  	s3 =	simm.s32 @!p0 $0x1082;
	s9 =	sld [smem:$0x3FAD]  }
0x2f: {  	lr =	sadd.s32 s0, s3;
	s0 =	sld [smem:$0x3FA4]  }
0x30: {  	s3 =	sld [smem:$0x3FA7]  }
0x31: {  	[smem:$0x3FB0] =	sst s10  }
0x32: {  	s10 =	sld [smem:$0x3FAE];
	_ =	sdelay $0x3  }
0x33: {  	p0 =	seq.s32 s10, $0x1;
	s10 =	sld [smem:$0x3FB0];
	_ =	sdelay $0x3  }
0x34: {  	[smem:$0x3FB0] =	sst s10  }
0x35: {  	s10 =	sld [smem:$0x3FAF];
	_ =	sdelay $0x3  }
0x36: {  	p1 =	seq.s32 s10, $0x1;
	s10 =	sld [smem:$0x3FB0];
	_ =	sdelay $0x3  }
0x37: {  	[smem:$0x3FB0] =	sst s10  }
0x38: {  	s10 =	sld [smem:$0x3FB1]  }
0x39: {  	_ = 	snop;
	(pc) =	sbr.ind lr, $3  }
0x3a: {  	_ = 	snop  }
0x3b: {  	_ = 	snop  }
0x3c: {  	p2 =	seq.s32 s10, $0x1;
	s10 =	sld [smem:$0x3FB0]  }
0x3d: {  	_ =	shalt  }
0x3e: {  	_ =	shalt  }
0x3f: {  	_ =	shalt  }
0x40: {  	_ =	shalt  }
0x41: {  	_ =	shalt  }
0x42: {  	_ =	shalt  }
0x43: {  	_ =	shalt  }
0x44: {  	_ =	shalt  }
0x45: {  	_ =	shalt  }
0x46: {  	_ =	shalt  }
0x47: {  	_ =	shalt  }
0x48: {  	_ =	shalt  }
0x49: {  	_ =	shalt  }
0x4a: {  	_ =	shalt  }
0x4b: {  	_ =	shalt  }
0x4c: {  	_ =	shalt  }
0x4d: {  	_ =	shalt  }
0x4e: {  	_ =	shalt  }
0x4f: {  	_ =	shalt  }
0x50: {  	_ =	shalt  }
0x51: {  	_ =	shalt  }
0x52: {  	_ =	shalt  }
0x53: {  	_ =	shalt  }
0x54: {  	_ =	shalt  }
0x55: {  	_ =	shalt  }
0x56: {  	_ =	shalt  }
0x57: {  	_ =	shalt  }
0x58: {  	_ =	shalt  }
0x59: {  	_ =	shalt  }
0x5a: {  	_ =	shalt  }
0x5b: {  	_ =	shalt  }
0x5c: {  	_ =	shalt  }
0x5d: {  	_ =	shalt  }
0x5e: {  	_ =	shalt  }
0x5f: {  	_ =	shalt  }
0x60: {  	_ =	shalt  }
0x61: {  	_ =	shalt  }
0x62: {  	_ =	shalt  }
0x63: {  	_ =	shalt  }
0x64: {  	_ =	shalt  }
0x65: {  	_ =	shalt  }
0x66: {  	_ =	shalt  }
0x67: {  	_ =	shalt  }
0x68: {  	_ =	shalt  }
0x69: {  	_ =	shalt  }
0x6a: {  	_ =	shalt  }
0x6b: {  	_ =	shalt  }
0x6c: {  	_ =	shalt  }
0x6d: {  	_ =	shalt  }
0x6e: {  	_ =	shalt  }
0x6f: {  	_ =	shalt  }
0x70: {  	_ =	shalt  }
0x71: {  	_ =	shalt  }
0x72: {  	_ =	shalt  }
0x73: {  	_ =	shalt  }
0x74: {  	_ =	shalt  }
0x75: {  	_ =	shalt  }
0x76: {  	_ =	shalt  }
0x77: {  	_ =	shalt  }
0x78: {  	_ =	shalt  }
0x79: {  	_ =	shalt  }
0x7a: {  	_ =	shalt  }
0x7b: {  	_ =	shalt  }
0x7c: {  	_ =	shalt  }
0x7d: {  	_ =	shalt  }
0x7e: {  	_ =	shalt  }
0x7f: {  	_ =	shalt  }
0x80: {  	_ =	shalt  }
0x81: {  	_ =	shalt  }
0x82: {  	_ =	shalt  }
0x83: {  	_ =	shalt  }
0x84: {  	_ =	shalt  }
0x85: {  	_ =	shalt  }
0x86: {  	_ =	shalt  }
0x87: {  	_ =	shalt  }
.Lfunc_end0:
.L_simem_size_0:
called_computation_lowered:
.L_overlay_start_0:
0x88: {  	s2 =	sld [smem:$0x3FD9]  }
0x89: {  	s3 =	sld [smem:$0x3FFE];
	_ =	sdelay $0x1  }
0x8a: {  	s1 =	srdreg.scid  }
0x8b: {  	s0 =	sand.u32 $0x1, s1  }
0x8c: {  	s17 =	sshll.u32 s0, $0xA;
	s2 =	sadd.s32 s3, s2  }
0x8d: {  	s2 =	sadd.s32 s2, s17  }
0x8e: {  	[smem:$0x3FBC] =	sst s2  }
0x8f: {  	_ = 	snop  }
0x90: {  	s2 =	sld [smem:$0x3FC8]  }
0x91: {  	s18 =	sld [smem:$0x3FD0];
	(tm) =	ssettm $0x1  }
0x92: {  	s4 =	sld [smem:$0x3FFB];
	_ =	sdelay $0x3  }
0x93: {  	_ =	strace s4  }
0x94: {  	s4 =	sld [smem:$0x3FFC];
	_ =	sdelay $0x3  }
0x95: {  	_ =	strace s4  }
0x96: {  	s4 =	sld [smem:$0x3FFD];
	_ =	sdelay $0x3  }
0x97: {  	_ =	strace s4  }
0x98: {  	_ =	strace $0x8FFFFFFF  }
0x99: {  	s19 =	sld [smem:$0x3FDB];
	_ =	sdelay $0x1  }
0x9a: {  	s5 =	simm.s32 $_scs_section_size  }
0x9b: {  	s6 =	simm.s32 $_size__tile_overlayer_lowered;
	s7 =	simm.s32 $_tile_overlayer_lowered  }
0x9c: {  	s22 =	simm.s32 $0x1BFF;
	s21 =	sshll.u32 s7, $0x1;
	s4 =	sadd.s32 s5, s19  }
0x9d: {  	s8 =	simm.s32 $0x0;
	s20 =	sshll.u32 s6, $0x1;
	s6 =	sadd.s32 s21, s4  }
0x9e: {  	[timem:s8], [sflag:s22] =	dma.local [hbm:s6], s20  }
0x9f: {  	_ =	swait.ge [sflag:s22], s20  }
0xa0: {  	s5 =	ssub.s32 $0x0, s20;
	[sflag:s22] =	ssyncset.done $0x0  }
0xa1: {  	[sflag:s22] =	ssyncadd.s32 s5;
	_ =	sdelay $0x1  }
0xa2: {  	s23 =	simm.s32 $0x1B8B  }
0xa3: {  	_ =	swait.ge [sflag:s23], $0x1  }
0xa4: {  	[sflag:s23] =	ssyncset.done $0x0  }
0xa5: {  	s25 =	simm.s32 $0x1B8E;
	s24 =	sld [smem:$0x3FFE];
	[sflag:s23] =	ssyncadd.s32 $0xFFFFFFFF  }
0xa6: {  	s26 =	simm.s32 $execute0_lowered;
	[smem:$0x3FD2] =	sst s25  }
0xa7: {  	s6 =	sshll.u32 s26, $0x1;
	_ =	strace $0x80000046;
	[dreg:$0x1] =	wrdreg $0xFFFFFFFF  }
0xa8: {  	s28 =	simm.s32 $_size_execute0_lowered;
	s4 =	sadd.s32 s4, s6;
	[dreg:$0x0] =	wrdreg $0x0  }
0xa9: {  	s6 =	sshll.u32 s28, $0x1;
	[dreg:$0x2] =	wrdreg s4  }
0xaa: {  	[dreg:$0x3] =	wrdreg s6  }
0xab: {  	[dreg:$0x4] =	wrdreg $0xC0  }
0xac: {  	_ =	task [dreg:s8], $0x5FFFF  }
0xad: {  	[dreg:$0x1] =	wrdreg $0xFFFFFFFF  }
0xae: {  	[dreg:$0x0] =	wrdreg $0x60  }
0xaf: {  	[dreg:$0x2] =	wrdreg s2  }
0xb0: {  	[dreg:$0x3] =	wrdreg s18  }
0xb1: {  	[dreg:$0x4] =	wrdreg s24  }
0xb2: {  	[dreg:$0x5] =	wrdreg $0xA  }
0xb3: {  	_ =	task.clear_ibuf [dreg:s8], $0x6FFFF;
	_ =	strace $0x90000046  }
0xb4: {  	s29 =	simm.s32 $0xA;
	_ =	strace $0x80000048  }
0xb5: {  	_ =	swait.ge [sflag:s29], $0x1  }
0xb6: {  	[sflag:s29] =	ssyncadd.s32 $0xFFFFFFFF  }
0xb7: {  	_ =	strace $0x90000048  }
0xb8: {  	_ =	sfence  }
0xb9: {  	s30 =	sld [smem:$0x0];
	_ =	sdelay $0x2  }
0xba: {  	s31 =	sshll.u32 s1, $0xD;
	s1 =	sshrl.u32 s1, $0x2  }
0xbb: {  	s3 =	sand.u32 $0x4000, s31;
	s1 =	sadd.s32 s1, s30  }
0xbc: {  	s0 =	sor.u32 s3, s0;
	s1 =	sshll.u32 s1, $0x11  }
0xbd: {  	s0 =	sor.u32 s1, s0  }
0xbe: {  	s0 =	sadd.s32 $0x8F2B, s0  }
0xbf: {  	[sflag:s0] =	ssyncadd.remote.s32 $0x1  }
0xc0: {  	_ =	sfence.sel $0xFFFF  }
0xc1: {  	[dreg:$0x0] =	wrdreg $0xFFFFFFFF;
	(pc) =	sbr.abs _section_cstart, $3  }
0xc2: {  	[dreg:$0x1] =	wrdreg $0xFFFFFFFF  }
0xc3: {  	_ =	task.clear_ibuf [dreg:s8], $0x2FFFF;
	_ =	strace $0x9FFFFFFF  }
0xc4: {  	(tm) =	ssettm $0x7FFFFFFF  }
0xc5: {  	_ =	shalt  }
tec
execute0_lowered:
.L_overlay_start_1:
0x0: {  	(tag) =	ssettag $0x1  }
0x1: {  	s3 =	rddreg [dreg:$0x0];
	s1 =	srdreg.scid  }
0x2: {  	s5 =	rddreg [dreg:$0x1];
	s0 =	stileid.u32  }
0x3: {  	s2 =	simm.s32 $0x0;
	s4 =	sand.u32 $0x1, s1;
	s1 =	rddreg [dreg:$0x2]  }
0x4: {  	s7 =	sshll.u32 s0, $0x5;
	[smem:$0x7FF] =	sst s2;
	s0 =	simm.s32 $0x900  }
0x5: {  	s9 =	simm.s32 $0x2500;
	_ =	strace $0x80000047;
	[dreg:$0x8] =	wrdreg s0  }
0x6: {  	s10 =	simm.s32 $0x2D00;
	[dreg:$0xd] =	wrdreg s9  }
0x7: {  	s11 =	simm.s32 $0x3100;
	[dreg:$0xe] =	wrdreg s10  }
0x8: {  	s12 =	simm.s32 $0x3900;
	[dreg:$0xf] =	wrdreg s11  }
0x9: {  	s13 =	simm.s32 $0x3D00;
	[dreg:$0x10] =	wrdreg s12  }
0xa: {  	s14 =	simm.s32 $0x4500;
	[dreg:$0x11] =	wrdreg s13  }
0xb: {  	s15 =	simm.s32 $0x4900;
	[dreg:$0x12] =	wrdreg s14  }
0xc: {  	s16 =	simm.s32 $0x5100;
	[dreg:$0x13] =	wrdreg s15  }
0xd: {  	s17 =	simm.s32 $0x5500;
	[dreg:$0x14] =	wrdreg s16  }
0xe: {  	s18 =	simm.s32 $0x5D00;
	[dreg:$0x15] =	wrdreg s17  }
0xf: {  	s19 =	simm.s32 $0x6100;
	[dreg:$0x16] =	wrdreg s18  }
0x10: {  	s20 =	simm.s32 $0x6900;
	[dreg:$0x17] =	wrdreg s19  }
0x11: {  	s21 =	simm.s32 $0x6D00;
	[dreg:$0x18] =	wrdreg s20  }
0x12: {  	s22 =	simm.s32 $0x7500;
	[dreg:$0x19] =	wrdreg s21  }
0x13: {  	s23 =	simm.s32 $0x7900;
	[dreg:$0x1a] =	wrdreg s22  }
0x14: {  	s24 =	simm.s32 $0x8100;
	[dreg:$0x1b] =	wrdreg s23  }
0x15: {  	s25 =	simm.s32 $0x8500;
	[dreg:$0x1c] =	wrdreg s24  }
0x16: {  	[dreg:$0x1d] =	wrdreg s25;
	s0 =	simm.s32 $0x9100  }
0x17: {  	s9 =	simm.s32 $0xB100;
	[dreg:$0x1f] =	wrdreg s0  }
0x18: {  	s10 =	simm.s32 $0xB500;
	[smem:$0x7ED] =	sst s9  }
0x19: {  	s11 =	simm.s32 $0xBD00;
	[smem:$0x7EE] =	sst s10  }
0x1a: {  	s12 =	simm.s32 $0x80;
	[smem:$0x7EF] =	sst s11  }
0x1b: {  	s13 =	simm.s32 $0xC900;
	[smem:$0x7F0] =	sst s12  }
0x1c: {  	s14 =	simm.s32 $0xCD00;
	[smem:$0x7F1] =	sst s13  }
0x1d: {  	s28 =	simm.s32 $0x17100;
	s15 =	simm.s32 $0xD500;
	[smem:$0x7F2] =	sst s14  }
0x1e: {  	s29 =	simm.s32 $0x17500;
	s17 =	simm.s32 $0xD900;
	[smem:$0x7F3] =	sst s15  }
0x1f: {  	s30 =	simm.s32 $0x17D00;
	s18 =	simm.s32 $0xE100;
	[smem:$0x7F4] =	sst s17  }
0x20: {  	s31 =	simm.s32 $0x5;
	s19 =	simm.s32 $0xE500;
	[smem:$0x7F5] =	sst s18  }
0x21: {  	s6 =	sshll.u32 s4, $0x9;
	s20 =	simm.s32 $0xED00;
	[smem:$0x7F6] =	sst s19  }
0x22: {  	s4 =	ssub.s32 $0x2, s4;
	s21 =	simm.s32 $0xF100;
	[smem:$0x7F7] =	sst s20  }
0x23: {  	s22 =	simm.s32 $0xF900;
	s23 =	simm.s32 $0xFD00;
	[smem:$0x7F8] =	sst s21  }
0x24: {  	s24 =	simm.s32 $0x10500;
	s25 =	simm.s32 $0x10900;
	[smem:$0x7F9] =	sst s22  }
0x25: {  	s6 =	sor.u32 s7, s6;
	s16 =	sshrl.u32 s4, $0x1;
	[smem:$0x7FA] =	sst s23  }
0x26: {  	s9 =	simm.s32 $0xC100;
	s10 =	simm.s32 $0x2;
	[smem:$0x7FB] =	sst s24  }
0x27: {  	s11 =	simm.s32 $0x4;
	[smem:$0x7FC] =	sst s25;
	s14 =	simm.s32 $0x12100  }
0x28: {  	s15 =	simm.s32 $0x12900;
	s17 =	simm.s32 $0x13500;
	s18 =	simm.s32 $0x13900  }
0x29: {  	s7 =	smul.u32 $0x180, s6;
	s8 =	sadd.s32 s5, s6;
	s6 =	sor.u32 $0x10, s6  }
0x2a: {  	s19 =	simm.s32 $0x14100;
	[dreg:$0x4] =	wrdreg s8;
	s5 =	sadd.s32 s5, s6  }
0x2b: {  	s26 =	smul.u32 $0x180, s6;
	s6 =	simm.s32 $0x1500;
	[dreg:$0x6] =	wrdreg s5  }
0x2c: {  	s20 =	simm.s32 $0x14500;
	s8 =	simm.s32 $0x2100;
	[dreg:$0xa] =	wrdreg s6  }
0x2d: {  	s21 =	simm.s32 $0x14D00;
	s7 =	sadd.s32 s3, s7;
	[dreg:$0xc] =	wrdreg s8  }
0x2e: {  	s22 =	simm.s32 $0x15100;
	s5 =	simm.s32 $0xD00;
	[dreg:$0x5] =	wrdreg s7  }
0x2f: {  	s23 =	simm.s32 $0x15900;
	s6 =	simm.s32 $0x9D00;
	[dreg:$0x9] =	wrdreg s5  }
0x30: {  	s24 =	simm.s32 $0x15D00;
	s8 =	simm.s32 $0xA900;
	[smem:$0x7EA] =	sst s6  }
0x31: {  	s25 =	simm.s32 $0x16500;
	s3 =	sadd.s32 s3, s26;
	[smem:$0x7EC] =	sst s8  }
0x32: {  	s7 =	simm.s32 $0x1900;
	s26 =	simm.s32 $0x8D00;
	[dreg:$0x7] =	wrdreg s3  }
0x33: {  	s5 =	simm.s32 $0x9900;
	s6 =	ssub.s32 s4, s16;
	[dreg:$0xb] =	wrdreg s7  }
0x34: {  	s4 =	sadd.s32 $0x4100, s1;
	s8 =	simm.s32 $0x3;
	[dreg:$0x1e] =	wrdreg s26  }
0x35: {  	s16 =	simm.s32 $0x12D00;
	[smem:$0x7E9] =	sst s5;
	s7 =	simm.s32 $0xA500  }
0x36: {  	v2 =	vlaneseq.u32;
	s3 =	sadd.s32 $0x4000, s1;
	s5 =	smax.u32 s6, $0x1;
	s6 =	simm.s32 $0x100  }
0x37: {  	vm0 =	vmmov $0xffff;
	vm1 =	vmmov $0xff;
	v1 =	vshrl.u32 v2, $0x3;
	s26 =	simm.s32 $0x11100;
	s1 =	simm.s32 $0x6;
	[smem:$0x7EB] =	sst s7  }
0x38: {  	v0 =	vand.u32 $0x7, v2;
	v2 =	vor.u32 $0x8, v2;
	v1 =	vmul.u32 $0x8, v1;
	s7 =	simm.s32 $0x1;
	[smem:$0x7FD] =	sst s26;
	s26 =	simm.s32 $0x16900  }
.LBB2_1:
0x39: {  	s0 =	rddreg [dreg:$0x4]  }
0x3a: {  	[tilespmem:s2], [sflag:$0x1] =	stream.linear.gather [hbm4b:s0+s2], $0x80, $0x38;
	[tilespmem:$0x18100] =	vst v63  }
0x3b: {  	s12 =	rddreg [dreg:$0x5]  }
0x3c: {  	[tilespmem:s6], [sflag:$0x3] =	stream.linear.gather [hbm4b:s12+s2], $0xC000, $0x38;
	[tilespmem:$0x18100] =	vst v63  }
0x3d: {  	_ =	swait.ge [sflag:s7], $0x80  }
0x3e: {  	[sflag:s7] =	ssyncset.done $0x0  }
0x3f: {  	[sflag:s7] =	ssyncadd.s32 $0xFFFFFF80  }
0x40: {  	_ =	swait.ge [sflag:s8], $0xC000  }
0x41: {  	[sflag:s8] =	ssyncset.done $0x0  }
0x42: {  	[sflag:s8] =	ssyncadd.s32 $0xFFFF4000  }
0x43: {  	v3 =	vld [tilespmem:$0x0];
	_ =	sdelay $0x4  }
0x44: {  	v4 =	vshrl.u32 v3, $0x3  }
0x45: {  	v4 =	vmul.u32 $0x18, v4  }
0x46: {  	v3 =	vand.u32 $0x7, v3  }
0x47: {  	v3 =	vor.u32 v3, v4  }
0x48: {  	v4 =	vperm.xlane v3, v0;
	_ =	sdelay $0x1  }
0x49: {  	v4 =	vadd.s32 v1, v4;
	_ =	sdelay $0x1  }
0x4a: {  	v3 =	vperm.xlane v3, v2;
	_ =	sdelay $0x1  }
0x4b: {  	v3 =	vadd.s32 v1, v3  }
0x4c: {  	[hbm4b:s3+s2] =	stream.indirect_vreg.scatter [tilespmem:s6], [sflag:$0x5], $0x80, v4, vm0, $0xb8;
	[tilespmem:$0x18100] =	vst v63  }
0x4d: {  	s13 =	rddreg [dreg:$0x8]  }
0x4e: {  	[hbm4b:s4+s2] =	stream.indirect_vreg.scatter [tilespmem:s13], [sflag:$0x5], $0x80, v4, vm1, $0xb8;
	[tilespmem:$0x18100] =	vst v63  }
0x4f: {  	s12 =	rddreg [dreg:$0x9]  }
0x50: {  	[hbm4b:s3+s2] =	stream.indirect_vreg.scatter [tilespmem:s12], [sflag:$0x5], $0x80, v3, vm0, $0xb8;
	[tilespmem:$0x18100] =	vst v63  }
0x51: {  	s13 =	rddreg [dreg:$0xa]  }
0x52: {  	[hbm4b:s4+s2] =	stream.indirect_vreg.scatter [tilespmem:s13], [sflag:$0x5], $0x80, v3, vm1, $0xb8;
	[tilespmem:$0x18100] =	vst v63  }
0x53: {  	v3 =	vld [tilespmem:$0x10];
	_ =	sdelay $0x4  }
0x54: {  	v49 =	vshrl.u32 v3, $0x3  }
0x55: {  	v4 =	vmul.u32 $0x18, v49  }
0x56: {  	v3 =	vand.u32 $0x7, v3  }
0x57: {  	v3 =	vor.u32 v3, v4  }
0x58: {  	v4 =	vperm.xlane v3, v0;
	_ =	sdelay $0x1  }
0x59: {  	v4 =	vadd.s32 v1, v4;
	_ =	sdelay $0x1  }
0x5a: {  	v3 =	vperm.xlane v3, v2;
	_ =	sdelay $0x1  }
0x5b: {  	s12 =	rddreg [dreg:$0xb];
	v3 =	vadd.s32 v1, v3  }
0x5c: {  	[hbm4b:s3+s2] =	stream.indirect_vreg.scatter [tilespmem:s12], [sflag:$0x5], $0x80, v4, vm0, $0xb8;
	[tilespmem:$0x18100] =	vst v63  }
0x5d: {  	s13 =	rddreg [dreg:$0xc]  }
0x5e: {  	[hbm4b:s4+s2] =	stream.indirect_vreg.scatter [tilespmem:s13], [sflag:$0x5], $0x80, v4, vm1, $0xb8;
	[tilespmem:$0x18100] =	vst v63  }
0x5f: {  	s0 =	rddreg [dreg:$0xd]  }
0x60: {  	[hbm4b:s3+s2] =	stream.indirect_vreg.scatter [tilespmem:s0], [sflag:$0x5], $0x80, v3, vm0, $0xb8;
	[tilespmem:$0x18100] =	vst v63  }
0x61: {  	s13 =	rddreg [dreg:$0xe]  }
0x62: {  	[hbm4b:s4+s2] =	stream.indirect_vreg.scatter [tilespmem:s13], [sflag:$0x5], $0x80, v3, vm1, $0xb8;
	[tilespmem:$0x18100] =	vst v63  }
0x63: {  	v3 =	vld [tilespmem:$0x20];
	_ =	sdelay $0x4  }
0x64: {  	v50 =	vshrl.u32 v3, $0x3  }
0x65: {  	v4 =	vmul.u32 $0x18, v50  }
0x66: {  	v3 =	vand.u32 $0x7, v3  }
0x67: {  	v3 =	vor.u32 v3, v4  }
0x68: {  	v4 =	vperm.xlane v3, v0;
	_ =	sdelay $0x1  }
0x69: {  	v4 =	vadd.s32 v1, v4;
	_ =	sdelay $0x1  }
0x6a: {  	v3 =	vperm.xlane v3, v2;
	_ =	sdelay $0x1  }
0x6b: {  	s12 =	rddreg [dreg:$0xf];
	v3 =	vadd.s32 v1, v3  }
0x6c: {  	[hbm4b:s3+s2] =	stream.indirect_vreg.scatter [tilespmem:s12], [sflag:$0x5], $0x80, v4, vm0, $0xb8;
	[tilespmem:$0x18100] =	vst v63  }
0x6d: {  	s13 =	rddreg [dreg:$0x10]  }
0x6e: {  	[hbm4b:s4+s2] =	stream.indirect_vreg.scatter [tilespmem:s13], [sflag:$0x5], $0x80, v4, vm1, $0xb8;
	[tilespmem:$0x18100] =	vst v63  }
0x6f: {  	s0 =	rddreg [dreg:$0x11]  }
0x70: {  	[hbm4b:s3+s2] =	stream.indirect_vreg.scatter [tilespmem:s0], [sflag:$0x5], $0x80, v3, vm0, $0xb8;
	[tilespmem:$0x18100] =	vst v63  }
0x71: {  	s13 =	rddreg [dreg:$0x12]  }
0x72: {  	[hbm4b:s4+s2] =	stream.indirect_vreg.scatter [tilespmem:s13], [sflag:$0x5], $0x80, v3, vm1, $0xb8;
	[tilespmem:$0x18100] =	vst v63  }
0x73: {  	v3 =	vld [tilespmem:$0x30];
	_ =	sdelay $0x4  }
0x74: {  	v51 =	vshrl.u32 v3, $0x3  }
0x75: {  	v4 =	vmul.u32 $0x18, v51  }
0x76: {  	v3 =	vand.u32 $0x7, v3  }
0x77: {  	v3 =	vor.u32 v3, v4  }
0x78: {  	v4 =	vperm.xlane v3, v0;
	_ =	sdelay $0x1  }
0x79: {  	v4 =	vadd.s32 v1, v4;
	_ =	sdelay $0x1  }
0x7a: {  	v3 =	vperm.xlane v3, v2;
	_ =	sdelay $0x1  }
0x7b: {  	s12 =	rddreg [dreg:$0x13];
	v3 =	vadd.s32 v1, v3  }
0x7c: {  	[hbm4b:s3+s2] =	stream.indirect_vreg.scatter [tilespmem:s12], [sflag:$0x5], $0x80, v4, vm0, $0xb8;
	[tilespmem:$0x18100] =	vst v63  }
0x7d: {  	s13 =	rddreg [dreg:$0x14]  }
0x7e: {  	[hbm4b:s4+s2] =	stream.indirect_vreg.scatter [tilespmem:s13], [sflag:$0x5], $0x80, v4, vm1, $0xb8;
	[tilespmem:$0x18100] =	vst v63  }
0x7f: {  	s0 =	rddreg [dreg:$0x15]  }
0x80: {  	[hbm4b:s3+s2] =	stream.indirect_vreg.scatter [tilespmem:s0], [sflag:$0x5], $0x80, v3, vm0, $0xb8;
	[tilespmem:$0x18100] =	vst v63  }
0x81: {  	s13 =	rddreg [dreg:$0x16]  }
0x82: {  	[hbm4b:s4+s2] =	stream.indirect_vreg.scatter [tilespmem:s13], [sflag:$0x5], $0x80, v3, vm1, $0xb8;
	[tilespmem:$0x18100] =	vst v63  }
0x83: {  	v3 =	vld [tilespmem:$0x40];
	_ =	sdelay $0x4  }
0x84: {  	v52 =	vshrl.u32 v3, $0x3  }
0x85: {  	v4 =	vmul.u32 $0x18, v52  }
0x86: {  	v3 =	vand.u32 $0x7, v3  }
0x87: {  	v3 =	vor.u32 v3, v4  }
0x88: {  	v4 =	vperm.xlane v3, v0;
	_ =	sdelay $0x1  }
0x89: {  	v4 =	vadd.s32 v1, v4;
	_ =	sdelay $0x1  }
0x8a: {  	v3 =	vperm.xlane v3, v2;
	_ =	sdelay $0x1  }
0x8b: {  	s12 =	rddreg [dreg:$0x17];
	v3 =	vadd.s32 v1, v3  }
0x8c: {  	[hbm4b:s3+s2] =	stream.indirect_vreg.scatter [tilespmem:s12], [sflag:$0x5], $0x80, v4, vm0, $0xb8;
	[tilespmem:$0x18100] =	vst v63  }
0x8d: {  	s13 =	rddreg [dreg:$0x18]  }
0x8e: {  	[hbm4b:s4+s2] =	stream.indirect_vreg.scatter [tilespmem:s13], [sflag:$0x5], $0x80, v4, vm1, $0xb8;
	[tilespmem:$0x18100] =	vst v63  }
0x8f: {  	s0 =	rddreg [dreg:$0x19]  }
0x90: {  	[hbm4b:s3+s2] =	stream.indirect_vreg.scatter [tilespmem:s0], [sflag:$0x5], $0x80, v3, vm0, $0xb8;
	[tilespmem:$0x18100] =	vst v63  }
0x91: {  	s13 =	rddreg [dreg:$0x1a]  }
0x92: {  	[hbm4b:s4+s2] =	stream.indirect_vreg.scatter [tilespmem:s13], [sflag:$0x5], $0x80, v3, vm1, $0xb8;
	[tilespmem:$0x18100] =	vst v63  }
0x93: {  	v3 =	vld [tilespmem:$0x50];
	_ =	sdelay $0x4  }
0x94: {  	v53 =	vshrl.u32 v3, $0x3  }
0x95: {  	v4 =	vmul.u32 $0x18, v53  }
0x96: {  	v3 =	vand.u32 $0x7, v3  }
0x97: {  	v3 =	vor.u32 v3, v4  }
0x98: {  	v4 =	vperm.xlane v3, v0;
	_ =	sdelay $0x1  }
0x99: {  	v4 =	vadd.s32 v1, v4;
	_ =	sdelay $0x1  }
0x9a: {  	v3 =	vperm.xlane v3, v2;
	_ =	sdelay $0x1  }
0x9b: {  	s12 =	rddreg [dreg:$0x1b];
	v3 =	vadd.s32 v1, v3  }
0x9c: {  	[hbm4b:s3+s2] =	stream.indirect_vreg.scatter [tilespmem:s12], [sflag:$0x5], $0x80, v4, vm0, $0xb8;
	[tilespmem:$0x18100] =	vst v63  }
0x9d: {  	s13 =	rddreg [dreg:$0x1c]  }
0x9e: {  	[hbm4b:s4+s2] =	stream.indirect_vreg.scatter [tilespmem:s13], [sflag:$0x5], $0x80, v4, vm1, $0xb8;
	[tilespmem:$0x18100] =	vst v63  }
0x9f: {  	s0 =	rddreg [dreg:$0x1d]  }
0xa0: {  	[hbm4b:s3+s2] =	stream.indirect_vreg.scatter [tilespmem:s0], [sflag:$0x5], $0x80, v3, vm0, $0xb8;
	[tilespmem:$0x18100] =	vst v63  }
0xa1: {  	s13 =	rddreg [dreg:$0x1e]  }
0xa2: {  	[hbm4b:s4+s2] =	stream.indirect_vreg.scatter [tilespmem:s13], [sflag:$0x5], $0x80, v3, vm1, $0xb8;
	[tilespmem:$0x18100] =	vst v63  }
0xa3: {  	v3 =	vld [tilespmem:$0x60];
	_ =	sdelay $0x4  }
0xa4: {  	v54 =	vshrl.u32 v3, $0x3  }
0xa5: {  	v4 =	vmul.u32 $0x18, v54  }
0xa6: {  	v3 =	vand.u32 $0x7, v3  }
0xa7: {  	v3 =	vor.u32 v3, v4  }
0xa8: {  	v4 =	vperm.xlane v3, v0;
	_ =	sdelay $0x1  }
0xa9: {  	v4 =	vadd.s32 v1, v4;
	_ =	sdelay $0x1  }
0xaa: {  	v3 =	vperm.xlane v3, v2  }
0xab: {  	s12 =	rddreg [dreg:$0x1f]  }
0xac: {  	s13 =	sld [smem:$0x7E9];
	v3 =	vadd.s32 v1, v3  }
0xad: {  	[hbm4b:s3+s2] =	stream.indirect_vreg.scatter [tilespmem:s12], [sflag:$0x5], $0x80, v4, vm0, $0xb8;
	[tilespmem:$0x18100] =	vst v63  }
0xae: {  	s0 =	sld [smem:$0x7EA]  }
0xaf: {  	[hbm4b:s4+s2] =	stream.indirect_vreg.scatter [tilespmem:s13], [sflag:$0x5], $0x80, v4, vm1, $0xb8;
	[tilespmem:$0x18100] =	vst v63  }
0xb0: {  	s13 =	sld [smem:$0x7EB]  }
0xb1: {  	[hbm4b:s3+s2] =	stream.indirect_vreg.scatter [tilespmem:s0], [sflag:$0x5], $0x80, v3, vm0, $0xb8;
	[tilespmem:$0x18100] =	vst v63  }
0xb2: {  	_ = 	snop  }
0xb3: {  	[hbm4b:s4+s2] =	stream.indirect_vreg.scatter [tilespmem:s13], [sflag:$0x5], $0x80, v3, vm1, $0xb8;
	[tilespmem:$0x18100] =	vst v63  }
0xb4: {  	v3 =	vld [tilespmem:$0x70];
	_ =	sdelay $0x4  }
0xb5: {  	v55 =	vshrl.u32 v3, $0x3  }
0xb6: {  	v4 =	vmul.u32 $0x18, v55  }
0xb7: {  	v3 =	vand.u32 $0x7, v3  }
0xb8: {  	v3 =	vor.u32 v3, v4  }
0xb9: {  	v4 =	vperm.xlane v3, v0;
	_ =	sdelay $0x1  }
0xba: {  	v4 =	vadd.s32 v1, v4;
	_ =	sdelay $0x1  }
0xbb: {  	s13 =	sld [smem:$0x7EC];
	v3 =	vperm.xlane v3, v2;
	_ =	sdelay $0x1  }
0xbc: {  	s12 =	sld [smem:$0x7ED];
	v3 =	vadd.s32 v1, v3  }
0xbd: {  	[hbm4b:s3+s2] =	stream.indirect_vreg.scatter [tilespmem:s13], [sflag:$0x5], $0x80, v4, vm0, $0xb8;
	[tilespmem:$0x18100] =	vst v63  }
0xbe: {  	s13 =	sld [smem:$0x7EE]  }
0xbf: {  	[hbm4b:s4+s2] =	stream.indirect_vreg.scatter [tilespmem:s12], [sflag:$0x5], $0x80, v4, vm1, $0xb8;
	[tilespmem:$0x18100] =	vst v63  }
0xc0: {  	s0 =	sld [smem:$0x7EF]  }
0xc1: {  	[hbm4b:s3+s2] =	stream.indirect_vreg.scatter [tilespmem:s13], [sflag:$0x5], $0x80, v3, vm0, $0xb8;
	[tilespmem:$0x18100] =	vst v63  }
0xc2: {  	s13 =	sld [smem:$0x7F0]  }
0xc3: {  	[hbm4b:s4+s2] =	stream.indirect_vreg.scatter [tilespmem:s0], [sflag:$0x5], $0x80, v3, vm1, $0xb8;
	[tilespmem:$0x18100] =	vst v63  }
0xc4: {  	s12 =	rddreg [dreg:$0x6]  }
0xc5: {  	[tilespmem:s13], [sflag:$0x2] =	stream.linear.gather [hbm4b:s12+s2], $0x80, $0x38;
	[tilespmem:$0x18100] =	vst v63  }
0xc6: {  	s0 =	rddreg [dreg:$0x7]  }
0xc7: {  	[tilespmem:s9], [sflag:$0x4] =	stream.linear.gather [hbm4b:s0+s2], $0xC000, $0x38;
	[tilespmem:$0x18100] =	vst v63  }
0xc8: {  	_ =	swait.ge [sflag:s10], $0x80  }
0xc9: {  	[sflag:s10] =	ssyncset.done $0x0  }
0xca: {  	[sflag:s10] =	ssyncadd.s32 $0xFFFFFF80  }
0xcb: {  	_ =	swait.ge [sflag:s11], $0xC000  }
0xcc: {  	[sflag:s11] =	ssyncset.done $0x0  }
0xcd: {  	[sflag:s11] =	ssyncadd.s32 $0xFFFF4000  }
0xce: {  	v3 =	vld [tilespmem:$0x80];
	_ =	sdelay $0x4  }
0xcf: {  	v56 =	vshrl.u32 v3, $0x3  }
0xd0: {  	v4 =	vmul.u32 $0x18, v56  }
0xd1: {  	v3 =	vand.u32 $0x7, v3  }
0xd2: {  	v3 =	vor.u32 v3, v4  }
0xd3: {  	v4 =	vperm.xlane v3, v0;
	_ =	sdelay $0x1  }
0xd4: {  	v4 =	vadd.s32 v1, v4;
	_ =	sdelay $0x1  }
0xd5: {  	v3 =	vperm.xlane v3, v2;
	_ =	sdelay $0x1  }
0xd6: {  	s13 =	sld [smem:$0x7F1];
	v3 =	vadd.s32 v1, v3  }
0xd7: {  	[hbm4b:s3+s2] =	stream.indirect_vreg.scatter [tilespmem:s9], [sflag:$0x6], $0x80, v4, vm0, $0xb8;
	[tilespmem:$0x18100] =	vst v63  }
0xd8: {  	s12 =	sld [smem:$0x7F2]  }
0xd9: {  	[hbm4b:s4+s2] =	stream.indirect_vreg.scatter [tilespmem:s13], [sflag:$0x6], $0x80, v4, vm1, $0xb8;
	[tilespmem:$0x18100] =	vst v63  }
0xda: {  	s13 =	sld [smem:$0x7F3]  }
0xdb: {  	[hbm4b:s3+s2] =	stream.indirect_vreg.scatter [tilespmem:s12], [sflag:$0x6], $0x80, v3, vm0, $0xb8;
	[tilespmem:$0x18100] =	vst v63  }
0xdc: {  	_ = 	snop  }
0xdd: {  	[hbm4b:s4+s2] =	stream.indirect_vreg.scatter [tilespmem:s13], [sflag:$0x6], $0x80, v3, vm1, $0xb8;
	[tilespmem:$0x18100] =	vst v63  }
0xde: {  	v3 =	vld [tilespmem:$0x90];
	_ =	sdelay $0x4  }
0xdf: {  	v57 =	vshrl.u32 v3, $0x3  }
0xe0: {  	v4 =	vmul.u32 $0x18, v57  }
0xe1: {  	v3 =	vand.u32 $0x7, v3  }
0xe2: {  	v3 =	vor.u32 v3, v4  }
0xe3: {  	v4 =	vperm.xlane v3, v0;
	_ =	sdelay $0x1  }
0xe4: {  	v4 =	vadd.s32 v1, v4;
	_ =	sdelay $0x1  }
0xe5: {  	s12 =	sld [smem:$0x7F4];
	v3 =	vperm.xlane v3, v2;
	_ =	sdelay $0x1  }
0xe6: {  	s13 =	sld [smem:$0x7F5];
	v3 =	vadd.s32 v1, v3  }
0xe7: {  	[hbm4b:s3+s2] =	stream.indirect_vreg.scatter [tilespmem:s12], [sflag:$0x6], $0x80, v4, vm0, $0xb8;
	[tilespmem:$0x18100] =	vst v63  }
0xe8: {  	s0 =	sld [smem:$0x7F6]  }
0xe9: {  	[hbm4b:s4+s2] =	stream.indirect_vreg.scatter [tilespmem:s13], [sflag:$0x6], $0x80, v4, vm1, $0xb8;
	[tilespmem:$0x18100] =	vst v63  }
0xea: {  	s13 =	sld [smem:$0x7F7]  }
0xeb: {  	[hbm4b:s3+s2] =	stream.indirect_vreg.scatter [tilespmem:s0], [sflag:$0x6], $0x80, v3, vm0, $0xb8;
	[tilespmem:$0x18100] =	vst v63  }
0xec: {  	_ = 	snop  }
0xed: {  	[hbm4b:s4+s2] =	stream.indirect_vreg.scatter [tilespmem:s13], [sflag:$0x6], $0x80, v3, vm1, $0xb8;
	[tilespmem:$0x18100] =	vst v63  }
0xee: {  	v3 =	vld [tilespmem:$0xA0];
	_ =	sdelay $0x4  }
0xef: {  	v58 =	vshrl.u32 v3, $0x3  }
0xf0: {  	v4 =	vmul.u32 $0x18, v58  }
0xf1: {  	v3 =	vand.u32 $0x7, v3  }
0xf2: {  	v3 =	vor.u32 v3, v4  }
0xf3: {  	v4 =	vperm.xlane v3, v0;
	_ =	sdelay $0x1  }
0xf4: {  	v4 =	vadd.s32 v1, v4;
	_ =	sdelay $0x1  }
0xf5: {  	s12 =	sld [smem:$0x7F8];
	v3 =	vperm.xlane v3, v2;
	_ =	sdelay $0x1  }
0xf6: {  	s13 =	sld [smem:$0x7F9];
	v3 =	vadd.s32 v1, v3  }
0xf7: {  	[hbm4b:s3+s2] =	stream.indirect_vreg.scatter [tilespmem:s12], [sflag:$0x6], $0x80, v4, vm0, $0xb8;
	[tilespmem:$0x18100] =	vst v63  }
0xf8: {  	s0 =	sld [smem:$0x7FA]  }
0xf9: {  	[hbm4b:s4+s2] =	stream.indirect_vreg.scatter [tilespmem:s13], [sflag:$0x6], $0x80, v4, vm1, $0xb8;
	[tilespmem:$0x18100] =	vst v63  }
0xfa: {  	s13 =	sld [smem:$0x7FB]  }
0xfb: {  	[hbm4b:s3+s2] =	stream.indirect_vreg.scatter [tilespmem:s0], [sflag:$0x6], $0x80, v3, vm0, $0xb8;
	[tilespmem:$0x18100] =	vst v63  }
0xfc: {  	_ = 	snop  }
0xfd: {  	[hbm4b:s4+s2] =	stream.indirect_vreg.scatter [tilespmem:s13], [sflag:$0x6], $0x80, v3, vm1, $0xb8;
	[tilespmem:$0x18100] =	vst v63  }
0xfe: {  	v3 =	vld [tilespmem:$0xB0];
	_ =	sdelay $0x4  }
0xff: {  	v59 =	vshrl.u32 v3, $0x3  }
0x100: {  	v4 =	vmul.u32 $0x18, v59  }
0x101: {  	v3 =	vand.u32 $0x7, v3  }
0x102: {  	v3 =	vor.u32 v3, v4  }
0x103: {  	v4 =	vperm.xlane v3, v0;
	_ =	sdelay $0x1  }
0x104: {  	v4 =	vadd.s32 v1, v4;
	_ =	sdelay $0x1  }
0x105: {  	s12 =	sld [smem:$0x7FC];
	v3 =	vperm.xlane v3, v2;
	_ =	sdelay $0x1  }
0x106: {  	s13 =	sld [smem:$0x7FD];
	v3 =	vadd.s32 v1, v3  }
0x107: {  	[hbm4b:s3+s2] =	stream.indirect_vreg.scatter [tilespmem:s12], [sflag:$0x6], $0x80, v4, vm0, $0xb8;
	[tilespmem:$0x18100] =	vst v63  }
0x108: {  	_ = 	snop  }
0x109: {  	[hbm4b:s4+s2] =	stream.indirect_vreg.scatter [tilespmem:s13], [sflag:$0x6], $0x80, v4, vm1, $0xb8;
	[tilespmem:$0x18100] =	vst v63  }
0x10a: {  	s12 =	simm.s32 $0x11500  }
0x10b: {  	[hbm4b:s3+s2] =	stream.indirect_vreg.scatter [tilespmem:s12], [sflag:$0x6], $0x80, v3, vm0, $0xb8;
	[tilespmem:$0x18100] =	vst v63  }
0x10c: {  	s13 =	simm.s32 $0x11D00  }
0x10d: {  	[hbm4b:s4+s2] =	stream.indirect_vreg.scatter [tilespmem:s13], [sflag:$0x6], $0x80, v3, vm1, $0xb8;
	[tilespmem:$0x18100] =	vst v63  }
0x10e: {  	v3 =	vld [tilespmem:$0xC0];
	_ =	sdelay $0x4  }
0x10f: {  	v60 =	vshrl.u32 v3, $0x3  }
0x110: {  	v4 =	vmul.u32 $0x18, v60  }
0x111: {  	v3 =	vand.u32 $0x7, v3  }
0x112: {  	v3 =	vor.u32 v3, v4  }
0x113: {  	v4 =	vperm.xlane v3, v0;
	_ =	sdelay $0x1  }
0x114: {  	v4 =	vadd.s32 v1, v4;
	_ =	sdelay $0x1  }
0x115: {  	v3 =	vperm.xlane v3, v2;
	_ =	sdelay $0x1  }
0x116: {  	v3 =	vadd.s32 v1, v3  }
0x117: {  	[hbm4b:s3+s2] =	stream.indirect_vreg.scatter [tilespmem:s14], [sflag:$0x6], $0x80, v4, vm0, $0xb8;
	[tilespmem:$0x18100] =	vst v63  }
0x118: {  	_ = 	snop  }
0x119: {  	[hbm4b:s4+s2] =	stream.indirect_vreg.scatter [tilespmem:s15], [sflag:$0x6], $0x80, v4, vm1, $0xb8;
	[tilespmem:$0x18100] =	vst v63  }
0x11a: {  	_ = 	snop  }
0x11b: {  	[hbm4b:s3+s2] =	stream.indirect_vreg.scatter [tilespmem:s16], [sflag:$0x6], $0x80, v3, vm0, $0xb8;
	[tilespmem:$0x18100] =	vst v63  }
0x11c: {  	_ = 	snop  }
0x11d: {  	[hbm4b:s4+s2] =	stream.indirect_vreg.scatter [tilespmem:s17], [sflag:$0x6], $0x80, v3, vm1, $0xb8;
	[tilespmem:$0x18100] =	vst v63  }
0x11e: {  	v3 =	vld [tilespmem:$0xD0];
	_ =	sdelay $0x4  }
0x11f: {  	v61 =	vshrl.u32 v3, $0x3  }
0x120: {  	v4 =	vmul.u32 $0x18, v61  }
0x121: {  	v3 =	vand.u32 $0x7, v3  }
0x122: {  	v3 =	vor.u32 v3, v4  }
0x123: {  	v4 =	vperm.xlane v3, v0;
	_ =	sdelay $0x1  }
0x124: {  	v4 =	vadd.s32 v1, v4;
	_ =	sdelay $0x1  }
0x125: {  	v3 =	vperm.xlane v3, v2;
	_ =	sdelay $0x1  }
0x126: {  	v3 =	vadd.s32 v1, v3  }
0x127: {  	[hbm4b:s3+s2] =	stream.indirect_vreg.scatter [tilespmem:s18], [sflag:$0x6], $0x80, v4, vm0, $0xb8;
	[tilespmem:$0x18100] =	vst v63  }
0x128: {  	_ = 	snop  }
0x129: {  	[hbm4b:s4+s2] =	stream.indirect_vreg.scatter [tilespmem:s19], [sflag:$0x6], $0x80, v4, vm1, $0xb8;
	[tilespmem:$0x18100] =	vst v63  }
0x12a: {  	_ = 	snop  }
0x12b: {  	[hbm4b:s3+s2] =	stream.indirect_vreg.scatter [tilespmem:s20], [sflag:$0x6], $0x80, v3, vm0, $0xb8;
	[tilespmem:$0x18100] =	vst v63  }
0x12c: {  	_ = 	snop  }
0x12d: {  	[hbm4b:s4+s2] =	stream.indirect_vreg.scatter [tilespmem:s21], [sflag:$0x6], $0x80, v3, vm1, $0xb8;
	[tilespmem:$0x18100] =	vst v63  }
0x12e: {  	v3 =	vld [tilespmem:$0xE0];
	_ =	sdelay $0x4  }
0x12f: {  	v62 =	vshrl.u32 v3, $0x3  }
0x130: {  	v4 =	vmul.u32 $0x18, v62  }
0x131: {  	v3 =	vand.u32 $0x7, v3  }
0x132: {  	v3 =	vor.u32 v3, v4  }
0x133: {  	v4 =	vperm.xlane v3, v0;
	_ =	sdelay $0x1  }
0x134: {  	v4 =	vadd.s32 v1, v4;
	_ =	sdelay $0x1  }
0x135: {  	v3 =	vperm.xlane v3, v2;
	_ =	sdelay $0x1  }
0x136: {  	v3 =	vadd.s32 v1, v3  }
0x137: {  	[hbm4b:s3+s2] =	stream.indirect_vreg.scatter [tilespmem:s22], [sflag:$0x6], $0x80, v4, vm0, $0xb8;
	[tilespmem:$0x18100] =	vst v63  }
0x138: {  	_ = 	snop  }
0x139: {  	[hbm4b:s4+s2] =	stream.indirect_vreg.scatter [tilespmem:s23], [sflag:$0x6], $0x80, v4, vm1, $0xb8;
	[tilespmem:$0x18100] =	vst v63  }
0x13a: {  	_ = 	snop  }
0x13b: {  	[hbm4b:s3+s2] =	stream.indirect_vreg.scatter [tilespmem:s24], [sflag:$0x6], $0x80, v3, vm0, $0xb8;
	[tilespmem:$0x18100] =	vst v63  }
0x13c: {  	_ = 	snop  }
0x13d: {  	[hbm4b:s4+s2] =	stream.indirect_vreg.scatter [tilespmem:s25], [sflag:$0x6], $0x80, v3, vm1, $0xb8;
	[tilespmem:$0x18100] =	vst v63  }
0x13e: {  	v3 =	vld [tilespmem:$0xF0];
	_ =	sdelay $0x4  }
0x13f: {  	v63 =	vshrl.u32 v3, $0x3  }
0x140: {  	v4 =	vmul.u32 $0x18, v63  }
0x141: {  	v3 =	vand.u32 $0x7, v3  }
0x142: {  	v3 =	vor.u32 v3, v4  }
0x143: {  	v4 =	vperm.xlane v3, v0;
	_ =	sdelay $0x1  }
0x144: {  	v4 =	vadd.s32 v1, v4;
	_ =	sdelay $0x1  }
0x145: {  	v3 =	vperm.xlane v3, v2;
	_ =	sdelay $0x1  }
0x146: {  	v3 =	vadd.s32 v1, v3  }
0x147: {  	[hbm4b:s3+s2] =	stream.indirect_vreg.scatter [tilespmem:s26], [sflag:$0x6], $0x80, v4, vm0, $0xb8;
	[tilespmem:$0x18100] =	vst v63  }
0x148: {  	_ = 	snop  }
0x149: {  	[hbm4b:s4+s2] =	stream.indirect_vreg.scatter [tilespmem:s28], [sflag:$0x6], $0x80, v4, vm1, $0xb8;
	[tilespmem:$0x18100] =	vst v63  }
0x14a: {  	_ = 	snop  }
0x14b: {  	[hbm4b:s3+s2] =	stream.indirect_vreg.scatter [tilespmem:s29], [sflag:$0x6], $0x80, v3, vm0, $0xb8;
	[tilespmem:$0x18100] =	vst v63  }
0x14c: {  	_ = 	snop  }
0x14d: {  	[hbm4b:s4+s2] =	stream.indirect_vreg.scatter [tilespmem:s30], [sflag:$0x6], $0x80, v3, vm1, $0xb8;
	[tilespmem:$0x18100] =	vst v63  }
0x14e: {  	p0 =	sne.s32 s5, $0x1;
	_ =	swait.ge [sflag:s31], $0xC000  }
.Ltmp0:
0x14f: {  	[sflag:s31] =	ssyncset.done $0x0;
	(pc) =	sbr.rel @p0 .LBB2_1-.Ltmp0, $4  }
0x150: {  	[sflag:s31] =	ssyncadd.s32 $0xFFFF4000  }
0x151: {  	_ =	swait.ge [sflag:s1], $0xC000  }
0x152: {  	[sflag:s1] =	ssyncset.done $0x0  }
0x153: {  	s5 =	sadd.s32 $0xFFFFFFFF, s5;
	[sflag:s1] =	ssyncadd.s32 $0xFFFF4000  }
0x154: {  	_ =	sfence.sel $0x180000  }
0x155: {  	[bflag:$0x0] =	sbarrier.arrive $0xFFFF  }
0x156: {  	_ =	strace $0x90000047  }
0x157: {  	s0 =	stileid.u32;
	[bflag:$0x2] =	sbarrier.arrive $0xFFFF  }
0x158: {  	p0 =	sne.s32 s0, $0x0;
	s0 =	rddreg [dreg:$0x3]  }
0x159: {  	s0 =	sadd.s32 @!p0 $0x100000, s0  }
0x15a: {  	[sflag:s0] =	ssyncadd.tile.s32 @!p0 $0x1;
	_ =	shalt  }
.Lfunc_end2:
_tile_overlayer_lowered:
.L_overlay_start_2:
0x15b: {  	(tag) =	ssettag $0x2  }
0x15c: {  	s0 =	rddreg [dreg:$0x0];
	s2 =	stileid.u32  }
0x15d: {  	s1 =	rddreg [dreg:$0x1];
	p0 =	sne.s32 s2, $0x0  }
0x15e: {  	s3 =	rddreg [dreg:$0x2];
	[bflag:$0x3] =	sbarrier.arrive $0xFFFF;
	s2 =	simm.s32 @!p0 $0x1C07  }
0x15f: {  	[timem:s3], [sflag:s2] =	dma.local @!p0 [hbm:s0], s1  }
0x160: {  	s0 =	simm.s32 @!p0 $0x7  }
0x161: {  	_ =	swait.ge @!p0 [sflag:s0], s1  }
0x162: {  	s1 =	ssub.s32 @!p0 $0x0, s1;
	[sflag:s0] =	ssyncset.done @!p0 $0x0  }
0x163: {  	[sflag:s0] =	ssyncadd.s32 @!p0 s1  }
0x164: {  	[bflag:$0x3] =	sbarrier.arrive $0xFFFF  }
0x165: {  	_ =	shalt  }

// kernel: kernel.15.cloned.1.call-start
scs
__scs_entry_jumppad:
0x0: {  	(pc) =	sbr.rel $0x88, $3  }
0x1: {  	(tag) =	ssettag $0x0;
	lr =	simm.s32 $0x1  }
0x2: {  	[smem:$0x3F95] =	sst lr;
	_ =	strace $0xD0000000  }
0x3: {  	_ = 	snop  }
0x4: {  	_ = 	snop  }
0x5: {  	_ = 	snop  }
0x6: {  	_ = 	snop  }
0x7: {  	_ = 	snop  }
__scs_overlays_trampoline_lowered:
0x8: {  	[smem:$0x3FA4] =	sst s0  }
0x9: {  	[smem:$0x3FA5] =	sst s1  }
0xa: {  	[smem:$0x3FA6] =	sst s2  }
0xb: {  	[smem:$0x3FA7] =	sst s3  }
0xc: {  	[smem:$0x3FA8] =	sst s4  }
0xd: {  	[smem:$0x3FA9] =	sst s5  }
0xe: {  	[smem:$0x3FAA] =	sst s6  }
0xf: {  	[smem:$0x3FAB] =	sst s7  }
0x10: {  	[smem:$0x3FAC] =	sst s8  }
0x11: {  	[smem:$0x3FAD] =	sst s9;
	s0 =	simm.s32 @!p0 $0x0  }
0x12: {  	s1 =	sld [smem:$0x3F93];
	s0 =	simm.s32 @p0 $0x1  }
0x13: {  	[smem:$0x3FAE] =	sst s0;
	s0 =	simm.s32 @!p1 $0x0  }
0x14: {  	s2 =	sld [smem:$0x3F92];
	s0 =	simm.s32 @p1 $0x1  }
0x15: {  	[smem:$0x3FAF] =	sst s0;
	s0 =	simm.s32 @!p2 $0x0  }
0x16: {  	s3 =	sld [smem:$0x3FDB];
	s0 =	simm.s32 @p2 $0x1  }
0x17: {  	s4 =	simm.s32 $0x1BF5;
	[smem:$0x3FB1] =	sst s0  }
0x18: {  	s0 =	sld [smem:$0x3F94];
	_ =	swait.ge [sflag:s4], $0x0  }
0x19: {  	s7 =	sld [smem:$0x3F95]  }
0x1a: {  	s8 =	sadd.s32 $0xFFFFE003, lr  }
0x1b: {  	s9 =	sadd.s32 $0xFFFFFEF7, lr;
	s5 =	simm.s32 $0xFFFFFFFF;
	p2 =	slt.u32 s8, $0xFFFFF086  }
0x1c: {  	p1 =	slt.u32 s9, $0xF7A;
	s5 =	simm.s32 @!p2 $0x0  }
0x1d: {  	s5 =	simm.s32 @p1 $0x1;
	p0 =	seq.s32 s7, s2  }
0x1e: {  	s7 =	smul.u32 @!p0 $0xF7A, s2;
	p2 =	seq.s32 @!p0 s5, $0x0  }
0x1f: {  	s9 =	smul.u32 $0xF7A, s1;
	s8 =	simm.s32 @!p0 $0x1BF5;
	p2 =	por !p2, p0  }
0x20: {  	[sflag:s8] =	ssyncset.s32 @!p0 $0xFFFFF086;
	s6 =	sadd.s32 @!p0 s3, s7;
	s7 =	simm.s32 @!p0 $0x108  }
0x21: {  	s3 =	sadd.s32 s3, s9;
	s6 =	sadd.s32 @!p0 $0x88, s6;
	s7 =	simm.s32 @p2 $0x1082  }
0x22: {  	[simem:s7], [sflag:s8] =	dma.local @!p0 [hbm:s6], $0xF7A  }
0x23: {  	s9 =	sor.u32 $0xD0000000, s2;
	s6 =	simm.s32 $0x108;
	_ =	swait.ge @!p0 [sflag:s8], $0x0  }
0x24: {  	s3 =	sadd.s32 $0x88, s3;
	s6 =	simm.s32 @!p1 $0x1082;
	[sflag:s4] =	ssyncset.s32 $0xFFFFF086  }
0x25: {  	[simem:s6], [sflag:s4] =	dma.local [hbm:s3], $0xF7A  }
0x26: {  	[smem:$0x3F95] =	sst s1;
	(tag) =	ssettag s2;
	_ =	strace s9  }
0x27: {  	s1 =	sld [smem:$0x3FA5]  }
0x28: {  	s2 =	sld [smem:$0x3FA6]  }
0x29: {  	s4 =	sld [smem:$0x3FA8]  }
0x2a: {  	p0 =	seq.s32 s5, $0x0;
	s5 =	sld [smem:$0x3FA9]  }
0x2b: {  	s6 =	sld [smem:$0x3FAA]  }
0x2c: {  	s7 =	sld [smem:$0x3FAB]  }
0x2d: {  	s3 =	simm.s32 $0x108;
	s8 =	sld [smem:$0x3FAC]  }
0x2e: {  	s3 =	simm.s32 @!p0 $0x1082;
	s9 =	sld [smem:$0x3FAD]  }
0x2f: {  	lr =	sadd.s32 s0, s3;
	s0 =	sld [smem:$0x3FA4]  }
0x30: {  	s3 =	sld [smem:$0x3FA7]  }
0x31: {  	[smem:$0x3FB0] =	sst s10  }
0x32: {  	s10 =	sld [smem:$0x3FAE];
	_ =	sdelay $0x3  }
0x33: {  	p0 =	seq.s32 s10, $0x1;
	s10 =	sld [smem:$0x3FB0];
	_ =	sdelay $0x3  }
0x34: {  	[smem:$0x3FB0] =	sst s10  }
0x35: {  	s10 =	sld [smem:$0x3FAF];
	_ =	sdelay $0x3  }
0x36: {  	p1 =	seq.s32 s10, $0x1;
	s10 =	sld [smem:$0x3FB0];
	_ =	sdelay $0x3  }
0x37: {  	[smem:$0x3FB0] =	sst s10  }
0x38: {  	s10 =	sld [smem:$0x3FB1]  }
0x39: {  	_ = 	snop;
	(pc) =	sbr.ind lr, $3  }
0x3a: {  	_ = 	snop  }
0x3b: {  	_ = 	snop  }
0x3c: {  	p2 =	seq.s32 s10, $0x1;
	s10 =	sld [smem:$0x3FB0]  }
0x3d: {  	_ =	shalt  }
0x3e: {  	_ =	shalt  }
0x3f: {  	_ =	shalt  }
0x40: {  	_ =	shalt  }
0x41: {  	_ =	shalt  }
0x42: {  	_ =	shalt  }
0x43: {  	_ =	shalt  }
0x44: {  	_ =	shalt  }
0x45: {  	_ =	shalt  }
0x46: {  	_ =	shalt  }
0x47: {  	_ =	shalt  }
0x48: {  	_ =	shalt  }
0x49: {  	_ =	shalt  }
0x4a: {  	_ =	shalt  }
0x4b: {  	_ =	shalt  }
0x4c: {  	_ =	shalt  }
0x4d: {  	_ =	shalt  }
0x4e: {  	_ =	shalt  }
0x4f: {  	_ =	shalt  }
0x50: {  	_ =	shalt  }
0x51: {  	_ =	shalt  }
0x52: {  	_ =	shalt  }
0x53: {  	_ =	shalt  }
0x54: {  	_ =	shalt  }
0x55: {  	_ =	shalt  }
0x56: {  	_ =	shalt  }
0x57: {  	_ =	shalt  }
0x58: {  	_ =	shalt  }
0x59: {  	_ =	shalt  }
0x5a: {  	_ =	shalt  }
0x5b: {  	_ =	shalt  }
0x5c: {  	_ =	shalt  }
0x5d: {  	_ =	shalt  }
0x5e: {  	_ =	shalt  }
0x5f: {  	_ =	shalt  }
0x60: {  	_ =	shalt  }
0x61: {  	_ =	shalt  }
0x62: {  	_ =	shalt  }
0x63: {  	_ =	shalt  }
0x64: {  	_ =	shalt  }
0x65: {  	_ =	shalt  }
0x66: {  	_ =	shalt  }
0x67: {  	_ =	shalt  }
0x68: {  	_ =	shalt  }
0x69: {  	_ =	shalt  }
0x6a: {  	_ =	shalt  }
0x6b: {  	_ =	shalt  }
0x6c: {  	_ =	shalt  }
0x6d: {  	_ =	shalt  }
0x6e: {  	_ =	shalt  }
0x6f: {  	_ =	shalt  }
0x70: {  	_ =	shalt  }
0x71: {  	_ =	shalt  }
0x72: {  	_ =	shalt  }
0x73: {  	_ =	shalt  }
0x74: {  	_ =	shalt  }
0x75: {  	_ =	shalt  }
0x76: {  	_ =	shalt  }
0x77: {  	_ =	shalt  }
0x78: {  	_ =	shalt  }
0x79: {  	_ =	shalt  }
0x7a: {  	_ =	shalt  }
0x7b: {  	_ =	shalt  }
0x7c: {  	_ =	shalt  }
0x7d: {  	_ =	shalt  }
0x7e: {  	_ =	shalt  }
0x7f: {  	_ =	shalt  }
0x80: {  	_ =	shalt  }
0x81: {  	_ =	shalt  }
0x82: {  	_ =	shalt  }
0x83: {  	_ =	shalt  }
0x84: {  	_ =	shalt  }
0x85: {  	_ =	shalt  }
0x86: {  	_ =	shalt  }
0x87: {  	_ =	shalt  }
.Lfunc_end0:
.L_simem_size_0:
called_computation.1_lowered:
.L_overlay_start_0:
0x88: {  	s2 =	sld [smem:$0x3FD9]  }
0x89: {  	s3 =	sld [smem:$0x3FFE];
	_ =	sdelay $0x1  }
0x8a: {  	s1 =	srdreg.scid  }
0x8b: {  	s0 =	sand.u32 $0x1, s1  }
0x8c: {  	s17 =	sshll.u32 s0, $0xA;
	s2 =	sadd.s32 s3, s2  }
0x8d: {  	s2 =	sadd.s32 s2, s17  }
0x8e: {  	[smem:$0x3FBC] =	sst s2  }
0x8f: {  	_ = 	snop  }
0x90: {  	s18 =	sld [smem:$0x3FC8]  }
0x91: {  	s4 =	sld [smem:$0x3FD0];
	(tm) =	ssettm $0x1  }
0x92: {  	s19 =	sld [smem:$0x3FFB];
	_ =	sdelay $0x3  }
0x93: {  	_ =	strace s19  }
0x94: {  	s2 =	sld [smem:$0x3FFC];
	_ =	sdelay $0x3  }
0x95: {  	_ =	strace s2  }
0x96: {  	s2 =	sld [smem:$0x3FFD];
	_ =	sdelay $0x3  }
0x97: {  	_ =	strace s2  }
0x98: {  	_ =	strace $0x8FFFFFFF  }
0x99: {  	s20 =	sld [smem:$0x3FDB];
	_ =	sdelay $0x1  }
0x9a: {  	s5 =	simm.s32 $_scs_section_size  }
0x9b: {  	s6 =	simm.s32 $_size__tile_overlayer_lowered;
	s7 =	simm.s32 $_tile_overlayer_lowered  }
0x9c: {  	s8 =	simm.s32 $0x1BFF;
	s21 =	sshll.u32 s7, $0x1;
	s5 =	sadd.s32 s5, s20  }
0x9d: {  	s22 =	simm.s32 $0x0;
	s6 =	sshll.u32 s6, $0x1;
	s7 =	sadd.s32 s21, s5  }
0x9e: {  	[timem:s22], [sflag:s8] =	dma.local [hbm:s7], s6  }
0x9f: {  	_ =	swait.ge [sflag:s8], s6  }
0xa0: {  	s6 =	ssub.s32 $0x0, s6;
	[sflag:s8] =	ssyncset.done $0x0  }
0xa1: {  	[sflag:s8] =	ssyncadd.s32 s6;
	_ =	sdelay $0x1  }
0xa2: {  	s23 =	simm.s32 $0x1B8B  }
0xa3: {  	_ =	swait.ge [sflag:s23], $0x1  }
0xa4: {  	[sflag:s23] =	ssyncset.done $0x0  }
0xa5: {  	[sflag:s23] =	ssyncadd.s32 $0xFFFFFFFF  }
0xa6: {  	s6 =	sld [smem:$0x0]  }
0xa7: {  	s7 =	sand.u32 $0xFFFFFFFE, s1  }
0xa8: {  	p0 =	sne.s32 s1, s7  }
0xa9: {  	s7 =	sshll.u32 @p0 s7, $0xE  }
0xaa: {  	s7 =	sadd.s32 @p0 $0x11B8D, s7;
	s8 =	sshll.u32 @p0 s6, $0x11  }
0xab: {  	s7 =	sor.u32 @p0 s8, s7  }
0xac: {  	[sflag:s7] =	ssyncadd.remote.s32 @p0 $0x1;
	_ =	sdelay $0x1  }
0xad: {  	s7 =	simm.s32 @p0 $0x1B8D  }
0xae: {  	_ =	swait.eq @p0 [sflag:s7], $0x1  }
0xaf: {  	[sflag:s7] =	ssyncadd.s32 @p0 $0xFFFFFFFF  }
0xb0: {  	s8 =	sshll.u32 @!p0 s1, $0xE  }
0xb1: {  	s8 =	sor.u32 @!p0 $0x4000, s8;
	s7 =	simm.s32 @!p0 $0x1B8D  }
0xb2: {  	s6 =	sshll.u32 @!p0 s6, $0x11;
	s8 =	sadd.s32 @!p0 $0x11B8D, s8;
	_ =	swait.eq @!p0 [sflag:s7], $0x1  }
0xb3: {  	s6 =	sor.u32 @!p0 s6, s8;
	[sflag:s7] =	ssyncadd.s32 @!p0 $0xFFFFFFFF  }
0xb4: {  	s25 =	simm.s32 $0x1B8E;
	s24 =	sld [smem:$0x3FFE];
	[sflag:s6] =	ssyncadd.remote.s32 @!p0 $0x1  }
0xb5: {  	s26 =	simm.s32 $execute0_lowered;
	[smem:$0x3FD2] =	sst s25  }
0xb6: {  	s7 =	sshll.u32 s26, $0x1;
	_ =	strace $0x80000049;
	[dreg:$0x1] =	wrdreg $0xFFFFFFFF  }
0xb7: {  	s28 =	simm.s32 $_size_execute0_lowered;
	s5 =	sadd.s32 s5, s7;
	[dreg:$0x0] =	wrdreg $0x0  }
0xb8: {  	s7 =	sshll.u32 s28, $0x1;
	[dreg:$0x2] =	wrdreg s5  }
0xb9: {  	[dreg:$0x3] =	wrdreg s7  }
0xba: {  	[dreg:$0x4] =	wrdreg $0xC0  }
0xbb: {  	_ =	task [dreg:s22], $0x5FFFF  }
0xbc: {  	[dreg:$0x1] =	wrdreg $0xFFFFFFFF  }
0xbd: {  	[dreg:$0x0] =	wrdreg $0x60  }
0xbe: {  	[dreg:$0x2] =	wrdreg s18  }
0xbf: {  	[dreg:$0x3] =	wrdreg s4  }
0xc0: {  	[dreg:$0x4] =	wrdreg s24  }
0xc1: {  	[dreg:$0x5] =	wrdreg $0xB  }
0xc2: {  	_ =	task.clear_ibuf [dreg:s22], $0x6FFFF;
	_ =	strace $0x90000049  }
0xc3: {  	s29 =	simm.s32 $0xB;
	_ =	strace $0x8000004B  }
0xc4: {  	_ =	swait.ge [sflag:s29], $0x1  }
0xc5: {  	[sflag:s29] =	ssyncadd.s32 $0xFFFFFFFF  }
0xc6: {  	_ =	strace $0x9000004B  }
0xc7: {  	_ =	sfence  }
0xc8: {  	s30 =	sld [smem:$0x0];
	_ =	sdelay $0x2  }
0xc9: {  	s31 =	sshll.u32 s1, $0xD;
	s1 =	sshrl.u32 s1, $0x2  }
0xca: {  	s4 =	sand.u32 $0x4000, s31;
	s1 =	sadd.s32 s1, s30  }
0xcb: {  	s0 =	sor.u32 s4, s0;
	s1 =	sshll.u32 s1, $0x11  }
0xcc: {  	s0 =	sor.u32 s1, s0  }
0xcd: {  	s0 =	sadd.s32 $0x8F2B, s0  }
0xce: {  	[sflag:s0] =	ssyncadd.remote.s32 $0x1  }
0xcf: {  	_ =	sfence.sel $0xFFFF  }
0xd0: {  	[dreg:$0x0] =	wrdreg $0xFFFFFFFF;
	(pc) =	sbr.abs _section_cstart, $3  }
0xd1: {  	[dreg:$0x1] =	wrdreg $0xFFFFFFFF  }
0xd2: {  	_ =	task.clear_ibuf [dreg:s22], $0x2FFFF;
	_ =	strace $0x9FFFFFFF  }
0xd3: {  	(tm) =	ssettm $0x7FFFFFFF  }
tec
execute0_lowered:
.L_overlay_start_1:
0x0: {  	(tag) =	ssettag $0x1  }
0x1: {  	s0 =	srdreg.scid;
	s1 =	rddreg [dreg:$0x0]  }
0x2: {  	s3 =	stileid.u32;
	s4 =	rddreg [dreg:$0x1]  }
0x3: {  	s5 =	rddreg [dreg:$0x2];
	s11 =	simm.s32 $0x5;
	s17 =	simm.s32 $0x100  }
0x4: {  	s8 =	simm.s32 $0x1;
	s18 =	simm.s32 $0x3;
	s12 =	simm.s32 $0x1500  }
0x5: {  	s13 =	simm.s32 $0x1900;
	s14 =	simm.s32 $0x2100;
	s15 =	simm.s32 $0x2500  }
0x6: {  	s16 =	simm.s32 $0x2D00;
	s20 =	simm.s32 $0x3100;
	s28 =	simm.s32 $0x5D00  }
0x7: {  	s29 =	simm.s32 $0x6100;
	s30 =	simm.s32 $0x6900;
	s0 =	sand.u32 $0x1, s0  }
0x8: {  	s19 =	simm.s32 $0x7900;
	s3 =	sshll.u32 s3, $0x9;
	s2 =	sshll.u32 s0, $0xD  }
0x9: {  	s31 =	simm.s32 $0xC100;
	s0 =	ssub.s32 $0x2, s0;
	s2 =	sor.u32 s3, s2  }
0xa: {  	s10 =	simm.s32 $0x4;
	s26 =	sshrl.u32 s0, $0x1;
	s3 =	sshrl.u32 s2, $0x3  }
0xb: {  	s2 =	simm.s32 $0x0;
	s0 =	ssub.s32 s0, s26;
	s4 =	sadd.s32 s4, s3  }
0xc: {  	s6 =	smul.u32 $0x180, s3;
	[smem:$0x7FF] =	sst s2;
	s3 =	sadd.s32 $0x400, s4  }
0xd: {  	_ =	strace $0x8000004A;
	s22 =	sadd.s32 $0x410, s4;
	[dreg:$0x4] =	wrdreg s3  }
0xe: {  	s26 =	simm.s32 $0x5500;
	s24 =	sadd.s32 $0x420, s4;
	[dreg:$0x6] =	wrdreg s22  }
0xf: {  	s4 =	sadd.s32 $0x430, s4;
	s1 =	sadd.s32 s1, s6;
	[dreg:$0x8] =	wrdreg s24  }
0x10: {  	s3 =	sadd.s32 $0x76000, s5;
	[dreg:$0xa] =	wrdreg s4;
	s21 =	sadd.s32 $0x60000, s1  }
0x11: {  	s4 =	sadd.s32 $0x76100, s5;
	s23 =	sadd.s32 $0x61800, s1;
	[dreg:$0x5] =	wrdreg s21  }
0x12: {  	s5 =	smax.u32 s0, $0x1;
	s25 =	sadd.s32 $0x63000, s1;
	[dreg:$0x7] =	wrdreg s23  }
0x13: {  	v2 =	vlaneseq.u32;
	s22 =	simm.s32 $0x3D00;
	s1 =	sadd.s32 $0x64800, s1;
	[dreg:$0x9] =	wrdreg s25  }
0x14: {  	vm0 =	vmmov $0xffff;
	vm1 =	vmmov $0xff;
	v1 =	vshrl.u32 v2, $0x3;
	s24 =	simm.s32 $0x4900;
	[dreg:$0xb] =	wrdreg s1;
	s1 =	simm.s32 $0x6  }
0x15: {  	v0 =	vand.u32 $0x7, v2;
	v2 =	vor.u32 $0x8, v2;
	v1 =	vmul.u32 $0x8, v1;
	s21 =	simm.s32 $0x3900;
	s23 =	simm.s32 $0x4500;
	s25 =	simm.s32 $0x5100  }
.LBB2_1:
0x16: {  	s0 =	rddreg [dreg:$0x4]  }
0x17: {  	[tilespmem:s2], [sflag:$0x1] =	stream.linear.gather [hbm4b:s0+s2], $0x80, $0x38;
	[tilespmem:$0x18100] =	vst v63  }
0x18: {  	s9 =	rddreg [dreg:$0x5]  }
0x19: {  	[tilespmem:s17], [sflag:$0x3] =	stream.linear.gather [hbm4b:s9+s2], $0xC000, $0x38;
	[tilespmem:$0x18100] =	vst v63  }
0x1a: {  	_ =	swait.ge [sflag:s8], $0x80  }
0x1b: {  	[sflag:s8] =	ssyncset.done $0x0  }
0x1c: {  	[sflag:s8] =	ssyncadd.s32 $0xFFFFFF80  }
0x1d: {  	_ =	swait.ge [sflag:s18], $0xC000  }
0x1e: {  	[sflag:s18] =	ssyncset.done $0x0  }
0x1f: {  	[sflag:s18] =	ssyncadd.s32 $0xFFFF4000  }
0x20: {  	v3 =	vld [tilespmem:$0x0];
	_ =	sdelay $0x4  }
0x21: {  	v4 =	vshrl.u32 v3, $0x3  }
0x22: {  	v4 =	vmul.u32 $0x18, v4  }
0x23: {  	v3 =	vand.u32 $0x7, v3  }
0x24: {  	v3 =	vor.u32 v3, v4  }
0x25: {  	v4 =	vperm.xlane v3, v0;
	_ =	sdelay $0x1  }
0x26: {  	v4 =	vadd.s32 v1, v4;
	_ =	sdelay $0x1  }
0x27: {  	v3 =	vperm.xlane v3, v2;
	_ =	sdelay $0x1  }
0x28: {  	v3 =	vadd.s32 v1, v3  }
0x29: {  	[hbm4b:s3+s2] =	stream.indirect_vreg.scatter [tilespmem:s17], [sflag:$0x5], $0x80, v4, vm0, $0xb8;
	[tilespmem:$0x18100] =	vst v63  }
0x2a: {  	s6 =	simm.s32 $0x900  }
0x2b: {  	[hbm4b:s4+s2] =	stream.indirect_vreg.scatter [tilespmem:s6], [sflag:$0x5], $0x80, v4, vm1, $0xb8;
	[tilespmem:$0x18100] =	vst v63  }
0x2c: {  	s7 =	simm.s32 $0xD00  }
0x2d: {  	[hbm4b:s3+s2] =	stream.indirect_vreg.scatter [tilespmem:s7], [sflag:$0x5], $0x80, v3, vm0, $0xb8;
	[tilespmem:$0x18100] =	vst v63  }
0x2e: {  	_ = 	snop  }
0x2f: {  	[hbm4b:s4+s2] =	stream.indirect_vreg.scatter [tilespmem:s12], [sflag:$0x5], $0x80, v3, vm1, $0xb8;
	[tilespmem:$0x18100] =	vst v63  }
0x30: {  	v3 =	vld [tilespmem:$0x10];
	_ =	sdelay $0x4  }
0x31: {  	v33 =	vshrl.u32 v3, $0x3  }
0x32: {  	v4 =	vmul.u32 $0x18, v33  }
0x33: {  	v3 =	vand.u32 $0x7, v3  }
0x34: {  	v3 =	vor.u32 v3, v4  }
0x35: {  	v4 =	vperm.xlane v3, v0;
	_ =	sdelay $0x1  }
0x36: {  	v4 =	vadd.s32 v1, v4;
	_ =	sdelay $0x1  }
0x37: {  	v3 =	vperm.xlane v3, v2;
	_ =	sdelay $0x1  }
0x38: {  	v3 =	vadd.s32 v1, v3  }
0x39: {  	[hbm4b:s3+s2] =	stream.indirect_vreg.scatter [tilespmem:s13], [sflag:$0x5], $0x80, v4, vm0, $0xb8;
	[tilespmem:$0x18100] =	vst v63  }
0x3a: {  	_ = 	snop  }
0x3b: {  	[hbm4b:s4+s2] =	stream.indirect_vreg.scatter [tilespmem:s14], [sflag:$0x5], $0x80, v4, vm1, $0xb8;
	[tilespmem:$0x18100] =	vst v63  }
0x3c: {  	_ = 	snop  }
0x3d: {  	[hbm4b:s3+s2] =	stream.indirect_vreg.scatter [tilespmem:s15], [sflag:$0x5], $0x80, v3, vm0, $0xb8;
	[tilespmem:$0x18100] =	vst v63  }
0x3e: {  	_ = 	snop  }
0x3f: {  	[hbm4b:s4+s2] =	stream.indirect_vreg.scatter [tilespmem:s16], [sflag:$0x5], $0x80, v3, vm1, $0xb8;
	[tilespmem:$0x18100] =	vst v63  }
0x40: {  	v3 =	vld [tilespmem:$0x20];
	_ =	sdelay $0x4  }
0x41: {  	v34 =	vshrl.u32 v3, $0x3  }
0x42: {  	v4 =	vmul.u32 $0x18, v34  }
0x43: {  	v3 =	vand.u32 $0x7, v3  }
0x44: {  	v3 =	vor.u32 v3, v4  }
0x45: {  	v4 =	vperm.xlane v3, v0;
	_ =	sdelay $0x1  }
0x46: {  	v4 =	vadd.s32 v1, v4;
	_ =	sdelay $0x1  }
0x47: {  	v3 =	vperm.xlane v3, v2;
	_ =	sdelay $0x1  }
0x48: {  	v3 =	vadd.s32 v1, v3  }
0x49: {  	[hbm4b:s3+s2] =	stream.indirect_vreg.scatter [tilespmem:s20], [sflag:$0x5], $0x80, v4, vm0, $0xb8;
	[tilespmem:$0x18100] =	vst v63  }
0x4a: {  	_ = 	snop  }
0x4b: {  	[hbm4b:s4+s2] =	stream.indirect_vreg.scatter [tilespmem:s21], [sflag:$0x5], $0x80, v4, vm1, $0xb8;
	[tilespmem:$0x18100] =	vst v63  }
0x4c: {  	_ = 	snop  }
0x4d: {  	[hbm4b:s3+s2] =	stream.indirect_vreg.scatter [tilespmem:s22], [sflag:$0x5], $0x80, v3, vm0, $0xb8;
	[tilespmem:$0x18100] =	vst v63  }
0x4e: {  	_ = 	snop  }
0x4f: {  	[hbm4b:s4+s2] =	stream.indirect_vreg.scatter [tilespmem:s23], [sflag:$0x5], $0x80, v3, vm1, $0xb8;
	[tilespmem:$0x18100] =	vst v63  }
0x50: {  	v3 =	vld [tilespmem:$0x30];
	_ =	sdelay $0x4  }
0x51: {  	v35 =	vshrl.u32 v3, $0x3  }
0x52: {  	v4 =	vmul.u32 $0x18, v35  }
0x53: {  	v3 =	vand.u32 $0x7, v3  }
0x54: {  	v3 =	vor.u32 v3, v4  }
0x55: {  	v4 =	vperm.xlane v3, v0;
	_ =	sdelay $0x1  }
0x56: {  	v4 =	vadd.s32 v1, v4;
	_ =	sdelay $0x1  }
0x57: {  	v3 =	vperm.xlane v3, v2;
	_ =	sdelay $0x1  }
0x58: {  	v3 =	vadd.s32 v1, v3  }
0x59: {  	[hbm4b:s3+s2] =	stream.indirect_vreg.scatter [tilespmem:s24], [sflag:$0x5], $0x80, v4, vm0, $0xb8;
	[tilespmem:$0x18100] =	vst v63  }
0x5a: {  	_ = 	snop  }
0x5b: {  	[hbm4b:s4+s2] =	stream.indirect_vreg.scatter [tilespmem:s25], [sflag:$0x5], $0x80, v4, vm1, $0xb8;
	[tilespmem:$0x18100] =	vst v63  }
0x5c: {  	_ = 	snop  }
0x5d: {  	[hbm4b:s3+s2] =	stream.indirect_vreg.scatter [tilespmem:s26], [sflag:$0x5], $0x80, v3, vm0, $0xb8;
	[tilespmem:$0x18100] =	vst v63  }
0x5e: {  	_ = 	snop  }
0x5f: {  	[hbm4b:s4+s2] =	stream.indirect_vreg.scatter [tilespmem:s28], [sflag:$0x5], $0x80, v3, vm1, $0xb8;
	[tilespmem:$0x18100] =	vst v63  }
0x60: {  	v3 =	vld [tilespmem:$0x40];
	_ =	sdelay $0x4  }
0x61: {  	v36 =	vshrl.u32 v3, $0x3  }
0x62: {  	v4 =	vmul.u32 $0x18, v36  }
0x63: {  	v3 =	vand.u32 $0x7, v3  }
0x64: {  	v3 =	vor.u32 v3, v4  }
0x65: {  	v4 =	vperm.xlane v3, v0;
	_ =	sdelay $0x1  }
0x66: {  	v4 =	vadd.s32 v1, v4;
	_ =	sdelay $0x1  }
0x67: {  	v3 =	vperm.xlane v3, v2;
	_ =	sdelay $0x1  }
0x68: {  	v3 =	vadd.s32 v1, v3  }
0x69: {  	[hbm4b:s3+s2] =	stream.indirect_vreg.scatter [tilespmem:s29], [sflag:$0x5], $0x80, v4, vm0, $0xb8;
	[tilespmem:$0x18100] =	vst v63  }
0x6a: {  	_ = 	snop  }
0x6b: {  	[hbm4b:s4+s2] =	stream.indirect_vreg.scatter [tilespmem:s30], [sflag:$0x5], $0x80, v4, vm1, $0xb8;
	[tilespmem:$0x18100] =	vst v63  }
0x6c: {  	s9 =	simm.s32 $0x6D00  }
0x6d: {  	[hbm4b:s3+s2] =	stream.indirect_vreg.scatter [tilespmem:s9], [sflag:$0x5], $0x80, v3, vm0, $0xb8;
	[tilespmem:$0x18100] =	vst v63  }
0x6e: {  	s6 =	simm.s32 $0x7500  }
0x6f: {  	[hbm4b:s4+s2] =	stream.indirect_vreg.scatter [tilespmem:s6], [sflag:$0x5], $0x80, v3, vm1, $0xb8;
	[tilespmem:$0x18100] =	vst v63  }
0x70: {  	v3 =	vld [tilespmem:$0x50];
	_ =	sdelay $0x4  }
0x71: {  	v37 =	vshrl.u32 v3, $0x3  }
0x72: {  	v4 =	vmul.u32 $0x18, v37  }
0x73: {  	v3 =	vand.u32 $0x7, v3  }
0x74: {  	v3 =	vor.u32 v3, v4  }
0x75: {  	v4 =	vperm.xlane v3, v0;
	_ =	sdelay $0x1  }
0x76: {  	v4 =	vadd.s32 v1, v4;
	_ =	sdelay $0x1  }
0x77: {  	v3 =	vperm.xlane v3, v2;
	_ =	sdelay $0x1  }
0x78: {  	v3 =	vadd.s32 v1, v3  }
0x79: {  	[hbm4b:s3+s2] =	stream.indirect_vreg.scatter [tilespmem:s19], [sflag:$0x5], $0x80, v4, vm0, $0xb8;
	[tilespmem:$0x18100] =	vst v63  }
0x7a: {  	s7 =	simm.s32 $0x8100  }
0x7b: {  	[hbm4b:s4+s2] =	stream.indirect_vreg.scatter [tilespmem:s7], [sflag:$0x5], $0x80, v4, vm1, $0xb8;
	[tilespmem:$0x18100] =	vst v63  }
0x7c: {  	s9 =	simm.s32 $0x8500  }
0x7d: {  	[hbm4b:s3+s2] =	stream.indirect_vreg.scatter [tilespmem:s9], [sflag:$0x5], $0x80, v3, vm0, $0xb8;
	[tilespmem:$0x18100] =	vst v63  }
0x7e: {  	s6 =	simm.s32 $0x8D00  }
0x7f: {  	[hbm4b:s4+s2] =	stream.indirect_vreg.scatter [tilespmem:s6], [sflag:$0x5], $0x80, v3, vm1, $0xb8;
	[tilespmem:$0x18100] =	vst v63  }
0x80: {  	v3 =	vld [tilespmem:$0x60];
	_ =	sdelay $0x4  }
0x81: {  	v38 =	vshrl.u32 v3, $0x3  }
0x82: {  	v4 =	vmul.u32 $0x18, v38  }
0x83: {  	v3 =	vand.u32 $0x7, v3  }
0x84: {  	v3 =	vor.u32 v3, v4  }
0x85: {  	v4 =	vperm.xlane v3, v0;
	_ =	sdelay $0x1  }
0x86: {  	v4 =	vadd.s32 v1, v4;
	_ =	sdelay $0x1  }
0x87: {  	v3 =	vperm.xlane v3, v2;
	_ =	sdelay $0x1  }
0x88: {  	s7 =	simm.s32 $0x9100;
	v3 =	vadd.s32 v1, v3  }
0x89: {  	[hbm4b:s3+s2] =	stream.indirect_vreg.scatter [tilespmem:s7], [sflag:$0x5], $0x80, v4, vm0, $0xb8;
	[tilespmem:$0x18100] =	vst v63  }
0x8a: {  	s9 =	simm.s32 $0x9900  }
0x8b: {  	[hbm4b:s4+s2] =	stream.indirect_vreg.scatter [tilespmem:s9], [sflag:$0x5], $0x80, v4, vm1, $0xb8;
	[tilespmem:$0x18100] =	vst v63  }
0x8c: {  	s6 =	simm.s32 $0x9D00  }
0x8d: {  	[hbm4b:s3+s2] =	stream.indirect_vreg.scatter [tilespmem:s6], [sflag:$0x5], $0x80, v3, vm0, $0xb8;
	[tilespmem:$0x18100] =	vst v63  }
0x8e: {  	s7 =	simm.s32 $0xA500  }
0x8f: {  	[hbm4b:s4+s2] =	stream.indirect_vreg.scatter [tilespmem:s7], [sflag:$0x5], $0x80, v3, vm1, $0xb8;
	[tilespmem:$0x18100] =	vst v63  }
0x90: {  	v3 =	vld [tilespmem:$0x70];
	_ =	sdelay $0x4  }
0x91: {  	v39 =	vshrl.u32 v3, $0x3  }
0x92: {  	v4 =	vmul.u32 $0x18, v39  }
0x93: {  	v3 =	vand.u32 $0x7, v3  }
0x94: {  	v3 =	vor.u32 v3, v4  }
0x95: {  	v4 =	vperm.xlane v3, v0;
	_ =	sdelay $0x1  }
0x96: {  	v4 =	vadd.s32 v1, v4;
	_ =	sdelay $0x1  }
0x97: {  	v3 =	vperm.xlane v3, v2;
	_ =	sdelay $0x1  }
0x98: {  	s9 =	simm.s32 $0xA900;
	v3 =	vadd.s32 v1, v3  }
0x99: {  	[hbm4b:s3+s2] =	stream.indirect_vreg.scatter [tilespmem:s9], [sflag:$0x5], $0x80, v4, vm0, $0xb8;
	[tilespmem:$0x18100] =	vst v63  }
0x9a: {  	s6 =	simm.s32 $0xB100  }
0x9b: {  	[hbm4b:s4+s2] =	stream.indirect_vreg.scatter [tilespmem:s6], [sflag:$0x5], $0x80, v4, vm1, $0xb8;
	[tilespmem:$0x18100] =	vst v63  }
0x9c: {  	s7 =	simm.s32 $0xB500  }
0x9d: {  	[hbm4b:s3+s2] =	stream.indirect_vreg.scatter [tilespmem:s7], [sflag:$0x5], $0x80, v3, vm0, $0xb8;
	[tilespmem:$0x18100] =	vst v63  }
0x9e: {  	s6 =	simm.s32 $0xBD00  }
0x9f: {  	[hbm4b:s4+s2] =	stream.indirect_vreg.scatter [tilespmem:s6], [sflag:$0x5], $0x80, v3, vm1, $0xb8;
	[tilespmem:$0x18100] =	vst v63  }
0xa0: {  	s0 =	rddreg [dreg:$0x6];
	s7 =	simm.s32 $0x80  }
0xa1: {  	[tilespmem:s7], [sflag:$0x2] =	stream.linear.gather [hbm4b:s0+s2], $0x80, $0x38;
	[tilespmem:$0x18100] =	vst v63  }
0xa2: {  	s9 =	rddreg [dreg:$0x7];
	s7 =	simm.s32 $0x2  }
0xa3: {  	[tilespmem:s31], [sflag:$0x4] =	stream.linear.gather [hbm4b:s9+s2], $0xC000, $0x38;
	[tilespmem:$0x18100] =	vst v63  }
0xa4: {  	_ =	swait.ge [sflag:s7], $0x80  }
0xa5: {  	[sflag:s7] =	ssyncset.done $0x0  }
0xa6: {  	[sflag:s7] =	ssyncadd.s32 $0xFFFFFF80  }
0xa7: {  	_ =	swait.ge [sflag:s10], $0xC000  }
0xa8: {  	[sflag:s10] =	ssyncset.done $0x0  }
0xa9: {  	[sflag:s10] =	ssyncadd.s32 $0xFFFF4000  }
0xaa: {  	v3 =	vld [tilespmem:$0x80];
	_ =	sdelay $0x4  }
0xab: {  	v40 =	vshrl.u32 v3, $0x3  }
0xac: {  	v4 =	vmul.u32 $0x18, v40  }
0xad: {  	v3 =	vand.u32 $0x7, v3  }
0xae: {  	v3 =	vor.u32 v3, v4  }
0xaf: {  	v4 =	vperm.xlane v3, v0;
	_ =	sdelay $0x1  }
0xb0: {  	v4 =	vadd.s32 v1, v4;
	_ =	sdelay $0x1  }
0xb1: {  	v3 =	vperm.xlane v3, v2;
	_ =	sdelay $0x1  }
0xb2: {  	v3 =	vadd.s32 v1, v3  }
0xb3: {  	[hbm4b:s3+s2] =	stream.indirect_vreg.scatter [tilespmem:s31], [sflag:$0x6], $0x80, v4, vm0, $0xb8;
	[tilespmem:$0x18100] =	vst v63  }
0xb4: {  	s9 =	simm.s32 $0xC900  }
0xb5: {  	[hbm4b:s4+s2] =	stream.indirect_vreg.scatter [tilespmem:s9], [sflag:$0x6], $0x80, v4, vm1, $0xb8;
	[tilespmem:$0x18100] =	vst v63  }
0xb6: {  	s9 =	simm.s32 $0xCD00  }
0xb7: {  	[hbm4b:s3+s2] =	stream.indirect_vreg.scatter [tilespmem:s9], [sflag:$0x6], $0x80, v3, vm0, $0xb8;
	[tilespmem:$0x18100] =	vst v63  }
0xb8: {  	s9 =	simm.s32 $0xD500  }
0xb9: {  	[hbm4b:s4+s2] =	stream.indirect_vreg.scatter [tilespmem:s9], [sflag:$0x6], $0x80, v3, vm1, $0xb8;
	[tilespmem:$0x18100] =	vst v63  }
0xba: {  	v3 =	vld [tilespmem:$0x90];
	_ =	sdelay $0x4  }
0xbb: {  	v41 =	vshrl.u32 v3, $0x3  }
0xbc: {  	v4 =	vmul.u32 $0x18, v41  }
0xbd: {  	v3 =	vand.u32 $0x7, v3  }
0xbe: {  	v3 =	vor.u32 v3, v4  }
0xbf: {  	v4 =	vperm.xlane v3, v0;
	_ =	sdelay $0x1  }
0xc0: {  	v4 =	vadd.s32 v1, v4;
	_ =	sdelay $0x1  }
0xc1: {  	v3 =	vperm.xlane v3, v2;
	_ =	sdelay $0x1  }
0xc2: {  	s9 =	simm.s32 $0xD900;
	v3 =	vadd.s32 v1, v3  }
0xc3: {  	[hbm4b:s3+s2] =	stream.indirect_vreg.scatter [tilespmem:s9], [sflag:$0x6], $0x80, v4, vm0, $0xb8;
	[tilespmem:$0x18100] =	vst v63  }
0xc4: {  	s9 =	simm.s32 $0xE100  }
0xc5: {  	[hbm4b:s4+s2] =	stream.indirect_vreg.scatter [tilespmem:s9], [sflag:$0x6], $0x80, v4, vm1, $0xb8;
	[tilespmem:$0x18100] =	vst v63  }
0xc6: {  	s9 =	simm.s32 $0xE500  }
0xc7: {  	[hbm4b:s3+s2] =	stream.indirect_vreg.scatter [tilespmem:s9], [sflag:$0x6], $0x80, v3, vm0, $0xb8;
	[tilespmem:$0x18100] =	vst v63  }
0xc8: {  	s9 =	simm.s32 $0xED00  }
0xc9: {  	[hbm4b:s4+s2] =	stream.indirect_vreg.scatter [tilespmem:s9], [sflag:$0x6], $0x80, v3, vm1, $0xb8;
	[tilespmem:$0x18100] =	vst v63  }
0xca: {  	v3 =	vld [tilespmem:$0xA0];
	_ =	sdelay $0x4  }
0xcb: {  	v42 =	vshrl.u32 v3, $0x3  }
0xcc: {  	v4 =	vmul.u32 $0x18, v42  }
0xcd: {  	v3 =	vand.u32 $0x7, v3  }
0xce: {  	v3 =	vor.u32 v3, v4  }
0xcf: {  	v4 =	vperm.xlane v3, v0;
	_ =	sdelay $0x1  }
0xd0: {  	v4 =	vadd.s32 v1, v4;
	_ =	sdelay $0x1  }
0xd1: {  	v3 =	vperm.xlane v3, v2;
	_ =	sdelay $0x1  }
0xd2: {  	s9 =	simm.s32 $0xF100;
	v3 =	vadd.s32 v1, v3  }
0xd3: {  	[hbm4b:s3+s2] =	stream.indirect_vreg.scatter [tilespmem:s9], [sflag:$0x6], $0x80, v4, vm0, $0xb8;
	[tilespmem:$0x18100] =	vst v63  }
0xd4: {  	s9 =	simm.s32 $0xF900  }
0xd5: {  	[hbm4b:s4+s2] =	stream.indirect_vreg.scatter [tilespmem:s9], [sflag:$0x6], $0x80, v4, vm1, $0xb8;
	[tilespmem:$0x18100] =	vst v63  }
0xd6: {  	s9 =	simm.s32 $0xFD00  }
0xd7: {  	[hbm4b:s3+s2] =	stream.indirect_vreg.scatter [tilespmem:s9], [sflag:$0x6], $0x80, v3, vm0, $0xb8;
	[tilespmem:$0x18100] =	vst v63  }
0xd8: {  	s9 =	simm.s32 $0x10500  }
0xd9: {  	[hbm4b:s4+s2] =	stream.indirect_vreg.scatter [tilespmem:s9], [sflag:$0x6], $0x80, v3, vm1, $0xb8;
	[tilespmem:$0x18100] =	vst v63  }
0xda: {  	v3 =	vld [tilespmem:$0xB0];
	_ =	sdelay $0x4  }
0xdb: {  	v43 =	vshrl.u32 v3, $0x3  }
0xdc: {  	v4 =	vmul.u32 $0x18, v43  }
0xdd: {  	v3 =	vand.u32 $0x7, v3  }
0xde: {  	v3 =	vor.u32 v3, v4  }
0xdf: {  	v4 =	vperm.xlane v3, v0;
	_ =	sdelay $0x1  }
0xe0: {  	v4 =	vadd.s32 v1, v4;
	_ =	sdelay $0x1  }
0xe1: {  	v3 =	vperm.xlane v3, v2;
	_ =	sdelay $0x1  }
0xe2: {  	s9 =	simm.s32 $0x10900;
	v3 =	vadd.s32 v1, v3  }
0xe3: {  	[hbm4b:s3+s2] =	stream.indirect_vreg.scatter [tilespmem:s9], [sflag:$0x6], $0x80, v4, vm0, $0xb8;
	[tilespmem:$0x18100] =	vst v63  }
0xe4: {  	s9 =	simm.s32 $0x11100  }
0xe5: {  	[hbm4b:s4+s2] =	stream.indirect_vreg.scatter [tilespmem:s9], [sflag:$0x6], $0x80, v4, vm1, $0xb8;
	[tilespmem:$0x18100] =	vst v63  }
0xe6: {  	s9 =	simm.s32 $0x11500  }
0xe7: {  	[hbm4b:s3+s2] =	stream.indirect_vreg.scatter [tilespmem:s9], [sflag:$0x6], $0x80, v3, vm0, $0xb8;
	[tilespmem:$0x18100] =	vst v63  }
0xe8: {  	s9 =	simm.s32 $0x11D00  }
0xe9: {  	[hbm4b:s4+s2] =	stream.indirect_vreg.scatter [tilespmem:s9], [sflag:$0x6], $0x80, v3, vm1, $0xb8;
	[tilespmem:$0x18100] =	vst v63  }
0xea: {  	v3 =	vld [tilespmem:$0xC0];
	_ =	sdelay $0x4  }
0xeb: {  	v44 =	vshrl.u32 v3, $0x3  }
0xec: {  	v4 =	vmul.u32 $0x18, v44  }
0xed: {  	v3 =	vand.u32 $0x7, v3  }
0xee: {  	v3 =	vor.u32 v3, v4  }
0xef: {  	v4 =	vperm.xlane v3, v0;
	_ =	sdelay $0x1  }
0xf0: {  	v4 =	vadd.s32 v1, v4;
	_ =	sdelay $0x1  }
0xf1: {  	v3 =	vperm.xlane v3, v2;
	_ =	sdelay $0x1  }
0xf2: {  	s9 =	simm.s32 $0x12100;
	v3 =	vadd.s32 v1, v3  }
0xf3: {  	[hbm4b:s3+s2] =	stream.indirect_vreg.scatter [tilespmem:s9], [sflag:$0x6], $0x80, v4, vm0, $0xb8;
	[tilespmem:$0x18100] =	vst v63  }
0xf4: {  	s9 =	simm.s32 $0x12900  }
0xf5: {  	[hbm4b:s4+s2] =	stream.indirect_vreg.scatter [tilespmem:s9], [sflag:$0x6], $0x80, v4, vm1, $0xb8;
	[tilespmem:$0x18100] =	vst v63  }
0xf6: {  	s9 =	simm.s32 $0x12D00  }
0xf7: {  	[hbm4b:s3+s2] =	stream.indirect_vreg.scatter [tilespmem:s9], [sflag:$0x6], $0x80, v3, vm0, $0xb8;
	[tilespmem:$0x18100] =	vst v63  }
0xf8: {  	s9 =	simm.s32 $0x13500  }
0xf9: {  	[hbm4b:s4+s2] =	stream.indirect_vreg.scatter [tilespmem:s9], [sflag:$0x6], $0x80, v3, vm1, $0xb8;
	[tilespmem:$0x18100] =	vst v63  }
0xfa: {  	v3 =	vld [tilespmem:$0xD0];
	_ =	sdelay $0x4  }
0xfb: {  	v45 =	vshrl.u32 v3, $0x3  }
0xfc: {  	v4 =	vmul.u32 $0x18, v45  }
0xfd: {  	v3 =	vand.u32 $0x7, v3  }
0xfe: {  	v3 =	vor.u32 v3, v4  }
0xff: {  	v4 =	vperm.xlane v3, v0;
	_ =	sdelay $0x1  }
0x100: {  	v4 =	vadd.s32 v1, v4;
	_ =	sdelay $0x1  }
0x101: {  	v3 =	vperm.xlane v3, v2;
	_ =	sdelay $0x1  }
0x102: {  	s9 =	simm.s32 $0x13900;
	v3 =	vadd.s32 v1, v3  }
0x103: {  	[hbm4b:s3+s2] =	stream.indirect_vreg.scatter [tilespmem:s9], [sflag:$0x6], $0x80, v4, vm0, $0xb8;
	[tilespmem:$0x18100] =	vst v63  }
0x104: {  	s9 =	simm.s32 $0x14100  }
0x105: {  	[hbm4b:s4+s2] =	stream.indirect_vreg.scatter [tilespmem:s9], [sflag:$0x6], $0x80, v4, vm1, $0xb8;
	[tilespmem:$0x18100] =	vst v63  }
0x106: {  	s9 =	simm.s32 $0x14500  }
0x107: {  	[hbm4b:s3+s2] =	stream.indirect_vreg.scatter [tilespmem:s9], [sflag:$0x6], $0x80, v3, vm0, $0xb8;
	[tilespmem:$0x18100] =	vst v63  }
0x108: {  	s9 =	simm.s32 $0x14D00  }
0x109: {  	[hbm4b:s4+s2] =	stream.indirect_vreg.scatter [tilespmem:s9], [sflag:$0x6], $0x80, v3, vm1, $0xb8;
	[tilespmem:$0x18100] =	vst v63  }
0x10a: {  	v3 =	vld [tilespmem:$0xE0];
	_ =	sdelay $0x4  }
0x10b: {  	v46 =	vshrl.u32 v3, $0x3  }
0x10c: {  	v4 =	vmul.u32 $0x18, v46  }
0x10d: {  	v3 =	vand.u32 $0x7, v3  }
0x10e: {  	v3 =	vor.u32 v3, v4  }
0x10f: {  	v4 =	vperm.xlane v3, v0;
	_ =	sdelay $0x1  }
0x110: {  	v4 =	vadd.s32 v1, v4;
	_ =	sdelay $0x1  }
0x111: {  	v3 =	vperm.xlane v3, v2;
	_ =	sdelay $0x1  }
0x112: {  	s9 =	simm.s32 $0x15100;
	v3 =	vadd.s32 v1, v3  }
0x113: {  	[hbm4b:s3+s2] =	stream.indirect_vreg.scatter [tilespmem:s9], [sflag:$0x6], $0x80, v4, vm0, $0xb8;
	[tilespmem:$0x18100] =	vst v63  }
0x114: {  	s9 =	simm.s32 $0x15900  }
0x115: {  	[hbm4b:s4+s2] =	stream.indirect_vreg.scatter [tilespmem:s9], [sflag:$0x6], $0x80, v4, vm1, $0xb8;
	[tilespmem:$0x18100] =	vst v63  }
0x116: {  	s9 =	simm.s32 $0x15D00  }
0x117: {  	[hbm4b:s3+s2] =	stream.indirect_vreg.scatter [tilespmem:s9], [sflag:$0x6], $0x80, v3, vm0, $0xb8;
	[tilespmem:$0x18100] =	vst v63  }
0x118: {  	s9 =	simm.s32 $0x16500  }
0x119: {  	[hbm4b:s4+s2] =	stream.indirect_vreg.scatter [tilespmem:s9], [sflag:$0x6], $0x80, v3, vm1, $0xb8;
	[tilespmem:$0x18100] =	vst v63  }
0x11a: {  	v3 =	vld [tilespmem:$0xF0];
	_ =	sdelay $0x4  }
0x11b: {  	v47 =	vshrl.u32 v3, $0x3  }
0x11c: {  	v4 =	vmul.u32 $0x18, v47  }
0x11d: {  	v3 =	vand.u32 $0x7, v3  }
0x11e: {  	v3 =	vor.u32 v3, v4  }
0x11f: {  	v4 =	vperm.xlane v3, v0;
	_ =	sdelay $0x1  }
0x120: {  	v4 =	vadd.s32 v1, v4;
	_ =	sdelay $0x1  }
0x121: {  	v3 =	vperm.xlane v3, v2;
	_ =	sdelay $0x1  }
0x122: {  	s9 =	simm.s32 $0x16900;
	v3 =	vadd.s32 v1, v3  }
0x123: {  	[hbm4b:s3+s2] =	stream.indirect_vreg.scatter [tilespmem:s9], [sflag:$0x6], $0x80, v4, vm0, $0xb8;
	[tilespmem:$0x18100] =	vst v63  }
0x124: {  	s9 =	simm.s32 $0x17100  }
0x125: {  	[hbm4b:s4+s2] =	stream.indirect_vreg.scatter [tilespmem:s9], [sflag:$0x6], $0x80, v4, vm1, $0xb8;
	[tilespmem:$0x18100] =	vst v63  }
0x126: {  	s9 =	simm.s32 $0x17500  }
0x127: {  	[hbm4b:s3+s2] =	stream.indirect_vreg.scatter [tilespmem:s9], [sflag:$0x6], $0x80, v3, vm0, $0xb8;
	[tilespmem:$0x18100] =	vst v63  }
0x128: {  	s9 =	simm.s32 $0x17D00  }
0x129: {  	[hbm4b:s4+s2] =	stream.indirect_vreg.scatter [tilespmem:s9], [sflag:$0x6], $0x80, v3, vm1, $0xb8;
	[tilespmem:$0x18100] =	vst v63  }
0x12a: {  	_ =	swait.ge [sflag:s11], $0xC000  }
0x12b: {  	[sflag:s11] =	ssyncset.done $0x0  }
0x12c: {  	s0 =	rddreg [dreg:$0x8];
	[sflag:s11] =	ssyncadd.s32 $0xFFFF4000  }
0x12d: {  	[tilespmem:s2], [sflag:$0x1] =	stream.linear.gather [hbm4b:s0+s2], $0x80, $0x38;
	[tilespmem:$0x18100] =	vst v63  }
0x12e: {  	s9 =	rddreg [dreg:$0x9]  }
0x12f: {  	[tilespmem:s17], [sflag:$0x3] =	stream.linear.gather [hbm4b:s9+s2], $0xC000, $0x38;
	[tilespmem:$0x18100] =	vst v63  }
0x130: {  	_ =	swait.ge [sflag:s8], $0x80  }
0x131: {  	[sflag:s8] =	ssyncset.done $0x0  }
0x132: {  	[sflag:s8] =	ssyncadd.s32 $0xFFFFFF80  }
0x133: {  	_ =	swait.ge [sflag:s18], $0xC000  }
0x134: {  	[sflag:s18] =	ssyncset.done $0x0  }
0x135: {  	[sflag:s18] =	ssyncadd.s32 $0xFFFF4000  }
0x136: {  	v3 =	vld [tilespmem:$0x0];
	_ =	sdelay $0x4  }
0x137: {  	v48 =	vshrl.u32 v3, $0x3  }
0x138: {  	v4 =	vmul.u32 $0x18, v48  }
0x139: {  	v3 =	vand.u32 $0x7, v3  }
0x13a: {  	v3 =	vor.u32 v3, v4  }
0x13b: {  	v4 =	vperm.xlane v3, v0;
	_ =	sdelay $0x1  }
0x13c: {  	v4 =	vadd.s32 v1, v4;
	_ =	sdelay $0x1  }
0x13d: {  	v3 =	vperm.xlane v3, v2;
	_ =	sdelay $0x1  }
0x13e: {  	v3 =	vadd.s32 v1, v3  }
0x13f: {  	[hbm4b:s3+s2] =	stream.indirect_vreg.scatter [tilespmem:s17], [sflag:$0x5], $0x80, v4, vm0, $0xb8;
	[tilespmem:$0x18100] =	vst v63  }
0x140: {  	s9 =	simm.s32 $0x900  }
0x141: {  	[hbm4b:s4+s2] =	stream.indirect_vreg.scatter [tilespmem:s9], [sflag:$0x5], $0x80, v4, vm1, $0xb8;
	[tilespmem:$0x18100] =	vst v63  }
0x142: {  	s9 =	simm.s32 $0xD00  }
0x143: {  	[hbm4b:s3+s2] =	stream.indirect_vreg.scatter [tilespmem:s9], [sflag:$0x5], $0x80, v3, vm0, $0xb8;
	[tilespmem:$0x18100] =	vst v63  }
0x144: {  	_ = 	snop  }
0x145: {  	[hbm4b:s4+s2] =	stream.indirect_vreg.scatter [tilespmem:s12], [sflag:$0x5], $0x80, v3, vm1, $0xb8;
	[tilespmem:$0x18100] =	vst v63  }
0x146: {  	v3 =	vld [tilespmem:$0x10];
	_ =	sdelay $0x4  }
0x147: {  	v49 =	vshrl.u32 v3, $0x3  }
0x148: {  	v4 =	vmul.u32 $0x18, v49  }
0x149: {  	v3 =	vand.u32 $0x7, v3  }
0x14a: {  	v3 =	vor.u32 v3, v4  }
0x14b: {  	v4 =	vperm.xlane v3, v0;
	_ =	sdelay $0x1  }
0x14c: {  	v4 =	vadd.s32 v1, v4;
	_ =	sdelay $0x1  }
0x14d: {  	v3 =	vperm.xlane v3, v2;
	_ =	sdelay $0x1  }
0x14e: {  	v3 =	vadd.s32 v1, v3  }
0x14f: {  	[hbm4b:s3+s2] =	stream.indirect_vreg.scatter [tilespmem:s13], [sflag:$0x5], $0x80, v4, vm0, $0xb8;
	[tilespmem:$0x18100] =	vst v63  }
0x150: {  	_ = 	snop  }
0x151: {  	[hbm4b:s4+s2] =	stream.indirect_vreg.scatter [tilespmem:s14], [sflag:$0x5], $0x80, v4, vm1, $0xb8;
	[tilespmem:$0x18100] =	vst v63  }
0x152: {  	_ = 	snop  }
0x153: {  	[hbm4b:s3+s2] =	stream.indirect_vreg.scatter [tilespmem:s15], [sflag:$0x5], $0x80, v3, vm0, $0xb8;
	[tilespmem:$0x18100] =	vst v63  }
0x154: {  	_ = 	snop  }
0x155: {  	[hbm4b:s4+s2] =	stream.indirect_vreg.scatter [tilespmem:s16], [sflag:$0x5], $0x80, v3, vm1, $0xb8;
	[tilespmem:$0x18100] =	vst v63  }
0x156: {  	v3 =	vld [tilespmem:$0x20];
	_ =	sdelay $0x4  }
0x157: {  	v50 =	vshrl.u32 v3, $0x3  }
0x158: {  	v4 =	vmul.u32 $0x18, v50  }
0x159: {  	v3 =	vand.u32 $0x7, v3  }
0x15a: {  	v3 =	vor.u32 v3, v4  }
0x15b: {  	v4 =	vperm.xlane v3, v0;
	_ =	sdelay $0x1  }
0x15c: {  	v4 =	vadd.s32 v1, v4;
	_ =	sdelay $0x1  }
0x15d: {  	v3 =	vperm.xlane v3, v2;
	_ =	sdelay $0x1  }
0x15e: {  	v3 =	vadd.s32 v1, v3  }
0x15f: {  	[hbm4b:s3+s2] =	stream.indirect_vreg.scatter [tilespmem:s20], [sflag:$0x5], $0x80, v4, vm0, $0xb8;
	[tilespmem:$0x18100] =	vst v63  }
0x160: {  	_ = 	snop  }
0x161: {  	[hbm4b:s4+s2] =	stream.indirect_vreg.scatter [tilespmem:s21], [sflag:$0x5], $0x80, v4, vm1, $0xb8;
	[tilespmem:$0x18100] =	vst v63  }
0x162: {  	_ = 	snop  }
0x163: {  	[hbm4b:s3+s2] =	stream.indirect_vreg.scatter [tilespmem:s22], [sflag:$0x5], $0x80, v3, vm0, $0xb8;
	[tilespmem:$0x18100] =	vst v63  }
0x164: {  	_ = 	snop  }
0x165: {  	[hbm4b:s4+s2] =	stream.indirect_vreg.scatter [tilespmem:s23], [sflag:$0x5], $0x80, v3, vm1, $0xb8;
	[tilespmem:$0x18100] =	vst v63  }
0x166: {  	v3 =	vld [tilespmem:$0x30];
	_ =	sdelay $0x4  }
0x167: {  	v51 =	vshrl.u32 v3, $0x3  }
0x168: {  	v4 =	vmul.u32 $0x18, v51  }
0x169: {  	v3 =	vand.u32 $0x7, v3  }
0x16a: {  	v3 =	vor.u32 v3, v4  }
0x16b: {  	v4 =	vperm.xlane v3, v0;
	_ =	sdelay $0x1  }
0x16c: {  	v4 =	vadd.s32 v1, v4;
	_ =	sdelay $0x1  }
0x16d: {  	v3 =	vperm.xlane v3, v2;
	_ =	sdelay $0x1  }
0x16e: {  	v3 =	vadd.s32 v1, v3  }
0x16f: {  	[hbm4b:s3+s2] =	stream.indirect_vreg.scatter [tilespmem:s24], [sflag:$0x5], $0x80, v4, vm0, $0xb8;
	[tilespmem:$0x18100] =	vst v63  }
0x170: {  	_ = 	snop  }
0x171: {  	[hbm4b:s4+s2] =	stream.indirect_vreg.scatter [tilespmem:s25], [sflag:$0x5], $0x80, v4, vm1, $0xb8;
	[tilespmem:$0x18100] =	vst v63  }
0x172: {  	_ = 	snop  }
0x173: {  	[hbm4b:s3+s2] =	stream.indirect_vreg.scatter [tilespmem:s26], [sflag:$0x5], $0x80, v3, vm0, $0xb8;
	[tilespmem:$0x18100] =	vst v63  }
0x174: {  	_ = 	snop  }
0x175: {  	[hbm4b:s4+s2] =	stream.indirect_vreg.scatter [tilespmem:s28], [sflag:$0x5], $0x80, v3, vm1, $0xb8;
	[tilespmem:$0x18100] =	vst v63  }
0x176: {  	v3 =	vld [tilespmem:$0x40];
	_ =	sdelay $0x4  }
0x177: {  	v52 =	vshrl.u32 v3, $0x3  }
0x178: {  	v4 =	vmul.u32 $0x18, v52  }
0x179: {  	v3 =	vand.u32 $0x7, v3  }
0x17a: {  	v3 =	vor.u32 v3, v4  }
0x17b: {  	v4 =	vperm.xlane v3, v0;
	_ =	sdelay $0x1  }
0x17c: {  	v4 =	vadd.s32 v1, v4;
	_ =	sdelay $0x1  }
0x17d: {  	v3 =	vperm.xlane v3, v2;
	_ =	sdelay $0x1  }
0x17e: {  	v3 =	vadd.s32 v1, v3  }
0x17f: {  	[hbm4b:s3+s2] =	stream.indirect_vreg.scatter [tilespmem:s29], [sflag:$0x5], $0x80, v4, vm0, $0xb8;
	[tilespmem:$0x18100] =	vst v63  }
0x180: {  	_ = 	snop  }
0x181: {  	[hbm4b:s4+s2] =	stream.indirect_vreg.scatter [tilespmem:s30], [sflag:$0x5], $0x80, v4, vm1, $0xb8;
	[tilespmem:$0x18100] =	vst v63  }
0x182: {  	s9 =	simm.s32 $0x6D00  }
0x183: {  	[hbm4b:s3+s2] =	stream.indirect_vreg.scatter [tilespmem:s9], [sflag:$0x5], $0x80, v3, vm0, $0xb8;
	[tilespmem:$0x18100] =	vst v63  }
0x184: {  	s9 =	simm.s32 $0x7500  }
0x185: {  	[hbm4b:s4+s2] =	stream.indirect_vreg.scatter [tilespmem:s9], [sflag:$0x5], $0x80, v3, vm1, $0xb8;
	[tilespmem:$0x18100] =	vst v63  }
0x186: {  	v3 =	vld [tilespmem:$0x50];
	_ =	sdelay $0x4  }
0x187: {  	v53 =	vshrl.u32 v3, $0x3  }
0x188: {  	v4 =	vmul.u32 $0x18, v53  }
0x189: {  	v3 =	vand.u32 $0x7, v3  }
0x18a: {  	v3 =	vor.u32 v3, v4  }
0x18b: {  	v4 =	vperm.xlane v3, v0;
	_ =	sdelay $0x1  }
0x18c: {  	v4 =	vadd.s32 v1, v4;
	_ =	sdelay $0x1  }
0x18d: {  	v3 =	vperm.xlane v3, v2;
	_ =	sdelay $0x1  }
0x18e: {  	v3 =	vadd.s32 v1, v3  }
0x18f: {  	[hbm4b:s3+s2] =	stream.indirect_vreg.scatter [tilespmem:s19], [sflag:$0x5], $0x80, v4, vm0, $0xb8;
	[tilespmem:$0x18100] =	vst v63  }
0x190: {  	s9 =	simm.s32 $0x8100  }
0x191: {  	[hbm4b:s4+s2] =	stream.indirect_vreg.scatter [tilespmem:s9], [sflag:$0x5], $0x80, v4, vm1, $0xb8;
	[tilespmem:$0x18100] =	vst v63  }
0x192: {  	s9 =	simm.s32 $0x8500  }
0x193: {  	[hbm4b:s3+s2] =	stream.indirect_vreg.scatter [tilespmem:s9], [sflag:$0x5], $0x80, v3, vm0, $0xb8;
	[tilespmem:$0x18100] =	vst v63  }
0x194: {  	s9 =	simm.s32 $0x8D00  }
0x195: {  	[hbm4b:s4+s2] =	stream.indirect_vreg.scatter [tilespmem:s9], [sflag:$0x5], $0x80, v3, vm1, $0xb8;
	[tilespmem:$0x18100] =	vst v63  }
0x196: {  	v3 =	vld [tilespmem:$0x60];
	_ =	sdelay $0x4  }
0x197: {  	v54 =	vshrl.u32 v3, $0x3  }
0x198: {  	v4 =	vmul.u32 $0x18, v54  }
0x199: {  	v3 =	vand.u32 $0x7, v3  }
0x19a: {  	v3 =	vor.u32 v3, v4  }
0x19b: {  	v4 =	vperm.xlane v3, v0;
	_ =	sdelay $0x1  }
0x19c: {  	v4 =	vadd.s32 v1, v4;
	_ =	sdelay $0x1  }
0x19d: {  	v3 =	vperm.xlane v3, v2;
	_ =	sdelay $0x1  }
0x19e: {  	s9 =	simm.s32 $0x9100;
	v3 =	vadd.s32 v1, v3  }
0x19f: {  	[hbm4b:s3+s2] =	stream.indirect_vreg.scatter [tilespmem:s9], [sflag:$0x5], $0x80, v4, vm0, $0xb8;
	[tilespmem:$0x18100] =	vst v63  }
0x1a0: {  	s9 =	simm.s32 $0x9900  }
0x1a1: {  	[hbm4b:s4+s2] =	stream.indirect_vreg.scatter [tilespmem:s9], [sflag:$0x5], $0x80, v4, vm1, $0xb8;
	[tilespmem:$0x18100] =	vst v63  }
0x1a2: {  	s9 =	simm.s32 $0x9D00  }
0x1a3: {  	[hbm4b:s3+s2] =	stream.indirect_vreg.scatter [tilespmem:s9], [sflag:$0x5], $0x80, v3, vm0, $0xb8;
	[tilespmem:$0x18100] =	vst v63  }
0x1a4: {  	s9 =	simm.s32 $0xA500  }
0x1a5: {  	[hbm4b:s4+s2] =	stream.indirect_vreg.scatter [tilespmem:s9], [sflag:$0x5], $0x80, v3, vm1, $0xb8;
	[tilespmem:$0x18100] =	vst v63  }
0x1a6: {  	v3 =	vld [tilespmem:$0x70];
	_ =	sdelay $0x4  }
0x1a7: {  	v55 =	vshrl.u32 v3, $0x3  }
0x1a8: {  	v4 =	vmul.u32 $0x18, v55  }
0x1a9: {  	v3 =	vand.u32 $0x7, v3  }
0x1aa: {  	v3 =	vor.u32 v3, v4  }
0x1ab: {  	v4 =	vperm.xlane v3, v0;
	_ =	sdelay $0x1  }
0x1ac: {  	v4 =	vadd.s32 v1, v4;
	_ =	sdelay $0x1  }
0x1ad: {  	v3 =	vperm.xlane v3, v2;
	_ =	sdelay $0x1  }
0x1ae: {  	s9 =	simm.s32 $0xA900;
	v3 =	vadd.s32 v1, v3  }
0x1af: {  	[hbm4b:s3+s2] =	stream.indirect_vreg.scatter [tilespmem:s9], [sflag:$0x5], $0x80, v4, vm0, $0xb8;
	[tilespmem:$0x18100] =	vst v63  }
0x1b0: {  	s9 =	simm.s32 $0xB100  }
0x1b1: {  	[hbm4b:s4+s2] =	stream.indirect_vreg.scatter [tilespmem:s9], [sflag:$0x5], $0x80, v4, vm1, $0xb8;
	[tilespmem:$0x18100] =	vst v63  }
0x1b2: {  	s9 =	simm.s32 $0xB500  }
0x1b3: {  	[hbm4b:s3+s2] =	stream.indirect_vreg.scatter [tilespmem:s9], [sflag:$0x5], $0x80, v3, vm0, $0xb8;
	[tilespmem:$0x18100] =	vst v63  }
0x1b4: {  	_ = 	snop  }
0x1b5: {  	[hbm4b:s4+s2] =	stream.indirect_vreg.scatter [tilespmem:s6], [sflag:$0x5], $0x80, v3, vm1, $0xb8;
	[tilespmem:$0x18100] =	vst v63  }
0x1b6: {  	_ =	swait.ge [sflag:s1], $0xC000  }
0x1b7: {  	[sflag:s1] =	ssyncset.done $0x0  }
0x1b8: {  	s6 =	simm.s32 $0x80;
	s0 =	rddreg [dreg:$0xa];
	[sflag:s1] =	ssyncadd.s32 $0xFFFF4000  }
0x1b9: {  	[tilespmem:s6], [sflag:$0x2] =	stream.linear.gather [hbm4b:s0+s2], $0x80, $0x38;
	[tilespmem:$0x18100] =	vst v63  }
0x1ba: {  	s9 =	rddreg [dreg:$0xb]  }
0x1bb: {  	[tilespmem:s31], [sflag:$0x4] =	stream.linear.gather [hbm4b:s9+s2], $0xC000, $0x38;
	[tilespmem:$0x18100] =	vst v63  }
0x1bc: {  	_ =	swait.ge [sflag:s7], $0x80  }
0x1bd: {  	[sflag:s7] =	ssyncset.done $0x0  }
0x1be: {  	[sflag:s7] =	ssyncadd.s32 $0xFFFFFF80  }
0x1bf: {  	_ =	swait.ge [sflag:s10], $0xC000  }
0x1c0: {  	[sflag:s10] =	ssyncset.done $0x0  }
0x1c1: {  	[sflag:s10] =	ssyncadd.s32 $0xFFFF4000  }
0x1c2: {  	v3 =	vld [tilespmem:$0x80];
	_ =	sdelay $0x4  }
0x1c3: {  	v56 =	vshrl.u32 v3, $0x3  }
0x1c4: {  	v4 =	vmul.u32 $0x18, v56  }
0x1c5: {  	v3 =	vand.u32 $0x7, v3  }
0x1c6: {  	v3 =	vor.u32 v3, v4  }
0x1c7: {  	v4 =	vperm.xlane v3, v0;
	_ =	sdelay $0x1  }
0x1c8: {  	v4 =	vadd.s32 v1, v4;
	_ =	sdelay $0x1  }
0x1c9: {  	v3 =	vperm.xlane v3, v2;
	_ =	sdelay $0x1  }
0x1ca: {  	v3 =	vadd.s32 v1, v3  }
0x1cb: {  	[hbm4b:s3+s2] =	stream.indirect_vreg.scatter [tilespmem:s31], [sflag:$0x6], $0x80, v4, vm0, $0xb8;
	[tilespmem:$0x18100] =	vst v63  }
0x1cc: {  	s9 =	simm.s32 $0xC900  }
0x1cd: {  	[hbm4b:s4+s2] =	stream.indirect_vreg.scatter [tilespmem:s9], [sflag:$0x6], $0x80, v4, vm1, $0xb8;
	[tilespmem:$0x18100] =	vst v63  }
0x1ce: {  	s6 =	simm.s32 $0xCD00  }
0x1cf: {  	[hbm4b:s3+s2] =	stream.indirect_vreg.scatter [tilespmem:s6], [sflag:$0x6], $0x80, v3, vm0, $0xb8;
	[tilespmem:$0x18100] =	vst v63  }
0x1d0: {  	s7 =	simm.s32 $0xD500  }
0x1d1: {  	[hbm4b:s4+s2] =	stream.indirect_vreg.scatter [tilespmem:s7], [sflag:$0x6], $0x80, v3, vm1, $0xb8;
	[tilespmem:$0x18100] =	vst v63  }
0x1d2: {  	v3 =	vld [tilespmem:$0x90];
	_ =	sdelay $0x4  }
0x1d3: {  	v57 =	vshrl.u32 v3, $0x3  }
0x1d4: {  	v4 =	vmul.u32 $0x18, v57  }
0x1d5: {  	v3 =	vand.u32 $0x7, v3  }
0x1d6: {  	v3 =	vor.u32 v3, v4  }
0x1d7: {  	v4 =	vperm.xlane v3, v0;
	_ =	sdelay $0x1  }
0x1d8: {  	v4 =	vadd.s32 v1, v4;
	_ =	sdelay $0x1  }
0x1d9: {  	v3 =	vperm.xlane v3, v2;
	_ =	sdelay $0x1  }
0x1da: {  	s9 =	simm.s32 $0xD900;
	v3 =	vadd.s32 v1, v3  }
0x1db: {  	[hbm4b:s3+s2] =	stream.indirect_vreg.scatter [tilespmem:s9], [sflag:$0x6], $0x80, v4, vm0, $0xb8;
	[tilespmem:$0x18100] =	vst v63  }
0x1dc: {  	s6 =	simm.s32 $0xE100  }
0x1dd: {  	[hbm4b:s4+s2] =	stream.indirect_vreg.scatter [tilespmem:s6], [sflag:$0x6], $0x80, v4, vm1, $0xb8;
	[tilespmem:$0x18100] =	vst v63  }
0x1de: {  	s7 =	simm.s32 $0xE500  }
0x1df: {  	[hbm4b:s3+s2] =	stream.indirect_vreg.scatter [tilespmem:s7], [sflag:$0x6], $0x80, v3, vm0, $0xb8;
	[tilespmem:$0x18100] =	vst v63  }
0x1e0: {  	s9 =	simm.s32 $0xED00  }
0x1e1: {  	[hbm4b:s4+s2] =	stream.indirect_vreg.scatter [tilespmem:s9], [sflag:$0x6], $0x80, v3, vm1, $0xb8;
	[tilespmem:$0x18100] =	vst v63  }
0x1e2: {  	v3 =	vld [tilespmem:$0xA0];
	_ =	sdelay $0x4  }
0x1e3: {  	v58 =	vshrl.u32 v3, $0x3  }
0x1e4: {  	v4 =	vmul.u32 $0x18, v58  }
0x1e5: {  	v3 =	vand.u32 $0x7, v3  }
0x1e6: {  	v3 =	vor.u32 v3, v4  }
0x1e7: {  	v4 =	vperm.xlane v3, v0;
	_ =	sdelay $0x1  }
0x1e8: {  	v4 =	vadd.s32 v1, v4;
	_ =	sdelay $0x1  }
0x1e9: {  	v3 =	vperm.xlane v3, v2;
	_ =	sdelay $0x1  }
0x1ea: {  	s6 =	simm.s32 $0xF100;
	v3 =	vadd.s32 v1, v3  }
0x1eb: {  	[hbm4b:s3+s2] =	stream.indirect_vreg.scatter [tilespmem:s6], [sflag:$0x6], $0x80, v4, vm0, $0xb8;
	[tilespmem:$0x18100] =	vst v63  }
0x1ec: {  	s7 =	simm.s32 $0xF900  }
0x1ed: {  	[hbm4b:s4+s2] =	stream.indirect_vreg.scatter [tilespmem:s7], [sflag:$0x6], $0x80, v4, vm1, $0xb8;
	[tilespmem:$0x18100] =	vst v63  }
0x1ee: {  	s9 =	simm.s32 $0xFD00  }
0x1ef: {  	[hbm4b:s3+s2] =	stream.indirect_vreg.scatter [tilespmem:s9], [sflag:$0x6], $0x80, v3, vm0, $0xb8;
	[tilespmem:$0x18100] =	vst v63  }
0x1f0: {  	s6 =	simm.s32 $0x10500  }
0x1f1: {  	[hbm4b:s4+s2] =	stream.indirect_vreg.scatter [tilespmem:s6], [sflag:$0x6], $0x80, v3, vm1, $0xb8;
	[tilespmem:$0x18100] =	vst v63  }
0x1f2: {  	v3 =	vld [tilespmem:$0xB0];
	_ =	sdelay $0x4  }
0x1f3: {  	v59 =	vshrl.u32 v3, $0x3  }
0x1f4: {  	v4 =	vmul.u32 $0x18, v59  }
0x1f5: {  	v3 =	vand.u32 $0x7, v3  }
0x1f6: {  	v3 =	vor.u32 v3, v4  }
0x1f7: {  	v4 =	vperm.xlane v3, v0;
	_ =	sdelay $0x1  }
0x1f8: {  	v4 =	vadd.s32 v1, v4;
	_ =	sdelay $0x1  }
0x1f9: {  	v3 =	vperm.xlane v3, v2;
	_ =	sdelay $0x1  }
0x1fa: {  	s7 =	simm.s32 $0x10900;
	v3 =	vadd.s32 v1, v3  }
0x1fb: {  	[hbm4b:s3+s2] =	stream.indirect_vreg.scatter [tilespmem:s7], [sflag:$0x6], $0x80, v4, vm0, $0xb8;
	[tilespmem:$0x18100] =	vst v63  }
0x1fc: {  	s9 =	simm.s32 $0x11100  }
0x1fd: {  	[hbm4b:s4+s2] =	stream.indirect_vreg.scatter [tilespmem:s9], [sflag:$0x6], $0x80, v4, vm1, $0xb8;
	[tilespmem:$0x18100] =	vst v63  }
0x1fe: {  	s6 =	simm.s32 $0x11500  }
0x1ff: {  	[hbm4b:s3+s2] =	stream.indirect_vreg.scatter [tilespmem:s6], [sflag:$0x6], $0x80, v3, vm0, $0xb8;
	[tilespmem:$0x18100] =	vst v63  }
0x200: {  	s7 =	simm.s32 $0x11D00  }
0x201: {  	[hbm4b:s4+s2] =	stream.indirect_vreg.scatter [tilespmem:s7], [sflag:$0x6], $0x80, v3, vm1, $0xb8;
	[tilespmem:$0x18100] =	vst v63  }
0x202: {  	v3 =	vld [tilespmem:$0xC0];
	_ =	sdelay $0x4  }
0x203: {  	v60 =	vshrl.u32 v3, $0x3  }
0x204: {  	v4 =	vmul.u32 $0x18, v60  }
0x205: {  	v3 =	vand.u32 $0x7, v3  }
0x206: {  	v3 =	vor.u32 v3, v4  }
0x207: {  	v4 =	vperm.xlane v3, v0;
	_ =	sdelay $0x1  }
0x208: {  	v4 =	vadd.s32 v1, v4;
	_ =	sdelay $0x1  }
0x209: {  	v3 =	vperm.xlane v3, v2;
	_ =	sdelay $0x1  }
0x20a: {  	s9 =	simm.s32 $0x12100;
	v3 =	vadd.s32 v1, v3  }
0x20b: {  	[hbm4b:s3+s2] =	stream.indirect_vreg.scatter [tilespmem:s9], [sflag:$0x6], $0x80, v4, vm0, $0xb8;
	[tilespmem:$0x18100] =	vst v63  }
0x20c: {  	s6 =	simm.s32 $0x12900  }
0x20d: {  	[hbm4b:s4+s2] =	stream.indirect_vreg.scatter [tilespmem:s6], [sflag:$0x6], $0x80, v4, vm1, $0xb8;
	[tilespmem:$0x18100] =	vst v63  }
0x20e: {  	s7 =	simm.s32 $0x12D00  }
0x20f: {  	[hbm4b:s3+s2] =	stream.indirect_vreg.scatter [tilespmem:s7], [sflag:$0x6], $0x80, v3, vm0, $0xb8;
	[tilespmem:$0x18100] =	vst v63  }
0x210: {  	s9 =	simm.s32 $0x13500  }
0x211: {  	[hbm4b:s4+s2] =	stream.indirect_vreg.scatter [tilespmem:s9], [sflag:$0x6], $0x80, v3, vm1, $0xb8;
	[tilespmem:$0x18100] =	vst v63  }
0x212: {  	v3 =	vld [tilespmem:$0xD0];
	_ =	sdelay $0x4  }
0x213: {  	v61 =	vshrl.u32 v3, $0x3  }
0x214: {  	v4 =	vmul.u32 $0x18, v61  }
0x215: {  	v3 =	vand.u32 $0x7, v3  }
0x216: {  	v3 =	vor.u32 v3, v4  }
0x217: {  	v4 =	vperm.xlane v3, v0;
	_ =	sdelay $0x1  }
0x218: {  	v4 =	vadd.s32 v1, v4;
	_ =	sdelay $0x1  }
0x219: {  	v3 =	vperm.xlane v3, v2;
	_ =	sdelay $0x1  }
0x21a: {  	s6 =	simm.s32 $0x13900;
	v3 =	vadd.s32 v1, v3  }
0x21b: {  	[hbm4b:s3+s2] =	stream.indirect_vreg.scatter [tilespmem:s6], [sflag:$0x6], $0x80, v4, vm0, $0xb8;
	[tilespmem:$0x18100] =	vst v63  }
0x21c: {  	s7 =	simm.s32 $0x14100  }
0x21d: {  	[hbm4b:s4+s2] =	stream.indirect_vreg.scatter [tilespmem:s7], [sflag:$0x6], $0x80, v4, vm1, $0xb8;
	[tilespmem:$0x18100] =	vst v63  }
0x21e: {  	s9 =	simm.s32 $0x14500  }
0x21f: {  	[hbm4b:s3+s2] =	stream.indirect_vreg.scatter [tilespmem:s9], [sflag:$0x6], $0x80, v3, vm0, $0xb8;
	[tilespmem:$0x18100] =	vst v63  }
0x220: {  	s6 =	simm.s32 $0x14D00  }
0x221: {  	[hbm4b:s4+s2] =	stream.indirect_vreg.scatter [tilespmem:s6], [sflag:$0x6], $0x80, v3, vm1, $0xb8;
	[tilespmem:$0x18100] =	vst v63  }
0x222: {  	v3 =	vld [tilespmem:$0xE0];
	_ =	sdelay $0x4  }
0x223: {  	v62 =	vshrl.u32 v3, $0x3  }
0x224: {  	v4 =	vmul.u32 $0x18, v62  }
0x225: {  	v3 =	vand.u32 $0x7, v3  }
0x226: {  	v3 =	vor.u32 v3, v4  }
0x227: {  	v4 =	vperm.xlane v3, v0;
	_ =	sdelay $0x1  }
0x228: {  	v4 =	vadd.s32 v1, v4;
	_ =	sdelay $0x1  }
0x229: {  	v3 =	vperm.xlane v3, v2;
	_ =	sdelay $0x1  }
0x22a: {  	s7 =	simm.s32 $0x15100;
	v3 =	vadd.s32 v1, v3  }
0x22b: {  	[hbm4b:s3+s2] =	stream.indirect_vreg.scatter [tilespmem:s7], [sflag:$0x6], $0x80, v4, vm0, $0xb8;
	[tilespmem:$0x18100] =	vst v63  }
0x22c: {  	s9 =	simm.s32 $0x15900  }
0x22d: {  	[hbm4b:s4+s2] =	stream.indirect_vreg.scatter [tilespmem:s9], [sflag:$0x6], $0x80, v4, vm1, $0xb8;
	[tilespmem:$0x18100] =	vst v63  }
0x22e: {  	s6 =	simm.s32 $0x15D00  }
0x22f: {  	[hbm4b:s3+s2] =	stream.indirect_vreg.scatter [tilespmem:s6], [sflag:$0x6], $0x80, v3, vm0, $0xb8;
	[tilespmem:$0x18100] =	vst v63  }
0x230: {  	s7 =	simm.s32 $0x16500  }
0x231: {  	[hbm4b:s4+s2] =	stream.indirect_vreg.scatter [tilespmem:s7], [sflag:$0x6], $0x80, v3, vm1, $0xb8;
	[tilespmem:$0x18100] =	vst v63  }
0x232: {  	v3 =	vld [tilespmem:$0xF0];
	_ =	sdelay $0x4  }
0x233: {  	v63 =	vshrl.u32 v3, $0x3  }
0x234: {  	v4 =	vmul.u32 $0x18, v63  }
0x235: {  	v3 =	vand.u32 $0x7, v3  }
0x236: {  	v3 =	vor.u32 v3, v4  }
0x237: {  	v4 =	vperm.xlane v3, v0;
	_ =	sdelay $0x1  }
0x238: {  	v4 =	vadd.s32 v1, v4;
	_ =	sdelay $0x1  }
0x239: {  	v3 =	vperm.xlane v3, v2;
	_ =	sdelay $0x1  }
0x23a: {  	s9 =	simm.s32 $0x16900;
	v3 =	vadd.s32 v1, v3  }
0x23b: {  	[hbm4b:s3+s2] =	stream.indirect_vreg.scatter [tilespmem:s9], [sflag:$0x6], $0x80, v4, vm0, $0xb8;
	[tilespmem:$0x18100] =	vst v63  }
0x23c: {  	s6 =	simm.s32 $0x17100  }
0x23d: {  	[hbm4b:s4+s2] =	stream.indirect_vreg.scatter [tilespmem:s6], [sflag:$0x6], $0x80, v4, vm1, $0xb8;
	[tilespmem:$0x18100] =	vst v63  }
0x23e: {  	s7 =	simm.s32 $0x17500  }
0x23f: {  	[hbm4b:s3+s2] =	stream.indirect_vreg.scatter [tilespmem:s7], [sflag:$0x6], $0x80, v3, vm0, $0xb8;
	[tilespmem:$0x18100] =	vst v63  }
0x240: {  	s9 =	simm.s32 $0x17D00  }
0x241: {  	[hbm4b:s4+s2] =	stream.indirect_vreg.scatter [tilespmem:s9], [sflag:$0x6], $0x80, v3, vm1, $0xb8;
	[tilespmem:$0x18100] =	vst v63  }
0x242: {  	p0 =	sne.s32 s5, $0x1;
	_ =	swait.ge [sflag:s11], $0xC000  }
.Ltmp0:
0x243: {  	[sflag:s11] =	ssyncset.done $0x0;
	(pc) =	sbr.rel @p0 .LBB2_1-.Ltmp0, $4  }
0x244: {  	[sflag:s11] =	ssyncadd.s32 $0xFFFF4000  }
0x245: {  	_ =	swait.ge [sflag:s1], $0xC000  }
0x246: {  	[sflag:s1] =	ssyncset.done $0x0  }
0x247: {  	s5 =	sadd.s32 $0xFFFFFFFF, s5;
	[sflag:s1] =	ssyncadd.s32 $0xFFFF4000  }
0x248: {  	_ =	sfence.sel $0x180000  }
0x249: {  	[bflag:$0x0] =	sbarrier.arrive $0xFFFF  }
0x24a: {  	_ =	strace $0x9000004A  }
0x24b: {  	s0 =	stileid.u32;
	[bflag:$0x2] =	sbarrier.arrive $0xFFFF  }
0x24c: {  	p0 =	sne.s32 s0, $0x0;
	s0 =	rddreg [dreg:$0x3]  }
0x24d: {  	s0 =	sadd.s32 @!p0 $0x100000, s0  }
0x24e: {  	[sflag:s0] =	ssyncadd.tile.s32 @!p0 $0x1;
	_ =	shalt  }
.Lfunc_end2:
_tile_overlayer_lowered:
.L_overlay_start_2:
0x24f: {  	(tag) =	ssettag $0x2  }
0x250: {  	s0 =	rddreg [dreg:$0x0];
	s2 =	stileid.u32  }
0x251: {  	s1 =	rddreg [dreg:$0x1];
	p0 =	sne.s32 s2, $0x0  }
0x252: {  	s3 =	rddreg [dreg:$0x2];
	[bflag:$0x3] =	sbarrier.arrive $0xFFFF;
	s2 =	simm.s32 @!p0 $0x1C07  }
0x253: {  	[timem:s3], [sflag:s2] =	dma.local @!p0 [hbm:s0], s1  }
0x254: {  	s0 =	simm.s32 @!p0 $0x7  }
0x255: {  	_ =	swait.ge @!p0 [sflag:s0], s1  }
0x256: {  	s1 =	ssub.s32 @!p0 $0x0, s1;
	[sflag:s0] =	ssyncset.done @!p0 $0x0  }
0x257: {  	[sflag:s0] =	ssyncadd.s32 @!p0 s1  }
0x258: {  	[bflag:$0x3] =	sbarrier.arrive $0xFFFF  }
0x259: {  	_ =	shalt  }

// kernel: kernel.18.cloned.1.call-start
scs
__scs_entry_jumppad:
0x0: {  	(pc) =	sbr.rel $0x88, $3  }
0x1: {  	(tag) =	ssettag $0x0;
	lr =	simm.s32 $0x1  }
0x2: {  	[smem:$0x3F95] =	sst lr;
	_ =	strace $0xD0000000  }
0x3: {  	_ = 	snop  }
0x4: {  	_ = 	snop  }
0x5: {  	_ = 	snop  }
0x6: {  	_ = 	snop  }
0x7: {  	_ = 	snop  }
__scs_overlays_trampoline_lowered:
0x8: {  	[smem:$0x3FA4] =	sst s0  }
0x9: {  	[smem:$0x3FA5] =	sst s1  }
0xa: {  	[smem:$0x3FA6] =	sst s2  }
0xb: {  	[smem:$0x3FA7] =	sst s3  }
0xc: {  	[smem:$0x3FA8] =	sst s4  }
0xd: {  	[smem:$0x3FA9] =	sst s5  }
0xe: {  	[smem:$0x3FAA] =	sst s6  }
0xf: {  	[smem:$0x3FAB] =	sst s7  }
0x10: {  	[smem:$0x3FAC] =	sst s8  }
0x11: {  	[smem:$0x3FAD] =	sst s9;
	s0 =	simm.s32 @!p0 $0x0  }
0x12: {  	s1 =	sld [smem:$0x3F93];
	s0 =	simm.s32 @p0 $0x1  }
0x13: {  	[smem:$0x3FAE] =	sst s0;
	s0 =	simm.s32 @!p1 $0x0  }
0x14: {  	s2 =	sld [smem:$0x3F92];
	s0 =	simm.s32 @p1 $0x1  }
0x15: {  	[smem:$0x3FAF] =	sst s0;
	s0 =	simm.s32 @!p2 $0x0  }
0x16: {  	s3 =	sld [smem:$0x3FDB];
	s0 =	simm.s32 @p2 $0x1  }
0x17: {  	s4 =	simm.s32 $0x1BF5;
	[smem:$0x3FB1] =	sst s0  }
0x18: {  	s0 =	sld [smem:$0x3F94];
	_ =	swait.ge [sflag:s4], $0x0  }
0x19: {  	s7 =	sld [smem:$0x3F95]  }
0x1a: {  	s8 =	sadd.s32 $0xFFFFE003, lr  }
0x1b: {  	s9 =	sadd.s32 $0xFFFFFEF7, lr;
	s5 =	simm.s32 $0xFFFFFFFF;
	p2 =	slt.u32 s8, $0xFFFFF086  }
0x1c: {  	p1 =	slt.u32 s9, $0xF7A;
	s5 =	simm.s32 @!p2 $0x0  }
0x1d: {  	s5 =	simm.s32 @p1 $0x1;
	p0 =	seq.s32 s7, s2  }
0x1e: {  	s7 =	smul.u32 @!p0 $0xF7A, s2;
	p2 =	seq.s32 @!p0 s5, $0x0  }
0x1f: {  	s9 =	smul.u32 $0xF7A, s1;
	s8 =	simm.s32 @!p0 $0x1BF5;
	p2 =	por !p2, p0  }
0x20: {  	[sflag:s8] =	ssyncset.s32 @!p0 $0xFFFFF086;
	s6 =	sadd.s32 @!p0 s3, s7;
	s7 =	simm.s32 @!p0 $0x108  }
0x21: {  	s3 =	sadd.s32 s3, s9;
	s6 =	sadd.s32 @!p0 $0x88, s6;
	s7 =	simm.s32 @p2 $0x1082  }
0x22: {  	[simem:s7], [sflag:s8] =	dma.local @!p0 [hbm:s6], $0xF7A  }
0x23: {  	s9 =	sor.u32 $0xD0000000, s2;
	s6 =	simm.s32 $0x108;
	_ =	swait.ge @!p0 [sflag:s8], $0x0  }
0x24: {  	s3 =	sadd.s32 $0x88, s3;
	s6 =	simm.s32 @!p1 $0x1082;
	[sflag:s4] =	ssyncset.s32 $0xFFFFF086  }
0x25: {  	[simem:s6], [sflag:s4] =	dma.local [hbm:s3], $0xF7A  }
0x26: {  	[smem:$0x3F95] =	sst s1;
	(tag) =	ssettag s2;
	_ =	strace s9  }
0x27: {  	s1 =	sld [smem:$0x3FA5]  }
0x28: {  	s2 =	sld [smem:$0x3FA6]  }
0x29: {  	s4 =	sld [smem:$0x3FA8]  }
0x2a: {  	p0 =	seq.s32 s5, $0x0;
	s5 =	sld [smem:$0x3FA9]  }
0x2b: {  	s6 =	sld [smem:$0x3FAA]  }
0x2c: {  	s7 =	sld [smem:$0x3FAB]  }
0x2d: {  	s3 =	simm.s32 $0x108;
	s8 =	sld [smem:$0x3FAC]  }
0x2e: {  	s3 =	simm.s32 @!p0 $0x1082;
	s9 =	sld [smem:$0x3FAD]  }
0x2f: {  	lr =	sadd.s32 s0, s3;
	s0 =	sld [smem:$0x3FA4]  }
0x30: {  	s3 =	sld [smem:$0x3FA7]  }
0x31: {  	[smem:$0x3FB0] =	sst s10  }
0x32: {  	s10 =	sld [smem:$0x3FAE];
	_ =	sdelay $0x3  }
0x33: {  	p0 =	seq.s32 s10, $0x1;
	s10 =	sld [smem:$0x3FB0];
	_ =	sdelay $0x3  }
0x34: {  	[smem:$0x3FB0] =	sst s10  }
0x35: {  	s10 =	sld [smem:$0x3FAF];
	_ =	sdelay $0x3  }
0x36: {  	p1 =	seq.s32 s10, $0x1;
	s10 =	sld [smem:$0x3FB0];
	_ =	sdelay $0x3  }
0x37: {  	[smem:$0x3FB0] =	sst s10  }
0x38: {  	s10 =	sld [smem:$0x3FB1]  }
0x39: {  	_ = 	snop;
	(pc) =	sbr.ind lr, $3  }
0x3a: {  	_ = 	snop  }
0x3b: {  	_ = 	snop  }
0x3c: {  	p2 =	seq.s32 s10, $0x1;
	s10 =	sld [smem:$0x3FB0]  }
0x3d: {  	_ =	shalt  }
0x3e: {  	_ =	shalt  }
0x3f: {  	_ =	shalt  }
0x40: {  	_ =	shalt  }
0x41: {  	_ =	shalt  }
0x42: {  	_ =	shalt  }
0x43: {  	_ =	shalt  }
0x44: {  	_ =	shalt  }
0x45: {  	_ =	shalt  }
0x46: {  	_ =	shalt  }
0x47: {  	_ =	shalt  }
0x48: {  	_ =	shalt  }
0x49: {  	_ =	shalt  }
0x4a: {  	_ =	shalt  }
0x4b: {  	_ =	shalt  }
0x4c: {  	_ =	shalt  }
0x4d: {  	_ =	shalt  }
0x4e: {  	_ =	shalt  }
0x4f: {  	_ =	shalt  }
0x50: {  	_ =	shalt  }
0x51: {  	_ =	shalt  }
0x52: {  	_ =	shalt  }
0x53: {  	_ =	shalt  }
0x54: {  	_ =	shalt  }
0x55: {  	_ =	shalt  }
0x56: {  	_ =	shalt  }
0x57: {  	_ =	shalt  }
0x58: {  	_ =	shalt  }
0x59: {  	_ =	shalt  }
0x5a: {  	_ =	shalt  }
0x5b: {  	_ =	shalt  }
0x5c: {  	_ =	shalt  }
0x5d: {  	_ =	shalt  }
0x5e: {  	_ =	shalt  }
0x5f: {  	_ =	shalt  }
0x60: {  	_ =	shalt  }
0x61: {  	_ =	shalt  }
0x62: {  	_ =	shalt  }
0x63: {  	_ =	shalt  }
0x64: {  	_ =	shalt  }
0x65: {  	_ =	shalt  }
0x66: {  	_ =	shalt  }
0x67: {  	_ =	shalt  }
0x68: {  	_ =	shalt  }
0x69: {  	_ =	shalt  }
0x6a: {  	_ =	shalt  }
0x6b: {  	_ =	shalt  }
0x6c: {  	_ =	shalt  }
0x6d: {  	_ =	shalt  }
0x6e: {  	_ =	shalt  }
0x6f: {  	_ =	shalt  }
0x70: {  	_ =	shalt  }
0x71: {  	_ =	shalt  }
0x72: {  	_ =	shalt  }
0x73: {  	_ =	shalt  }
0x74: {  	_ =	shalt  }
0x75: {  	_ =	shalt  }
0x76: {  	_ =	shalt  }
0x77: {  	_ =	shalt  }
0x78: {  	_ =	shalt  }
0x79: {  	_ =	shalt  }
0x7a: {  	_ =	shalt  }
0x7b: {  	_ =	shalt  }
0x7c: {  	_ =	shalt  }
0x7d: {  	_ =	shalt  }
0x7e: {  	_ =	shalt  }
0x7f: {  	_ =	shalt  }
0x80: {  	_ =	shalt  }
0x81: {  	_ =	shalt  }
0x82: {  	_ =	shalt  }
0x83: {  	_ =	shalt  }
0x84: {  	_ =	shalt  }
0x85: {  	_ =	shalt  }
0x86: {  	_ =	shalt  }
0x87: {  	_ =	shalt  }
.Lfunc_end0:
.L_simem_size_0:
called_computation.2_lowered:
.L_overlay_start_0:
0x88: {  	s2 =	sld [smem:$0x3FD9]  }
0x89: {  	s3 =	sld [smem:$0x3FFE];
	_ =	sdelay $0x1  }
0x8a: {  	s1 =	srdreg.scid  }
0x8b: {  	s0 =	sand.u32 $0x1, s1  }
0x8c: {  	s17 =	sshll.u32 s0, $0xA;
	s2 =	sadd.s32 s3, s2  }
0x8d: {  	s2 =	sadd.s32 s2, s17  }
0x8e: {  	[smem:$0x3FBC] =	sst s2  }
0x8f: {  	_ = 	snop  }
0x90: {  	s18 =	sld [smem:$0x3FC8]  }
0x91: {  	s4 =	sld [smem:$0x3FD0];
	(tm) =	ssettm $0x1  }
0x92: {  	s19 =	sld [smem:$0x3FFB];
	_ =	sdelay $0x3  }
0x93: {  	_ =	strace s19  }
0x94: {  	s2 =	sld [smem:$0x3FFC];
	_ =	sdelay $0x3  }
0x95: {  	_ =	strace s2  }
0x96: {  	s2 =	sld [smem:$0x3FFD];
	_ =	sdelay $0x3  }
0x97: {  	_ =	strace s2  }
0x98: {  	_ =	strace $0x8FFFFFFF  }
0x99: {  	s20 =	sld [smem:$0x3FDB];
	_ =	sdelay $0x1  }
0x9a: {  	s5 =	simm.s32 $_scs_section_size  }
0x9b: {  	s6 =	simm.s32 $_size__tile_overlayer_lowered;
	s7 =	simm.s32 $_tile_overlayer_lowered  }
0x9c: {  	s8 =	simm.s32 $0x1BFF;
	s21 =	sshll.u32 s7, $0x1;
	s5 =	sadd.s32 s5, s20  }
0x9d: {  	s22 =	simm.s32 $0x0;
	s6 =	sshll.u32 s6, $0x1;
	s7 =	sadd.s32 s21, s5  }
0x9e: {  	[timem:s22], [sflag:s8] =	dma.local [hbm:s7], s6  }
0x9f: {  	_ =	swait.ge [sflag:s8], s6  }
0xa0: {  	s6 =	ssub.s32 $0x0, s6;
	[sflag:s8] =	ssyncset.done $0x0  }
0xa1: {  	[sflag:s8] =	ssyncadd.s32 s6;
	_ =	sdelay $0x1  }
0xa2: {  	s23 =	simm.s32 $0x1B8B  }
0xa3: {  	_ =	swait.ge [sflag:s23], $0x1  }
0xa4: {  	[sflag:s23] =	ssyncset.done $0x0  }
0xa5: {  	[sflag:s23] =	ssyncadd.s32 $0xFFFFFFFF  }
0xa6: {  	s6 =	sld [smem:$0x0]  }
0xa7: {  	s7 =	sand.u32 $0xFFFFFFFE, s1  }
0xa8: {  	p0 =	sne.s32 s1, s7  }
0xa9: {  	s7 =	sshll.u32 @p0 s7, $0xE  }
0xaa: {  	s7 =	sadd.s32 @p0 $0x11B8D, s7;
	s8 =	sshll.u32 @p0 s6, $0x11  }
0xab: {  	s7 =	sor.u32 @p0 s8, s7  }
0xac: {  	[sflag:s7] =	ssyncadd.remote.s32 @p0 $0x1;
	_ =	sdelay $0x1  }
0xad: {  	s7 =	simm.s32 @p0 $0x1B8D  }
0xae: {  	_ =	swait.eq @p0 [sflag:s7], $0x1  }
0xaf: {  	[sflag:s7] =	ssyncadd.s32 @p0 $0xFFFFFFFF  }
0xb0: {  	s8 =	sshll.u32 @!p0 s1, $0xE  }
0xb1: {  	s8 =	sor.u32 @!p0 $0x4000, s8;
	s7 =	simm.s32 @!p0 $0x1B8D  }
0xb2: {  	s6 =	sshll.u32 @!p0 s6, $0x11;
	s8 =	sadd.s32 @!p0 $0x11B8D, s8;
	_ =	swait.eq @!p0 [sflag:s7], $0x1  }
0xb3: {  	s6 =	sor.u32 @!p0 s6, s8;
	[sflag:s7] =	ssyncadd.s32 @!p0 $0xFFFFFFFF  }
0xb4: {  	s25 =	simm.s32 $0x1B8E;
	s24 =	sld [smem:$0x3FFE];
	[sflag:s6] =	ssyncadd.remote.s32 @!p0 $0x1  }
0xb5: {  	s26 =	simm.s32 $execute0_lowered;
	[smem:$0x3FD2] =	sst s25  }
0xb6: {  	s7 =	sshll.u32 s26, $0x1;
	_ =	strace $0x8000004C;
	[dreg:$0x1] =	wrdreg $0xFFFFFFFF  }
0xb7: {  	s28 =	simm.s32 $_size_execute0_lowered;
	s5 =	sadd.s32 s5, s7;
	[dreg:$0x0] =	wrdreg $0x0  }
0xb8: {  	s7 =	sshll.u32 s28, $0x1;
	[dreg:$0x2] =	wrdreg s5  }
0xb9: {  	[dreg:$0x3] =	wrdreg s7  }
0xba: {  	[dreg:$0x4] =	wrdreg $0xC0  }
0xbb: {  	_ =	task [dreg:s22], $0x5FFFF  }
0xbc: {  	[dreg:$0x1] =	wrdreg $0xFFFFFFFF  }
0xbd: {  	[dreg:$0x0] =	wrdreg $0x60  }
0xbe: {  	[dreg:$0x2] =	wrdreg s18  }
0xbf: {  	[dreg:$0x3] =	wrdreg s4  }
0xc0: {  	[dreg:$0x4] =	wrdreg s24  }
0xc1: {  	[dreg:$0x5] =	wrdreg $0x9  }
0xc2: {  	_ =	task.clear_ibuf [dreg:s22], $0x6FFFF;
	_ =	strace $0x9000004C  }
0xc3: {  	s29 =	simm.s32 $0x9;
	_ =	strace $0x8000004E  }
0xc4: {  	_ =	swait.ge [sflag:s29], $0x1  }
0xc5: {  	[sflag:s29] =	ssyncadd.s32 $0xFFFFFFFF  }
0xc6: {  	_ =	strace $0x9000004E  }
0xc7: {  	_ =	sfence  }
0xc8: {  	s30 =	sld [smem:$0x0];
	_ =	sdelay $0x2  }
0xc9: {  	s31 =	sshll.u32 s1, $0xD;
	s1 =	sshrl.u32 s1, $0x2  }
0xca: {  	s4 =	sand.u32 $0x4000, s31;
	s1 =	sadd.s32 s1, s30  }
0xcb: {  	s0 =	sor.u32 s4, s0;
	s1 =	sshll.u32 s1, $0x11  }
0xcc: {  	s0 =	sor.u32 s1, s0  }
0xcd: {  	s0 =	sadd.s32 $0x8F2B, s0  }
0xce: {  	[sflag:s0] =	ssyncadd.remote.s32 $0x1  }
0xcf: {  	_ =	sfence.sel $0xFFFF  }
0xd0: {  	[dreg:$0x0] =	wrdreg $0xFFFFFFFF;
	(pc) =	sbr.abs _section_cstart, $3  }
0xd1: {  	[dreg:$0x1] =	wrdreg $0xFFFFFFFF  }
0xd2: {  	_ =	task.clear_ibuf [dreg:s22], $0x2FFFF;
	_ =	strace $0x9FFFFFFF  }
0xd3: {  	(tm) =	ssettm $0x7FFFFFFF  }
tec
execute0_lowered:
.L_overlay_start_1:
0x0: {  	(tag) =	ssettag $0x1  }
0x1: {  	s1 =	srdreg.scid  }
0x2: {  	s3 =	rddreg [dreg:$0x0];
	s0 =	stileid.u32;
	s4 =	sand.u32 $0x1, s1  }
0x3: {  	s5 =	rddreg [dreg:$0x1];
	s6 =	sshll.u32 s0, $0x5;
	s2 =	sshll.u32 s4, $0x9  }
0x4: {  	s1 =	rddreg [dreg:$0x2];
	s6 =	sor.u32 s6, s2;
	s2 =	simm.s32 $0x0  }
0x5: {  	s0 =	simm.s32 $0x900;
	[smem:$0x7FF] =	sst s2  }
0x6: {  	s9 =	simm.s32 $0x2500;
	_ =	strace $0x8000004D;
	[dreg:$0x8] =	wrdreg s0  }
0x7: {  	s10 =	simm.s32 $0x2D00;
	[dreg:$0xd] =	wrdreg s9  }
0x8: {  	s11 =	simm.s32 $0x3100;
	[dreg:$0xe] =	wrdreg s10  }
0x9: {  	s12 =	simm.s32 $0x3900;
	[dreg:$0xf] =	wrdreg s11  }
0xa: {  	s13 =	simm.s32 $0x3D00;
	[dreg:$0x10] =	wrdreg s12  }
0xb: {  	s14 =	simm.s32 $0x4500;
	[dreg:$0x11] =	wrdreg s13  }
0xc: {  	s15 =	simm.s32 $0x4900;
	[dreg:$0x12] =	wrdreg s14  }
0xd: {  	s16 =	simm.s32 $0x5100;
	[dreg:$0x13] =	wrdreg s15  }
0xe: {  	s17 =	simm.s32 $0x5500;
	[dreg:$0x14] =	wrdreg s16  }
0xf: {  	s18 =	simm.s32 $0x5D00;
	[dreg:$0x15] =	wrdreg s17  }
0x10: {  	s19 =	simm.s32 $0x6100;
	[dreg:$0x16] =	wrdreg s18  }
0x11: {  	s20 =	simm.s32 $0x6900;
	[dreg:$0x17] =	wrdreg s19  }
0x12: {  	s21 =	simm.s32 $0x6D00;
	[dreg:$0x18] =	wrdreg s20  }
0x13: {  	s22 =	simm.s32 $0x7500;
	[dreg:$0x19] =	wrdreg s21  }
0x14: {  	s23 =	simm.s32 $0x7900;
	s24 =	simm.s32 $0x8100;
	[dreg:$0x1a] =	wrdreg s22  }
0x15: {  	s7 =	sor.u32 $0xC00, s6;
	s6 =	sor.u32 $0xC10, s6;
	[dreg:$0x1b] =	wrdreg s23  }
0x16: {  	s8 =	smul.u32 $0x180, s7;
	s7 =	sadd.s32 s5, s7;
	[dreg:$0x1c] =	wrdreg s24  }
0x17: {  	s5 =	sadd.s32 s5, s6;
	[dreg:$0x4] =	wrdreg s7  }
0x18: {  	s26 =	smul.u32 $0x180, s6;
	s6 =	simm.s32 $0x1500;
	[dreg:$0x6] =	wrdreg s5  }
0x19: {  	s0 =	simm.s32 $0x9100;
	[dreg:$0xa] =	wrdreg s6  }
0x1a: {  	s9 =	simm.s32 $0xB100;
	[dreg:$0x1f] =	wrdreg s0  }
0x1b: {  	s10 =	simm.s32 $0xB500;
	[smem:$0x7ED] =	sst s9  }
0x1c: {  	s11 =	simm.s32 $0xBD00;
	[smem:$0x7EE] =	sst s10  }
0x1d: {  	s12 =	simm.s32 $0x80;
	[smem:$0x7EF] =	sst s11  }
0x1e: {  	s13 =	simm.s32 $0xC900;
	[smem:$0x7F0] =	sst s12  }
0x1f: {  	s14 =	simm.s32 $0xCD00;
	[smem:$0x7F1] =	sst s13  }
0x20: {  	s28 =	simm.s32 $0x17100;
	s15 =	simm.s32 $0xD500;
	[smem:$0x7F2] =	sst s14  }
0x21: {  	s29 =	simm.s32 $0x17500;
	s17 =	simm.s32 $0xD900;
	[smem:$0x7F3] =	sst s15  }
0x22: {  	s30 =	simm.s32 $0x17D00;
	s18 =	simm.s32 $0xE100;
	[smem:$0x7F4] =	sst s17  }
0x23: {  	s31 =	simm.s32 $0x5;
	s19 =	simm.s32 $0xE500;
	[smem:$0x7F5] =	sst s18  }
0x24: {  	s4 =	ssub.s32 $0x2, s4;
	s20 =	simm.s32 $0xED00;
	[smem:$0x7F6] =	sst s19  }
0x25: {  	s16 =	sshrl.u32 s4, $0x1;
	s21 =	simm.s32 $0xF100;
	[smem:$0x7F7] =	sst s20  }
0x26: {  	s22 =	simm.s32 $0xF900;
	s23 =	simm.s32 $0xFD00;
	[smem:$0x7F8] =	sst s21  }
0x27: {  	s24 =	simm.s32 $0x10500;
	s5 =	simm.s32 $0xD00;
	[smem:$0x7F9] =	sst s22  }
0x28: {  	s7 =	simm.s32 $0x1900;
	s6 =	simm.s32 $0x9D00;
	[smem:$0x7FA] =	sst s23  }
0x29: {  	s9 =	simm.s32 $0xC100;
	s10 =	simm.s32 $0x2;
	[smem:$0x7FB] =	sst s24  }
0x2a: {  	s11 =	simm.s32 $0x4;
	s14 =	simm.s32 $0x12100;
	s15 =	simm.s32 $0x12900  }
0x2b: {  	s17 =	simm.s32 $0x13500;
	s18 =	simm.s32 $0x13900;
	[dreg:$0x9] =	wrdreg s5  }
0x2c: {  	s19 =	simm.s32 $0x14100;
	s20 =	simm.s32 $0x14500;
	[dreg:$0xb] =	wrdreg s7  }
0x2d: {  	s21 =	simm.s32 $0x14D00;
	s25 =	sadd.s32 s3, s8;
	[smem:$0x7EA] =	sst s6  }
0x2e: {  	s22 =	simm.s32 $0x15100;
	s3 =	sadd.s32 s3, s26;
	[dreg:$0x5] =	wrdreg s25  }
0x2f: {  	s23 =	simm.s32 $0x15900;
	s8 =	simm.s32 $0x2100;
	[dreg:$0x7] =	wrdreg s3  }
0x30: {  	s24 =	simm.s32 $0x15D00;
	s26 =	simm.s32 $0x8D00;
	[dreg:$0xc] =	wrdreg s8  }
0x31: {  	s5 =	simm.s32 $0x9900;
	s7 =	simm.s32 $0xA500;
	[dreg:$0x1e] =	wrdreg s26  }
0x32: {  	s6 =	ssub.s32 s4, s16;
	s4 =	sadd.s32 $0x148100, s1;
	[smem:$0x7E9] =	sst s5  }
0x33: {  	s16 =	simm.s32 $0x12D00;
	s25 =	simm.s32 $0x8500;
	[smem:$0x7EB] =	sst s7  }
0x34: {  	s8 =	simm.s32 $0xA900;
	s3 =	sadd.s32 $0x148000, s1;
	s5 =	smax.u32 s6, $0x1  }
0x35: {  	s6 =	simm.s32 $0x100;
	s7 =	simm.s32 $0x1;
	[dreg:$0x1d] =	wrdreg s25  }
0x36: {  	v2 =	vlaneseq.u32;
	s26 =	simm.s32 $0x11100;
	s1 =	simm.s32 $0x6;
	[smem:$0x7EC] =	sst s8  }
0x37: {  	vm0 =	vmmov $0xffff;
	vm1 =	vmmov $0xff;
	v1 =	vshrl.u32 v2, $0x3;
	s8 =	simm.s32 $0x3;
	s25 =	simm.s32 $0x10900;
	[smem:$0x7FD] =	sst s26  }
0x38: {  	v0 =	vand.u32 $0x7, v2;
	v2 =	vor.u32 $0x8, v2;
	v1 =	vmul.u32 $0x8, v1;
	s26 =	simm.s32 $0x16900;
	[smem:$0x7FC] =	sst s25;
	s25 =	simm.s32 $0x16500  }
.LBB2_1:
0x39: {  	s0 =	rddreg [dreg:$0x4]  }
0x3a: {  	[tilespmem:s2], [sflag:$0x1] =	stream.linear.gather [hbm4b:s0+s2], $0x80, $0x38;
	[tilespmem:$0x18100] =	vst v63  }
0x3b: {  	s12 =	rddreg [dreg:$0x5]  }
0x3c: {  	[tilespmem:s6], [sflag:$0x3] =	stream.linear.gather [hbm4b:s12+s2], $0xC000, $0x38;
	[tilespmem:$0x18100] =	vst v63  }
0x3d: {  	_ =	swait.ge [sflag:s7], $0x80  }
0x3e: {  	[sflag:s7] =	ssyncset.done $0x0  }
0x3f: {  	[sflag:s7] =	ssyncadd.s32 $0xFFFFFF80  }
0x40: {  	_ =	swait.ge [sflag:s8], $0xC000  }
0x41: {  	[sflag:s8] =	ssyncset.done $0x0  }
0x42: {  	[sflag:s8] =	ssyncadd.s32 $0xFFFF4000  }
0x43: {  	v3 =	vld [tilespmem:$0x0];
	_ =	sdelay $0x4  }
0x44: {  	v4 =	vshrl.u32 v3, $0x3  }
0x45: {  	v4 =	vmul.u32 $0x18, v4  }
0x46: {  	v3 =	vand.u32 $0x7, v3  }
0x47: {  	v3 =	vor.u32 v3, v4  }
0x48: {  	v4 =	vperm.xlane v3, v0;
	_ =	sdelay $0x1  }
0x49: {  	v4 =	vadd.s32 v1, v4;
	_ =	sdelay $0x1  }
0x4a: {  	v3 =	vperm.xlane v3, v2;
	_ =	sdelay $0x1  }
0x4b: {  	v3 =	vadd.s32 v1, v3  }
0x4c: {  	[hbm4b:s3+s2] =	stream.indirect_vreg.scatter [tilespmem:s6], [sflag:$0x5], $0x80, v4, vm0, $0xb8;
	[tilespmem:$0x18100] =	vst v63  }
0x4d: {  	s13 =	rddreg [dreg:$0x8]  }
0x4e: {  	[hbm4b:s4+s2] =	stream.indirect_vreg.scatter [tilespmem:s13], [sflag:$0x5], $0x80, v4, vm1, $0xb8;
	[tilespmem:$0x18100] =	vst v63  }
0x4f: {  	s12 =	rddreg [dreg:$0x9]  }
0x50: {  	[hbm4b:s3+s2] =	stream.indirect_vreg.scatter [tilespmem:s12], [sflag:$0x5], $0x80, v3, vm0, $0xb8;
	[tilespmem:$0x18100] =	vst v63  }
0x51: {  	s13 =	rddreg [dreg:$0xa]  }
0x52: {  	[hbm4b:s4+s2] =	stream.indirect_vreg.scatter [tilespmem:s13], [sflag:$0x5], $0x80, v3, vm1, $0xb8;
	[tilespmem:$0x18100] =	vst v63  }
0x53: {  	v3 =	vld [tilespmem:$0x10];
	_ =	sdelay $0x4  }
0x54: {  	v49 =	vshrl.u32 v3, $0x3  }
0x55: {  	v4 =	vmul.u32 $0x18, v49  }
0x56: {  	v3 =	vand.u32 $0x7, v3  }
0x57: {  	v3 =	vor.u32 v3, v4  }
0x58: {  	v4 =	vperm.xlane v3, v0;
	_ =	sdelay $0x1  }
0x59: {  	v4 =	vadd.s32 v1, v4;
	_ =	sdelay $0x1  }
0x5a: {  	v3 =	vperm.xlane v3, v2;
	_ =	sdelay $0x1  }
0x5b: {  	s12 =	rddreg [dreg:$0xb];
	v3 =	vadd.s32 v1, v3  }
0x5c: {  	[hbm4b:s3+s2] =	stream.indirect_vreg.scatter [tilespmem:s12], [sflag:$0x5], $0x80, v4, vm0, $0xb8;
	[tilespmem:$0x18100] =	vst v63  }
0x5d: {  	s13 =	rddreg [dreg:$0xc]  }
0x5e: {  	[hbm4b:s4+s2] =	stream.indirect_vreg.scatter [tilespmem:s13], [sflag:$0x5], $0x80, v4, vm1, $0xb8;
	[tilespmem:$0x18100] =	vst v63  }
0x5f: {  	s0 =	rddreg [dreg:$0xd]  }
0x60: {  	[hbm4b:s3+s2] =	stream.indirect_vreg.scatter [tilespmem:s0], [sflag:$0x5], $0x80, v3, vm0, $0xb8;
	[tilespmem:$0x18100] =	vst v63  }
0x61: {  	s13 =	rddreg [dreg:$0xe]  }
0x62: {  	[hbm4b:s4+s2] =	stream.indirect_vreg.scatter [tilespmem:s13], [sflag:$0x5], $0x80, v3, vm1, $0xb8;
	[tilespmem:$0x18100] =	vst v63  }
0x63: {  	v3 =	vld [tilespmem:$0x20];
	_ =	sdelay $0x4  }
0x64: {  	v50 =	vshrl.u32 v3, $0x3  }
0x65: {  	v4 =	vmul.u32 $0x18, v50  }
0x66: {  	v3 =	vand.u32 $0x7, v3  }
0x67: {  	v3 =	vor.u32 v3, v4  }
0x68: {  	v4 =	vperm.xlane v3, v0;
	_ =	sdelay $0x1  }
0x69: {  	v4 =	vadd.s32 v1, v4;
	_ =	sdelay $0x1  }
0x6a: {  	v3 =	vperm.xlane v3, v2;
	_ =	sdelay $0x1  }
0x6b: {  	s12 =	rddreg [dreg:$0xf];
	v3 =	vadd.s32 v1, v3  }
0x6c: {  	[hbm4b:s3+s2] =	stream.indirect_vreg.scatter [tilespmem:s12], [sflag:$0x5], $0x80, v4, vm0, $0xb8;
	[tilespmem:$0x18100] =	vst v63  }
0x6d: {  	s13 =	rddreg [dreg:$0x10]  }
0x6e: {  	[hbm4b:s4+s2] =	stream.indirect_vreg.scatter [tilespmem:s13], [sflag:$0x5], $0x80, v4, vm1, $0xb8;
	[tilespmem:$0x18100] =	vst v63  }
0x6f: {  	s0 =	rddreg [dreg:$0x11]  }
0x70: {  	[hbm4b:s3+s2] =	stream.indirect_vreg.scatter [tilespmem:s0], [sflag:$0x5], $0x80, v3, vm0, $0xb8;
	[tilespmem:$0x18100] =	vst v63  }
0x71: {  	s13 =	rddreg [dreg:$0x12]  }
0x72: {  	[hbm4b:s4+s2] =	stream.indirect_vreg.scatter [tilespmem:s13], [sflag:$0x5], $0x80, v3, vm1, $0xb8;
	[tilespmem:$0x18100] =	vst v63  }
0x73: {  	v3 =	vld [tilespmem:$0x30];
	_ =	sdelay $0x4  }
0x74: {  	v51 =	vshrl.u32 v3, $0x3  }
0x75: {  	v4 =	vmul.u32 $0x18, v51  }
0x76: {  	v3 =	vand.u32 $0x7, v3  }
0x77: {  	v3 =	vor.u32 v3, v4  }
0x78: {  	v4 =	vperm.xlane v3, v0;
	_ =	sdelay $0x1  }
0x79: {  	v4 =	vadd.s32 v1, v4;
	_ =	sdelay $0x1  }
0x7a: {  	v3 =	vperm.xlane v3, v2;
	_ =	sdelay $0x1  }
0x7b: {  	s12 =	rddreg [dreg:$0x13];
	v3 =	vadd.s32 v1, v3  }
0x7c: {  	[hbm4b:s3+s2] =	stream.indirect_vreg.scatter [tilespmem:s12], [sflag:$0x5], $0x80, v4, vm0, $0xb8;
	[tilespmem:$0x18100] =	vst v63  }
0x7d: {  	s13 =	rddreg [dreg:$0x14]  }
0x7e: {  	[hbm4b:s4+s2] =	stream.indirect_vreg.scatter [tilespmem:s13], [sflag:$0x5], $0x80, v4, vm1, $0xb8;
	[tilespmem:$0x18100] =	vst v63  }
0x7f: {  	s0 =	rddreg [dreg:$0x15]  }
0x80: {  	[hbm4b:s3+s2] =	stream.indirect_vreg.scatter [tilespmem:s0], [sflag:$0x5], $0x80, v3, vm0, $0xb8;
	[tilespmem:$0x18100] =	vst v63  }
0x81: {  	s13 =	rddreg [dreg:$0x16]  }
0x82: {  	[hbm4b:s4+s2] =	stream.indirect_vreg.scatter [tilespmem:s13], [sflag:$0x5], $0x80, v3, vm1, $0xb8;
	[tilespmem:$0x18100] =	vst v63  }
0x83: {  	v3 =	vld [tilespmem:$0x40];
	_ =	sdelay $0x4  }
0x84: {  	v52 =	vshrl.u32 v3, $0x3  }
0x85: {  	v4 =	vmul.u32 $0x18, v52  }
0x86: {  	v3 =	vand.u32 $0x7, v3  }
0x87: {  	v3 =	vor.u32 v3, v4  }
0x88: {  	v4 =	vperm.xlane v3, v0;
	_ =	sdelay $0x1  }
0x89: {  	v4 =	vadd.s32 v1, v4;
	_ =	sdelay $0x1  }
0x8a: {  	v3 =	vperm.xlane v3, v2;
	_ =	sdelay $0x1  }
0x8b: {  	s12 =	rddreg [dreg:$0x17];
	v3 =	vadd.s32 v1, v3  }
0x8c: {  	[hbm4b:s3+s2] =	stream.indirect_vreg.scatter [tilespmem:s12], [sflag:$0x5], $0x80, v4, vm0, $0xb8;
	[tilespmem:$0x18100] =	vst v63  }
0x8d: {  	s13 =	rddreg [dreg:$0x18]  }
0x8e: {  	[hbm4b:s4+s2] =	stream.indirect_vreg.scatter [tilespmem:s13], [sflag:$0x5], $0x80, v4, vm1, $0xb8;
	[tilespmem:$0x18100] =	vst v63  }
0x8f: {  	s0 =	rddreg [dreg:$0x19]  }
0x90: {  	[hbm4b:s3+s2] =	stream.indirect_vreg.scatter [tilespmem:s0], [sflag:$0x5], $0x80, v3, vm0, $0xb8;
	[tilespmem:$0x18100] =	vst v63  }
0x91: {  	s13 =	rddreg [dreg:$0x1a]  }
0x92: {  	[hbm4b:s4+s2] =	stream.indirect_vreg.scatter [tilespmem:s13], [sflag:$0x5], $0x80, v3, vm1, $0xb8;
	[tilespmem:$0x18100] =	vst v63  }
0x93: {  	v3 =	vld [tilespmem:$0x50];
	_ =	sdelay $0x4  }
0x94: {  	v53 =	vshrl.u32 v3, $0x3  }
0x95: {  	v4 =	vmul.u32 $0x18, v53  }
0x96: {  	v3 =	vand.u32 $0x7, v3  }
0x97: {  	v3 =	vor.u32 v3, v4  }
0x98: {  	v4 =	vperm.xlane v3, v0;
	_ =	sdelay $0x1  }
0x99: {  	v4 =	vadd.s32 v1, v4;
	_ =	sdelay $0x1  }
0x9a: {  	v3 =	vperm.xlane v3, v2;
	_ =	sdelay $0x1  }
0x9b: {  	s12 =	rddreg [dreg:$0x1b];
	v3 =	vadd.s32 v1, v3  }
0x9c: {  	[hbm4b:s3+s2] =	stream.indirect_vreg.scatter [tilespmem:s12], [sflag:$0x5], $0x80, v4, vm0, $0xb8;
	[tilespmem:$0x18100] =	vst v63  }
0x9d: {  	s13 =	rddreg [dreg:$0x1c]  }
0x9e: {  	[hbm4b:s4+s2] =	stream.indirect_vreg.scatter [tilespmem:s13], [sflag:$0x5], $0x80, v4, vm1, $0xb8;
	[tilespmem:$0x18100] =	vst v63  }
0x9f: {  	s0 =	rddreg [dreg:$0x1d]  }
0xa0: {  	[hbm4b:s3+s2] =	stream.indirect_vreg.scatter [tilespmem:s0], [sflag:$0x5], $0x80, v3, vm0, $0xb8;
	[tilespmem:$0x18100] =	vst v63  }
0xa1: {  	s13 =	rddreg [dreg:$0x1e]  }
0xa2: {  	[hbm4b:s4+s2] =	stream.indirect_vreg.scatter [tilespmem:s13], [sflag:$0x5], $0x80, v3, vm1, $0xb8;
	[tilespmem:$0x18100] =	vst v63  }
0xa3: {  	v3 =	vld [tilespmem:$0x60];
	_ =	sdelay $0x4  }
0xa4: {  	v54 =	vshrl.u32 v3, $0x3  }
0xa5: {  	v4 =	vmul.u32 $0x18, v54  }
0xa6: {  	v3 =	vand.u32 $0x7, v3  }
0xa7: {  	v3 =	vor.u32 v3, v4  }
0xa8: {  	v4 =	vperm.xlane v3, v0;
	_ =	sdelay $0x1  }
0xa9: {  	v4 =	vadd.s32 v1, v4;
	_ =	sdelay $0x1  }
0xaa: {  	v3 =	vperm.xlane v3, v2  }
0xab: {  	s12 =	rddreg [dreg:$0x1f]  }
0xac: {  	s13 =	sld [smem:$0x7E9];
	v3 =	vadd.s32 v1, v3  }
0xad: {  	[hbm4b:s3+s2] =	stream.indirect_vreg.scatter [tilespmem:s12], [sflag:$0x5], $0x80, v4, vm0, $0xb8;
	[tilespmem:$0x18100] =	vst v63  }
0xae: {  	s0 =	sld [smem:$0x7EA]  }
0xaf: {  	[hbm4b:s4+s2] =	stream.indirect_vreg.scatter [tilespmem:s13], [sflag:$0x5], $0x80, v4, vm1, $0xb8;
	[tilespmem:$0x18100] =	vst v63  }
0xb0: {  	s13 =	sld [smem:$0x7EB]  }
0xb1: {  	[hbm4b:s3+s2] =	stream.indirect_vreg.scatter [tilespmem:s0], [sflag:$0x5], $0x80, v3, vm0, $0xb8;
	[tilespmem:$0x18100] =	vst v63  }
0xb2: {  	_ = 	snop  }
0xb3: {  	[hbm4b:s4+s2] =	stream.indirect_vreg.scatter [tilespmem:s13], [sflag:$0x5], $0x80, v3, vm1, $0xb8;
	[tilespmem:$0x18100] =	vst v63  }
0xb4: {  	v3 =	vld [tilespmem:$0x70];
	_ =	sdelay $0x4  }
0xb5: {  	v55 =	vshrl.u32 v3, $0x3  }
0xb6: {  	v4 =	vmul.u32 $0x18, v55  }
0xb7: {  	v3 =	vand.u32 $0x7, v3  }
0xb8: {  	v3 =	vor.u32 v3, v4  }
0xb9: {  	v4 =	vperm.xlane v3, v0;
	_ =	sdelay $0x1  }
0xba: {  	v4 =	vadd.s32 v1, v4;
	_ =	sdelay $0x1  }
0xbb: {  	s13 =	sld [smem:$0x7EC];
	v3 =	vperm.xlane v3, v2;
	_ =	sdelay $0x1  }
0xbc: {  	s12 =	sld [smem:$0x7ED];
	v3 =	vadd.s32 v1, v3  }
0xbd: {  	[hbm4b:s3+s2] =	stream.indirect_vreg.scatter [tilespmem:s13], [sflag:$0x5], $0x80, v4, vm0, $0xb8;
	[tilespmem:$0x18100] =	vst v63  }
0xbe: {  	s13 =	sld [smem:$0x7EE]  }
0xbf: {  	[hbm4b:s4+s2] =	stream.indirect_vreg.scatter [tilespmem:s12], [sflag:$0x5], $0x80, v4, vm1, $0xb8;
	[tilespmem:$0x18100] =	vst v63  }
0xc0: {  	s0 =	sld [smem:$0x7EF]  }
0xc1: {  	[hbm4b:s3+s2] =	stream.indirect_vreg.scatter [tilespmem:s13], [sflag:$0x5], $0x80, v3, vm0, $0xb8;
	[tilespmem:$0x18100] =	vst v63  }
0xc2: {  	s13 =	sld [smem:$0x7F0]  }
0xc3: {  	[hbm4b:s4+s2] =	stream.indirect_vreg.scatter [tilespmem:s0], [sflag:$0x5], $0x80, v3, vm1, $0xb8;
	[tilespmem:$0x18100] =	vst v63  }
0xc4: {  	s12 =	rddreg [dreg:$0x6]  }
0xc5: {  	[tilespmem:s13], [sflag:$0x2] =	stream.linear.gather [hbm4b:s12+s2], $0x80, $0x38;
	[tilespmem:$0x18100] =	vst v63  }
0xc6: {  	s0 =	rddreg [dreg:$0x7]  }
0xc7: {  	[tilespmem:s9], [sflag:$0x4] =	stream.linear.gather [hbm4b:s0+s2], $0xC000, $0x38;
	[tilespmem:$0x18100] =	vst v63  }
0xc8: {  	_ =	swait.ge [sflag:s10], $0x80  }
0xc9: {  	[sflag:s10] =	ssyncset.done $0x0  }
0xca: {  	[sflag:s10] =	ssyncadd.s32 $0xFFFFFF80  }
0xcb: {  	_ =	swait.ge [sflag:s11], $0xC000  }
0xcc: {  	[sflag:s11] =	ssyncset.done $0x0  }
0xcd: {  	[sflag:s11] =	ssyncadd.s32 $0xFFFF4000  }
0xce: {  	v3 =	vld [tilespmem:$0x80];
	_ =	sdelay $0x4  }
0xcf: {  	v56 =	vshrl.u32 v3, $0x3  }
0xd0: {  	v4 =	vmul.u32 $0x18, v56  }
0xd1: {  	v3 =	vand.u32 $0x7, v3  }
0xd2: {  	v3 =	vor.u32 v3, v4  }
0xd3: {  	v4 =	vperm.xlane v3, v0;
	_ =	sdelay $0x1  }
0xd4: {  	v4 =	vadd.s32 v1, v4;
	_ =	sdelay $0x1  }
0xd5: {  	v3 =	vperm.xlane v3, v2;
	_ =	sdelay $0x1  }
0xd6: {  	s13 =	sld [smem:$0x7F1];
	v3 =	vadd.s32 v1, v3  }
0xd7: {  	[hbm4b:s3+s2] =	stream.indirect_vreg.scatter [tilespmem:s9], [sflag:$0x6], $0x80, v4, vm0, $0xb8;
	[tilespmem:$0x18100] =	vst v63  }
0xd8: {  	s12 =	sld [smem:$0x7F2]  }
0xd9: {  	[hbm4b:s4+s2] =	stream.indirect_vreg.scatter [tilespmem:s13], [sflag:$0x6], $0x80, v4, vm1, $0xb8;
	[tilespmem:$0x18100] =	vst v63  }
0xda: {  	s13 =	sld [smem:$0x7F3]  }
0xdb: {  	[hbm4b:s3+s2] =	stream.indirect_vreg.scatter [tilespmem:s12], [sflag:$0x6], $0x80, v3, vm0, $0xb8;
	[tilespmem:$0x18100] =	vst v63  }
0xdc: {  	_ = 	snop  }
0xdd: {  	[hbm4b:s4+s2] =	stream.indirect_vreg.scatter [tilespmem:s13], [sflag:$0x6], $0x80, v3, vm1, $0xb8;
	[tilespmem:$0x18100] =	vst v63  }
0xde: {  	v3 =	vld [tilespmem:$0x90];
	_ =	sdelay $0x4  }
0xdf: {  	v57 =	vshrl.u32 v3, $0x3  }
0xe0: {  	v4 =	vmul.u32 $0x18, v57  }
0xe1: {  	v3 =	vand.u32 $0x7, v3  }
0xe2: {  	v3 =	vor.u32 v3, v4  }
0xe3: {  	v4 =	vperm.xlane v3, v0;
	_ =	sdelay $0x1  }
0xe4: {  	v4 =	vadd.s32 v1, v4;
	_ =	sdelay $0x1  }
0xe5: {  	s12 =	sld [smem:$0x7F4];
	v3 =	vperm.xlane v3, v2;
	_ =	sdelay $0x1  }
0xe6: {  	s13 =	sld [smem:$0x7F5];
	v3 =	vadd.s32 v1, v3  }
0xe7: {  	[hbm4b:s3+s2] =	stream.indirect_vreg.scatter [tilespmem:s12], [sflag:$0x6], $0x80, v4, vm0, $0xb8;
	[tilespmem:$0x18100] =	vst v63  }
0xe8: {  	s0 =	sld [smem:$0x7F6]  }
0xe9: {  	[hbm4b:s4+s2] =	stream.indirect_vreg.scatter [tilespmem:s13], [sflag:$0x6], $0x80, v4, vm1, $0xb8;
	[tilespmem:$0x18100] =	vst v63  }
0xea: {  	s13 =	sld [smem:$0x7F7]  }
0xeb: {  	[hbm4b:s3+s2] =	stream.indirect_vreg.scatter [tilespmem:s0], [sflag:$0x6], $0x80, v3, vm0, $0xb8;
	[tilespmem:$0x18100] =	vst v63  }
0xec: {  	_ = 	snop  }
0xed: {  	[hbm4b:s4+s2] =	stream.indirect_vreg.scatter [tilespmem:s13], [sflag:$0x6], $0x80, v3, vm1, $0xb8;
	[tilespmem:$0x18100] =	vst v63  }
0xee: {  	v3 =	vld [tilespmem:$0xA0];
	_ =	sdelay $0x4  }
0xef: {  	v58 =	vshrl.u32 v3, $0x3  }
0xf0: {  	v4 =	vmul.u32 $0x18, v58  }
0xf1: {  	v3 =	vand.u32 $0x7, v3  }
0xf2: {  	v3 =	vor.u32 v3, v4  }
0xf3: {  	v4 =	vperm.xlane v3, v0;
	_ =	sdelay $0x1  }
0xf4: {  	v4 =	vadd.s32 v1, v4;
	_ =	sdelay $0x1  }
0xf5: {  	s12 =	sld [smem:$0x7F8];
	v3 =	vperm.xlane v3, v2;
	_ =	sdelay $0x1  }
0xf6: {  	s13 =	sld [smem:$0x7F9];
	v3 =	vadd.s32 v1, v3  }
0xf7: {  	[hbm4b:s3+s2] =	stream.indirect_vreg.scatter [tilespmem:s12], [sflag:$0x6], $0x80, v4, vm0, $0xb8;
	[tilespmem:$0x18100] =	vst v63  }
0xf8: {  	s0 =	sld [smem:$0x7FA]  }
0xf9: {  	[hbm4b:s4+s2] =	stream.indirect_vreg.scatter [tilespmem:s13], [sflag:$0x6], $0x80, v4, vm1, $0xb8;
	[tilespmem:$0x18100] =	vst v63  }
0xfa: {  	s13 =	sld [smem:$0x7FB]  }
0xfb: {  	[hbm4b:s3+s2] =	stream.indirect_vreg.scatter [tilespmem:s0], [sflag:$0x6], $0x80, v3, vm0, $0xb8;
	[tilespmem:$0x18100] =	vst v63  }
0xfc: {  	_ = 	snop  }
0xfd: {  	[hbm4b:s4+s2] =	stream.indirect_vreg.scatter [tilespmem:s13], [sflag:$0x6], $0x80, v3, vm1, $0xb8;
	[tilespmem:$0x18100] =	vst v63  }
0xfe: {  	v3 =	vld [tilespmem:$0xB0];
	_ =	sdelay $0x4  }
0xff: {  	v59 =	vshrl.u32 v3, $0x3  }
0x100: {  	v4 =	vmul.u32 $0x18, v59  }
0x101: {  	v3 =	vand.u32 $0x7, v3  }
0x102: {  	v3 =	vor.u32 v3, v4  }
0x103: {  	v4 =	vperm.xlane v3, v0;
	_ =	sdelay $0x1  }
0x104: {  	v4 =	vadd.s32 v1, v4;
	_ =	sdelay $0x1  }
0x105: {  	s12 =	sld [smem:$0x7FC];
	v3 =	vperm.xlane v3, v2;
	_ =	sdelay $0x1  }
0x106: {  	s13 =	sld [smem:$0x7FD];
	v3 =	vadd.s32 v1, v3  }
0x107: {  	[hbm4b:s3+s2] =	stream.indirect_vreg.scatter [tilespmem:s12], [sflag:$0x6], $0x80, v4, vm0, $0xb8;
	[tilespmem:$0x18100] =	vst v63  }
0x108: {  	_ = 	snop  }
0x109: {  	[hbm4b:s4+s2] =	stream.indirect_vreg.scatter [tilespmem:s13], [sflag:$0x6], $0x80, v4, vm1, $0xb8;
	[tilespmem:$0x18100] =	vst v63  }
0x10a: {  	s12 =	simm.s32 $0x11500  }
0x10b: {  	[hbm4b:s3+s2] =	stream.indirect_vreg.scatter [tilespmem:s12], [sflag:$0x6], $0x80, v3, vm0, $0xb8;
	[tilespmem:$0x18100] =	vst v63  }
0x10c: {  	s13 =	simm.s32 $0x11D00  }
0x10d: {  	[hbm4b:s4+s2] =	stream.indirect_vreg.scatter [tilespmem:s13], [sflag:$0x6], $0x80, v3, vm1, $0xb8;
	[tilespmem:$0x18100] =	vst v63  }
0x10e: {  	v3 =	vld [tilespmem:$0xC0];
	_ =	sdelay $0x4  }
0x10f: {  	v60 =	vshrl.u32 v3, $0x3  }
0x110: {  	v4 =	vmul.u32 $0x18, v60  }
0x111: {  	v3 =	vand.u32 $0x7, v3  }
0x112: {  	v3 =	vor.u32 v3, v4  }
0x113: {  	v4 =	vperm.xlane v3, v0;
	_ =	sdelay $0x1  }
0x114: {  	v4 =	vadd.s32 v1, v4;
	_ =	sdelay $0x1  }
0x115: {  	v3 =	vperm.xlane v3, v2;
	_ =	sdelay $0x1  }
0x116: {  	v3 =	vadd.s32 v1, v3  }
0x117: {  	[hbm4b:s3+s2] =	stream.indirect_vreg.scatter [tilespmem:s14], [sflag:$0x6], $0x80, v4, vm0, $0xb8;
	[tilespmem:$0x18100] =	vst v63  }
0x118: {  	_ = 	snop  }
0x119: {  	[hbm4b:s4+s2] =	stream.indirect_vreg.scatter [tilespmem:s15], [sflag:$0x6], $0x80, v4, vm1, $0xb8;
	[tilespmem:$0x18100] =	vst v63  }
0x11a: {  	_ = 	snop  }
0x11b: {  	[hbm4b:s3+s2] =	stream.indirect_vreg.scatter [tilespmem:s16], [sflag:$0x6], $0x80, v3, vm0, $0xb8;
	[tilespmem:$0x18100] =	vst v63  }
0x11c: {  	_ = 	snop  }
0x11d: {  	[hbm4b:s4+s2] =	stream.indirect_vreg.scatter [tilespmem:s17], [sflag:$0x6], $0x80, v3, vm1, $0xb8;
	[tilespmem:$0x18100] =	vst v63  }
0x11e: {  	v3 =	vld [tilespmem:$0xD0];
	_ =	sdelay $0x4  }
0x11f: {  	v61 =	vshrl.u32 v3, $0x3  }
0x120: {  	v4 =	vmul.u32 $0x18, v61  }
0x121: {  	v3 =	vand.u32 $0x7, v3  }
0x122: {  	v3 =	vor.u32 v3, v4  }
0x123: {  	v4 =	vperm.xlane v3, v0;
	_ =	sdelay $0x1  }
0x124: {  	v4 =	vadd.s32 v1, v4;
	_ =	sdelay $0x1  }
0x125: {  	v3 =	vperm.xlane v3, v2;
	_ =	sdelay $0x1  }
0x126: {  	v3 =	vadd.s32 v1, v3  }
0x127: {  	[hbm4b:s3+s2] =	stream.indirect_vreg.scatter [tilespmem:s18], [sflag:$0x6], $0x80, v4, vm0, $0xb8;
	[tilespmem:$0x18100] =	vst v63  }
0x128: {  	_ = 	snop  }
0x129: {  	[hbm4b:s4+s2] =	stream.indirect_vreg.scatter [tilespmem:s19], [sflag:$0x6], $0x80, v4, vm1, $0xb8;
	[tilespmem:$0x18100] =	vst v63  }
0x12a: {  	_ = 	snop  }
0x12b: {  	[hbm4b:s3+s2] =	stream.indirect_vreg.scatter [tilespmem:s20], [sflag:$0x6], $0x80, v3, vm0, $0xb8;
	[tilespmem:$0x18100] =	vst v63  }
0x12c: {  	_ = 	snop  }
0x12d: {  	[hbm4b:s4+s2] =	stream.indirect_vreg.scatter [tilespmem:s21], [sflag:$0x6], $0x80, v3, vm1, $0xb8;
	[tilespmem:$0x18100] =	vst v63  }
0x12e: {  	v3 =	vld [tilespmem:$0xE0];
	_ =	sdelay $0x4  }
0x12f: {  	v62 =	vshrl.u32 v3, $0x3  }
0x130: {  	v4 =	vmul.u32 $0x18, v62  }
0x131: {  	v3 =	vand.u32 $0x7, v3  }
0x132: {  	v3 =	vor.u32 v3, v4  }
0x133: {  	v4 =	vperm.xlane v3, v0;
	_ =	sdelay $0x1  }
0x134: {  	v4 =	vadd.s32 v1, v4;
	_ =	sdelay $0x1  }
0x135: {  	v3 =	vperm.xlane v3, v2;
	_ =	sdelay $0x1  }
0x136: {  	v3 =	vadd.s32 v1, v3  }
0x137: {  	[hbm4b:s3+s2] =	stream.indirect_vreg.scatter [tilespmem:s22], [sflag:$0x6], $0x80, v4, vm0, $0xb8;
	[tilespmem:$0x18100] =	vst v63  }
0x138: {  	_ = 	snop  }
0x139: {  	[hbm4b:s4+s2] =	stream.indirect_vreg.scatter [tilespmem:s23], [sflag:$0x6], $0x80, v4, vm1, $0xb8;
	[tilespmem:$0x18100] =	vst v63  }
0x13a: {  	_ = 	snop  }
0x13b: {  	[hbm4b:s3+s2] =	stream.indirect_vreg.scatter [tilespmem:s24], [sflag:$0x6], $0x80, v3, vm0, $0xb8;
	[tilespmem:$0x18100] =	vst v63  }
0x13c: {  	_ = 	snop  }
0x13d: {  	[hbm4b:s4+s2] =	stream.indirect_vreg.scatter [tilespmem:s25], [sflag:$0x6], $0x80, v3, vm1, $0xb8;
	[tilespmem:$0x18100] =	vst v63  }
0x13e: {  	v3 =	vld [tilespmem:$0xF0];
	_ =	sdelay $0x4  }
0x13f: {  	v63 =	vshrl.u32 v3, $0x3  }
0x140: {  	v4 =	vmul.u32 $0x18, v63  }
0x141: {  	v3 =	vand.u32 $0x7, v3  }
0x142: {  	v3 =	vor.u32 v3, v4  }
0x143: {  	v4 =	vperm.xlane v3, v0;
	_ =	sdelay $0x1  }
0x144: {  	v4 =	vadd.s32 v1, v4;
	_ =	sdelay $0x1  }
0x145: {  	v3 =	vperm.xlane v3, v2;
	_ =	sdelay $0x1  }
0x146: {  	v3 =	vadd.s32 v1, v3  }
0x147: {  	[hbm4b:s3+s2] =	stream.indirect_vreg.scatter [tilespmem:s26], [sflag:$0x6], $0x80, v4, vm0, $0xb8;
	[tilespmem:$0x18100] =	vst v63  }
0x148: {  	_ = 	snop  }
0x149: {  	[hbm4b:s4+s2] =	stream.indirect_vreg.scatter [tilespmem:s28], [sflag:$0x6], $0x80, v4, vm1, $0xb8;
	[tilespmem:$0x18100] =	vst v63  }
0x14a: {  	_ = 	snop  }
0x14b: {  	[hbm4b:s3+s2] =	stream.indirect_vreg.scatter [tilespmem:s29], [sflag:$0x6], $0x80, v3, vm0, $0xb8;
	[tilespmem:$0x18100] =	vst v63  }
0x14c: {  	_ = 	snop  }
0x14d: {  	[hbm4b:s4+s2] =	stream.indirect_vreg.scatter [tilespmem:s30], [sflag:$0x6], $0x80, v3, vm1, $0xb8;
	[tilespmem:$0x18100] =	vst v63  }
0x14e: {  	p0 =	sne.s32 s5, $0x1;
	_ =	swait.ge [sflag:s31], $0xC000  }
.Ltmp0:
0x14f: {  	[sflag:s31] =	ssyncset.done $0x0;
	(pc) =	sbr.rel @p0 .LBB2_1-.Ltmp0, $4  }
0x150: {  	[sflag:s31] =	ssyncadd.s32 $0xFFFF4000  }
0x151: {  	_ =	swait.ge [sflag:s1], $0xC000  }
0x152: {  	[sflag:s1] =	ssyncset.done $0x0  }
0x153: {  	s5 =	sadd.s32 $0xFFFFFFFF, s5;
	[sflag:s1] =	ssyncadd.s32 $0xFFFF4000  }
0x154: {  	_ =	sfence.sel $0x180000  }
0x155: {  	[bflag:$0x0] =	sbarrier.arrive $0xFFFF  }
0x156: {  	_ =	strace $0x9000004D  }
0x157: {  	s0 =	stileid.u32;
	[bflag:$0x2] =	sbarrier.arrive $0xFFFF  }
0x158: {  	p0 =	sne.s32 s0, $0x0;
	s0 =	rddreg [dreg:$0x3]  }
0x159: {  	s0 =	sadd.s32 @!p0 $0x100000, s0  }
0x15a: {  	[sflag:s0] =	ssyncadd.tile.s32 @!p0 $0x1;
	_ =	shalt  }
.Lfunc_end2:
_tile_overlayer_lowered:
.L_overlay_start_2:
0x15b: {  	(tag) =	ssettag $0x2  }
0x15c: {  	s0 =	rddreg [dreg:$0x0];
	s2 =	stileid.u32  }
0x15d: {  	s1 =	rddreg [dreg:$0x1];
	p0 =	sne.s32 s2, $0x0  }
0x15e: {  	s3 =	rddreg [dreg:$0x2];
	[bflag:$0x3] =	sbarrier.arrive $0xFFFF;
	s2 =	simm.s32 @!p0 $0x1C07  }
0x15f: {  	[timem:s3], [sflag:s2] =	dma.local @!p0 [hbm:s0], s1  }
0x160: {  	s0 =	simm.s32 @!p0 $0x7  }
0x161: {  	_ =	swait.ge @!p0 [sflag:s0], s1  }
0x162: {  	s1 =	ssub.s32 @!p0 $0x0, s1;
	[sflag:s0] =	ssyncset.done @!p0 $0x0  }
0x163: {  	[sflag:s0] =	ssyncadd.s32 @!p0 s1  }
0x164: {  	[bflag:$0x3] =	sbarrier.arrive $0xFFFF  }
0x165: {  	_ =	shalt  }

// kernel: kernel.21.cloned.1.call-start
scs
__scs_entry_jumppad:
0x0: {  	(pc) =	sbr.rel $0x88, $3  }
0x1: {  	(tag) =	ssettag $0x0;
	lr =	simm.s32 $0x1  }
0x2: {  	[smem:$0x3F95] =	sst lr;
	_ =	strace $0xD0000000  }
0x3: {  	_ = 	snop  }
0x4: {  	_ = 	snop  }
0x5: {  	_ = 	snop  }
0x6: {  	_ = 	snop  }
0x7: {  	_ = 	snop  }
__scs_overlays_trampoline_lowered:
0x8: {  	[smem:$0x3FA4] =	sst s0  }
0x9: {  	[smem:$0x3FA5] =	sst s1  }
0xa: {  	[smem:$0x3FA6] =	sst s2  }
0xb: {  	[smem:$0x3FA7] =	sst s3  }
0xc: {  	[smem:$0x3FA8] =	sst s4  }
0xd: {  	[smem:$0x3FA9] =	sst s5  }
0xe: {  	[smem:$0x3FAA] =	sst s6  }
0xf: {  	[smem:$0x3FAB] =	sst s7  }
0x10: {  	[smem:$0x3FAC] =	sst s8  }
0x11: {  	[smem:$0x3FAD] =	sst s9;
	s0 =	simm.s32 @!p0 $0x0  }
0x12: {  	s1 =	sld [smem:$0x3F93];
	s0 =	simm.s32 @p0 $0x1  }
0x13: {  	[smem:$0x3FAE] =	sst s0;
	s0 =	simm.s32 @!p1 $0x0  }
0x14: {  	s2 =	sld [smem:$0x3F92];
	s0 =	simm.s32 @p1 $0x1  }
0x15: {  	[smem:$0x3FAF] =	sst s0;
	s0 =	simm.s32 @!p2 $0x0  }
0x16: {  	s3 =	sld [smem:$0x3FDB];
	s0 =	simm.s32 @p2 $0x1  }
0x17: {  	s4 =	simm.s32 $0x1BF5;
	[smem:$0x3FB1] =	sst s0  }
0x18: {  	s0 =	sld [smem:$0x3F94];
	_ =	swait.ge [sflag:s4], $0x0  }
0x19: {  	s7 =	sld [smem:$0x3F95]  }
0x1a: {  	s8 =	sadd.s32 $0xFFFFE003, lr  }
0x1b: {  	s9 =	sadd.s32 $0xFFFFFEF7, lr;
	s5 =	simm.s32 $0xFFFFFFFF;
	p2 =	slt.u32 s8, $0xFFFFF086  }
0x1c: {  	p1 =	slt.u32 s9, $0xF7A;
	s5 =	simm.s32 @!p2 $0x0  }
0x1d: {  	s5 =	simm.s32 @p1 $0x1;
	p0 =	seq.s32 s7, s2  }
0x1e: {  	s7 =	smul.u32 @!p0 $0xF7A, s2;
	p2 =	seq.s32 @!p0 s5, $0x0  }
0x1f: {  	s9 =	smul.u32 $0xF7A, s1;
	s8 =	simm.s32 @!p0 $0x1BF5;
	p2 =	por !p2, p0  }
0x20: {  	[sflag:s8] =	ssyncset.s32 @!p0 $0xFFFFF086;
	s6 =	sadd.s32 @!p0 s3, s7;
	s7 =	simm.s32 @!p0 $0x108  }
0x21: {  	s3 =	sadd.s32 s3, s9;
	s6 =	sadd.s32 @!p0 $0x88, s6;
	s7 =	simm.s32 @p2 $0x1082  }
0x22: {  	[simem:s7], [sflag:s8] =	dma.local @!p0 [hbm:s6], $0xF7A  }
0x23: {  	s9 =	sor.u32 $0xD0000000, s2;
	s6 =	simm.s32 $0x108;
	_ =	swait.ge @!p0 [sflag:s8], $0x0  }
0x24: {  	s3 =	sadd.s32 $0x88, s3;
	s6 =	simm.s32 @!p1 $0x1082;
	[sflag:s4] =	ssyncset.s32 $0xFFFFF086  }
0x25: {  	[simem:s6], [sflag:s4] =	dma.local [hbm:s3], $0xF7A  }
0x26: {  	[smem:$0x3F95] =	sst s1;
	(tag) =	ssettag s2;
	_ =	strace s9  }
0x27: {  	s1 =	sld [smem:$0x3FA5]  }
0x28: {  	s2 =	sld [smem:$0x3FA6]  }
0x29: {  	s4 =	sld [smem:$0x3FA8]  }
0x2a: {  	p0 =	seq.s32 s5, $0x0;
	s5 =	sld [smem:$0x3FA9]  }
0x2b: {  	s6 =	sld [smem:$0x3FAA]  }
0x2c: {  	s7 =	sld [smem:$0x3FAB]  }
0x2d: {  	s3 =	simm.s32 $0x108;
	s8 =	sld [smem:$0x3FAC]  }
0x2e: {  	s3 =	simm.s32 @!p0 $0x1082;
	s9 =	sld [smem:$0x3FAD]  }
0x2f: {  	lr =	sadd.s32 s0, s3;
	s0 =	sld [smem:$0x3FA4]  }
0x30: {  	s3 =	sld [smem:$0x3FA7]  }
0x31: {  	[smem:$0x3FB0] =	sst s10  }
0x32: {  	s10 =	sld [smem:$0x3FAE];
	_ =	sdelay $0x3  }
0x33: {  	p0 =	seq.s32 s10, $0x1;
	s10 =	sld [smem:$0x3FB0];
	_ =	sdelay $0x3  }
0x34: {  	[smem:$0x3FB0] =	sst s10  }
0x35: {  	s10 =	sld [smem:$0x3FAF];
	_ =	sdelay $0x3  }
0x36: {  	p1 =	seq.s32 s10, $0x1;
	s10 =	sld [smem:$0x3FB0];
	_ =	sdelay $0x3  }
0x37: {  	[smem:$0x3FB0] =	sst s10  }
0x38: {  	s10 =	sld [smem:$0x3FB1]  }
0x39: {  	_ = 	snop;
	(pc) =	sbr.ind lr, $3  }
0x3a: {  	_ = 	snop  }
0x3b: {  	_ = 	snop  }
0x3c: {  	p2 =	seq.s32 s10, $0x1;
	s10 =	sld [smem:$0x3FB0]  }
0x3d: {  	_ =	shalt  }
0x3e: {  	_ =	shalt  }
0x3f: {  	_ =	shalt  }
0x40: {  	_ =	shalt  }
0x41: {  	_ =	shalt  }
0x42: {  	_ =	shalt  }
0x43: {  	_ =	shalt  }
0x44: {  	_ =	shalt  }
0x45: {  	_ =	shalt  }
0x46: {  	_ =	shalt  }
0x47: {  	_ =	shalt  }
0x48: {  	_ =	shalt  }
0x49: {  	_ =	shalt  }
0x4a: {  	_ =	shalt  }
0x4b: {  	_ =	shalt  }
0x4c: {  	_ =	shalt  }
0x4d: {  	_ =	shalt  }
0x4e: {  	_ =	shalt  }
0x4f: {  	_ =	shalt  }
0x50: {  	_ =	shalt  }
0x51: {  	_ =	shalt  }
0x52: {  	_ =	shalt  }
0x53: {  	_ =	shalt  }
0x54: {  	_ =	shalt  }
0x55: {  	_ =	shalt  }
0x56: {  	_ =	shalt  }
0x57: {  	_ =	shalt  }
0x58: {  	_ =	shalt  }
0x59: {  	_ =	shalt  }
0x5a: {  	_ =	shalt  }
0x5b: {  	_ =	shalt  }
0x5c: {  	_ =	shalt  }
0x5d: {  	_ =	shalt  }
0x5e: {  	_ =	shalt  }
0x5f: {  	_ =	shalt  }
0x60: {  	_ =	shalt  }
0x61: {  	_ =	shalt  }
0x62: {  	_ =	shalt  }
0x63: {  	_ =	shalt  }
0x64: {  	_ =	shalt  }
0x65: {  	_ =	shalt  }
0x66: {  	_ =	shalt  }
0x67: {  	_ =	shalt  }
0x68: {  	_ =	shalt  }
0x69: {  	_ =	shalt  }
0x6a: {  	_ =	shalt  }
0x6b: {  	_ =	shalt  }
0x6c: {  	_ =	shalt  }
0x6d: {  	_ =	shalt  }
0x6e: {  	_ =	shalt  }
0x6f: {  	_ =	shalt  }
0x70: {  	_ =	shalt  }
0x71: {  	_ =	shalt  }
0x72: {  	_ =	shalt  }
0x73: {  	_ =	shalt  }
0x74: {  	_ =	shalt  }
0x75: {  	_ =	shalt  }
0x76: {  	_ =	shalt  }
0x77: {  	_ =	shalt  }
0x78: {  	_ =	shalt  }
0x79: {  	_ =	shalt  }
0x7a: {  	_ =	shalt  }
0x7b: {  	_ =	shalt  }
0x7c: {  	_ =	shalt  }
0x7d: {  	_ =	shalt  }
0x7e: {  	_ =	shalt  }
0x7f: {  	_ =	shalt  }
0x80: {  	_ =	shalt  }
0x81: {  	_ =	shalt  }
0x82: {  	_ =	shalt  }
0x83: {  	_ =	shalt  }
0x84: {  	_ =	shalt  }
0x85: {  	_ =	shalt  }
0x86: {  	_ =	shalt  }
0x87: {  	_ =	shalt  }
.Lfunc_end0:
.L_simem_size_0:
called_computation.3_lowered:
.L_overlay_start_0:
0x88: {  	s2 =	sld [smem:$0x3FD9]  }
0x89: {  	s3 =	sld [smem:$0x3FFE];
	_ =	sdelay $0x1  }
0x8a: {  	s1 =	srdreg.scid  }
0x8b: {  	s0 =	sand.u32 $0x1, s1  }
0x8c: {  	s17 =	sshll.u32 s0, $0xA;
	s2 =	sadd.s32 s3, s2  }
0x8d: {  	s2 =	sadd.s32 s2, s17  }
0x8e: {  	[smem:$0x3FBC] =	sst s2  }
0x8f: {  	_ = 	snop  }
0x90: {  	s18 =	sld [smem:$0x3FD0];
	(tm) =	ssettm $0x1  }
0x91: {  	s19 =	sld [smem:$0x3FFB];
	_ =	sdelay $0x3  }
0x92: {  	_ =	strace s19  }
0x93: {  	s2 =	sld [smem:$0x3FFC];
	_ =	sdelay $0x3  }
0x94: {  	_ =	strace s2  }
0x95: {  	s2 =	sld [smem:$0x3FFD];
	_ =	sdelay $0x3  }
0x96: {  	_ =	strace s2  }
0x97: {  	_ =	strace $0x8FFFFFFF  }
0x98: {  	s20 =	sld [smem:$0x3FDB];
	_ =	sdelay $0x1  }
0x99: {  	s4 =	simm.s32 $_scs_section_size  }
0x9a: {  	s5 =	simm.s32 $_size__tile_overlayer_lowered;
	s6 =	simm.s32 $_tile_overlayer_lowered  }
0x9b: {  	s7 =	simm.s32 $0x1BFF;
	s21 =	sshll.u32 s6, $0x1;
	s4 =	sadd.s32 s4, s20  }
0x9c: {  	s22 =	simm.s32 $0x0;
	s5 =	sshll.u32 s5, $0x1;
	s6 =	sadd.s32 s21, s4  }
0x9d: {  	[timem:s22], [sflag:s7] =	dma.local [hbm:s6], s5  }
0x9e: {  	_ =	swait.ge [sflag:s7], s5  }
0x9f: {  	s5 =	ssub.s32 $0x0, s5;
	[sflag:s7] =	ssyncset.done $0x0  }
0xa0: {  	[sflag:s7] =	ssyncadd.s32 s5;
	_ =	sdelay $0x1  }
0xa1: {  	s23 =	simm.s32 $0x1B8B  }
0xa2: {  	_ =	swait.ge [sflag:s23], $0x1  }
0xa3: {  	[sflag:s23] =	ssyncset.done $0x0  }
0xa4: {  	[sflag:s23] =	ssyncadd.s32 $0xFFFFFFFF  }
0xa5: {  	s5 =	sld [smem:$0x0]  }
0xa6: {  	s6 =	sand.u32 $0xFFFFFFFE, s1  }
0xa7: {  	p0 =	sne.s32 s1, s6  }
0xa8: {  	s6 =	sshll.u32 @p0 s6, $0xE  }
0xa9: {  	s6 =	sadd.s32 @p0 $0x11B8D, s6;
	s7 =	sshll.u32 @p0 s5, $0x11  }
0xaa: {  	s6 =	sor.u32 @p0 s7, s6  }
0xab: {  	[sflag:s6] =	ssyncadd.remote.s32 @p0 $0x1;
	_ =	sdelay $0x1  }
0xac: {  	s6 =	simm.s32 @p0 $0x1B8D  }
0xad: {  	_ =	swait.eq @p0 [sflag:s6], $0x1  }
0xae: {  	[sflag:s6] =	ssyncadd.s32 @p0 $0xFFFFFFFF  }
0xaf: {  	s7 =	sshll.u32 @!p0 s1, $0xE  }
0xb0: {  	s7 =	sor.u32 @!p0 $0x4000, s7;
	s6 =	simm.s32 @!p0 $0x1B8D  }
0xb1: {  	s5 =	sshll.u32 @!p0 s5, $0x11;
	s7 =	sadd.s32 @!p0 $0x11B8D, s7;
	_ =	swait.eq @!p0 [sflag:s6], $0x1  }
0xb2: {  	s5 =	sor.u32 @!p0 s5, s7;
	[sflag:s6] =	ssyncadd.s32 @!p0 $0xFFFFFFFF  }
0xb3: {  	s25 =	simm.s32 $0x1B8E;
	s24 =	sld [smem:$0x3FFE];
	[sflag:s5] =	ssyncadd.remote.s32 @!p0 $0x1  }
0xb4: {  	s26 =	simm.s32 $execute0_lowered;
	[smem:$0x3FD2] =	sst s25  }
0xb5: {  	s6 =	sshll.u32 s26, $0x1;
	_ =	strace $0x8000004F;
	[dreg:$0x1] =	wrdreg $0xFFFFFFFF  }
0xb6: {  	s28 =	simm.s32 $_size_execute0_lowered;
	s4 =	sadd.s32 s4, s6;
	[dreg:$0x0] =	wrdreg $0x0  }
0xb7: {  	s6 =	sshll.u32 s28, $0x1;
	[dreg:$0x2] =	wrdreg s4  }
0xb8: {  	[dreg:$0x3] =	wrdreg s6  }
0xb9: {  	[dreg:$0x4] =	wrdreg $0xC0  }
0xba: {  	_ =	task [dreg:s22], $0x5FFFF  }
0xbb: {  	[dreg:$0x1] =	wrdreg $0xFFFFFFFF  }
0xbc: {  	[dreg:$0x0] =	wrdreg $0x60  }
0xbd: {  	[dreg:$0x2] =	wrdreg s24  }
0xbe: {  	[dreg:$0x3] =	wrdreg s18  }
0xbf: {  	[dreg:$0x4] =	wrdreg $0xA  }
0xc0: {  	_ =	task.clear_ibuf [dreg:s22], $0x5FFFF;
	_ =	strace $0x9000004F  }
0xc1: {  	s29 =	simm.s32 $0xA;
	_ =	strace $0x80000051  }
0xc2: {  	_ =	swait.ge [sflag:s29], $0x1  }
0xc3: {  	[sflag:s29] =	ssyncadd.s32 $0xFFFFFFFF  }
0xc4: {  	_ =	strace $0x90000051  }
0xc5: {  	_ =	sfence  }
0xc6: {  	s30 =	sld [smem:$0x0];
	_ =	sdelay $0x2  }
0xc7: {  	s31 =	sshll.u32 s1, $0xD;
	s1 =	sshrl.u32 s1, $0x2  }
0xc8: {  	s4 =	sand.u32 $0x4000, s31;
	s1 =	sadd.s32 s1, s30  }
0xc9: {  	s0 =	sor.u32 s4, s0;
	s1 =	sshll.u32 s1, $0x11  }
0xca: {  	s0 =	sor.u32 s1, s0  }
0xcb: {  	s0 =	sadd.s32 $0x8F2B, s0  }
0xcc: {  	[sflag:s0] =	ssyncadd.remote.s32 $0x1  }
0xcd: {  	_ =	sfence.sel $0xFFFF  }
0xce: {  	[dreg:$0x0] =	wrdreg $0xFFFFFFFF;
	(pc) =	sbr.abs _section_cstart, $3  }
0xcf: {  	[dreg:$0x1] =	wrdreg $0xFFFFFFFF  }
0xd0: {  	_ =	task.clear_ibuf [dreg:s22], $0x2FFFF;
	_ =	strace $0x9FFFFFFF  }
0xd1: {  	(tm) =	ssettm $0x7FFFFFFF  }
tec
execute0_lowered:
.L_overlay_start_1:
0x0: {  	(tag) =	ssettag $0x1  }
0x1: {  	s13 =	rddreg [dreg:$0x0]  }
0x2: {  	s3 =	rddreg [dreg:$0x1];
	s2 =	srdreg.scid  }
0x3: {  	s0 =	rddreg [dreg:$0x2];
	s1 =	stileid.u32;
	s12 =	sand.u32 $0x1, s2  }
0x4: {  	s2 =	simm.s32 $0x0;
	s5 =	sshll.u32 s1, $0x5;
	s4 =	sshll.u32 s12, $0x9  }
0x5: {  	[smem:$0x7FF] =	sst s2;
	s14 =	sor.u32 s5, s4  }
0x6: {  	_ =	strace $0x80000050;
	s4 =	simm.s32 $0x1;
	s3 =	sadd.s32 s3, s14  }
0x7: {  	[tilespmem:s2], [sflag:$0x1] =	stream.linear.gather [hbm4b:s3+s2], $0x80, $0x38;
	[tilespmem:$0x200] =	vst v63  }
0x8: {  	_ =	swait.ge [sflag:s4], $0x80  }
0x9: {  	s6 =	simm.s32 $0x80;
	[sflag:s4] =	ssyncset.done $0x0  }
0xa: {  	s7 =	simm.s32 $0x100;
	s5 =	sadd.s32 $0x3E00, s13;
	[sflag:s4] =	ssyncadd.s32 $0xFFFFFF80  }
0xb: {  	[tilespmem:s7], [sflag:$0x3] =	stream.indirect.gather [hbm4b:s5+s6], $0x1, s2, s6, $0xb8;
	[tilespmem:$0x200] =	vst v63  }
0xc: {  	s9 =	simm.s32 $0x2;
	s8 =	sadd.s32 $0x10, s3  }
0xd: {  	[tilespmem:s6], [sflag:$0x2] =	stream.linear.gather [hbm4b:s8+s2], $0x80, $0x38;
	[tilespmem:$0x200] =	vst v63  }
0xe: {  	_ =	swait.ge [sflag:s9], $0x80  }
0xf: {  	s10 =	simm.s32 $0x180;
	[sflag:s9] =	ssyncset.done $0x0  }
0x10: {  	s11 =	simm.s32 $0x3;
	s15 =	ssub.s32 $0x2, s12;
	[sflag:s9] =	ssyncadd.s32 $0xFFFFFF80  }
0x11: {  	[tilespmem:s10], [sflag:$0x4] =	stream.indirect.gather [hbm4b:s5+s6], $0x1, s6, s6, $0xb8;
	[tilespmem:$0x200] =	vst v63  }
0x12: {  	s31 =	sshrl.u32 s15, $0x1;
	_ =	swait.ge [sflag:s11], $0x80  }
0x13: {  	s13 =	sadd.s32 s14, s13;
	s14 =	ssub.s32 s15, s31;
	[sflag:s11] =	ssyncset.done $0x0  }
0x14: {  	s12 =	simm.s32 $0x4;
	s15 =	smax.u32 s14, $0x1;
	[sflag:s11] =	ssyncadd.s32 $0xFFFFFF80  }
0x15: {  	p0 =	sne.s32 s15, $0x1;
	_ =	swait.ge [sflag:s12], $0x80  }
.Ltmp0:
0x16: {  	[sflag:s12] =	ssyncset.done $0x0;
	(pc) =	sbr.rel @!p0 .LBB2_2-.Ltmp0, $4  }
0x17: {  	s13 =	sadd.s32 $0x4400, s13;
	s14 =	simm.s32 $0x5;
	[sflag:s12] =	ssyncadd.s32 $0xFFFFFF80  }
0x18: {  	[hbm4b:s13+s2] =	stream.linear.scatter [tilespmem:s7], [sflag:$0x5], $0x100, $0x38;
	[tilespmem:$0x200] =	vst v63  }
0x19: {  	_ =	swait.ge [sflag:s14], $0x100  }
0x1a: {  	s15 =	sadd.s32 $0xFFFFFFFF, s15;
	[sflag:s14] =	ssyncset.done $0x0  }
.LBB2_1:
0x1b: {  	p0 =	sne.s32 s15, $0x1;
	s15 =	sadd.s32 $0xFFFFFFFF, s15;
	[sflag:s14] =	ssyncadd.s32 $0xFFFFFF00  }
0x1c: {  	[tilespmem:s2], [sflag:$0x1] =	stream.linear.gather [hbm4b:s3+s2], $0x80, $0x38;
	[tilespmem:$0x200] =	vst v63  }
0x1d: {  	_ =	swait.ge [sflag:s4], $0x80  }
0x1e: {  	[sflag:s4] =	ssyncset.done $0x0  }
0x1f: {  	[sflag:s4] =	ssyncadd.s32 $0xFFFFFF80  }
0x20: {  	[tilespmem:s7], [sflag:$0x3] =	stream.indirect.gather [hbm4b:s5+s6], $0x1, s2, s6, $0xb8;
	[tilespmem:$0x200] =	vst v63  }
0x21: {  	_ = 	snop  }
0x22: {  	[tilespmem:s6], [sflag:$0x2] =	stream.linear.gather [hbm4b:s8+s2], $0x80, $0x38;
	[tilespmem:$0x200] =	vst v63  }
0x23: {  	_ =	swait.ge [sflag:s9], $0x80  }
0x24: {  	[sflag:s9] =	ssyncset.done $0x0  }
0x25: {  	[sflag:s9] =	ssyncadd.s32 $0xFFFFFF80  }
0x26: {  	[tilespmem:s10], [sflag:$0x4] =	stream.indirect.gather [hbm4b:s5+s6], $0x1, s6, s6, $0xb8;
	[tilespmem:$0x200] =	vst v63  }
0x27: {  	_ =	swait.ge [sflag:s11], $0x80  }
0x28: {  	[sflag:s11] =	ssyncset.done $0x0  }
0x29: {  	[sflag:s11] =	ssyncadd.s32 $0xFFFFFF80  }
0x2a: {  	_ =	swait.ge [sflag:s12], $0x80  }
.Ltmp1:
0x2b: {  	[sflag:s12] =	ssyncset.done $0x0;
	(pc) =	sbr.rel @p0 .LBB2_1-.Ltmp1, $4  }
0x2c: {  	[sflag:s12] =	ssyncadd.s32 $0xFFFFFF80  }
0x2d: {  	[hbm4b:s13+s2] =	stream.linear.scatter [tilespmem:s7], [sflag:$0x5], $0x100, $0x38;
	[tilespmem:$0x200] =	vst v63  }
0x2e: {  	_ =	swait.ge [sflag:s14], $0x100  }
0x2f: {  	[sflag:s14] =	ssyncset.done $0x0  }
.LBB2_2:
0x30: {  	[sflag:s14] =	ssyncadd.s32 $0xFFFFFF00  }
0x31: {  	_ =	sfence.sel $0x180000  }
0x32: {  	[bflag:$0x0] =	sbarrier.arrive $0xFFFF  }
0x33: {  	p0 =	sne.s32 s1, $0x0;
	_ =	strace $0x90000050  }
0x34: {  	s0 =	sadd.s32 @!p0 $0x100000, s0;
	[bflag:$0x2] =	sbarrier.arrive $0xFFFF  }
0x35: {  	[sflag:s0] =	ssyncadd.tile.s32 @!p0 $0x1;
	_ =	shalt  }
.Lfunc_end2:
_tile_overlayer_lowered:
.L_overlay_start_2:
0x36: {  	(tag) =	ssettag $0x2  }
0x37: {  	s0 =	rddreg [dreg:$0x0];
	s2 =	stileid.u32  }
0x38: {  	s1 =	rddreg [dreg:$0x1];
	p0 =	sne.s32 s2, $0x0  }
0x39: {  	s3 =	rddreg [dreg:$0x2];
	[bflag:$0x3] =	sbarrier.arrive $0xFFFF;
	s2 =	simm.s32 @!p0 $0x1C05  }
0x3a: {  	[timem:s3], [sflag:s2] =	dma.local @!p0 [hbm:s0], s1  }
0x3b: {  	s0 =	simm.s32 @!p0 $0x5  }
0x3c: {  	_ =	swait.ge @!p0 [sflag:s0], s1  }
0x3d: {  	s1 =	ssub.s32 @!p0 $0x0, s1;
	[sflag:s0] =	ssyncset.done @!p0 $0x0  }
0x3e: {  	[sflag:s0] =	ssyncadd.s32 @!p0 s1  }
0x3f: {  	[bflag:$0x3] =	sbarrier.arrive $0xFFFF  }
0x40: {  	_ =	shalt  }

// kernel: kernel.24.cloned.1.call-start
scs
__scs_entry_jumppad:
0x0: {  	(pc) =	sbr.rel $0x88, $3  }
0x1: {  	(tag) =	ssettag $0x0;
	lr =	simm.s32 $0x1  }
0x2: {  	[smem:$0x3F95] =	sst lr;
	_ =	strace $0xD0000000  }
0x3: {  	_ = 	snop  }
0x4: {  	_ = 	snop  }
0x5: {  	_ = 	snop  }
0x6: {  	_ = 	snop  }
0x7: {  	_ = 	snop  }
__scs_overlays_trampoline_lowered:
0x8: {  	[smem:$0x3FA4] =	sst s0  }
0x9: {  	[smem:$0x3FA5] =	sst s1  }
0xa: {  	[smem:$0x3FA6] =	sst s2  }
0xb: {  	[smem:$0x3FA7] =	sst s3  }
0xc: {  	[smem:$0x3FA8] =	sst s4  }
0xd: {  	[smem:$0x3FA9] =	sst s5  }
0xe: {  	[smem:$0x3FAA] =	sst s6  }
0xf: {  	[smem:$0x3FAB] =	sst s7  }
0x10: {  	[smem:$0x3FAC] =	sst s8  }
0x11: {  	[smem:$0x3FAD] =	sst s9;
	s0 =	simm.s32 @!p0 $0x0  }
0x12: {  	s1 =	sld [smem:$0x3F93];
	s0 =	simm.s32 @p0 $0x1  }
0x13: {  	[smem:$0x3FAE] =	sst s0;
	s0 =	simm.s32 @!p1 $0x0  }
0x14: {  	s2 =	sld [smem:$0x3F92];
	s0 =	simm.s32 @p1 $0x1  }
0x15: {  	[smem:$0x3FAF] =	sst s0;
	s0 =	simm.s32 @!p2 $0x0  }
0x16: {  	s3 =	sld [smem:$0x3FDB];
	s0 =	simm.s32 @p2 $0x1  }
0x17: {  	s4 =	simm.s32 $0x1BF5;
	[smem:$0x3FB1] =	sst s0  }
0x18: {  	s0 =	sld [smem:$0x3F94];
	_ =	swait.ge [sflag:s4], $0x0  }
0x19: {  	s7 =	sld [smem:$0x3F95]  }
0x1a: {  	s8 =	sadd.s32 $0xFFFFE003, lr  }
0x1b: {  	s9 =	sadd.s32 $0xFFFFFEF7, lr;
	s5 =	simm.s32 $0xFFFFFFFF;
	p2 =	slt.u32 s8, $0xFFFFF086  }
0x1c: {  	p1 =	slt.u32 s9, $0xF7A;
	s5 =	simm.s32 @!p2 $0x0  }
0x1d: {  	s5 =	simm.s32 @p1 $0x1;
	p0 =	seq.s32 s7, s2  }
0x1e: {  	s7 =	smul.u32 @!p0 $0xF7A, s2;
	p2 =	seq.s32 @!p0 s5, $0x0  }
0x1f: {  	s9 =	smul.u32 $0xF7A, s1;
	s8 =	simm.s32 @!p0 $0x1BF5;
	p2 =	por !p2, p0  }
0x20: {  	[sflag:s8] =	ssyncset.s32 @!p0 $0xFFFFF086;
	s6 =	sadd.s32 @!p0 s3, s7;
	s7 =	simm.s32 @!p0 $0x108  }
0x21: {  	s3 =	sadd.s32 s3, s9;
	s6 =	sadd.s32 @!p0 $0x88, s6;
	s7 =	simm.s32 @p2 $0x1082  }
0x22: {  	[simem:s7], [sflag:s8] =	dma.local @!p0 [hbm:s6], $0xF7A  }
0x23: {  	s9 =	sor.u32 $0xD0000000, s2;
	s6 =	simm.s32 $0x108;
	_ =	swait.ge @!p0 [sflag:s8], $0x0  }
0x24: {  	s3 =	sadd.s32 $0x88, s3;
	s6 =	simm.s32 @!p1 $0x1082;
	[sflag:s4] =	ssyncset.s32 $0xFFFFF086  }
0x25: {  	[simem:s6], [sflag:s4] =	dma.local [hbm:s3], $0xF7A  }
0x26: {  	[smem:$0x3F95] =	sst s1;
	(tag) =	ssettag s2;
	_ =	strace s9  }
0x27: {  	s1 =	sld [smem:$0x3FA5]  }
0x28: {  	s2 =	sld [smem:$0x3FA6]  }
0x29: {  	s4 =	sld [smem:$0x3FA8]  }
0x2a: {  	p0 =	seq.s32 s5, $0x0;
	s5 =	sld [smem:$0x3FA9]  }
0x2b: {  	s6 =	sld [smem:$0x3FAA]  }
0x2c: {  	s7 =	sld [smem:$0x3FAB]  }
0x2d: {  	s3 =	simm.s32 $0x108;
	s8 =	sld [smem:$0x3FAC]  }
0x2e: {  	s3 =	simm.s32 @!p0 $0x1082;
	s9 =	sld [smem:$0x3FAD]  }
0x2f: {  	lr =	sadd.s32 s0, s3;
	s0 =	sld [smem:$0x3FA4]  }
0x30: {  	s3 =	sld [smem:$0x3FA7]  }
0x31: {  	[smem:$0x3FB0] =	sst s10  }
0x32: {  	s10 =	sld [smem:$0x3FAE];
	_ =	sdelay $0x3  }
0x33: {  	p0 =	seq.s32 s10, $0x1;
	s10 =	sld [smem:$0x3FB0];
	_ =	sdelay $0x3  }
0x34: {  	[smem:$0x3FB0] =	sst s10  }
0x35: {  	s10 =	sld [smem:$0x3FAF];
	_ =	sdelay $0x3  }
0x36: {  	p1 =	seq.s32 s10, $0x1;
	s10 =	sld [smem:$0x3FB0];
	_ =	sdelay $0x3  }
0x37: {  	[smem:$0x3FB0] =	sst s10  }
0x38: {  	s10 =	sld [smem:$0x3FB1]  }
0x39: {  	_ = 	snop;
	(pc) =	sbr.ind lr, $3  }
0x3a: {  	_ = 	snop  }
0x3b: {  	_ = 	snop  }
0x3c: {  	p2 =	seq.s32 s10, $0x1;
	s10 =	sld [smem:$0x3FB0]  }
0x3d: {  	_ =	shalt  }
0x3e: {  	_ =	shalt  }
0x3f: {  	_ =	shalt  }
0x40: {  	_ =	shalt  }
0x41: {  	_ =	shalt  }
0x42: {  	_ =	shalt  }
0x43: {  	_ =	shalt  }
0x44: {  	_ =	shalt  }
0x45: {  	_ =	shalt  }
0x46: {  	_ =	shalt  }
0x47: {  	_ =	shalt  }
0x48: {  	_ =	shalt  }
0x49: {  	_ =	shalt  }
0x4a: {  	_ =	shalt  }
0x4b: {  	_ =	shalt  }
0x4c: {  	_ =	shalt  }
0x4d: {  	_ =	shalt  }
0x4e: {  	_ =	shalt  }
0x4f: {  	_ =	shalt  }
0x50: {  	_ =	shalt  }
0x51: {  	_ =	shalt  }
0x52: {  	_ =	shalt  }
0x53: {  	_ =	shalt  }
0x54: {  	_ =	shalt  }
0x55: {  	_ =	shalt  }
0x56: {  	_ =	shalt  }
0x57: {  	_ =	shalt  }
0x58: {  	_ =	shalt  }
0x59: {  	_ =	shalt  }
0x5a: {  	_ =	shalt  }
0x5b: {  	_ =	shalt  }
0x5c: {  	_ =	shalt  }
0x5d: {  	_ =	shalt  }
0x5e: {  	_ =	shalt  }
0x5f: {  	_ =	shalt  }
0x60: {  	_ =	shalt  }
0x61: {  	_ =	shalt  }
0x62: {  	_ =	shalt  }
0x63: {  	_ =	shalt  }
0x64: {  	_ =	shalt  }
0x65: {  	_ =	shalt  }
0x66: {  	_ =	shalt  }
0x67: {  	_ =	shalt  }
0x68: {  	_ =	shalt  }
0x69: {  	_ =	shalt  }
0x6a: {  	_ =	shalt  }
0x6b: {  	_ =	shalt  }
0x6c: {  	_ =	shalt  }
0x6d: {  	_ =	shalt  }
0x6e: {  	_ =	shalt  }
0x6f: {  	_ =	shalt  }
0x70: {  	_ =	shalt  }
0x71: {  	_ =	shalt  }
0x72: {  	_ =	shalt  }
0x73: {  	_ =	shalt  }
0x74: {  	_ =	shalt  }
0x75: {  	_ =	shalt  }
0x76: {  	_ =	shalt  }
0x77: {  	_ =	shalt  }
0x78: {  	_ =	shalt  }
0x79: {  	_ =	shalt  }
0x7a: {  	_ =	shalt  }
0x7b: {  	_ =	shalt  }
0x7c: {  	_ =	shalt  }
0x7d: {  	_ =	shalt  }
0x7e: {  	_ =	shalt  }
0x7f: {  	_ =	shalt  }
0x80: {  	_ =	shalt  }
0x81: {  	_ =	shalt  }
0x82: {  	_ =	shalt  }
0x83: {  	_ =	shalt  }
0x84: {  	_ =	shalt  }
0x85: {  	_ =	shalt  }
0x86: {  	_ =	shalt  }
0x87: {  	_ =	shalt  }
.Lfunc_end0:
.L_simem_size_0:
called_computation.4_lowered:
.L_overlay_start_0:
0x88: {  	s2 =	sld [smem:$0x3FD9]  }
0x89: {  	s3 =	sld [smem:$0x3FFE];
	_ =	sdelay $0x1  }
0x8a: {  	s1 =	srdreg.scid  }
0x8b: {  	s0 =	sand.u32 $0x1, s1  }
0x8c: {  	s17 =	sshll.u32 s0, $0xA;
	s2 =	sadd.s32 s3, s2  }
0x8d: {  	s2 =	sadd.s32 s2, s17  }
0x8e: {  	[smem:$0x3FBC] =	sst s2  }
0x8f: {  	_ = 	snop  }
0x90: {  	s18 =	sld [smem:$0x3FD0];
	(tm) =	ssettm $0x1  }
0x91: {  	s19 =	sld [smem:$0x3FFB];
	_ =	sdelay $0x3  }
0x92: {  	_ =	strace s19  }
0x93: {  	s2 =	sld [smem:$0x3FFC];
	_ =	sdelay $0x3  }
0x94: {  	_ =	strace s2  }
0x95: {  	s2 =	sld [smem:$0x3FFD];
	_ =	sdelay $0x3  }
0x96: {  	_ =	strace s2  }
0x97: {  	_ =	strace $0x8FFFFFFF  }
0x98: {  	s20 =	sld [smem:$0x3FDB];
	_ =	sdelay $0x1  }
0x99: {  	s4 =	simm.s32 $_scs_section_size  }
0x9a: {  	s5 =	simm.s32 $_size__tile_overlayer_lowered;
	s6 =	simm.s32 $_tile_overlayer_lowered  }
0x9b: {  	s7 =	simm.s32 $0x1BFF;
	s21 =	sshll.u32 s6, $0x1;
	s4 =	sadd.s32 s4, s20  }
0x9c: {  	s22 =	simm.s32 $0x0;
	s5 =	sshll.u32 s5, $0x1;
	s6 =	sadd.s32 s21, s4  }
0x9d: {  	[timem:s22], [sflag:s7] =	dma.local [hbm:s6], s5  }
0x9e: {  	_ =	swait.ge [sflag:s7], s5  }
0x9f: {  	s5 =	ssub.s32 $0x0, s5;
	[sflag:s7] =	ssyncset.done $0x0  }
0xa0: {  	[sflag:s7] =	ssyncadd.s32 s5;
	_ =	sdelay $0x1  }
0xa1: {  	s23 =	simm.s32 $0x1B8B  }
0xa2: {  	_ =	swait.ge [sflag:s23], $0x1  }
0xa3: {  	[sflag:s23] =	ssyncset.done $0x0  }
0xa4: {  	[sflag:s23] =	ssyncadd.s32 $0xFFFFFFFF  }
0xa5: {  	s5 =	sld [smem:$0x0]  }
0xa6: {  	s6 =	sand.u32 $0xFFFFFFFE, s1  }
0xa7: {  	p0 =	sne.s32 s1, s6  }
0xa8: {  	s6 =	sshll.u32 @p0 s6, $0xE  }
0xa9: {  	s6 =	sadd.s32 @p0 $0x11B8D, s6;
	s7 =	sshll.u32 @p0 s5, $0x11  }
0xaa: {  	s6 =	sor.u32 @p0 s7, s6  }
0xab: {  	[sflag:s6] =	ssyncadd.remote.s32 @p0 $0x1;
	_ =	sdelay $0x1  }
0xac: {  	s6 =	simm.s32 @p0 $0x1B8D  }
0xad: {  	_ =	swait.eq @p0 [sflag:s6], $0x1  }
0xae: {  	[sflag:s6] =	ssyncadd.s32 @p0 $0xFFFFFFFF  }
0xaf: {  	s7 =	sshll.u32 @!p0 s1, $0xE  }
0xb0: {  	s7 =	sor.u32 @!p0 $0x4000, s7;
	s6 =	simm.s32 @!p0 $0x1B8D  }
0xb1: {  	s5 =	sshll.u32 @!p0 s5, $0x11;
	s7 =	sadd.s32 @!p0 $0x11B8D, s7;
	_ =	swait.eq @!p0 [sflag:s6], $0x1  }
0xb2: {  	s5 =	sor.u32 @!p0 s5, s7;
	[sflag:s6] =	ssyncadd.s32 @!p0 $0xFFFFFFFF  }
0xb3: {  	s25 =	simm.s32 $0x1B8E;
	s24 =	sld [smem:$0x3FFE];
	[sflag:s5] =	ssyncadd.remote.s32 @!p0 $0x1  }
0xb4: {  	s26 =	simm.s32 $execute0_lowered;
	[smem:$0x3FD2] =	sst s25  }
0xb5: {  	s6 =	sshll.u32 s26, $0x1;
	_ =	strace $0x80000052;
	[dreg:$0x1] =	wrdreg $0xFFFFFFFF  }
0xb6: {  	s28 =	simm.s32 $_size_execute0_lowered;
	s4 =	sadd.s32 s4, s6;
	[dreg:$0x0] =	wrdreg $0x0  }
0xb7: {  	s6 =	sshll.u32 s28, $0x1;
	[dreg:$0x2] =	wrdreg s4  }
0xb8: {  	[dreg:$0x3] =	wrdreg s6  }
0xb9: {  	[dreg:$0x4] =	wrdreg $0xC0  }
0xba: {  	_ =	task [dreg:s22], $0x5FFFF  }
0xbb: {  	[dreg:$0x1] =	wrdreg $0xFFFFFFFF  }
0xbc: {  	[dreg:$0x0] =	wrdreg $0x60  }
0xbd: {  	[dreg:$0x2] =	wrdreg s24  }
0xbe: {  	[dreg:$0x3] =	wrdreg s18  }
0xbf: {  	[dreg:$0x4] =	wrdreg $0xB  }
0xc0: {  	_ =	task.clear_ibuf [dreg:s22], $0x5FFFF;
	_ =	strace $0x90000052  }
0xc1: {  	s29 =	simm.s32 $0xB;
	_ =	strace $0x80000054  }
0xc2: {  	_ =	swait.ge [sflag:s29], $0x1  }
0xc3: {  	[sflag:s29] =	ssyncadd.s32 $0xFFFFFFFF  }
0xc4: {  	_ =	strace $0x90000054  }
0xc5: {  	_ =	sfence  }
0xc6: {  	s30 =	sld [smem:$0x0];
	_ =	sdelay $0x2  }
0xc7: {  	s31 =	sshll.u32 s1, $0xD;
	s1 =	sshrl.u32 s1, $0x2  }
0xc8: {  	s4 =	sand.u32 $0x4000, s31;
	s1 =	sadd.s32 s1, s30  }
0xc9: {  	s0 =	sor.u32 s4, s0;
	s1 =	sshll.u32 s1, $0x11  }
0xca: {  	s0 =	sor.u32 s1, s0  }
0xcb: {  	s0 =	sadd.s32 $0x8F2B, s0  }
0xcc: {  	[sflag:s0] =	ssyncadd.remote.s32 $0x1  }
0xcd: {  	_ =	sfence.sel $0xFFFF  }
0xce: {  	[dreg:$0x0] =	wrdreg $0xFFFFFFFF;
	(pc) =	sbr.abs _section_cstart, $3  }
0xcf: {  	[dreg:$0x1] =	wrdreg $0xFFFFFFFF  }
0xd0: {  	_ =	task.clear_ibuf [dreg:s22], $0x2FFFF;
	_ =	strace $0x9FFFFFFF  }
0xd1: {  	(tm) =	ssettm $0x7FFFFFFF  }
tec
execute0_lowered:
.L_overlay_start_1:
0x0: {  	(tag) =	ssettag $0x1  }
0x1: {  	s1 =	srdreg.scid  }
0x2: {  	s0 =	stileid.u32;
	s17 =	sand.u32 $0x1, s1  }
0x3: {  	s18 =	rddreg [dreg:$0x0];
	s2 =	sshll.u32 s0, $0x9;
	s1 =	sshll.u32 s17, $0xD  }
0x4: {  	s3 =	rddreg [dreg:$0x1];
	s4 =	sor.u32 s2, s1  }
0x5: {  	s1 =	rddreg [dreg:$0x2];
	s2 =	simm.s32 $0x0;
	s19 =	sshrl.u32 s4, $0x3  }
0x6: {  	[smem:$0x7FF] =	sst s2;
	s15 =	sadd.s32 s3, s19  }
0x7: {  	s4 =	simm.s32 $0x1;
	_ =	strace $0x80000053;
	s3 =	sadd.s32 $0x400, s15  }
0x8: {  	[tilespmem:s2], [sflag:$0x1] =	stream.linear.gather [hbm4b:s3+s2], $0x80, $0x38;
	[tilespmem:$0x300] =	vst v63  }
0x9: {  	_ =	swait.ge [sflag:s4], $0x80  }
0xa: {  	s6 =	simm.s32 $0x80;
	[sflag:s4] =	ssyncset.done $0x0  }
0xb: {  	s7 =	simm.s32 $0x100;
	s5 =	sadd.s32 $0x4800, s18;
	[sflag:s4] =	ssyncadd.s32 $0xFFFFFF80  }
0xc: {  	[tilespmem:s7], [sflag:$0x3] =	stream.indirect.gather [hbm4b:s5+s6], $0x1, s2, s6, $0xb8;
	[tilespmem:$0x300] =	vst v63  }
0xd: {  	s9 =	simm.s32 $0x2;
	s8 =	sadd.s32 $0x410, s15  }
0xe: {  	[tilespmem:s6], [sflag:$0x2] =	stream.linear.gather [hbm4b:s8+s2], $0x80, $0x38;
	[tilespmem:$0x300] =	vst v63  }
0xf: {  	_ =	swait.ge [sflag:s9], $0x80  }
0x10: {  	[sflag:s9] =	ssyncset.done $0x0  }
0x11: {  	s10 =	simm.s32 $0x180;
	s11 =	simm.s32 $0x3;
	[sflag:s9] =	ssyncadd.s32 $0xFFFFFF80  }
0x12: {  	[tilespmem:s10], [sflag:$0x4] =	stream.indirect.gather [hbm4b:s5+s6], $0x1, s6, s6, $0xb8;
	[tilespmem:$0x300] =	vst v63  }
0x13: {  	_ =	swait.ge [sflag:s11], $0x80  }
0x14: {  	[sflag:s11] =	ssyncset.done $0x0  }
0x15: {  	s12 =	sadd.s32 $0x420, s15;
	[sflag:s11] =	ssyncadd.s32 $0xFFFFFF80  }
0x16: {  	[tilespmem:s2], [sflag:$0x1] =	stream.linear.gather [hbm4b:s12+s2], $0x80, $0x38;
	[tilespmem:$0x300] =	vst v63  }
0x17: {  	_ =	swait.ge [sflag:s4], $0x80  }
0x18: {  	[sflag:s4] =	ssyncset.done $0x0  }
0x19: {  	s13 =	simm.s32 $0x200;
	s14 =	simm.s32 $0x4;
	[sflag:s4] =	ssyncadd.s32 $0xFFFFFF80  }
0x1a: {  	[tilespmem:s13], [sflag:$0x3] =	stream.indirect.gather [hbm4b:s5+s6], $0x1, s2, s6, $0xb8;
	[tilespmem:$0x300] =	vst v63  }
0x1b: {  	_ =	swait.ge [sflag:s14], $0x80  }
0x1c: {  	[sflag:s14] =	ssyncset.done $0x0  }
0x1d: {  	s15 =	sadd.s32 $0x430, s15;
	[sflag:s14] =	ssyncadd.s32 $0xFFFFFF80  }
0x1e: {  	[tilespmem:s6], [sflag:$0x2] =	stream.linear.gather [hbm4b:s15+s2], $0x80, $0x38;
	[tilespmem:$0x300] =	vst v63  }
0x1f: {  	_ =	swait.ge [sflag:s9], $0x80  }
0x20: {  	[sflag:s9] =	ssyncset.done $0x0  }
0x21: {  	s16 =	simm.s32 $0x280;
	s17 =	ssub.s32 $0x2, s17;
	[sflag:s9] =	ssyncadd.s32 $0xFFFFFF80  }
0x22: {  	[tilespmem:s16], [sflag:$0x4] =	stream.indirect.gather [hbm4b:s5+s6], $0x1, s6, s6, $0xb8;
	[tilespmem:$0x300] =	vst v63  }
0x23: {  	s31 =	sshrl.u32 s17, $0x1;
	_ =	swait.ge [sflag:s11], $0x80  }
0x24: {  	s18 =	sadd.s32 s19, s18;
	s19 =	ssub.s32 s17, s31;
	[sflag:s11] =	ssyncset.done $0x0  }
0x25: {  	s19 =	smax.u32 s19, $0x1;
	[sflag:s11] =	ssyncadd.s32 $0xFFFFFF80  }
0x26: {  	p0 =	sne.s32 s19, $0x1;
	_ =	swait.ge [sflag:s14], $0x80  }
.Ltmp0:
0x27: {  	[sflag:s14] =	ssyncset.done $0x0;
	(pc) =	sbr.rel @!p0 .LBB2_2-.Ltmp0, $4  }
0x28: {  	s17 =	sadd.s32 $0x5200, s18;
	s18 =	simm.s32 $0x5;
	[sflag:s14] =	ssyncadd.s32 $0xFFFFFF80  }
0x29: {  	[hbm4b:s17+s2] =	stream.linear.scatter [tilespmem:s7], [sflag:$0x5], $0x200, $0x38;
	[tilespmem:$0x300] =	vst v63  }
0x2a: {  	_ =	swait.ge [sflag:s18], $0x200  }
0x2b: {  	s19 =	sadd.s32 $0xFFFFFFFF, s19;
	[sflag:s18] =	ssyncset.done $0x0  }
.LBB2_1:
0x2c: {  	p0 =	sne.s32 s19, $0x1;
	s19 =	sadd.s32 $0xFFFFFFFF, s19;
	[sflag:s18] =	ssyncadd.s32 $0xFFFFFE00  }
0x2d: {  	[tilespmem:s2], [sflag:$0x1] =	stream.linear.gather [hbm4b:s3+s2], $0x80, $0x38;
	[tilespmem:$0x300] =	vst v63  }
0x2e: {  	_ =	swait.ge [sflag:s4], $0x80  }
0x2f: {  	[sflag:s4] =	ssyncset.done $0x0  }
0x30: {  	[sflag:s4] =	ssyncadd.s32 $0xFFFFFF80  }
0x31: {  	[tilespmem:s7], [sflag:$0x3] =	stream.indirect.gather [hbm4b:s5+s6], $0x1, s2, s6, $0xb8;
	[tilespmem:$0x300] =	vst v63  }
0x32: {  	_ = 	snop  }
0x33: {  	[tilespmem:s6], [sflag:$0x2] =	stream.linear.gather [hbm4b:s8+s2], $0x80, $0x38;
	[tilespmem:$0x300] =	vst v63  }
0x34: {  	_ =	swait.ge [sflag:s9], $0x80  }
0x35: {  	[sflag:s9] =	ssyncset.done $0x0  }
0x36: {  	[sflag:s9] =	ssyncadd.s32 $0xFFFFFF80  }
0x37: {  	[tilespmem:s10], [sflag:$0x4] =	stream.indirect.gather [hbm4b:s5+s6], $0x1, s6, s6, $0xb8;
	[tilespmem:$0x300] =	vst v63  }
0x38: {  	_ =	swait.ge [sflag:s11], $0x80  }
0x39: {  	[sflag:s11] =	ssyncset.done $0x0  }
0x3a: {  	[sflag:s11] =	ssyncadd.s32 $0xFFFFFF80  }
0x3b: {  	[tilespmem:s2], [sflag:$0x1] =	stream.linear.gather [hbm4b:s12+s2], $0x80, $0x38;
	[tilespmem:$0x300] =	vst v63  }
0x3c: {  	_ =	swait.ge [sflag:s4], $0x80  }
0x3d: {  	[sflag:s4] =	ssyncset.done $0x0  }
0x3e: {  	[sflag:s4] =	ssyncadd.s32 $0xFFFFFF80  }
0x3f: {  	[tilespmem:s13], [sflag:$0x3] =	stream.indirect.gather [hbm4b:s5+s6], $0x1, s2, s6, $0xb8;
	[tilespmem:$0x300] =	vst v63  }
0x40: {  	_ =	swait.ge [sflag:s14], $0x80  }
0x41: {  	[sflag:s14] =	ssyncset.done $0x0  }
0x42: {  	[sflag:s14] =	ssyncadd.s32 $0xFFFFFF80  }
0x43: {  	[tilespmem:s6], [sflag:$0x2] =	stream.linear.gather [hbm4b:s15+s2], $0x80, $0x38;
	[tilespmem:$0x300] =	vst v63  }
0x44: {  	_ =	swait.ge [sflag:s9], $0x80  }
0x45: {  	[sflag:s9] =	ssyncset.done $0x0  }
0x46: {  	[sflag:s9] =	ssyncadd.s32 $0xFFFFFF80  }
0x47: {  	[tilespmem:s16], [sflag:$0x4] =	stream.indirect.gather [hbm4b:s5+s6], $0x1, s6, s6, $0xb8;
	[tilespmem:$0x300] =	vst v63  }
0x48: {  	_ =	swait.ge [sflag:s11], $0x80  }
0x49: {  	[sflag:s11] =	ssyncset.done $0x0  }
0x4a: {  	[sflag:s11] =	ssyncadd.s32 $0xFFFFFF80  }
0x4b: {  	_ =	swait.ge [sflag:s14], $0x80  }
.Ltmp1:
0x4c: {  	[sflag:s14] =	ssyncset.done $0x0;
	(pc) =	sbr.rel @p0 .LBB2_1-.Ltmp1, $4  }
0x4d: {  	[sflag:s14] =	ssyncadd.s32 $0xFFFFFF80  }
0x4e: {  	[hbm4b:s17+s2] =	stream.linear.scatter [tilespmem:s7], [sflag:$0x5], $0x200, $0x38;
	[tilespmem:$0x300] =	vst v63  }
0x4f: {  	_ =	swait.ge [sflag:s18], $0x200  }
0x50: {  	[sflag:s18] =	ssyncset.done $0x0  }
.LBB2_2:
0x51: {  	[sflag:s18] =	ssyncadd.s32 $0xFFFFFE00  }
0x52: {  	_ =	sfence.sel $0x180000  }
0x53: {  	[bflag:$0x0] =	sbarrier.arrive $0xFFFF  }
0x54: {  	p0 =	sne.s32 s0, $0x0;
	_ =	strace $0x90000053  }
0x55: {  	s0 =	sadd.s32 @!p0 $0x100000, s1;
	[bflag:$0x2] =	sbarrier.arrive $0xFFFF  }
0x56: {  	[sflag:s0] =	ssyncadd.tile.s32 @!p0 $0x1;
	_ =	shalt  }
.Lfunc_end2:
_tile_overlayer_lowered:
.L_overlay_start_2:
0x57: {  	(tag) =	ssettag $0x2  }
0x58: {  	s0 =	rddreg [dreg:$0x0];
	s2 =	stileid.u32  }
0x59: {  	s1 =	rddreg [dreg:$0x1];
	p0 =	sne.s32 s2, $0x0  }
0x5a: {  	s3 =	rddreg [dreg:$0x2];
	[bflag:$0x3] =	sbarrier.arrive $0xFFFF;
	s2 =	simm.s32 @!p0 $0x1C05  }
0x5b: {  	[timem:s3], [sflag:s2] =	dma.local @!p0 [hbm:s0], s1  }
0x5c: {  	s0 =	simm.s32 @!p0 $0x5  }
0x5d: {  	_ =	swait.ge @!p0 [sflag:s0], s1  }
0x5e: {  	s1 =	ssub.s32 @!p0 $0x0, s1;
	[sflag:s0] =	ssyncset.done @!p0 $0x0  }
0x5f: {  	[sflag:s0] =	ssyncadd.s32 @!p0 s1  }
0x60: {  	[bflag:$0x3] =	sbarrier.arrive $0xFFFF  }
0x61: {  	_ =	shalt  }

// kernel: kernel.27.cloned.1.call-start
scs
__scs_entry_jumppad:
0x0: {  	(pc) =	sbr.rel $0x88, $3  }
0x1: {  	(tag) =	ssettag $0x0;
	lr =	simm.s32 $0x1  }
0x2: {  	[smem:$0x3F95] =	sst lr;
	_ =	strace $0xD0000000  }
0x3: {  	_ = 	snop  }
0x4: {  	_ = 	snop  }
0x5: {  	_ = 	snop  }
0x6: {  	_ = 	snop  }
0x7: {  	_ = 	snop  }
__scs_overlays_trampoline_lowered:
0x8: {  	[smem:$0x3FA4] =	sst s0  }
0x9: {  	[smem:$0x3FA5] =	sst s1  }
0xa: {  	[smem:$0x3FA6] =	sst s2  }
0xb: {  	[smem:$0x3FA7] =	sst s3  }
0xc: {  	[smem:$0x3FA8] =	sst s4  }
0xd: {  	[smem:$0x3FA9] =	sst s5  }
0xe: {  	[smem:$0x3FAA] =	sst s6  }
0xf: {  	[smem:$0x3FAB] =	sst s7  }
0x10: {  	[smem:$0x3FAC] =	sst s8  }
0x11: {  	[smem:$0x3FAD] =	sst s9;
	s0 =	simm.s32 @!p0 $0x0  }
0x12: {  	s1 =	sld [smem:$0x3F93];
	s0 =	simm.s32 @p0 $0x1  }
0x13: {  	[smem:$0x3FAE] =	sst s0;
	s0 =	simm.s32 @!p1 $0x0  }
0x14: {  	s2 =	sld [smem:$0x3F92];
	s0 =	simm.s32 @p1 $0x1  }
0x15: {  	[smem:$0x3FAF] =	sst s0;
	s0 =	simm.s32 @!p2 $0x0  }
0x16: {  	s3 =	sld [smem:$0x3FDB];
	s0 =	simm.s32 @p2 $0x1  }
0x17: {  	s4 =	simm.s32 $0x1BF5;
	[smem:$0x3FB1] =	sst s0  }
0x18: {  	s0 =	sld [smem:$0x3F94];
	_ =	swait.ge [sflag:s4], $0x0  }
0x19: {  	s7 =	sld [smem:$0x3F95]  }
0x1a: {  	s8 =	sadd.s32 $0xFFFFE003, lr  }
0x1b: {  	s9 =	sadd.s32 $0xFFFFFEF7, lr;
	s5 =	simm.s32 $0xFFFFFFFF;
	p2 =	slt.u32 s8, $0xFFFFF086  }
0x1c: {  	p1 =	slt.u32 s9, $0xF7A;
	s5 =	simm.s32 @!p2 $0x0  }
0x1d: {  	s5 =	simm.s32 @p1 $0x1;
	p0 =	seq.s32 s7, s2  }
0x1e: {  	s7 =	smul.u32 @!p0 $0xF7A, s2;
	p2 =	seq.s32 @!p0 s5, $0x0  }
0x1f: {  	s9 =	smul.u32 $0xF7A, s1;
	s8 =	simm.s32 @!p0 $0x1BF5;
	p2 =	por !p2, p0  }
0x20: {  	[sflag:s8] =	ssyncset.s32 @!p0 $0xFFFFF086;
	s6 =	sadd.s32 @!p0 s3, s7;
	s7 =	simm.s32 @!p0 $0x108  }
0x21: {  	s3 =	sadd.s32 s3, s9;
	s6 =	sadd.s32 @!p0 $0x88, s6;
	s7 =	simm.s32 @p2 $0x1082  }
0x22: {  	[simem:s7], [sflag:s8] =	dma.local @!p0 [hbm:s6], $0xF7A  }
0x23: {  	s9 =	sor.u32 $0xD0000000, s2;
	s6 =	simm.s32 $0x108;
	_ =	swait.ge @!p0 [sflag:s8], $0x0  }
0x24: {  	s3 =	sadd.s32 $0x88, s3;
	s6 =	simm.s32 @!p1 $0x1082;
	[sflag:s4] =	ssyncset.s32 $0xFFFFF086  }
0x25: {  	[simem:s6], [sflag:s4] =	dma.local [hbm:s3], $0xF7A  }
0x26: {  	[smem:$0x3F95] =	sst s1;
	(tag) =	ssettag s2;
	_ =	strace s9  }
0x27: {  	s1 =	sld [smem:$0x3FA5]  }
0x28: {  	s2 =	sld [smem:$0x3FA6]  }
0x29: {  	s4 =	sld [smem:$0x3FA8]  }
0x2a: {  	p0 =	seq.s32 s5, $0x0;
	s5 =	sld [smem:$0x3FA9]  }
0x2b: {  	s6 =	sld [smem:$0x3FAA]  }
0x2c: {  	s7 =	sld [smem:$0x3FAB]  }
0x2d: {  	s3 =	simm.s32 $0x108;
	s8 =	sld [smem:$0x3FAC]  }
0x2e: {  	s3 =	simm.s32 @!p0 $0x1082;
	s9 =	sld [smem:$0x3FAD]  }
0x2f: {  	lr =	sadd.s32 s0, s3;
	s0 =	sld [smem:$0x3FA4]  }
0x30: {  	s3 =	sld [smem:$0x3FA7]  }
0x31: {  	[smem:$0x3FB0] =	sst s10  }
0x32: {  	s10 =	sld [smem:$0x3FAE];
	_ =	sdelay $0x3  }
0x33: {  	p0 =	seq.s32 s10, $0x1;
	s10 =	sld [smem:$0x3FB0];
	_ =	sdelay $0x3  }
0x34: {  	[smem:$0x3FB0] =	sst s10  }
0x35: {  	s10 =	sld [smem:$0x3FAF];
	_ =	sdelay $0x3  }
0x36: {  	p1 =	seq.s32 s10, $0x1;
	s10 =	sld [smem:$0x3FB0];
	_ =	sdelay $0x3  }
0x37: {  	[smem:$0x3FB0] =	sst s10  }
0x38: {  	s10 =	sld [smem:$0x3FB1]  }
0x39: {  	_ = 	snop;
	(pc) =	sbr.ind lr, $3  }
0x3a: {  	_ = 	snop  }
0x3b: {  	_ = 	snop  }
0x3c: {  	p2 =	seq.s32 s10, $0x1;
	s10 =	sld [smem:$0x3FB0]  }
0x3d: {  	_ =	shalt  }
0x3e: {  	_ =	shalt  }
0x3f: {  	_ =	shalt  }
0x40: {  	_ =	shalt  }
0x41: {  	_ =	shalt  }
0x42: {  	_ =	shalt  }
0x43: {  	_ =	shalt  }
0x44: {  	_ =	shalt  }
0x45: {  	_ =	shalt  }
0x46: {  	_ =	shalt  }
0x47: {  	_ =	shalt  }
0x48: {  	_ =	shalt  }
0x49: {  	_ =	shalt  }
0x4a: {  	_ =	shalt  }
0x4b: {  	_ =	shalt  }
0x4c: {  	_ =	shalt  }
0x4d: {  	_ =	shalt  }
0x4e: {  	_ =	shalt  }
0x4f: {  	_ =	shalt  }
0x50: {  	_ =	shalt  }
0x51: {  	_ =	shalt  }
0x52: {  	_ =	shalt  }
0x53: {  	_ =	shalt  }
0x54: {  	_ =	shalt  }
0x55: {  	_ =	shalt  }
0x56: {  	_ =	shalt  }
0x57: {  	_ =	shalt  }
0x58: {  	_ =	shalt  }
0x59: {  	_ =	shalt  }
0x5a: {  	_ =	shalt  }
0x5b: {  	_ =	shalt  }
0x5c: {  	_ =	shalt  }
0x5d: {  	_ =	shalt  }
0x5e: {  	_ =	shalt  }
0x5f: {  	_ =	shalt  }
0x60: {  	_ =	shalt  }
0x61: {  	_ =	shalt  }
0x62: {  	_ =	shalt  }
0x63: {  	_ =	shalt  }
0x64: {  	_ =	shalt  }
0x65: {  	_ =	shalt  }
0x66: {  	_ =	shalt  }
0x67: {  	_ =	shalt  }
0x68: {  	_ =	shalt  }
0x69: {  	_ =	shalt  }
0x6a: {  	_ =	shalt  }
0x6b: {  	_ =	shalt  }
0x6c: {  	_ =	shalt  }
0x6d: {  	_ =	shalt  }
0x6e: {  	_ =	shalt  }
0x6f: {  	_ =	shalt  }
0x70: {  	_ =	shalt  }
0x71: {  	_ =	shalt  }
0x72: {  	_ =	shalt  }
0x73: {  	_ =	shalt  }
0x74: {  	_ =	shalt  }
0x75: {  	_ =	shalt  }
0x76: {  	_ =	shalt  }
0x77: {  	_ =	shalt  }
0x78: {  	_ =	shalt  }
0x79: {  	_ =	shalt  }
0x7a: {  	_ =	shalt  }
0x7b: {  	_ =	shalt  }
0x7c: {  	_ =	shalt  }
0x7d: {  	_ =	shalt  }
0x7e: {  	_ =	shalt  }
0x7f: {  	_ =	shalt  }
0x80: {  	_ =	shalt  }
0x81: {  	_ =	shalt  }
0x82: {  	_ =	shalt  }
0x83: {  	_ =	shalt  }
0x84: {  	_ =	shalt  }
0x85: {  	_ =	shalt  }
0x86: {  	_ =	shalt  }
0x87: {  	_ =	shalt  }
.Lfunc_end0:
.L_simem_size_0:
called_computation.5_lowered:
.L_overlay_start_0:
0x88: {  	s2 =	sld [smem:$0x3FD9]  }
0x89: {  	s3 =	sld [smem:$0x3FFE];
	_ =	sdelay $0x1  }
0x8a: {  	s1 =	srdreg.scid  }
0x8b: {  	s0 =	sand.u32 $0x1, s1  }
0x8c: {  	s17 =	sshll.u32 s0, $0xA;
	s2 =	sadd.s32 s3, s2  }
0x8d: {  	s2 =	sadd.s32 s2, s17  }
0x8e: {  	[smem:$0x3FBC] =	sst s2  }
0x8f: {  	_ = 	snop  }
0x90: {  	s18 =	sld [smem:$0x3FD0];
	(tm) =	ssettm $0x1  }
0x91: {  	s19 =	sld [smem:$0x3FFB];
	_ =	sdelay $0x3  }
0x92: {  	_ =	strace s19  }
0x93: {  	s2 =	sld [smem:$0x3FFC];
	_ =	sdelay $0x3  }
0x94: {  	_ =	strace s2  }
0x95: {  	s2 =	sld [smem:$0x3FFD];
	_ =	sdelay $0x3  }
0x96: {  	_ =	strace s2  }
0x97: {  	_ =	strace $0x8FFFFFFF  }
0x98: {  	s20 =	sld [smem:$0x3FDB];
	_ =	sdelay $0x1  }
0x99: {  	s4 =	simm.s32 $_scs_section_size  }
0x9a: {  	s5 =	simm.s32 $_size__tile_overlayer_lowered;
	s6 =	simm.s32 $_tile_overlayer_lowered  }
0x9b: {  	s7 =	simm.s32 $0x1BFF;
	s21 =	sshll.u32 s6, $0x1;
	s4 =	sadd.s32 s4, s20  }
0x9c: {  	s22 =	simm.s32 $0x0;
	s5 =	sshll.u32 s5, $0x1;
	s6 =	sadd.s32 s21, s4  }
0x9d: {  	[timem:s22], [sflag:s7] =	dma.local [hbm:s6], s5  }
0x9e: {  	_ =	swait.ge [sflag:s7], s5  }
0x9f: {  	s5 =	ssub.s32 $0x0, s5;
	[sflag:s7] =	ssyncset.done $0x0  }
0xa0: {  	[sflag:s7] =	ssyncadd.s32 s5;
	_ =	sdelay $0x1  }
0xa1: {  	s23 =	simm.s32 $0x1B8B  }
0xa2: {  	_ =	swait.ge [sflag:s23], $0x1  }
0xa3: {  	[sflag:s23] =	ssyncset.done $0x0  }
0xa4: {  	[sflag:s23] =	ssyncadd.s32 $0xFFFFFFFF  }
0xa5: {  	s5 =	sld [smem:$0x0]  }
0xa6: {  	s6 =	sand.u32 $0xFFFFFFFE, s1  }
0xa7: {  	p0 =	sne.s32 s1, s6  }
0xa8: {  	s6 =	sshll.u32 @p0 s6, $0xE  }
0xa9: {  	s6 =	sadd.s32 @p0 $0x11B8D, s6;
	s7 =	sshll.u32 @p0 s5, $0x11  }
0xaa: {  	s6 =	sor.u32 @p0 s7, s6  }
0xab: {  	[sflag:s6] =	ssyncadd.remote.s32 @p0 $0x1;
	_ =	sdelay $0x1  }
0xac: {  	s6 =	simm.s32 @p0 $0x1B8D  }
0xad: {  	_ =	swait.eq @p0 [sflag:s6], $0x1  }
0xae: {  	[sflag:s6] =	ssyncadd.s32 @p0 $0xFFFFFFFF  }
0xaf: {  	s7 =	sshll.u32 @!p0 s1, $0xE  }
0xb0: {  	s7 =	sor.u32 @!p0 $0x4000, s7;
	s6 =	simm.s32 @!p0 $0x1B8D  }
0xb1: {  	s5 =	sshll.u32 @!p0 s5, $0x11;
	s7 =	sadd.s32 @!p0 $0x11B8D, s7;
	_ =	swait.eq @!p0 [sflag:s6], $0x1  }
0xb2: {  	s5 =	sor.u32 @!p0 s5, s7;
	[sflag:s6] =	ssyncadd.s32 @!p0 $0xFFFFFFFF  }
0xb3: {  	s25 =	simm.s32 $0x1B8E;
	s24 =	sld [smem:$0x3FFE];
	[sflag:s5] =	ssyncadd.remote.s32 @!p0 $0x1  }
0xb4: {  	s26 =	simm.s32 $execute0_lowered;
	[smem:$0x3FD2] =	sst s25  }
0xb5: {  	s6 =	sshll.u32 s26, $0x1;
	_ =	strace $0x80000055;
	[dreg:$0x1] =	wrdreg $0xFFFFFFFF  }
0xb6: {  	s28 =	simm.s32 $_size_execute0_lowered;
	s4 =	sadd.s32 s4, s6;
	[dreg:$0x0] =	wrdreg $0x0  }
0xb7: {  	s6 =	sshll.u32 s28, $0x1;
	[dreg:$0x2] =	wrdreg s4  }
0xb8: {  	[dreg:$0x3] =	wrdreg s6  }
0xb9: {  	[dreg:$0x4] =	wrdreg $0xC0  }
0xba: {  	_ =	task [dreg:s22], $0x5FFFF  }
0xbb: {  	[dreg:$0x1] =	wrdreg $0xFFFFFFFF  }
0xbc: {  	[dreg:$0x0] =	wrdreg $0x60  }
0xbd: {  	[dreg:$0x2] =	wrdreg s24  }
0xbe: {  	[dreg:$0x3] =	wrdreg s18  }
0xbf: {  	[dreg:$0x4] =	wrdreg $0x9  }
0xc0: {  	_ =	task.clear_ibuf [dreg:s22], $0x5FFFF;
	_ =	strace $0x90000055  }
0xc1: {  	s29 =	simm.s32 $0x9;
	_ =	strace $0x80000057  }
0xc2: {  	_ =	swait.ge [sflag:s29], $0x1  }
0xc3: {  	[sflag:s29] =	ssyncadd.s32 $0xFFFFFFFF  }
0xc4: {  	_ =	strace $0x90000057  }
0xc5: {  	_ =	sfence  }
0xc6: {  	s30 =	sld [smem:$0x0];
	_ =	sdelay $0x2  }
0xc7: {  	s31 =	sshll.u32 s1, $0xD;
	s1 =	sshrl.u32 s1, $0x2  }
0xc8: {  	s4 =	sand.u32 $0x4000, s31;
	s1 =	sadd.s32 s1, s30  }
0xc9: {  	s0 =	sor.u32 s4, s0;
	s1 =	sshll.u32 s1, $0x11  }
0xca: {  	s0 =	sor.u32 s1, s0  }
0xcb: {  	s0 =	sadd.s32 $0x8F2B, s0  }
0xcc: {  	[sflag:s0] =	ssyncadd.remote.s32 $0x1  }
0xcd: {  	_ =	sfence.sel $0xFFFF  }
0xce: {  	[dreg:$0x0] =	wrdreg $0xFFFFFFFF;
	(pc) =	sbr.abs _section_cstart, $3  }
0xcf: {  	[dreg:$0x1] =	wrdreg $0xFFFFFFFF  }
0xd0: {  	_ =	task.clear_ibuf [dreg:s22], $0x2FFFF;
	_ =	strace $0x9FFFFFFF  }
0xd1: {  	(tm) =	ssettm $0x7FFFFFFF  }
tec
execute0_lowered:
.L_overlay_start_1:
0x0: {  	(tag) =	ssettag $0x1  }
0x1: {  	s1 =	srdreg.scid  }
0x2: {  	s13 =	rddreg [dreg:$0x0];
	s0 =	stileid.u32;
	s12 =	sand.u32 $0x1, s1  }
0x3: {  	s3 =	rddreg [dreg:$0x1];
	s5 =	sshll.u32 s0, $0x5;
	s4 =	sshll.u32 s12, $0x9  }
0x4: {  	s2 =	simm.s32 $0x0;
	s1 =	rddreg [dreg:$0x2];
	s14 =	sor.u32 s5, s4  }
0x5: {  	[smem:$0x7FF] =	sst s2;
	s8 =	sadd.s32 s14, s3  }
0x6: {  	_ =	strace $0x80000056;
	s4 =	simm.s32 $0x1;
	s3 =	sadd.s32 $0xC00, s8  }
0x7: {  	[tilespmem:s2], [sflag:$0x1] =	stream.linear.gather [hbm4b:s3+s2], $0x80, $0x38;
	[tilespmem:$0x200] =	vst v63  }
0x8: {  	_ =	swait.ge [sflag:s4], $0x80  }
0x9: {  	s6 =	simm.s32 $0x80;
	[sflag:s4] =	ssyncset.done $0x0  }
0xa: {  	s7 =	simm.s32 $0x100;
	s5 =	sadd.s32 $0x5A00, s13;
	[sflag:s4] =	ssyncadd.s32 $0xFFFFFF80  }
0xb: {  	[tilespmem:s7], [sflag:$0x3] =	stream.indirect.gather [hbm4b:s5+s6], $0x1, s2, s6, $0xb8;
	[tilespmem:$0x200] =	vst v63  }
0xc: {  	s9 =	simm.s32 $0x2;
	s8 =	sadd.s32 $0xC10, s8  }
0xd: {  	[tilespmem:s6], [sflag:$0x2] =	stream.linear.gather [hbm4b:s8+s2], $0x80, $0x38;
	[tilespmem:$0x200] =	vst v63  }
0xe: {  	_ =	swait.ge [sflag:s9], $0x80  }
0xf: {  	s10 =	simm.s32 $0x180;
	[sflag:s9] =	ssyncset.done $0x0  }
0x10: {  	s11 =	simm.s32 $0x3;
	s15 =	ssub.s32 $0x2, s12;
	[sflag:s9] =	ssyncadd.s32 $0xFFFFFF80  }
0x11: {  	[tilespmem:s10], [sflag:$0x4] =	stream.indirect.gather [hbm4b:s5+s6], $0x1, s6, s6, $0xb8;
	[tilespmem:$0x200] =	vst v63  }
0x12: {  	s31 =	sshrl.u32 s15, $0x1;
	_ =	swait.ge [sflag:s11], $0x80  }
0x13: {  	s13 =	sadd.s32 s14, s13;
	s14 =	ssub.s32 s15, s31;
	[sflag:s11] =	ssyncset.done $0x0  }
0x14: {  	s12 =	simm.s32 $0x4;
	s15 =	smax.u32 s14, $0x1;
	[sflag:s11] =	ssyncadd.s32 $0xFFFFFF80  }
0x15: {  	p0 =	sne.s32 s15, $0x1;
	_ =	swait.ge [sflag:s12], $0x80  }
.Ltmp0:
0x16: {  	[sflag:s12] =	ssyncset.done $0x0;
	(pc) =	sbr.rel @!p0 .LBB2_2-.Ltmp0, $4  }
0x17: {  	s13 =	sadd.s32 $0x6000, s13;
	s14 =	simm.s32 $0x5;
	[sflag:s12] =	ssyncadd.s32 $0xFFFFFF80  }
0x18: {  	[hbm4b:s13+s2] =	stream.linear.scatter [tilespmem:s7], [sflag:$0x5], $0x100, $0x38;
	[tilespmem:$0x200] =	vst v63  }
0x19: {  	_ =	swait.ge [sflag:s14], $0x100  }
0x1a: {  	s15 =	sadd.s32 $0xFFFFFFFF, s15;
	[sflag:s14] =	ssyncset.done $0x0  }
.LBB2_1:
0x1b: {  	p0 =	sne.s32 s15, $0x1;
	s15 =	sadd.s32 $0xFFFFFFFF, s15;
	[sflag:s14] =	ssyncadd.s32 $0xFFFFFF00  }
0x1c: {  	[tilespmem:s2], [sflag:$0x1] =	stream.linear.gather [hbm4b:s3+s2], $0x80, $0x38;
	[tilespmem:$0x200] =	vst v63  }
0x1d: {  	_ =	swait.ge [sflag:s4], $0x80  }
0x1e: {  	[sflag:s4] =	ssyncset.done $0x0  }
0x1f: {  	[sflag:s4] =	ssyncadd.s32 $0xFFFFFF80  }
0x20: {  	[tilespmem:s7], [sflag:$0x3] =	stream.indirect.gather [hbm4b:s5+s6], $0x1, s2, s6, $0xb8;
	[tilespmem:$0x200] =	vst v63  }
0x21: {  	_ = 	snop  }
0x22: {  	[tilespmem:s6], [sflag:$0x2] =	stream.linear.gather [hbm4b:s8+s2], $0x80, $0x38;
	[tilespmem:$0x200] =	vst v63  }
0x23: {  	_ =	swait.ge [sflag:s9], $0x80  }
0x24: {  	[sflag:s9] =	ssyncset.done $0x0  }
0x25: {  	[sflag:s9] =	ssyncadd.s32 $0xFFFFFF80  }
0x26: {  	[tilespmem:s10], [sflag:$0x4] =	stream.indirect.gather [hbm4b:s5+s6], $0x1, s6, s6, $0xb8;
	[tilespmem:$0x200] =	vst v63  }
0x27: {  	_ =	swait.ge [sflag:s11], $0x80  }
0x28: {  	[sflag:s11] =	ssyncset.done $0x0  }
0x29: {  	[sflag:s11] =	ssyncadd.s32 $0xFFFFFF80  }
0x2a: {  	_ =	swait.ge [sflag:s12], $0x80  }
.Ltmp1:
0x2b: {  	[sflag:s12] =	ssyncset.done $0x0;
	(pc) =	sbr.rel @p0 .LBB2_1-.Ltmp1, $4  }
0x2c: {  	[sflag:s12] =	ssyncadd.s32 $0xFFFFFF80  }
0x2d: {  	[hbm4b:s13+s2] =	stream.linear.scatter [tilespmem:s7], [sflag:$0x5], $0x100, $0x38;
	[tilespmem:$0x200] =	vst v63  }
0x2e: {  	_ =	swait.ge [sflag:s14], $0x100  }
0x2f: {  	[sflag:s14] =	ssyncset.done $0x0  }
.LBB2_2:
0x30: {  	[sflag:s14] =	ssyncadd.s32 $0xFFFFFF00  }
0x31: {  	_ =	sfence.sel $0x180000  }
0x32: {  	[bflag:$0x0] =	sbarrier.arrive $0xFFFF  }
0x33: {  	p0 =	sne.s32 s0, $0x0;
	_ =	strace $0x90000056  }
0x34: {  	s0 =	sadd.s32 @!p0 $0x100000, s1;
	[bflag:$0x2] =	sbarrier.arrive $0xFFFF  }
0x35: {  	[sflag:s0] =	ssyncadd.tile.s32 @!p0 $0x1;
	_ =	shalt  }
.Lfunc_end2:
_tile_overlayer_lowered:
.L_overlay_start_2:
0x36: {  	(tag) =	ssettag $0x2  }
0x37: {  	s0 =	rddreg [dreg:$0x0];
	s2 =	stileid.u32  }
0x38: {  	s1 =	rddreg [dreg:$0x1];
	p0 =	sne.s32 s2, $0x0  }
0x39: {  	s3 =	rddreg [dreg:$0x2];
	[bflag:$0x3] =	sbarrier.arrive $0xFFFF;
	s2 =	simm.s32 @!p0 $0x1C05  }
0x3a: {  	[timem:s3], [sflag:s2] =	dma.local @!p0 [hbm:s0], s1  }
0x3b: {  	s0 =	simm.s32 @!p0 $0x5  }
0x3c: {  	_ =	swait.ge @!p0 [sflag:s0], s1  }
0x3d: {  	s1 =	ssub.s32 @!p0 $0x0, s1;
	[sflag:s0] =	ssyncset.done @!p0 $0x0  }
0x3e: {  	[sflag:s0] =	ssyncadd.s32 @!p0 s1  }
0x3f: {  	[bflag:$0x3] =	sbarrier.arrive $0xFFFF  }
0x40: {  	_ =	shalt  }

</sc_bundles>
